<compile_context>
chip_gen: v7x
topology: tpu7x:2x2x1
jax: 0.10.2.dev20260603
libtpu: 0.0.44.dev20260713+nightly
codegen_flags: <defaults>
</compile_context>

<pallas_src>
import functools

import jax
import jax.numpy as jnp
from jax import lax
from jax.experimental import pallas as pl
from jax.experimental.pallas import tpu as pltpu
from jax.experimental.pallas import tpu_sc as plsc

N = 10000
E = 320000
D = 128
H = 128
OUT = 7
P = 100000
B = 16384

NC = 2
NS = 16
NW = NC * NS

EPW = E // NW
K = 40
NCHUNK = EPW // K
NBUF = 8
NFULL = NCHUNK // NBUF

ROWS_T = 624

BPW = B // NW
KP = 128
NPCHUNK = BPW // KP

_MESH = plsc.VectorSubcoreMesh(
    core_axis_name="c", subcore_axis_name="s", num_cores=NC, num_subcores=NS
)


def _agg_body(x_hbm, src_hbm, dst_hbm, zeros_hbm, p0_hbm, p1_hbm,
              si0, si1, si2, si3, si4, si5, si6, si7,
              di0, di1, di2, di3, di4, di5, di6, di7,
              rows0, rows1, rows2, rows3, rows4, rows5, rows6, rows7, acc,
              is0, is1, is2, is3, is4, is5, is6, is7,
              gs0, gs1, gs2, gs3, gs4, gs5, gs6, gs7,
              ss0, ss1, ss2, ss3, ss4, ss5, ss6, ss7):
    c = lax.axis_index("c")
    s = lax.axis_index("s")
    wid = c * NS + s
    ebase = wid * EPW
    sidx = (si0, si1, si2, si3, si4, si5, si6, si7)
    didx = (di0, di1, di2, di3, di4, di5, di6, di7)
    rows = (rows0, rows1, rows2, rows3, rows4, rows5, rows6, rows7)
    isem = (is0, is1, is2, is3, is4, is5, is6, is7)
    gsem = (gs0, gs1, gs2, gs3, gs4, gs5, gs6, gs7)
    ssem = (ss0, ss1, ss2, ss3, ss4, ss5, ss6, ss7)

    @pl.when(s == 0)
    def _():
        pltpu.sync_copy(zeros_hbm, acc)

    def fire_idx(b, i):
        off = ebase + i * K
        pltpu.async_copy(src_hbm.at[pl.ds(off, K)], sidx[b], isem[b])
        pltpu.async_copy(dst_hbm.at[pl.ds(off, K)], didx[b], isem[b])

    def wait_idx(b):
        pltpu.make_async_copy(src_hbm.at[pl.ds(0, K)], sidx[b], isem[b]).wait()
        pltpu.make_async_copy(dst_hbm.at[pl.ds(0, K)], didx[b], isem[b]).wait()

    def fire_gather(b):
        pltpu.async_copy(x_hbm.at[sidx[b]], rows[b], gsem[b])

    def wait_gather(b):
        pltpu.make_async_copy(x_hbm.at[sidx[b]], rows[b], gsem[b]).wait()

    def fire_scatter(b):
        pltpu.async_copy(rows[b], acc.at[didx[b]], ssem[b], add=True)

    def wait_scatter(b):
        pltpu.make_async_copy(rows[b], acc.at[didx[b]], ssem[b]).wait()

    plsc.subcore_barrier()

    for b in range(NBUF):
        fire_idx(b, b)
    for b in range(NBUF):
        wait_idx(b)
        fire_gather(b)
    for b in range(NBUF):
        wait_gather(b)
        fire_scatter(b)

    def outer(g, carry):
        base_i = g * NBUF
        for b in range(NBUF):
            wait_scatter(b)
            fire_idx(b, base_i + b)
        for b in range(NBUF):
            wait_idx(b)
            fire_gather(b)
        for b in range(NBUF):
            wait_gather(b)
            fire_scatter(b)
        return carry

    lax.fori_loop(1, NFULL, outer, 0)

    for t, i in enumerate(range(NFULL * NBUF, NCHUNK)):
        wait_scatter(t)
        fire_idx(t, i)
        wait_idx(t)
        fire_gather(t)
        wait_gather(t)
        fire_scatter(t)

    for b in range(NBUF):
        wait_scatter(b)

    plsc.subcore_barrier()

    start = s * ROWS_T

    @pl.when(c == 0)
    def _():
        pltpu.sync_copy(acc.at[pl.ds(start, ROWS_T)], p0_hbm.at[pl.ds(start, ROWS_T)])

        @pl.when(s == NS - 1)
        def _():
            pltpu.sync_copy(acc.at[pl.ds(NS * ROWS_T, N - NS * ROWS_T)],
                            p0_hbm.at[pl.ds(NS * ROWS_T, N - NS * ROWS_T)])

    @pl.when(c == 1)
    def _():
        pltpu.sync_copy(acc.at[pl.ds(start, ROWS_T)], p1_hbm.at[pl.ds(start, ROWS_T)])

        @pl.when(s == NS - 1)
        def _():
            pltpu.sync_copy(acc.at[pl.ds(NS * ROWS_T, N - NS * ROWS_T)],
                            p1_hbm.at[pl.ds(NS * ROWS_T, N - NS * ROWS_T)])


_agg = functools.partial(
    pl.kernel,
    out_type=(jax.ShapeDtypeStruct((N, D), jnp.float32),
              jax.ShapeDtypeStruct((N, D), jnp.float32)),
    mesh=_MESH,
    scratch_types=(
        [pltpu.VMEM((K,), jnp.int32)] * (2 * NBUF)
        + [pltpu.VMEM((K, D), jnp.float32)] * NBUF
        + [pltpu.VMEM_SHARED((N, D), jnp.float32)]
        + [pltpu.SemaphoreType.DMA] * (3 * NBUF)
    ),
)(_agg_body)


def _pair_body(h_hbm, pairs_hbm, idx_hbm, xa_hbm, xb_hbm,
               idxv, ia, ib, na, nb,
               ra0, ra1, ra2, rb0, rb1, rb2,
               pa0, pa1, pa2, pa3, pb0, pb1, pb2, pb3,
               qa0, qa1, qa2, qb0, qb1, qb2,
               wa0, wa1, wa2, wb0, wb1, wb2):
    c = lax.axis_index("c")
    s = lax.axis_index("s")
    wid = c * NS + s
    base = wid * BPW
    ra = (ra0, ra1, ra2)
    rb = (rb0, rb1, rb2)
    pa = (pa0, pa1, pa2, pa3)
    pb = (pb0, pb1, pb2, pb3)
    qa = (qa0, qa1, qa2)
    qb = (qb0, qb1, qb2)
    wa = (wa0, wa1, wa2)
    wb = (wb0, wb1, wb2)

    pltpu.sync_copy(idx_hbm.at[pl.ds(base, BPW)], idxv)
    for l in range(BPW // 16):
        v = idxv[pl.ds(l * 16, 16)]
        ia[pl.ds(l * 16, 16)] = v * 2
        ib[pl.ds(l * 16, 16)] = v * 2 + 1

    def sl(j):
        return pl.ds(j * KP, KP)

    def off(j):
        return pl.ds(base + j * KP, KP)

    def fire_ids(j):
        pltpu.async_copy(pairs_hbm.at[ia.at[sl(j)]], na.at[sl(j)], pa[j])
        pltpu.async_copy(pairs_hbm.at[ib.at[sl(j)]], nb.at[sl(j)], pb[j])

    def fire_rows(j):
        b = j % 3
        pltpu.make_async_copy(pairs_hbm.at[ia.at[sl(j)]], na.at[sl(j)], pa[j]).wait()
        pltpu.async_copy(h_hbm.at[na.at[sl(j)]], ra[b], qa[b])
        pltpu.make_async_copy(pairs_hbm.at[ib.at[sl(j)]], nb.at[sl(j)], pb[j]).wait()
        pltpu.async_copy(h_hbm.at[nb.at[sl(j)]], rb[b], qb[b])

    def fire_wb(j):
        b = j % 3
        pltpu.make_async_copy(h_hbm.at[na.at[sl(j)]], ra[b], qa[b]).wait()
        pltpu.async_copy(ra[b], xa_hbm.at[off(j)], wa[b])
        pltpu.make_async_copy(h_hbm.at[nb.at[sl(j)]], rb[b], qb[b]).wait()
        pltpu.async_copy(rb[b], xb_hbm.at[off(j)], wb[b])

    def wait_wb(j):
        b = j % 3
        pltpu.make_async_copy(ra[b], xa_hbm.at[off(j)], wa[b]).wait()
        pltpu.make_async_copy(rb[b], xb_hbm.at[off(j)], wb[b]).wait()

    for j in range(NPCHUNK):
        fire_ids(j)
    fire_rows(0)
    fire_rows(1)
    fire_rows(2)
    fire_wb(0)
    wait_wb(0)
    fire_rows(3)
    fire_wb(1)
    fire_wb(2)
    fire_wb(3)
    wait_wb(1)
    wait_wb(2)
    wait_wb(3)


_pair_gather = functools.partial(
    pl.kernel,
    out_type=(jax.ShapeDtypeStruct((B, D), jnp.float32),
              jax.ShapeDtypeStruct((B, D), jnp.float32)),
    mesh=_MESH,
    scratch_types=(
        [pltpu.VMEM((BPW,), jnp.int32)] * 5
        + [pltpu.VMEM((KP, D), jnp.float32)] * 6
        + [pltpu.SemaphoreType.DMA] * 20
    ),
)(_pair_body)


def _mlp_core(x_ref, p0_ref, p1_ref, w1_ref, b1_ref, w2_ref, b2_ref,
              g_ref, be_ref, eps_ref):
    z = ((1.0 + eps_ref[0, 0]) * x_ref[...]
         + p0_ref[...].astype(jnp.float32) + p1_ref[...].astype(jnp.float32))
    h = jnp.dot(z, w1_ref[...], preferred_element_type=jnp.float32) + b1_ref[...]
    h = jnp.maximum(h, 0.0)
    h = jnp.dot(h, w2_ref[...], preferred_element_type=jnp.float32) + b2_ref[...]
    h = jnp.maximum(h, 0.0)
    mean = jnp.mean(h, axis=0, keepdims=True)
    cent = h - mean
    var = jnp.mean(cent * cent, axis=0, keepdims=True)
    return cent * lax.rsqrt(var + 1e-5) * g_ref[...] + be_ref[...]


def _mlp_body(x_ref, p0_ref, p1_ref, w1_ref, b1_ref, w2_ref, b2_ref,
              g_ref, be_ref, eps_ref, out_ref):
    out_ref[...] = _mlp_core(x_ref, p0_ref, p1_ref, w1_ref, b1_ref,
                             w2_ref, b2_ref, g_ref, be_ref, eps_ref)


def _mlp_final_body(x_ref, p0_ref, p1_ref, w1_ref, b1_ref, w2_ref, b2_ref,
                    g_ref, be_ref, eps_ref, wl_ref, bl_ref, out_ref):
    hn = _mlp_core(x_ref, p0_ref, p1_ref, w1_ref, b1_ref, w2_ref, b2_ref,
                   g_ref, be_ref, eps_ref)
    hl = jnp.dot(hn, wl_ref[...], preferred_element_type=jnp.float32) + bl_ref[...]
    out_ref[...] = jnp.maximum(hl, 0.0)


_mlp = pl.pallas_call(
    _mlp_body, out_shape=jax.ShapeDtypeStruct((N, H), jnp.float32))

_mlp_final = pl.pallas_call(
    _mlp_final_body, out_shape=jax.ShapeDtypeStruct((N, H), jnp.float32))


def _final_body(xa_ref, xb_ref, wf_ref, bf_ref, out_ref):
    prod = xa_ref[...] * xb_ref[...]
    out_ref[...] = jnp.dot(prod, wf_ref[...],
                           preferred_element_type=jnp.float32) + bf_ref[...]


_final = pl.pallas_call(
    _final_body, out_shape=jax.ShapeDtypeStruct((B, OUT), jnp.float32))


def kernel(x, edge_index, ppi_pairs, idx, eps0, W1_0, b1_0, W2_0, b2_0, g0,
           be0, eps1, W1_1, b1_1, W2_1, b2_1, g1, be1, Wl, bl, Wf, bf):
    src3 = edge_index[0]
    dst3 = edge_index[1]
    zeros = jnp.zeros((N, D), jnp.float32)
    pairs_flat = ppi_pairs.reshape(-1)

    eps0_ = eps0.reshape(1, 1)
    eps1_ = eps1.reshape(1, 1)
    b1_0_, b2_0_, g0_, be0_ = (v.reshape(1, H) for v in (b1_0, b2_0, g0, be0))
    b1_1_, b2_1_, g1_, be1_ = (v.reshape(1, H) for v in (b1_1, b2_1, g1, be1))
    bl_ = bl.reshape(1, H)
    bf_ = bf.reshape(1, OUT)

    p0, p1 = _agg(x, src3, dst3, zeros)
    h0 = _mlp(x, p0, p1, W1_0, b1_0_, W2_0, b2_0_, g0_, be0_, eps0_)
    q0, q1 = _agg(h0, src3, dst3, zeros)
    hl = _mlp_final(h0, q0, q1, W1_1, b1_1_, W2_1, b2_1_, g1_, be1_,
                    eps1_, Wl, bl_)
    xa, xb = _pair_gather(hl, pairs_flat, idx)
    return _final(xa, xb, Wf, bf_)

# --- scband reference (transcript-rebuilt; emitter-appended) ---
"""Pipeline reference for scband-gin-38774964748481 (READ-ONLY COPY).

The authoritative reference and input builder live on the scoring server;
editing this copy changes nothing except your own understanding.
"""

import jax, jax.numpy as jnp
import numpy as np

N = 10000
E = 320000
D = 128
H = 128
OUT = 7
P = 100000
B = 16384


def setup_inputs(seed: int = 0):
    key = jax.random.key(seed)
    ks = jax.random.split(key, 24)

    def lin(k, i, o):
        return jax.random.normal(k, (i, o), dtype=jnp.float32) * (1.0 / np.sqrt(i))

    inp = {}
    inp['x'] = jax.random.normal(ks[0], (N, D), dtype=jnp.float32)
    inp['edge_index'] = jax.random.randint(ks[1], (2, E), 0, N, dtype=jnp.int32)
    inp['ppi_pairs'] = jax.random.randint(ks[2], (P, 2), 0, N, dtype=jnp.int32)
    inp['idx'] = jax.random.randint(ks[3], (B,), 0, P, dtype=jnp.int32)
    inp['eps0'] = jnp.zeros((), dtype=jnp.float32)
    inp['W1_0'] = lin(ks[4], D, H)
    inp['b1_0'] = jnp.zeros((H,), jnp.float32)
    inp['W2_0'] = lin(ks[5], H, H)
    inp['b2_0'] = jnp.zeros((H,), jnp.float32)
    inp['g0'] = jnp.ones((H,), jnp.float32)
    inp['be0'] = jnp.zeros((H,), jnp.float32)
    inp['eps1'] = jnp.zeros((), dtype=jnp.float32)
    inp['W1_1'] = lin(ks[6], H, H)
    inp['b1_1'] = jnp.zeros((H,), jnp.float32)
    inp['W2_1'] = lin(ks[7], H, H)
    inp['b2_1'] = jnp.zeros((H,), jnp.float32)
    inp['g1'] = jnp.ones((H,), jnp.float32)
    inp['be1'] = jnp.zeros((H,), jnp.float32)
    inp['Wl'] = lin(ks[8], H, H)
    inp['bl'] = jnp.zeros((H,), jnp.float32)
    inp['Wf'] = lin(ks[9], H, OUT)
    inp['bf'] = jnp.zeros((OUT,), jnp.float32)
    return inp


def _gin_layer(x, edge_index, eps, W1, b1, W2, b2, gamma, beta):
    # DGL GINConv, aggregator_type='sum', learn_eps=True:
    # h = MLP((1+eps)*x + sum_{j in N(i)} x_j)
    src = edge_index[0]
    dst = edge_index[1]
    agg = jnp.zeros_like(x).at[dst].add(x[src])
    h = (1.0 + eps) * x + agg
    h = jax.nn.relu(h @ W1 + b1)
    h = jax.nn.relu(h @ W2 + b2)
    # BatchNorm1d (training-style batch statistics)
    mean = jnp.mean(h, axis=0)
    var = jnp.var(h, axis=0)
    h = (h - mean) / jnp.sqrt(var + 1e-5) * gamma + beta
    return h


def reference(x, edge_index, ppi_pairs, idx, eps0, W1_0, b1_0, W2_0, b2_0, g0, be0, eps1, W1_1, b1_1, W2_1, b2_1, g1, be1, Wl, bl, Wf, bf):
    h = _gin_layer(x, edge_index, eps0, W1_0, b1_0, W2_0, b2_0, g0, be0)
    # dropout is identity in eval mode
    h = _gin_layer(h, edge_index, eps1, W1_1, b1_1, W2_1, b2_1, g1, be1)
    h = jax.nn.relu(h @ Wl + bl)
    # F.dropout(..., training=False) is identity
    node_id = ppi_pairs[idx]
    x1 = h[node_id[:, 0]]
    x2 = h[node_id[:, 1]]
    return (x1 * x2) @ Wf + bf

if __name__ == "__main__":
    import jax
    _d = setup_inputs()
    print(jax.jit(kernel)(*tuple(_d.values())))

</pallas_src>

<mosaic_0001>
#map = affine_map<(d0, d1) -> (0, 0)>
#map1 = affine_map<(d0, d1) -> (0)>
module attributes {stable_mosaic.version = 14 : i64} {
  func.func @_agg_body(%arg0: i32, %arg1: i32, %arg2: memref<10000x128xf32, #tpu.memory_space<hbm>>, %arg3: memref<320000xi32, #tpu.memory_space<hbm>>, %arg4: memref<320000xi32, #tpu.memory_space<hbm>>, %arg5: memref<10000x128xf32, #tpu.memory_space<hbm>>, %arg6: memref<10000x128xf32, #tpu.memory_space<hbm>>, %arg7: memref<10000x128xf32, #tpu.memory_space<hbm>>, %arg8: memref<40xi32, #tpu.memory_space<vmem>>, %arg9: memref<40xi32, #tpu.memory_space<vmem>>, %arg10: memref<40xi32, #tpu.memory_space<vmem>>, %arg11: memref<40xi32, #tpu.memory_space<vmem>>, %arg12: memref<40xi32, #tpu.memory_space<vmem>>, %arg13: memref<40xi32, #tpu.memory_space<vmem>>, %arg14: memref<40xi32, #tpu.memory_space<vmem>>, %arg15: memref<40xi32, #tpu.memory_space<vmem>>, %arg16: memref<40xi32, #tpu.memory_space<vmem>>, %arg17: memref<40xi32, #tpu.memory_space<vmem>>, %arg18: memref<40xi32, #tpu.memory_space<vmem>>, %arg19: memref<40xi32, #tpu.memory_space<vmem>>, %arg20: memref<40xi32, #tpu.memory_space<vmem>>, %arg21: memref<40xi32, #tpu.memory_space<vmem>>, %arg22: memref<40xi32, #tpu.memory_space<vmem>>, %arg23: memref<40xi32, #tpu.memory_space<vmem>>, %arg24: memref<40x128xf32, #tpu.memory_space<vmem>>, %arg25: memref<40x128xf32, #tpu.memory_space<vmem>>, %arg26: memref<40x128xf32, #tpu.memory_space<vmem>>, %arg27: memref<40x128xf32, #tpu.memory_space<vmem>>, %arg28: memref<40x128xf32, #tpu.memory_space<vmem>>, %arg29: memref<40x128xf32, #tpu.memory_space<vmem>>, %arg30: memref<40x128xf32, #tpu.memory_space<vmem>>, %arg31: memref<40x128xf32, #tpu.memory_space<vmem>>, %arg32: memref<10000x128xf32, #tpu.memory_space<vmem_shared>>, %arg33: memref<!tpu.dma_semaphore, #tpu.memory_space<semaphore_mem>>, %arg34: memref<!tpu.dma_semaphore, #tpu.memory_space<semaphore_mem>>, %arg35: memref<!tpu.dma_semaphore, #tpu.memory_space<semaphore_mem>>, %arg36: memref<!tpu.dma_semaphore, #tpu.memory_space<semaphore_mem>>, %arg37: memref<!tpu.dma_semaphore, #tpu.memory_space<semaphore_mem>>, %arg38: memref<!tpu.dma_semaphore, #tpu.memory_space<semaphore_mem>>, %arg39: memref<!tpu.dma_semaphore, #tpu.memory_space<semaphore_mem>>, %arg40: memref<!tpu.dma_semaphore, #tpu.memory_space<semaphore_mem>>, %arg41: memref<!tpu.dma_semaphore, #tpu.memory_space<semaphore_mem>>, %arg42: memref<!tpu.dma_semaphore, #tpu.memory_space<semaphore_mem>>, %arg43: memref<!tpu.dma_semaphore, #tpu.memory_space<semaphore_mem>>, %arg44: memref<!tpu.dma_semaphore, #tpu.memory_space<semaphore_mem>>, %arg45: memref<!tpu.dma_semaphore, #tpu.memory_space<semaphore_mem>>, %arg46: memref<!tpu.dma_semaphore, #tpu.memory_space<semaphore_mem>>, %arg47: memref<!tpu.dma_semaphore, #tpu.memory_space<semaphore_mem>>, %arg48: memref<!tpu.dma_semaphore, #tpu.memory_space<semaphore_mem>>, %arg49: memref<!tpu.dma_semaphore, #tpu.memory_space<semaphore_mem>>, %arg50: memref<!tpu.dma_semaphore, #tpu.memory_space<semaphore_mem>>, %arg51: memref<!tpu.dma_semaphore, #tpu.memory_space<semaphore_mem>>, %arg52: memref<!tpu.dma_semaphore, #tpu.memory_space<semaphore_mem>>, %arg53: memref<!tpu.dma_semaphore, #tpu.memory_space<semaphore_mem>>, %arg54: memref<!tpu.dma_semaphore, #tpu.memory_space<semaphore_mem>>, %arg55: memref<!tpu.dma_semaphore, #tpu.memory_space<semaphore_mem>>, %arg56: memref<!tpu.dma_semaphore, #tpu.memory_space<semaphore_mem>>) attributes {dimension_semantics = [#tpu.dimension_semantics<core_parallel>, #tpu.dimension_semantics<subcore_parallel>], iteration_bounds = array<i64: 2, 16>, scalar_prefetch = 0 : i64, scratch_operands = 49 : i64, tpu.core_type = #tpu.core_type<sc_vector_subcore>, window_params = [{transform_indices = #map}, {transform_indices = #map1}, {transform_indices = #map1}, {transform_indices = #map}, {transform_indices = #map}, {transform_indices = #map}]} {
    %mul3A = arith.constant 16 : i32
    %mul3A_0 = arith.muli %arg0, %mul3A : i32
    %add3A = arith.addi %mul3A_0, %arg1 : i32
    %mul3A_1 = arith.constant 10000 : i32
    %mul3A_2 = arith.muli %add3A, %mul3A_1 : i32
    %eq3A = arith.constant 0 : i32
    %eq3A_3 = arith.cmpi eq, %arg1, %eq3A : i32
    %convert_element_type3A = arith.extui %eq3A_3 : i1 to i32
    %cond3A = arith.constant 0 : i32
    %cond3A_4 = arith.cmpi ne, %convert_element_type3A, %cond3A : i32
    scf.if %cond3A_4 {
      "tpu.region"() ({
        %run_scoped3A = tpu.sem_alloc : memref<!tpu.dma_semaphore, #tpu.memory_space<semaphore_mem>>
        tpu.enqueue_dma source(%arg5 : memref<10000x128xf32, #tpu.memory_space<hbm>>) target(%arg32 : memref<10000x128xf32, #tpu.memory_space<vmem_shared>>) target_semaphore(%run_scoped3A : memref<!tpu.dma_semaphore, #tpu.memory_space<semaphore_mem>>)
        tpu.wait_dma2 semaphore(%run_scoped3A : memref<!tpu.dma_semaphore, #tpu.memory_space<semaphore_mem>>) src(%arg5 : memref<10000x128xf32, #tpu.memory_space<hbm>>) dst(%arg32 : memref<10000x128xf32, #tpu.memory_space<vmem_shared>>)
        tpu.yield
      }) : () -> ()
    } else {
    }
    %barrier3A = arith.constant 0 : index
    tpu.barrier barrier_id(%barrier3A)
    %add3A_5 = arith.constant 0 : i32
    %add3A_6 = arith.addi %mul3A_2, %add3A_5 : i32
    %dma_start3A = tpu.memref_slice %arg3[%add3A_6] : memref<320000xi32, #tpu.memory_space<hbm>> -> memref<40xi32, #tpu.memory_space<hbm>>
    %dma_start3A_7 = tpu.memref_slice %arg3[%add3A_6] : memref<320000xi32, #tpu.memory_space<hbm>> -> memref<40xi32, #tpu.memory_space<hbm>>
    tpu.enqueue_dma source(%dma_start3A_7 : memref<40xi32, #tpu.memory_space<hbm>>) target(%arg8 : memref<40xi32, #tpu.memory_space<vmem>>) target_semaphore(%arg33 : memref<!tpu.dma_semaphore, #tpu.memory_space<semaphore_mem>>)
    %dma_start3A_8 = tpu.memref_slice %arg4[%add3A_6] : memref<320000xi32, #tpu.memory_space<hbm>> -> memref<40xi32, #tpu.memory_space<hbm>>
    %dma_start3A_9 = tpu.memref_slice %arg4[%add3A_6] : memref<320000xi32, #tpu.memory_space<hbm>> -> memref<40xi32, #tpu.memory_space<hbm>>
    tpu.enqueue_dma source(%dma_start3A_9 : memref<40xi32, #tpu.memory_space<hbm>>) target(%arg16 : memref<40xi32, #tpu.memory_space<vmem>>) target_semaphore(%arg33 : memref<!tpu.dma_semaphore, #tpu.memory_space<semaphore_mem>>)
    %add3A_10 = arith.constant 40 : i32
    %add3A_11 = arith.addi %mul3A_2, %add3A_10 : i32
    %dma_start3A_12 = tpu.memref_slice %arg3[%add3A_11] : memref<320000xi32, #tpu.memory_space<hbm>> -> memref<40xi32, #tpu.memory_space<hbm>>
    %dma_start3A_13 = tpu.memref_slice %arg3[%add3A_11] : memref<320000xi32, #tpu.memory_space<hbm>> -> memref<40xi32, #tpu.memory_space<hbm>>
    tpu.enqueue_dma source(%dma_start3A_13 : memref<40xi32, #tpu.memory_space<hbm>>) target(%arg9 : memref<40xi32, #tpu.memory_space<vmem>>) target_semaphore(%arg34 : memref<!tpu.dma_semaphore, #tpu.memory_space<semaphore_mem>>)
    %dma_start3A_14 = tpu.memref_slice %arg4[%add3A_11] : memref<320000xi32, #tpu.memory_space<hbm>> -> memref<40xi32, #tpu.memory_space<hbm>>
    %dma_start3A_15 = tpu.memref_slice %arg4[%add3A_11] : memref<320000xi32, #tpu.memory_space<hbm>> -> memref<40xi32, #tpu.memory_space<hbm>>
    tpu.enqueue_dma source(%dma_start3A_15 : memref<40xi32, #tpu.memory_space<hbm>>) target(%arg17 : memref<40xi32, #tpu.memory_space<vmem>>) target_semaphore(%arg34 : memref<!tpu.dma_semaphore, #tpu.memory_space<semaphore_mem>>)
    %add3A_16 = arith.constant 80 : i32
    %add3A_17 = arith.addi %mul3A_2, %add3A_16 : i32
    %dma_start3A_18 = tpu.memref_slice %arg3[%add3A_17] : memref<320000xi32, #tpu.memory_space<hbm>> -> memref<40xi32, #tpu.memory_space<hbm>>
    %dma_start3A_19 = tpu.memref_slice %arg3[%add3A_17] : memref<320000xi32, #tpu.memory_space<hbm>> -> memref<40xi32, #tpu.memory_space<hbm>>
    tpu.enqueue_dma source(%dma_start3A_19 : memref<40xi32, #tpu.memory_space<hbm>>) target(%arg10 : memref<40xi32, #tpu.memory_space<vmem>>) target_semaphore(%arg35 : memref<!tpu.dma_semaphore, #tpu.memory_space<semaphore_mem>>)
    %dma_start3A_20 = tpu.memref_slice %arg4[%add3A_17] : memref<320000xi32, #tpu.memory_space<hbm>> -> memref<40xi32, #tpu.memory_space<hbm>>
    %dma_start3A_21 = tpu.memref_slice %arg4[%add3A_17] : memref<320000xi32, #tpu.memory_space<hbm>> -> memref<40xi32, #tpu.memory_space<hbm>>
    tpu.enqueue_dma source(%dma_start3A_21 : memref<40xi32, #tpu.memory_space<hbm>>) target(%arg18 : memref<40xi32, #tpu.memory_space<vmem>>) target_semaphore(%arg35 : memref<!tpu.dma_semaphore, #tpu.memory_space<semaphore_mem>>)
    %add3A_22 = arith.constant 120 : i32
    %add3A_23 = arith.addi %mul3A_2, %add3A_22 : i32
    %dma_start3A_24 = tpu.memref_slice %arg3[%add3A_23] : memref<320000xi32, #tpu.memory_space<hbm>> -> memref<40xi32, #tpu.memory_space<hbm>>
    %dma_start3A_25 = tpu.memref_slice %arg3[%add3A_23] : memref<320000xi32, #tpu.memory_space<hbm>> -> memref<40xi32, #tpu.memory_space<hbm>>
    tpu.enqueue_dma source(%dma_start3A_25 : memref<40xi32, #tpu.memory_space<hbm>>) target(%arg11 : memref<40xi32, #tpu.memory_space<vmem>>) target_semaphore(%arg36 : memref<!tpu.dma_semaphore, #tpu.memory_space<semaphore_mem>>)
    %dma_start3A_26 = tpu.memref_slice %arg4[%add3A_23] : memref<320000xi32, #tpu.memory_space<hbm>> -> memref<40xi32, #tpu.memory_space<hbm>>
    %dma_start3A_27 = tpu.memref_slice %arg4[%add3A_23] : memref<320000xi32, #tpu.memory_space<hbm>> -> memref<40xi32, #tpu.memory_space<hbm>>
    tpu.enqueue_dma source(%dma_start3A_27 : memref<40xi32, #tpu.memory_space<hbm>>) target(%arg19 : memref<40xi32, #tpu.memory_space<vmem>>) target_semaphore(%arg36 : memref<!tpu.dma_semaphore, #tpu.memory_space<semaphore_mem>>)
    %add3A_28 = arith.constant 160 : i32
    %add3A_29 = arith.addi %mul3A_2, %add3A_28 : i32
    %dma_start3A_30 = tpu.memref_slice %arg3[%add3A_29] : memref<320000xi32, #tpu.memory_space<hbm>> -> memref<40xi32, #tpu.memory_space<hbm>>
    %dma_start3A_31 = tpu.memref_slice %arg3[%add3A_29] : memref<320000xi32, #tpu.memory_space<hbm>> -> memref<40xi32, #tpu.memory_space<hbm>>
    tpu.enqueue_dma source(%dma_start3A_31 : memref<40xi32, #tpu.memory_space<hbm>>) target(%arg12 : memref<40xi32, #tpu.memory_space<vmem>>) target_semaphore(%arg37 : memref<!tpu.dma_semaphore, #tpu.memory_space<semaphore_mem>>)
    %dma_start3A_32 = tpu.memref_slice %arg4[%add3A_29] : memref<320000xi32, #tpu.memory_space<hbm>> -> memref<40xi32, #tpu.memory_space<hbm>>
    %dma_start3A_33 = tpu.memref_slice %arg4[%add3A_29] : memref<320000xi32, #tpu.memory_space<hbm>> -> memref<40xi32, #tpu.memory_space<hbm>>
    tpu.enqueue_dma source(%dma_start3A_33 : memref<40xi32, #tpu.memory_space<hbm>>) target(%arg20 : memref<40xi32, #tpu.memory_space<vmem>>) target_semaphore(%arg37 : memref<!tpu.dma_semaphore, #tpu.memory_space<semaphore_mem>>)
    %add3A_34 = arith.constant 200 : i32
    %add3A_35 = arith.addi %mul3A_2, %add3A_34 : i32
    %dma_start3A_36 = tpu.memref_slice %arg3[%add3A_35] : memref<320000xi32, #tpu.memory_space<hbm>> -> memref<40xi32, #tpu.memory_space<hbm>>
    %dma_start3A_37 = tpu.memref_slice %arg3[%add3A_35] : memref<320000xi32, #tpu.memory_space<hbm>> -> memref<40xi32, #tpu.memory_space<hbm>>
    tpu.enqueue_dma source(%dma_start3A_37 : memref<40xi32, #tpu.memory_space<hbm>>) target(%arg13 : memref<40xi32, #tpu.memory_space<vmem>>) target_semaphore(%arg38 : memref<!tpu.dma_semaphore, #tpu.memory_space<semaphore_mem>>)
    %dma_start3A_38 = tpu.memref_slice %arg4[%add3A_35] : memref<320000xi32, #tpu.memory_space<hbm>> -> memref<40xi32, #tpu.memory_space<hbm>>
    %dma_start3A_39 = tpu.memref_slice %arg4[%add3A_35] : memref<320000xi32, #tpu.memory_space<hbm>> -> memref<40xi32, #tpu.memory_space<hbm>>
    tpu.enqueue_dma source(%dma_start3A_39 : memref<40xi32, #tpu.memory_space<hbm>>) target(%arg21 : memref<40xi32, #tpu.memory_space<vmem>>) target_semaphore(%arg38 : memref<!tpu.dma_semaphore, #tpu.memory_space<semaphore_mem>>)
    %add3A_40 = arith.constant 240 : i32
    %add3A_41 = arith.addi %mul3A_2, %add3A_40 : i32
    %dma_start3A_42 = tpu.memref_slice %arg3[%add3A_41] : memref<320000xi32, #tpu.memory_space<hbm>> -> memref<40xi32, #tpu.memory_space<hbm>>
    %dma_start3A_43 = tpu.memref_slice %arg3[%add3A_41] : memref<320000xi32, #tpu.memory_space<hbm>> -> memref<40xi32, #tpu.memory_space<hbm>>
    tpu.enqueue_dma source(%dma_start3A_43 : memref<40xi32, #tpu.memory_space<hbm>>) target(%arg14 : memref<40xi32, #tpu.memory_space<vmem>>) target_semaphore(%arg39 : memref<!tpu.dma_semaphore, #tpu.memory_space<semaphore_mem>>)
    %dma_start3A_44 = tpu.memref_slice %arg4[%add3A_41] : memref<320000xi32, #tpu.memory_space<hbm>> -> memref<40xi32, #tpu.memory_space<hbm>>
    %dma_start3A_45 = tpu.memref_slice %arg4[%add3A_41] : memref<320000xi32, #tpu.memory_space<hbm>> -> memref<40xi32, #tpu.memory_space<hbm>>
    tpu.enqueue_dma source(%dma_start3A_45 : memref<40xi32, #tpu.memory_space<hbm>>) target(%arg22 : memref<40xi32, #tpu.memory_space<vmem>>) target_semaphore(%arg39 : memref<!tpu.dma_semaphore, #tpu.memory_space<semaphore_mem>>)
    %add3A_46 = arith.constant 280 : i32
    %add3A_47 = arith.addi %mul3A_2, %add3A_46 : i32
    %dma_start3A_48 = tpu.memref_slice %arg3[%add3A_47] : memref<320000xi32, #tpu.memory_space<hbm>> -> memref<40xi32, #tpu.memory_space<hbm>>
    %dma_start3A_49 = tpu.memref_slice %arg3[%add3A_47] : memref<320000xi32, #tpu.memory_space<hbm>> -> memref<40xi32, #tpu.memory_space<hbm>>
    tpu.enqueue_dma source(%dma_start3A_49 : memref<40xi32, #tpu.memory_space<hbm>>) target(%arg15 : memref<40xi32, #tpu.memory_space<vmem>>) target_semaphore(%arg40 : memref<!tpu.dma_semaphore, #tpu.memory_space<semaphore_mem>>)
    %dma_start3A_50 = tpu.memref_slice %arg4[%add3A_47] : memref<320000xi32, #tpu.memory_space<hbm>> -> memref<40xi32, #tpu.memory_space<hbm>>
    %dma_start3A_51 = tpu.memref_slice %arg4[%add3A_47] : memref<320000xi32, #tpu.memory_space<hbm>> -> memref<40xi32, #tpu.memory_space<hbm>>
    tpu.enqueue_dma source(%dma_start3A_51 : memref<40xi32, #tpu.memory_space<hbm>>) target(%arg23 : memref<40xi32, #tpu.memory_space<vmem>>) target_semaphore(%arg40 : memref<!tpu.dma_semaphore, #tpu.memory_space<semaphore_mem>>)
    %dma_wait3A = arith.constant 0 : i32
    %dma_wait3A_52 = tpu.memref_slice %arg3[%dma_wait3A] : memref<320000xi32, #tpu.memory_space<hbm>> -> memref<40xi32, #tpu.memory_space<hbm>>
    %dma_wait3A_53 = arith.constant 0 : i32
    %dma_wait3A_54 = tpu.memref_slice %arg3[%dma_wait3A_53] : memref<320000xi32, #tpu.memory_space<hbm>> -> memref<40xi32, #tpu.memory_space<hbm>>
    tpu.wait_dma2 semaphore(%arg33 : memref<!tpu.dma_semaphore, #tpu.memory_space<semaphore_mem>>) src(%dma_wait3A_54 : memref<40xi32, #tpu.memory_space<hbm>>) dst(%arg8 : memref<40xi32, #tpu.memory_space<vmem>>)
    %dma_wait3A_55 = arith.constant 0 : i32
    %dma_wait3A_56 = tpu.memref_slice %arg4[%dma_wait3A_55] : memref<320000xi32, #tpu.memory_space<hbm>> -> memref<40xi32, #tpu.memory_space<hbm>>
    %dma_wait3A_57 = arith.constant 0 : i32
    %dma_wait3A_58 = tpu.memref_slice %arg4[%dma_wait3A_57] : memref<320000xi32, #tpu.memory_space<hbm>> -> memref<40xi32, #tpu.memory_space<hbm>>
    tpu.wait_dma2 semaphore(%arg33 : memref<!tpu.dma_semaphore, #tpu.memory_space<semaphore_mem>>) src(%dma_wait3A_58 : memref<40xi32, #tpu.memory_space<hbm>>) dst(%arg16 : memref<40xi32, #tpu.memory_space<vmem>>)
    %dma_start3A_59 = arith.constant 0 : i32
    %dma_start3A_60 = arith.constant 0 : i32
    %dma_start3A_61 = tpu.memref_slice %arg2[%dma_start3A_59, %dma_start3A_60] : memref<10000x128xf32, #tpu.memory_space<hbm>> -> memref<10000x128xf32, #tpu.memory_space<hbm>>
    tpu.enqueue_indirect_dma source(%dma_start3A_61 : memref<10000x128xf32, #tpu.memory_space<hbm>>) target(%arg24 : memref<40x128xf32, #tpu.memory_space<vmem>>) offsets(%arg8 : memref<40xi32, #tpu.memory_space<vmem>>) semaphore(%arg41 : memref<!tpu.dma_semaphore, #tpu.memory_space<semaphore_mem>>)
    %dma_wait3A_62 = arith.constant 0 : i32
    %dma_wait3A_63 = tpu.memref_slice %arg3[%dma_wait3A_62] : memref<320000xi32, #tpu.memory_space<hbm>> -> memref<40xi32, #tpu.memory_space<hbm>>
    %dma_wait3A_64 = arith.constant 0 : i32
    %dma_wait3A_65 = tpu.memref_slice %arg3[%dma_wait3A_64] : memref<320000xi32, #tpu.memory_space<hbm>> -> memref<40xi32, #tpu.memory_space<hbm>>
    tpu.wait_dma2 semaphore(%arg34 : memref<!tpu.dma_semaphore, #tpu.memory_space<semaphore_mem>>) src(%dma_wait3A_65 : memref<40xi32, #tpu.memory_space<hbm>>) dst(%arg9 : memref<40xi32, #tpu.memory_space<vmem>>)
    %dma_wait3A_66 = arith.constant 0 : i32
    %dma_wait3A_67 = tpu.memref_slice %arg4[%dma_wait3A_66] : memref<320000xi32, #tpu.memory_space<hbm>> -> memref<40xi32, #tpu.memory_space<hbm>>
    %dma_wait3A_68 = arith.constant 0 : i32
    %dma_wait3A_69 = tpu.memref_slice %arg4[%dma_wait3A_68] : memref<320000xi32, #tpu.memory_space<hbm>> -> memref<40xi32, #tpu.memory_space<hbm>>
    tpu.wait_dma2 semaphore(%arg34 : memref<!tpu.dma_semaphore, #tpu.memory_space<semaphore_mem>>) src(%dma_wait3A_69 : memref<40xi32, #tpu.memory_space<hbm>>) dst(%arg17 : memref<40xi32, #tpu.memory_space<vmem>>)
    %dma_start3A_70 = arith.constant 0 : i32
    %dma_start3A_71 = arith.constant 0 : i32
    %dma_start3A_72 = tpu.memref_slice %arg2[%dma_start3A_70, %dma_start3A_71] : memref<10000x128xf32, #tpu.memory_space<hbm>> -> memref<10000x128xf32, #tpu.memory_space<hbm>>
    tpu.enqueue_indirect_dma source(%dma_start3A_72 : memref<10000x128xf32, #tpu.memory_space<hbm>>) target(%arg25 : memref<40x128xf32, #tpu.memory_space<vmem>>) offsets(%arg9 : memref<40xi32, #tpu.memory_space<vmem>>) semaphore(%arg42 : memref<!tpu.dma_semaphore, #tpu.memory_space<semaphore_mem>>)
    %dma_wait3A_73 = arith.constant 0 : i32
    %dma_wait3A_74 = tpu.memref_slice %arg3[%dma_wait3A_73] : memref<320000xi32, #tpu.memory_space<hbm>> -> memref<40xi32, #tpu.memory_space<hbm>>
    %dma_wait3A_75 = arith.constant 0 : i32
    %dma_wait3A_76 = tpu.memref_slice %arg3[%dma_wait3A_75] : memref<320000xi32, #tpu.memory_space<hbm>> -> memref<40xi32, #tpu.memory_space<hbm>>
    tpu.wait_dma2 semaphore(%arg35 : memref<!tpu.dma_semaphore, #tpu.memory_space<semaphore_mem>>) src(%dma_wait3A_76 : memref<40xi32, #tpu.memory_space<hbm>>) dst(%arg10 : memref<40xi32, #tpu.memory_space<vmem>>)
    %dma_wait3A_77 = arith.constant 0 : i32
    %dma_wait3A_78 = tpu.memref_slice %arg4[%dma_wait3A_77] : memref<320000xi32, #tpu.memory_space<hbm>> -> memref<40xi32, #tpu.memory_space<hbm>>
    %dma_wait3A_79 = arith.constant 0 : i32
    %dma_wait3A_80 = tpu.memref_slice %arg4[%dma_wait3A_79] : memref<320000xi32, #tpu.memory_space<hbm>> -> memref<40xi32, #tpu.memory_space<hbm>>
    tpu.wait_dma2 semaphore(%arg35 : memref<!tpu.dma_semaphore, #tpu.memory_space<semaphore_mem>>) src(%dma_wait3A_80 : memref<40xi32, #tpu.memory_space<hbm>>) dst(%arg18 : memref<40xi32, #tpu.memory_space<vmem>>)
    %dma_start3A_81 = arith.constant 0 : i32
    %dma_start3A_82 = arith.constant 0 : i32
    %dma_start3A_83 = tpu.memref_slice %arg2[%dma_start3A_81, %dma_start3A_82] : memref<10000x128xf32, #tpu.memory_space<hbm>> -> memref<10000x128xf32, #tpu.memory_space<hbm>>
    tpu.enqueue_indirect_dma source(%dma_start3A_83 : memref<10000x128xf32, #tpu.memory_space<hbm>>) target(%arg26 : memref<40x128xf32, #tpu.memory_space<vmem>>) offsets(%arg10 : memref<40xi32, #tpu.memory_space<vmem>>) semaphore(%arg43 : memref<!tpu.dma_semaphore, #tpu.memory_space<semaphore_mem>>)
    %dma_wait3A_84 = arith.constant 0 : i32
    %dma_wait3A_85 = tpu.memref_slice %arg3[%dma_wait3A_84] : memref<320000xi32, #tpu.memory_space<hbm>> -> memref<40xi32, #tpu.memory_space<hbm>>
    %dma_wait3A_86 = arith.constant 0 : i32
    %dma_wait3A_87 = tpu.memref_slice %arg3[%dma_wait3A_86] : memref<320000xi32, #tpu.memory_space<hbm>> -> memref<40xi32, #tpu.memory_space<hbm>>
    tpu.wait_dma2 semaphore(%arg36 : memref<!tpu.dma_semaphore, #tpu.memory_space<semaphore_mem>>) src(%dma_wait3A_87 : memref<40xi32, #tpu.memory_space<hbm>>) dst(%arg11 : memref<40xi32, #tpu.memory_space<vmem>>)
    %dma_wait3A_88 = arith.constant 0 : i32
    %dma_wait3A_89 = tpu.memref_slice %arg4[%dma_wait3A_88] : memref<320000xi32, #tpu.memory_space<hbm>> -> memref<40xi32, #tpu.memory_space<hbm>>
    %dma_wait3A_90 = arith.constant 0 : i32
    %dma_wait3A_91 = tpu.memref_slice %arg4[%dma_wait3A_90] : memref<320000xi32, #tpu.memory_space<hbm>> -> memref<40xi32, #tpu.memory_space<hbm>>
    tpu.wait_dma2 semaphore(%arg36 : memref<!tpu.dma_semaphore, #tpu.memory_space<semaphore_mem>>) src(%dma_wait3A_91 : memref<40xi32, #tpu.memory_space<hbm>>) dst(%arg19 : memref<40xi32, #tpu.memory_space<vmem>>)
    %dma_start3A_92 = arith.constant 0 : i32
    %dma_start3A_93 = arith.constant 0 : i32
    %dma_start3A_94 = tpu.memref_slice %arg2[%dma_start3A_92, %dma_start3A_93] : memref<10000x128xf32, #tpu.memory_space<hbm>> -> memref<10000x128xf32, #tpu.memory_space<hbm>>
    tpu.enqueue_indirect_dma source(%dma_start3A_94 : memref<10000x128xf32, #tpu.memory_space<hbm>>) target(%arg27 : memref<40x128xf32, #tpu.memory_space<vmem>>) offsets(%arg11 : memref<40xi32, #tpu.memory_space<vmem>>) semaphore(%arg44 : memref<!tpu.dma_semaphore, #tpu.memory_space<semaphore_mem>>)
    %dma_wait3A_95 = arith.constant 0 : i32
    %dma_wait3A_96 = tpu.memref_slice %arg3[%dma_wait3A_95] : memref<320000xi32, #tpu.memory_space<hbm>> -> memref<40xi32, #tpu.memory_space<hbm>>
    %dma_wait3A_97 = arith.constant 0 : i32
    %dma_wait3A_98 = tpu.memref_slice %arg3[%dma_wait3A_97] : memref<320000xi32, #tpu.memory_space<hbm>> -> memref<40xi32, #tpu.memory_space<hbm>>
    tpu.wait_dma2 semaphore(%arg37 : memref<!tpu.dma_semaphore, #tpu.memory_space<semaphore_mem>>) src(%dma_wait3A_98 : memref<40xi32, #tpu.memory_space<hbm>>) dst(%arg12 : memref<40xi32, #tpu.memory_space<vmem>>)
    %dma_wait3A_99 = arith.constant 0 : i32
    %dma_wait3A_100 = tpu.memref_slice %arg4[%dma_wait3A_99] : memref<320000xi32, #tpu.memory_space<hbm>> -> memref<40xi32, #tpu.memory_space<hbm>>
    %dma_wait3A_101 = arith.constant 0 : i32
    %dma_wait3A_102 = tpu.memref_slice %arg4[%dma_wait3A_101] : memref<320000xi32, #tpu.memory_space<hbm>> -> memref<40xi32, #tpu.memory_space<hbm>>
    tpu.wait_dma2 semaphore(%arg37 : memref<!tpu.dma_semaphore, #tpu.memory_space<semaphore_mem>>) src(%dma_wait3A_102 : memref<40xi32, #tpu.memory_space<hbm>>) dst(%arg20 : memref<40xi32, #tpu.memory_space<vmem>>)
    %dma_start3A_103 = arith.constant 0 : i32
    %dma_start3A_104 = arith.constant 0 : i32
    %dma_start3A_105 = tpu.memref_slice %arg2[%dma_start3A_103, %dma_start3A_104] : memref<10000x128xf32, #tpu.memory_space<hbm>> -> memref<10000x128xf32, #tpu.memory_space<hbm>>
    tpu.enqueue_indirect_dma source(%dma_start3A_105 : memref<10000x128xf32, #tpu.memory_space<hbm>>) target(%arg28 : memref<40x128xf32, #tpu.memory_space<vmem>>) offsets(%arg12 : memref<40xi32, #tpu.memory_space<vmem>>) semaphore(%arg45 : memref<!tpu.dma_semaphore, #tpu.memory_space<semaphore_mem>>)
    %dma_wait3A_106 = arith.constant 0 : i32
    %dma_wait3A_107 = tpu.memref_slice %arg3[%dma_wait3A_106] : memref<320000xi32, #tpu.memory_space<hbm>> -> memref<40xi32, #tpu.memory_space<hbm>>
    %dma_wait3A_108 = arith.constant 0 : i32
    %dma_wait3A_109 = tpu.memref_slice %arg3[%dma_wait3A_108] : memref<320000xi32, #tpu.memory_space<hbm>> -> memref<40xi32, #tpu.memory_space<hbm>>
    tpu.wait_dma2 semaphore(%arg38 : memref<!tpu.dma_semaphore, #tpu.memory_space<semaphore_mem>>) src(%dma_wait3A_109 : memref<40xi32, #tpu.memory_space<hbm>>) dst(%arg13 : memref<40xi32, #tpu.memory_space<vmem>>)
    %dma_wait3A_110 = arith.constant 0 : i32
    %dma_wait3A_111 = tpu.memref_slice %arg4[%dma_wait3A_110] : memref<320000xi32, #tpu.memory_space<hbm>> -> memref<40xi32, #tpu.memory_space<hbm>>
    %dma_wait3A_112 = arith.constant 0 : i32
    %dma_wait3A_113 = tpu.memref_slice %arg4[%dma_wait3A_112] : memref<320000xi32, #tpu.memory_space<hbm>> -> memref<40xi32, #tpu.memory_space<hbm>>
    tpu.wait_dma2 semaphore(%arg38 : memref<!tpu.dma_semaphore, #tpu.memory_space<semaphore_mem>>) src(%dma_wait3A_113 : memref<40xi32, #tpu.memory_space<hbm>>) dst(%arg21 : memref<40xi32, #tpu.memory_space<vmem>>)
    %dma_start3A_114 = arith.constant 0 : i32
    %dma_start3A_115 = arith.constant 0 : i32
    %dma_start3A_116 = tpu.memref_slice %arg2[%dma_start3A_114, %dma_start3A_115] : memref<10000x128xf32, #tpu.memory_space<hbm>> -> memref<10000x128xf32, #tpu.memory_space<hbm>>
    tpu.enqueue_indirect_dma source(%dma_start3A_116 : memref<10000x128xf32, #tpu.memory_space<hbm>>) target(%arg29 : memref<40x128xf32, #tpu.memory_space<vmem>>) offsets(%arg13 : memref<40xi32, #tpu.memory_space<vmem>>) semaphore(%arg46 : memref<!tpu.dma_semaphore, #tpu.memory_space<semaphore_mem>>)
    %dma_wait3A_117 = arith.constant 0 : i32
    %dma_wait3A_118 = tpu.memref_slice %arg3[%dma_wait3A_117] : memref<320000xi32, #tpu.memory_space<hbm>> -> memref<40xi32, #tpu.memory_space<hbm>>
    %dma_wait3A_119 = arith.constant 0 : i32
    %dma_wait3A_120 = tpu.memref_slice %arg3[%dma_wait3A_119] : memref<320000xi32, #tpu.memory_space<hbm>> -> memref<40xi32, #tpu.memory_space<hbm>>
    tpu.wait_dma2 semaphore(%arg39 : memref<!tpu.dma_semaphore, #tpu.memory_space<semaphore_mem>>) src(%dma_wait3A_120 : memref<40xi32, #tpu.memory_space<hbm>>) dst(%arg14 : memref<40xi32, #tpu.memory_space<vmem>>)
    %dma_wait3A_121 = arith.constant 0 : i32
    %dma_wait3A_122 = tpu.memref_slice %arg4[%dma_wait3A_121] : memref<320000xi32, #tpu.memory_space<hbm>> -> memref<40xi32, #tpu.memory_space<hbm>>
    %dma_wait3A_123 = arith.constant 0 : i32
    %dma_wait3A_124 = tpu.memref_slice %arg4[%dma_wait3A_123] : memref<320000xi32, #tpu.memory_space<hbm>> -> memref<40xi32, #tpu.memory_space<hbm>>
    tpu.wait_dma2 semaphore(%arg39 : memref<!tpu.dma_semaphore, #tpu.memory_space<semaphore_mem>>) src(%dma_wait3A_124 : memref<40xi32, #tpu.memory_space<hbm>>) dst(%arg22 : memref<40xi32, #tpu.memory_space<vmem>>)
    %dma_start3A_125 = arith.constant 0 : i32
    %dma_start3A_126 = arith.constant 0 : i32
    %dma_start3A_127 = tpu.memref_slice %arg2[%dma_start3A_125, %dma_start3A_126] : memref<10000x128xf32, #tpu.memory_space<hbm>> -> memref<10000x128xf32, #tpu.memory_space<hbm>>
    tpu.enqueue_indirect_dma source(%dma_start3A_127 : memref<10000x128xf32, #tpu.memory_space<hbm>>) target(%arg30 : memref<40x128xf32, #tpu.memory_space<vmem>>) offsets(%arg14 : memref<40xi32, #tpu.memory_space<vmem>>) semaphore(%arg47 : memref<!tpu.dma_semaphore, #tpu.memory_space<semaphore_mem>>)
    %dma_wait3A_128 = arith.constant 0 : i32
    %dma_wait3A_129 = tpu.memref_slice %arg3[%dma_wait3A_128] : memref<320000xi32, #tpu.memory_space<hbm>> -> memref<40xi32, #tpu.memory_space<hbm>>
    %dma_wait3A_130 = arith.constant 0 : i32
    %dma_wait3A_131 = tpu.memref_slice %arg3[%dma_wait3A_130] : memref<320000xi32, #tpu.memory_space<hbm>> -> memref<40xi32, #tpu.memory_space<hbm>>
    tpu.wait_dma2 semaphore(%arg40 : memref<!tpu.dma_semaphore, #tpu.memory_space<semaphore_mem>>) src(%dma_wait3A_131 : memref<40xi32, #tpu.memory_space<hbm>>) dst(%arg15 : memref<40xi32, #tpu.memory_space<vmem>>)
    %dma_wait3A_132 = arith.constant 0 : i32
    %dma_wait3A_133 = tpu.memref_slice %arg4[%dma_wait3A_132] : memref<320000xi32, #tpu.memory_space<hbm>> -> memref<40xi32, #tpu.memory_space<hbm>>
    %dma_wait3A_134 = arith.constant 0 : i32
    %dma_wait3A_135 = tpu.memref_slice %arg4[%dma_wait3A_134] : memref<320000xi32, #tpu.memory_space<hbm>> -> memref<40xi32, #tpu.memory_space<hbm>>
    tpu.wait_dma2 semaphore(%arg40 : memref<!tpu.dma_semaphore, #tpu.memory_space<semaphore_mem>>) src(%dma_wait3A_135 : memref<40xi32, #tpu.memory_space<hbm>>) dst(%arg23 : memref<40xi32, #tpu.memory_space<vmem>>)
    %dma_start3A_136 = arith.constant 0 : i32
    %dma_start3A_137 = arith.constant 0 : i32
    %dma_start3A_138 = tpu.memref_slice %arg2[%dma_start3A_136, %dma_start3A_137] : memref<10000x128xf32, #tpu.memory_space<hbm>> -> memref<10000x128xf32, #tpu.memory_space<hbm>>
    tpu.enqueue_indirect_dma source(%dma_start3A_138 : memref<10000x128xf32, #tpu.memory_space<hbm>>) target(%arg31 : memref<40x128xf32, #tpu.memory_space<vmem>>) offsets(%arg15 : memref<40xi32, #tpu.memory_space<vmem>>) semaphore(%arg48 : memref<!tpu.dma_semaphore, #tpu.memory_space<semaphore_mem>>)
    %dma_wait3A_139 = arith.constant 0 : i32
    %dma_wait3A_140 = arith.constant 0 : i32
    %dma_wait3A_141 = tpu.memref_slice %arg2[%dma_wait3A_139, %dma_wait3A_140] : memref<10000x128xf32, #tpu.memory_space<hbm>> -> memref<10000x128xf32, #tpu.memory_space<hbm>>
    tpu.wait_indirect_dma semaphore(%arg41 : memref<!tpu.dma_semaphore, #tpu.memory_space<semaphore_mem>>) src(%dma_wait3A_141 : memref<10000x128xf32, #tpu.memory_space<hbm>>) dst(%arg24 : memref<40x128xf32, #tpu.memory_space<vmem>>)
    %dma_start3A_142 = arith.constant 0 : i32
    %dma_start3A_143 = arith.constant 0 : i32
    %dma_start3A_144 = tpu.memref_slice %arg32[%dma_start3A_142, %dma_start3A_143] : memref<10000x128xf32, #tpu.memory_space<vmem_shared>> -> memref<10000x128xf32, #tpu.memory_space<vmem_shared>>
    tpu.enqueue_indirect_dma source(%arg24 : memref<40x128xf32, #tpu.memory_space<vmem>>) target(%dma_start3A_144 : memref<10000x128xf32, #tpu.memory_space<vmem_shared>>) offsets(%arg16 : memref<40xi32, #tpu.memory_space<vmem>>) semaphore(%arg49 : memref<!tpu.dma_semaphore, #tpu.memory_space<semaphore_mem>>) {add = true}
    %dma_wait3A_145 = arith.constant 0 : i32
    %dma_wait3A_146 = arith.constant 0 : i32
    %dma_wait3A_147 = tpu.memref_slice %arg2[%dma_wait3A_145, %dma_wait3A_146] : memref<10000x128xf32, #tpu.memory_space<hbm>> -> memref<10000x128xf32, #tpu.memory_space<hbm>>
    tpu.wait_indirect_dma semaphore(%arg42 : memref<!tpu.dma_semaphore, #tpu.memory_space<semaphore_mem>>) src(%dma_wait3A_147 : memref<10000x128xf32, #tpu.memory_space<hbm>>) dst(%arg25 : memref<40x128xf32, #tpu.memory_space<vmem>>)
    %dma_start3A_148 = arith.constant 0 : i32
    %dma_start3A_149 = arith.constant 0 : i32
    %dma_start3A_150 = tpu.memref_slice %arg32[%dma_start3A_148, %dma_start3A_149] : memref<10000x128xf32, #tpu.memory_space<vmem_shared>> -> memref<10000x128xf32, #tpu.memory_space<vmem_shared>>
    tpu.enqueue_indirect_dma source(%arg25 : memref<40x128xf32, #tpu.memory_space<vmem>>) target(%dma_start3A_150 : memref<10000x128xf32, #tpu.memory_space<vmem_shared>>) offsets(%arg17 : memref<40xi32, #tpu.memory_space<vmem>>) semaphore(%arg50 : memref<!tpu.dma_semaphore, #tpu.memory_space<semaphore_mem>>) {add = true}
    %dma_wait3A_151 = arith.constant 0 : i32
    %dma_wait3A_152 = arith.constant 0 : i32
    %dma_wait3A_153 = tpu.memref_slice %arg2[%dma_wait3A_151, %dma_wait3A_152] : memref<10000x128xf32, #tpu.memory_space<hbm>> -> memref<10000x128xf32, #tpu.memory_space<hbm>>
    tpu.wait_indirect_dma semaphore(%arg43 : memref<!tpu.dma_semaphore, #tpu.memory_space<semaphore_mem>>) src(%dma_wait3A_153 : memref<10000x128xf32, #tpu.memory_space<hbm>>) dst(%arg26 : memref<40x128xf32, #tpu.memory_space<vmem>>)
    %dma_start3A_154 = arith.constant 0 : i32
    %dma_start3A_155 = arith.constant 0 : i32
    %dma_start3A_156 = tpu.memref_slice %arg32[%dma_start3A_154, %dma_start3A_155] : memref<10000x128xf32, #tpu.memory_space<vmem_shared>> -> memref<10000x128xf32, #tpu.memory_space<vmem_shared>>
    tpu.enqueue_indirect_dma source(%arg26 : memref<40x128xf32, #tpu.memory_space<vmem>>) target(%dma_start3A_156 : memref<10000x128xf32, #tpu.memory_space<vmem_shared>>) offsets(%arg18 : memref<40xi32, #tpu.memory_space<vmem>>) semaphore(%arg51 : memref<!tpu.dma_semaphore, #tpu.memory_space<semaphore_mem>>) {add = true}
    %dma_wait3A_157 = arith.constant 0 : i32
    %dma_wait3A_158 = arith.constant 0 : i32
    %dma_wait3A_159 = tpu.memref_slice %arg2[%dma_wait3A_157, %dma_wait3A_158] : memref<10000x128xf32, #tpu.memory_space<hbm>> -> memref<10000x128xf32, #tpu.memory_space<hbm>>
    tpu.wait_indirect_dma semaphore(%arg44 : memref<!tpu.dma_semaphore, #tpu.memory_space<semaphore_mem>>) src(%dma_wait3A_159 : memref<10000x128xf32, #tpu.memory_space<hbm>>) dst(%arg27 : memref<40x128xf32, #tpu.memory_space<vmem>>)
    %dma_start3A_160 = arith.constant 0 : i32
    %dma_start3A_161 = arith.constant 0 : i32
    %dma_start3A_162 = tpu.memref_slice %arg32[%dma_start3A_160, %dma_start3A_161] : memref<10000x128xf32, #tpu.memory_space<vmem_shared>> -> memref<10000x128xf32, #tpu.memory_space<vmem_shared>>
    tpu.enqueue_indirect_dma source(%arg27 : memref<40x128xf32, #tpu.memory_space<vmem>>) target(%dma_start3A_162 : memref<10000x128xf32, #tpu.memory_space<vmem_shared>>) offsets(%arg19 : memref<40xi32, #tpu.memory_space<vmem>>) semaphore(%arg52 : memref<!tpu.dma_semaphore, #tpu.memory_space<semaphore_mem>>) {add = true}
    %dma_wait3A_163 = arith.constant 0 : i32
    %dma_wait3A_164 = arith.constant 0 : i32
    %dma_wait3A_165 = tpu.memref_slice %arg2[%dma_wait3A_163, %dma_wait3A_164] : memref<10000x128xf32, #tpu.memory_space<hbm>> -> memref<10000x128xf32, #tpu.memory_space<hbm>>
    tpu.wait_indirect_dma semaphore(%arg45 : memref<!tpu.dma_semaphore, #tpu.memory_space<semaphore_mem>>) src(%dma_wait3A_165 : memref<10000x128xf32, #tpu.memory_space<hbm>>) dst(%arg28 : memref<40x128xf32, #tpu.memory_space<vmem>>)
    %dma_start3A_166 = arith.constant 0 : i32
    %dma_start3A_167 = arith.constant 0 : i32
    %dma_start3A_168 = tpu.memref_slice %arg32[%dma_start3A_166, %dma_start3A_167] : memref<10000x128xf32, #tpu.memory_space<vmem_shared>> -> memref<10000x128xf32, #tpu.memory_space<vmem_shared>>
    tpu.enqueue_indirect_dma source(%arg28 : memref<40x128xf32, #tpu.memory_space<vmem>>) target(%dma_start3A_168 : memref<10000x128xf32, #tpu.memory_space<vmem_shared>>) offsets(%arg20 : memref<40xi32, #tpu.memory_space<vmem>>) semaphore(%arg53 : memref<!tpu.dma_semaphore, #tpu.memory_space<semaphore_mem>>) {add = true}
    %dma_wait3A_169 = arith.constant 0 : i32
    %dma_wait3A_170 = arith.constant 0 : i32
    %dma_wait3A_171 = tpu.memref_slice %arg2[%dma_wait3A_169, %dma_wait3A_170] : memref<10000x128xf32, #tpu.memory_space<hbm>> -> memref<10000x128xf32, #tpu.memory_space<hbm>>
    tpu.wait_indirect_dma semaphore(%arg46 : memref<!tpu.dma_semaphore, #tpu.memory_space<semaphore_mem>>) src(%dma_wait3A_171 : memref<10000x128xf32, #tpu.memory_space<hbm>>) dst(%arg29 : memref<40x128xf32, #tpu.memory_space<vmem>>)
    %dma_start3A_172 = arith.constant 0 : i32
    %dma_start3A_173 = arith.constant 0 : i32
    %dma_start3A_174 = tpu.memref_slice %arg32[%dma_start3A_172, %dma_start3A_173] : memref<10000x128xf32, #tpu.memory_space<vmem_shared>> -> memref<10000x128xf32, #tpu.memory_space<vmem_shared>>
    tpu.enqueue_indirect_dma source(%arg29 : memref<40x128xf32, #tpu.memory_space<vmem>>) target(%dma_start3A_174 : memref<10000x128xf32, #tpu.memory_space<vmem_shared>>) offsets(%arg21 : memref<40xi32, #tpu.memory_space<vmem>>) semaphore(%arg54 : memref<!tpu.dma_semaphore, #tpu.memory_space<semaphore_mem>>) {add = true}
    %dma_wait3A_175 = arith.constant 0 : i32
    %dma_wait3A_176 = arith.constant 0 : i32
    %dma_wait3A_177 = tpu.memref_slice %arg2[%dma_wait3A_175, %dma_wait3A_176] : memref<10000x128xf32, #tpu.memory_space<hbm>> -> memref<10000x128xf32, #tpu.memory_space<hbm>>
    tpu.wait_indirect_dma semaphore(%arg47 : memref<!tpu.dma_semaphore, #tpu.memory_space<semaphore_mem>>) src(%dma_wait3A_177 : memref<10000x128xf32, #tpu.memory_space<hbm>>) dst(%arg30 : memref<40x128xf32, #tpu.memory_space<vmem>>)
    %dma_start3A_178 = arith.constant 0 : i32
    %dma_start3A_179 = arith.constant 0 : i32
    %dma_start3A_180 = tpu.memref_slice %arg32[%dma_start3A_178, %dma_start3A_179] : memref<10000x128xf32, #tpu.memory_space<vmem_shared>> -> memref<10000x128xf32, #tpu.memory_space<vmem_shared>>
    tpu.enqueue_indirect_dma source(%arg30 : memref<40x128xf32, #tpu.memory_space<vmem>>) target(%dma_start3A_180 : memref<10000x128xf32, #tpu.memory_space<vmem_shared>>) offsets(%arg22 : memref<40xi32, #tpu.memory_space<vmem>>) semaphore(%arg55 : memref<!tpu.dma_semaphore, #tpu.memory_space<semaphore_mem>>) {add = true}
    %dma_wait3A_181 = arith.constant 0 : i32
    %dma_wait3A_182 = arith.constant 0 : i32
    %dma_wait3A_183 = tpu.memref_slice %arg2[%dma_wait3A_181, %dma_wait3A_182] : memref<10000x128xf32, #tpu.memory_space<hbm>> -> memref<10000x128xf32, #tpu.memory_space<hbm>>
    tpu.wait_indirect_dma semaphore(%arg48 : memref<!tpu.dma_semaphore, #tpu.memory_space<semaphore_mem>>) src(%dma_wait3A_183 : memref<10000x128xf32, #tpu.memory_space<hbm>>) dst(%arg31 : memref<40x128xf32, #tpu.memory_space<vmem>>)
    %dma_start3A_184 = arith.constant 0 : i32
    %dma_start3A_185 = arith.constant 0 : i32
    %dma_start3A_186 = tpu.memref_slice %arg32[%dma_start3A_184, %dma_start3A_185] : memref<10000x128xf32, #tpu.memory_space<vmem_shared>> -> memref<10000x128xf32, #tpu.memory_space<vmem_shared>>
    tpu.enqueue_indirect_dma source(%arg31 : memref<40x128xf32, #tpu.memory_space<vmem>>) target(%dma_start3A_186 : memref<10000x128xf32, #tpu.memory_space<vmem_shared>>) offsets(%arg23 : memref<40xi32, #tpu.memory_space<vmem>>) semaphore(%arg56 : memref<!tpu.dma_semaphore, #tpu.memory_space<semaphore_mem>>) {add = true}
    %scan3A = arith.constant 0 : i32
    %scan3A_187 = arith.constant 1 : i32
    %scan3A_188 = arith.constant 30 : i32
    %scan3A_189 = arith.addi %scan3A_187, %scan3A_188 : i32
    %scan3A_190 = arith.constant 1 : i32
    scf.for %scan3A_281 = %scan3A_187 to %scan3A_189 step %scan3A_190  : i32 {
      %mul3A_282 = arith.constant 8 : i32
      %mul3A_283 = arith.muli %scan3A_281, %mul3A_282 : i32
      %dma_wait3A_284 = arith.constant 0 : i32
      %dma_wait3A_285 = arith.constant 0 : i32
      %dma_wait3A_286 = tpu.memref_slice %arg32[%dma_wait3A_284, %dma_wait3A_285] : memref<10000x128xf32, #tpu.memory_space<vmem_shared>> -> memref<10000x128xf32, #tpu.memory_space<vmem_shared>>
      tpu.wait_indirect_dma semaphore(%arg49 : memref<!tpu.dma_semaphore, #tpu.memory_space<semaphore_mem>>) src(%arg24 : memref<40x128xf32, #tpu.memory_space<vmem>>) dst(%dma_wait3A_286 : memref<10000x128xf32, #tpu.memory_space<vmem_shared>>)
      %add3A_287 = arith.constant 0 : i32
      %add3A_288 = arith.addi %mul3A_283, %add3A_287 : i32
      %mul3A_289 = arith.constant 40 : i32
      %mul3A_290 = arith.muli %add3A_288, %mul3A_289 : i32
      %add3A_291 = arith.addi %mul3A_2, %mul3A_290 : i32
      %dma_start3A_292 = tpu.memref_slice %arg3[%add3A_291] : memref<320000xi32, #tpu.memory_space<hbm>> -> memref<40xi32, #tpu.memory_space<hbm>>
      %dma_start3A_293 = tpu.memref_slice %arg3[%add3A_291] : memref<320000xi32, #tpu.memory_space<hbm>> -> memref<40xi32, #tpu.memory_space<hbm>>
      tpu.enqueue_dma source(%dma_start3A_293 : memref<40xi32, #tpu.memory_space<hbm>>) target(%arg8 : memref<40xi32, #tpu.memory_space<vmem>>) target_semaphore(%arg33 : memref<!tpu.dma_semaphore, #tpu.memory_space<semaphore_mem>>)
      %dma_start3A_294 = tpu.memref_slice %arg4[%add3A_291] : memref<320000xi32, #tpu.memory_space<hbm>> -> memref<40xi32, #tpu.memory_space<hbm>>
      %dma_start3A_295 = tpu.memref_slice %arg4[%add3A_291] : memref<320000xi32, #tpu.memory_space<hbm>> -> memref<40xi32, #tpu.memory_space<hbm>>
      tpu.enqueue_dma source(%dma_start3A_295 : memref<40xi32, #tpu.memory_space<hbm>>) target(%arg16 : memref<40xi32, #tpu.memory_space<vmem>>) target_semaphore(%arg33 : memref<!tpu.dma_semaphore, #tpu.memory_space<semaphore_mem>>)
      %dma_wait3A_296 = arith.constant 0 : i32
      %dma_wait3A_297 = arith.constant 0 : i32
      %dma_wait3A_298 = tpu.memref_slice %arg32[%dma_wait3A_296, %dma_wait3A_297] : memref<10000x128xf32, #tpu.memory_space<vmem_shared>> -> memref<10000x128xf32, #tpu.memory_space<vmem_shared>>
      tpu.wait_indirect_dma semaphore(%arg50 : memref<!tpu.dma_semaphore, #tpu.memory_space<semaphore_mem>>) src(%arg25 : memref<40x128xf32, #tpu.memory_space<vmem>>) dst(%dma_wait3A_298 : memref<10000x128xf32, #tpu.memory_space<vmem_shared>>)
      %add3A_299 = arith.constant 1 : i32
      %add3A_300 = arith.addi %mul3A_283, %add3A_299 : i32
      %mul3A_301 = arith.constant 40 : i32
      %mul3A_302 = arith.muli %add3A_300, %mul3A_301 : i32
      %add3A_303 = arith.addi %mul3A_2, %mul3A_302 : i32
      %dma_start3A_304 = tpu.memref_slice %arg3[%add3A_303] : memref<320000xi32, #tpu.memory_space<hbm>> -> memref<40xi32, #tpu.memory_space<hbm>>
      %dma_start3A_305 = tpu.memref_slice %arg3[%add3A_303] : memref<320000xi32, #tpu.memory_space<hbm>> -> memref<40xi32, #tpu.memory_space<hbm>>
      tpu.enqueue_dma source(%dma_start3A_305 : memref<40xi32, #tpu.memory_space<hbm>>) target(%arg9 : memref<40xi32, #tpu.memory_space<vmem>>) target_semaphore(%arg34 : memref<!tpu.dma_semaphore, #tpu.memory_space<semaphore_mem>>)
      %dma_start3A_306 = tpu.memref_slice %arg4[%add3A_303] : memref<320000xi32, #tpu.memory_space<hbm>> -> memref<40xi32, #tpu.memory_space<hbm>>
      %dma_start3A_307 = tpu.memref_slice %arg4[%add3A_303] : memref<320000xi32, #tpu.memory_space<hbm>> -> memref<40xi32, #tpu.memory_space<hbm>>
      tpu.enqueue_dma source(%dma_start3A_307 : memref<40xi32, #tpu.memory_space<hbm>>) target(%arg17 : memref<40xi32, #tpu.memory_space<vmem>>) target_semaphore(%arg34 : memref<!tpu.dma_semaphore, #tpu.memory_space<semaphore_mem>>)
      %dma_wait3A_308 = arith.constant 0 : i32
      %dma_wait3A_309 = arith.constant 0 : i32
      %dma_wait3A_310 = tpu.memref_slice %arg32[%dma_wait3A_308, %dma_wait3A_309] : memref<10000x128xf32, #tpu.memory_space<vmem_shared>> -> memref<10000x128xf32, #tpu.memory_space<vmem_shared>>
      tpu.wait_indirect_dma semaphore(%arg51 : memref<!tpu.dma_semaphore, #tpu.memory_space<semaphore_mem>>) src(%arg26 : memref<40x128xf32, #tpu.memory_space<vmem>>) dst(%dma_wait3A_310 : memref<10000x128xf32, #tpu.memory_space<vmem_shared>>)
      %add3A_311 = arith.constant 2 : i32
      %add3A_312 = arith.addi %mul3A_283, %add3A_311 : i32
      %mul3A_313 = arith.constant 40 : i32
      %mul3A_314 = arith.muli %add3A_312, %mul3A_313 : i32
      %add3A_315 = arith.addi %mul3A_2, %mul3A_314 : i32
      %dma_start3A_316 = tpu.memref_slice %arg3[%add3A_315] : memref<320000xi32, #tpu.memory_space<hbm>> -> memref<40xi32, #tpu.memory_space<hbm>>
      %dma_start3A_317 = tpu.memref_slice %arg3[%add3A_315] : memref<320000xi32, #tpu.memory_space<hbm>> -> memref<40xi32, #tpu.memory_space<hbm>>
      tpu.enqueue_dma source(%dma_start3A_317 : memref<40xi32, #tpu.memory_space<hbm>>) target(%arg10 : memref<40xi32, #tpu.memory_space<vmem>>) target_semaphore(%arg35 : memref<!tpu.dma_semaphore, #tpu.memory_space<semaphore_mem>>)
      %dma_start3A_318 = tpu.memref_slice %arg4[%add3A_315] : memref<320000xi32, #tpu.memory_space<hbm>> -> memref<40xi32, #tpu.memory_space<hbm>>
      %dma_start3A_319 = tpu.memref_slice %arg4[%add3A_315] : memref<320000xi32, #tpu.memory_space<hbm>> -> memref<40xi32, #tpu.memory_space<hbm>>
      tpu.enqueue_dma source(%dma_start3A_319 : memref<40xi32, #tpu.memory_space<hbm>>) target(%arg18 : memref<40xi32, #tpu.memory_space<vmem>>) target_semaphore(%arg35 : memref<!tpu.dma_semaphore, #tpu.memory_space<semaphore_mem>>)
      %dma_wait3A_320 = arith.constant 0 : i32
      %dma_wait3A_321 = arith.constant 0 : i32
      %dma_wait3A_322 = tpu.memref_slice %arg32[%dma_wait3A_320, %dma_wait3A_321] : memref<10000x128xf32, #tpu.memory_space<vmem_shared>> -> memref<10000x128xf32, #tpu.memory_space<vmem_shared>>
      tpu.wait_indirect_dma semaphore(%arg52 : memref<!tpu.dma_semaphore, #tpu.memory_space<semaphore_mem>>) src(%arg27 : memref<40x128xf32, #tpu.memory_space<vmem>>) dst(%dma_wait3A_322 : memref<10000x128xf32, #tpu.memory_space<vmem_shared>>)
      %add3A_323 = arith.constant 3 : i32
      %add3A_324 = arith.addi %mul3A_283, %add3A_323 : i32
      %mul3A_325 = arith.constant 40 : i32
      %mul3A_326 = arith.muli %add3A_324, %mul3A_325 : i32
      %add3A_327 = arith.addi %mul3A_2, %mul3A_326 : i32
      %dma_start3A_328 = tpu.memref_slice %arg3[%add3A_327] : memref<320000xi32, #tpu.memory_space<hbm>> -> memref<40xi32, #tpu.memory_space<hbm>>
      %dma_start3A_329 = tpu.memref_slice %arg3[%add3A_327] : memref<320000xi32, #tpu.memory_space<hbm>> -> memref<40xi32, #tpu.memory_space<hbm>>
      tpu.enqueue_dma source(%dma_start3A_329 : memref<40xi32, #tpu.memory_space<hbm>>) target(%arg11 : memref<40xi32, #tpu.memory_space<vmem>>) target_semaphore(%arg36 : memref<!tpu.dma_semaphore, #tpu.memory_space<semaphore_mem>>)
      %dma_start3A_330 = tpu.memref_slice %arg4[%add3A_327] : memref<320000xi32, #tpu.memory_space<hbm>> -> memref<40xi32, #tpu.memory_space<hbm>>
      %dma_start3A_331 = tpu.memref_slice %arg4[%add3A_327] : memref<320000xi32, #tpu.memory_space<hbm>> -> memref<40xi32, #tpu.memory_space<hbm>>
      tpu.enqueue_dma source(%dma_start3A_331 : memref<40xi32, #tpu.memory_space<hbm>>) target(%arg19 : memref<40xi32, #tpu.memory_space<vmem>>) target_semaphore(%arg36 : memref<!tpu.dma_semaphore, #tpu.memory_space<semaphore_mem>>)
      %dma_wait3A_332 = arith.constant 0 : i32
      %dma_wait3A_333 = arith.constant 0 : i32
      %dma_wait3A_334 = tpu.memref_slice %arg32[%dma_wait3A_332, %dma_wait3A_333] : memref<10000x128xf32, #tpu.memory_space<vmem_shared>> -> memref<10000x128xf32, #tpu.memory_space<vmem_shared>>
      tpu.wait_indirect_dma semaphore(%arg53 : memref<!tpu.dma_semaphore, #tpu.memory_space<semaphore_mem>>) src(%arg28 : memref<40x128xf32, #tpu.memory_space<vmem>>) dst(%dma_wait3A_334 : memref<10000x128xf32, #tpu.memory_space<vmem_shared>>)
      %add3A_335 = arith.constant 4 : i32
      %add3A_336 = arith.addi %mul3A_283, %add3A_335 : i32
      %mul3A_337 = arith.constant 40 : i32
      %mul3A_338 = arith.muli %add3A_336, %mul3A_337 : i32
      %add3A_339 = arith.addi %mul3A_2, %mul3A_338 : i32
      %dma_start3A_340 = tpu.memref_slice %arg3[%add3A_339] : memref<320000xi32, #tpu.memory_space<hbm>> -> memref<40xi32, #tpu.memory_space<hbm>>
      %dma_start3A_341 = tpu.memref_slice %arg3[%add3A_339] : memref<320000xi32, #tpu.memory_space<hbm>> -> memref<40xi32, #tpu.memory_space<hbm>>
      tpu.enqueue_dma source(%dma_start3A_341 : memref<40xi32, #tpu.memory_space<hbm>>) target(%arg12 : memref<40xi32, #tpu.memory_space<vmem>>) target_semaphore(%arg37 : memref<!tpu.dma_semaphore, #tpu.memory_space<semaphore_mem>>)
      %dma_start3A_342 = tpu.memref_slice %arg4[%add3A_339] : memref<320000xi32, #tpu.memory_space<hbm>> -> memref<40xi32, #tpu.memory_space<hbm>>
      %dma_start3A_343 = tpu.memref_slice %arg4[%add3A_339] : memref<320000xi32, #tpu.memory_space<hbm>> -> memref<40xi32, #tpu.memory_space<hbm>>
      tpu.enqueue_dma source(%dma_start3A_343 : memref<40xi32, #tpu.memory_space<hbm>>) target(%arg20 : memref<40xi32, #tpu.memory_space<vmem>>) target_semaphore(%arg37 : memref<!tpu.dma_semaphore, #tpu.memory_space<semaphore_mem>>)
      %dma_wait3A_344 = arith.constant 0 : i32
      %dma_wait3A_345 = arith.constant 0 : i32
      %dma_wait3A_346 = tpu.memref_slice %arg32[%dma_wait3A_344, %dma_wait3A_345] : memref<10000x128xf32, #tpu.memory_space<vmem_shared>> -> memref<10000x128xf32, #tpu.memory_space<vmem_shared>>
      tpu.wait_indirect_dma semaphore(%arg54 : memref<!tpu.dma_semaphore, #tpu.memory_space<semaphore_mem>>) src(%arg29 : memref<40x128xf32, #tpu.memory_space<vmem>>) dst(%dma_wait3A_346 : memref<10000x128xf32, #tpu.memory_space<vmem_shared>>)
      %add3A_347 = arith.constant 5 : i32
      %add3A_348 = arith.addi %mul3A_283, %add3A_347 : i32
      %mul3A_349 = arith.constant 40 : i32
      %mul3A_350 = arith.muli %add3A_348, %mul3A_349 : i32
      %add3A_351 = arith.addi %mul3A_2, %mul3A_350 : i32
      %dma_start3A_352 = tpu.memref_slice %arg3[%add3A_351] : memref<320000xi32, #tpu.memory_space<hbm>> -> memref<40xi32, #tpu.memory_space<hbm>>
      %dma_start3A_353 = tpu.memref_slice %arg3[%add3A_351] : memref<320000xi32, #tpu.memory_space<hbm>> -> memref<40xi32, #tpu.memory_space<hbm>>
      tpu.enqueue_dma source(%dma_start3A_353 : memref<40xi32, #tpu.memory_space<hbm>>) target(%arg13 : memref<40xi32, #tpu.memory_space<vmem>>) target_semaphore(%arg38 : memref<!tpu.dma_semaphore, #tpu.memory_space<semaphore_mem>>)
      %dma_start3A_354 = tpu.memref_slice %arg4[%add3A_351] : memref<320000xi32, #tpu.memory_space<hbm>> -> memref<40xi32, #tpu.memory_space<hbm>>
      %dma_start3A_355 = tpu.memref_slice %arg4[%add3A_351] : memref<320000xi32, #tpu.memory_space<hbm>> -> memref<40xi32, #tpu.memory_space<hbm>>
      tpu.enqueue_dma source(%dma_start3A_355 : memref<40xi32, #tpu.memory_space<hbm>>) target(%arg21 : memref<40xi32, #tpu.memory_space<vmem>>) target_semaphore(%arg38 : memref<!tpu.dma_semaphore, #tpu.memory_space<semaphore_mem>>)
      %dma_wait3A_356 = arith.constant 0 : i32
      %dma_wait3A_357 = arith.constant 0 : i32
      %dma_wait3A_358 = tpu.memref_slice %arg32[%dma_wait3A_356, %dma_wait3A_357] : memref<10000x128xf32, #tpu.memory_space<vmem_shared>> -> memref<10000x128xf32, #tpu.memory_space<vmem_shared>>
      tpu.wait_indirect_dma semaphore(%arg55 : memref<!tpu.dma_semaphore, #tpu.memory_space<semaphore_mem>>) src(%arg30 : memref<40x128xf32, #tpu.memory_space<vmem>>) dst(%dma_wait3A_358 : memref<10000x128xf32, #tpu.memory_space<vmem_shared>>)
      %add3A_359 = arith.constant 6 : i32
      %add3A_360 = arith.addi %mul3A_283, %add3A_359 : i32
      %mul3A_361 = arith.constant 40 : i32
      %mul3A_362 = arith.muli %add3A_360, %mul3A_361 : i32
      %add3A_363 = arith.addi %mul3A_2, %mul3A_362 : i32
      %dma_start3A_364 = tpu.memref_slice %arg3[%add3A_363] : memref<320000xi32, #tpu.memory_space<hbm>> -> memref<40xi32, #tpu.memory_space<hbm>>
      %dma_start3A_365 = tpu.memref_slice %arg3[%add3A_363] : memref<320000xi32, #tpu.memory_space<hbm>> -> memref<40xi32, #tpu.memory_space<hbm>>
      tpu.enqueue_dma source(%dma_start3A_365 : memref<40xi32, #tpu.memory_space<hbm>>) target(%arg14 : memref<40xi32, #tpu.memory_space<vmem>>) target_semaphore(%arg39 : memref<!tpu.dma_semaphore, #tpu.memory_space<semaphore_mem>>)
      %dma_start3A_366 = tpu.memref_slice %arg4[%add3A_363] : memref<320000xi32, #tpu.memory_space<hbm>> -> memref<40xi32, #tpu.memory_space<hbm>>
      %dma_start3A_367 = tpu.memref_slice %arg4[%add3A_363] : memref<320000xi32, #tpu.memory_space<hbm>> -> memref<40xi32, #tpu.memory_space<hbm>>
      tpu.enqueue_dma source(%dma_start3A_367 : memref<40xi32, #tpu.memory_space<hbm>>) target(%arg22 : memref<40xi32, #tpu.memory_space<vmem>>) target_semaphore(%arg39 : memref<!tpu.dma_semaphore, #tpu.memory_space<semaphore_mem>>)
      %dma_wait3A_368 = arith.constant 0 : i32
      %dma_wait3A_369 = arith.constant 0 : i32
      %dma_wait3A_370 = tpu.memref_slice %arg32[%dma_wait3A_368, %dma_wait3A_369] : memref<10000x128xf32, #tpu.memory_space<vmem_shared>> -> memref<10000x128xf32, #tpu.memory_space<vmem_shared>>
      tpu.wait_indirect_dma semaphore(%arg56 : memref<!tpu.dma_semaphore, #tpu.memory_space<semaphore_mem>>) src(%arg31 : memref<40x128xf32, #tpu.memory_space<vmem>>) dst(%dma_wait3A_370 : memref<10000x128xf32, #tpu.memory_space<vmem_shared>>)
      %add3A_371 = arith.constant 7 : i32
      %add3A_372 = arith.addi %mul3A_283, %add3A_371 : i32
      %mul3A_373 = arith.constant 40 : i32
      %mul3A_374 = arith.muli %add3A_372, %mul3A_373 : i32
      %add3A_375 = arith.addi %mul3A_2, %mul3A_374 : i32
      %dma_start3A_376 = tpu.memref_slice %arg3[%add3A_375] : memref<320000xi32, #tpu.memory_space<hbm>> -> memref<40xi32, #tpu.memory_space<hbm>>
      %dma_start3A_377 = tpu.memref_slice %arg3[%add3A_375] : memref<320000xi32, #tpu.memory_space<hbm>> -> memref<40xi32, #tpu.memory_space<hbm>>
      tpu.enqueue_dma source(%dma_start3A_377 : memref<40xi32, #tpu.memory_space<hbm>>) target(%arg15 : memref<40xi32, #tpu.memory_space<vmem>>) target_semaphore(%arg40 : memref<!tpu.dma_semaphore, #tpu.memory_space<semaphore_mem>>)
      %dma_start3A_378 = tpu.memref_slice %arg4[%add3A_375] : memref<320000xi32, #tpu.memory_space<hbm>> -> memref<40xi32, #tpu.memory_space<hbm>>
      %dma_start3A_379 = tpu.memref_slice %arg4[%add3A_375] : memref<320000xi32, #tpu.memory_space<hbm>> -> memref<40xi32, #tpu.memory_space<hbm>>
      tpu.enqueue_dma source(%dma_start3A_379 : memref<40xi32, #tpu.memory_space<hbm>>) target(%arg23 : memref<40xi32, #tpu.memory_space<vmem>>) target_semaphore(%arg40 : memref<!tpu.dma_semaphore, #tpu.memory_space<semaphore_mem>>)
      %dma_wait3A_380 = arith.constant 0 : i32
      %dma_wait3A_381 = tpu.memref_slice %arg3[%dma_wait3A_380] : memref<320000xi32, #tpu.memory_space<hbm>> -> memref<40xi32, #tpu.memory_space<hbm>>
      %dma_wait3A_382 = arith.constant 0 : i32
      %dma_wait3A_383 = tpu.memref_slice %arg3[%dma_wait3A_382] : memref<320000xi32, #tpu.memory_space<hbm>> -> memref<40xi32, #tpu.memory_space<hbm>>
      tpu.wait_dma2 semaphore(%arg33 : memref<!tpu.dma_semaphore, #tpu.memory_space<semaphore_mem>>) src(%dma_wait3A_383 : memref<40xi32, #tpu.memory_space<hbm>>) dst(%arg8 : memref<40xi32, #tpu.memory_space<vmem>>)
      %dma_wait3A_384 = arith.constant 0 : i32
      %dma_wait3A_385 = tpu.memref_slice %arg4[%dma_wait3A_384] : memref<320000xi32, #tpu.memory_space<hbm>> -> memref<40xi32, #tpu.memory_space<hbm>>
      %dma_wait3A_386 = arith.constant 0 : i32
      %dma_wait3A_387 = tpu.memref_slice %arg4[%dma_wait3A_386] : memref<320000xi32, #tpu.memory_space<hbm>> -> memref<40xi32, #tpu.memory_space<hbm>>
      tpu.wait_dma2 semaphore(%arg33 : memref<!tpu.dma_semaphore, #tpu.memory_space<semaphore_mem>>) src(%dma_wait3A_387 : memref<40xi32, #tpu.memory_space<hbm>>) dst(%arg16 : memref<40xi32, #tpu.memory_space<vmem>>)
      %dma_start3A_388 = arith.constant 0 : i32
      %dma_start3A_389 = arith.constant 0 : i32
      %dma_start3A_390 = tpu.memref_slice %arg2[%dma_start3A_388, %dma_start3A_389] : memref<10000x128xf32, #tpu.memory_space<hbm>> -> memref<10000x128xf32, #tpu.memory_space<hbm>>
      tpu.enqueue_indirect_dma source(%dma_start3A_390 : memref<10000x128xf32, #tpu.memory_space<hbm>>) target(%arg24 : memref<40x128xf32, #tpu.memory_space<vmem>>) offsets(%arg8 : memref<40xi32, #tpu.memory_space<vmem>>) semaphore(%arg41 : memref<!tpu.dma_semaphore, #tpu.memory_space<semaphore_mem>>)
      %dma_wait3A_391 = arith.constant 0 : i32
      %dma_wait3A_392 = tpu.memref_slice %arg3[%dma_wait3A_391] : memref<320000xi32, #tpu.memory_space<hbm>> -> memref<40xi32, #tpu.memory_space<hbm>>
      %dma_wait3A_393 = arith.constant 0 : i32
      %dma_wait3A_394 = tpu.memref_slice %arg3[%dma_wait3A_393] : memref<320000xi32, #tpu.memory_space<hbm>> -> memref<40xi32, #tpu.memory_space<hbm>>
      tpu.wait_dma2 semaphore(%arg34 : memref<!tpu.dma_semaphore, #tpu.memory_space<semaphore_mem>>) src(%dma_wait3A_394 : memref<40xi32, #tpu.memory_space<hbm>>) dst(%arg9 : memref<40xi32, #tpu.memory_space<vmem>>)
      %dma_wait3A_395 = arith.constant 0 : i32
      %dma_wait3A_396 = tpu.memref_slice %arg4[%dma_wait3A_395] : memref<320000xi32, #tpu.memory_space<hbm>> -> memref<40xi32, #tpu.memory_space<hbm>>
      %dma_wait3A_397 = arith.constant 0 : i32
      %dma_wait3A_398 = tpu.memref_slice %arg4[%dma_wait3A_397] : memref<320000xi32, #tpu.memory_space<hbm>> -> memref<40xi32, #tpu.memory_space<hbm>>
      tpu.wait_dma2 semaphore(%arg34 : memref<!tpu.dma_semaphore, #tpu.memory_space<semaphore_mem>>) src(%dma_wait3A_398 : memref<40xi32, #tpu.memory_space<hbm>>) dst(%arg17 : memref<40xi32, #tpu.memory_space<vmem>>)
      %dma_start3A_399 = arith.constant 0 : i32
      %dma_start3A_400 = arith.constant 0 : i32
      %dma_start3A_401 = tpu.memref_slice %arg2[%dma_start3A_399, %dma_start3A_400] : memref<10000x128xf32, #tpu.memory_space<hbm>> -> memref<10000x128xf32, #tpu.memory_space<hbm>>
      tpu.enqueue_indirect_dma source(%dma_start3A_401 : memref<10000x128xf32, #tpu.memory_space<hbm>>) target(%arg25 : memref<40x128xf32, #tpu.memory_space<vmem>>) offsets(%arg9 : memref<40xi32, #tpu.memory_space<vmem>>) semaphore(%arg42 : memref<!tpu.dma_semaphore, #tpu.memory_space<semaphore_mem>>)
      %dma_wait3A_402 = arith.constant 0 : i32
      %dma_wait3A_403 = tpu.memref_slice %arg3[%dma_wait3A_402] : memref<320000xi32, #tpu.memory_space<hbm>> -> memref<40xi32, #tpu.memory_space<hbm>>
      %dma_wait3A_404 = arith.constant 0 : i32
      %dma_wait3A_405 = tpu.memref_slice %arg3[%dma_wait3A_404] : memref<320000xi32, #tpu.memory_space<hbm>> -> memref<40xi32, #tpu.memory_space<hbm>>
      tpu.wait_dma2 semaphore(%arg35 : memref<!tpu.dma_semaphore, #tpu.memory_space<semaphore_mem>>) src(%dma_wait3A_405 : memref<40xi32, #tpu.memory_space<hbm>>) dst(%arg10 : memref<40xi32, #tpu.memory_space<vmem>>)
      %dma_wait3A_406 = arith.constant 0 : i32
      %dma_wait3A_407 = tpu.memref_slice %arg4[%dma_wait3A_406] : memref<320000xi32, #tpu.memory_space<hbm>> -> memref<40xi32, #tpu.memory_space<hbm>>
      %dma_wait3A_408 = arith.constant 0 : i32
      %dma_wait3A_409 = tpu.memref_slice %arg4[%dma_wait3A_408] : memref<320000xi32, #tpu.memory_space<hbm>> -> memref<40xi32, #tpu.memory_space<hbm>>
      tpu.wait_dma2 semaphore(%arg35 : memref<!tpu.dma_semaphore, #tpu.memory_space<semaphore_mem>>) src(%dma_wait3A_409 : memref<40xi32, #tpu.memory_space<hbm>>) dst(%arg18 : memref<40xi32, #tpu.memory_space<vmem>>)
      %dma_start3A_410 = arith.constant 0 : i32
      %dma_start3A_411 = arith.constant 0 : i32
      %dma_start3A_412 = tpu.memref_slice %arg2[%dma_start3A_410, %dma_start3A_411] : memref<10000x128xf32, #tpu.memory_space<hbm>> -> memref<10000x128xf32, #tpu.memory_space<hbm>>
      tpu.enqueue_indirect_dma source(%dma_start3A_412 : memref<10000x128xf32, #tpu.memory_space<hbm>>) target(%arg26 : memref<40x128xf32, #tpu.memory_space<vmem>>) offsets(%arg10 : memref<40xi32, #tpu.memory_space<vmem>>) semaphore(%arg43 : memref<!tpu.dma_semaphore, #tpu.memory_space<semaphore_mem>>)
      %dma_wait3A_413 = arith.constant 0 : i32
      %dma_wait3A_414 = tpu.memref_slice %arg3[%dma_wait3A_413] : memref<320000xi32, #tpu.memory_space<hbm>> -> memref<40xi32, #tpu.memory_space<hbm>>
      %dma_wait3A_415 = arith.constant 0 : i32
      %dma_wait3A_416 = tpu.memref_slice %arg3[%dma_wait3A_415] : memref<320000xi32, #tpu.memory_space<hbm>> -> memref<40xi32, #tpu.memory_space<hbm>>
      tpu.wait_dma2 semaphore(%arg36 : memref<!tpu.dma_semaphore, #tpu.memory_space<semaphore_mem>>) src(%dma_wait3A_416 : memref<40xi32, #tpu.memory_space<hbm>>) dst(%arg11 : memref<40xi32, #tpu.memory_space<vmem>>)
      %dma_wait3A_417 = arith.constant 0 : i32
      %dma_wait3A_418 = tpu.memref_slice %arg4[%dma_wait3A_417] : memref<320000xi32, #tpu.memory_space<hbm>> -> memref<40xi32, #tpu.memory_space<hbm>>
      %dma_wait3A_419 = arith.constant 0 : i32
      %dma_wait3A_420 = tpu.memref_slice %arg4[%dma_wait3A_419] : memref<320000xi32, #tpu.memory_space<hbm>> -> memref<40xi32, #tpu.memory_space<hbm>>
      tpu.wait_dma2 semaphore(%arg36 : memref<!tpu.dma_semaphore, #tpu.memory_space<semaphore_mem>>) src(%dma_wait3A_420 : memref<40xi32, #tpu.memory_space<hbm>>) dst(%arg19 : memref<40xi32, #tpu.memory_space<vmem>>)
      %dma_start3A_421 = arith.constant 0 : i32
      %dma_start3A_422 = arith.constant 0 : i32
      %dma_start3A_423 = tpu.memref_slice %arg2[%dma_start3A_421, %dma_start3A_422] : memref<10000x128xf32, #tpu.memory_space<hbm>> -> memref<10000x128xf32, #tpu.memory_space<hbm>>
      tpu.enqueue_indirect_dma source(%dma_start3A_423 : memref<10000x128xf32, #tpu.memory_space<hbm>>) target(%arg27 : memref<40x128xf32, #tpu.memory_space<vmem>>) offsets(%arg11 : memref<40xi32, #tpu.memory_space<vmem>>) semaphore(%arg44 : memref<!tpu.dma_semaphore, #tpu.memory_space<semaphore_mem>>)
      %dma_wait3A_424 = arith.constant 0 : i32
      %dma_wait3A_425 = tpu.memref_slice %arg3[%dma_wait3A_424] : memref<320000xi32, #tpu.memory_space<hbm>> -> memref<40xi32, #tpu.memory_space<hbm>>
      %dma_wait3A_426 = arith.constant 0 : i32
      %dma_wait3A_427 = tpu.memref_slice %arg3[%dma_wait3A_426] : memref<320000xi32, #tpu.memory_space<hbm>> -> memref<40xi32, #tpu.memory_space<hbm>>
      tpu.wait_dma2 semaphore(%arg37 : memref<!tpu.dma_semaphore, #tpu.memory_space<semaphore_mem>>) src(%dma_wait3A_427 : memref<40xi32, #tpu.memory_space<hbm>>) dst(%arg12 : memref<40xi32, #tpu.memory_space<vmem>>)
      %dma_wait3A_428 = arith.constant 0 : i32
      %dma_wait3A_429 = tpu.memref_slice %arg4[%dma_wait3A_428] : memref<320000xi32, #tpu.memory_space<hbm>> -> memref<40xi32, #tpu.memory_space<hbm>>
      %dma_wait3A_430 = arith.constant 0 : i32
      %dma_wait3A_431 = tpu.memref_slice %arg4[%dma_wait3A_430] : memref<320000xi32, #tpu.memory_space<hbm>> -> memref<40xi32, #tpu.memory_space<hbm>>
      tpu.wait_dma2 semaphore(%arg37 : memref<!tpu.dma_semaphore, #tpu.memory_space<semaphore_mem>>) src(%dma_wait3A_431 : memref<40xi32, #tpu.memory_space<hbm>>) dst(%arg20 : memref<40xi32, #tpu.memory_space<vmem>>)
      %dma_start3A_432 = arith.constant 0 : i32
      %dma_start3A_433 = arith.constant 0 : i32
      %dma_start3A_434 = tpu.memref_slice %arg2[%dma_start3A_432, %dma_start3A_433] : memref<10000x128xf32, #tpu.memory_space<hbm>> -> memref<10000x128xf32, #tpu.memory_space<hbm>>
      tpu.enqueue_indirect_dma source(%dma_start3A_434 : memref<10000x128xf32, #tpu.memory_space<hbm>>) target(%arg28 : memref<40x128xf32, #tpu.memory_space<vmem>>) offsets(%arg12 : memref<40xi32, #tpu.memory_space<vmem>>) semaphore(%arg45 : memref<!tpu.dma_semaphore, #tpu.memory_space<semaphore_mem>>)
      %dma_wait3A_435 = arith.constant 0 : i32
      %dma_wait3A_436 = tpu.memref_slice %arg3[%dma_wait3A_435] : memref<320000xi32, #tpu.memory_space<hbm>> -> memref<40xi32, #tpu.memory_space<hbm>>
      %dma_wait3A_437 = arith.constant 0 : i32
      %dma_wait3A_438 = tpu.memref_slice %arg3[%dma_wait3A_437] : memref<320000xi32, #tpu.memory_space<hbm>> -> memref<40xi32, #tpu.memory_space<hbm>>
      tpu.wait_dma2 semaphore(%arg38 : memref<!tpu.dma_semaphore, #tpu.memory_space<semaphore_mem>>) src(%dma_wait3A_438 : memref<40xi32, #tpu.memory_space<hbm>>) dst(%arg13 : memref<40xi32, #tpu.memory_space<vmem>>)
      %dma_wait3A_439 = arith.constant 0 : i32
      %dma_wait3A_440 = tpu.memref_slice %arg4[%dma_wait3A_439] : memref<320000xi32, #tpu.memory_space<hbm>> -> memref<40xi32, #tpu.memory_space<hbm>>
      %dma_wait3A_441 = arith.constant 0 : i32
      %dma_wait3A_442 = tpu.memref_slice %arg4[%dma_wait3A_441] : memref<320000xi32, #tpu.memory_space<hbm>> -> memref<40xi32, #tpu.memory_space<hbm>>
      tpu.wait_dma2 semaphore(%arg38 : memref<!tpu.dma_semaphore, #tpu.memory_space<semaphore_mem>>) src(%dma_wait3A_442 : memref<40xi32, #tpu.memory_space<hbm>>) dst(%arg21 : memref<40xi32, #tpu.memory_space<vmem>>)
      %dma_start3A_443 = arith.constant 0 : i32
      %dma_start3A_444 = arith.constant 0 : i32
      %dma_start3A_445 = tpu.memref_slice %arg2[%dma_start3A_443, %dma_start3A_444] : memref<10000x128xf32, #tpu.memory_space<hbm>> -> memref<10000x128xf32, #tpu.memory_space<hbm>>
      tpu.enqueue_indirect_dma source(%dma_start3A_445 : memref<10000x128xf32, #tpu.memory_space<hbm>>) target(%arg29 : memref<40x128xf32, #tpu.memory_space<vmem>>) offsets(%arg13 : memref<40xi32, #tpu.memory_space<vmem>>) semaphore(%arg46 : memref<!tpu.dma_semaphore, #tpu.memory_space<semaphore_mem>>)
      %dma_wait3A_446 = arith.constant 0 : i32
      %dma_wait3A_447 = tpu.memref_slice %arg3[%dma_wait3A_446] : memref<320000xi32, #tpu.memory_space<hbm>> -> memref<40xi32, #tpu.memory_space<hbm>>
      %dma_wait3A_448 = arith.constant 0 : i32
      %dma_wait3A_449 = tpu.memref_slice %arg3[%dma_wait3A_448] : memref<320000xi32, #tpu.memory_space<hbm>> -> memref<40xi32, #tpu.memory_space<hbm>>
      tpu.wait_dma2 semaphore(%arg39 : memref<!tpu.dma_semaphore, #tpu.memory_space<semaphore_mem>>) src(%dma_wait3A_449 : memref<40xi32, #tpu.memory_space<hbm>>) dst(%arg14 : memref<40xi32, #tpu.memory_space<vmem>>)
      %dma_wait3A_450 = arith.constant 0 : i32
      %dma_wait3A_451 = tpu.memref_slice %arg4[%dma_wait3A_450] : memref<320000xi32, #tpu.memory_space<hbm>> -> memref<40xi32, #tpu.memory_space<hbm>>
      %dma_wait3A_452 = arith.constant 0 : i32
      %dma_wait3A_453 = tpu.memref_slice %arg4[%dma_wait3A_452] : memref<320000xi32, #tpu.memory_space<hbm>> -> memref<40xi32, #tpu.memory_space<hbm>>
      tpu.wait_dma2 semaphore(%arg39 : memref<!tpu.dma_semaphore, #tpu.memory_space<semaphore_mem>>) src(%dma_wait3A_453 : memref<40xi32, #tpu.memory_space<hbm>>) dst(%arg22 : memref<40xi32, #tpu.memory_space<vmem>>)
      %dma_start3A_454 = arith.constant 0 : i32
      %dma_start3A_455 = arith.constant 0 : i32
      %dma_start3A_456 = tpu.memref_slice %arg2[%dma_start3A_454, %dma_start3A_455] : memref<10000x128xf32, #tpu.memory_space<hbm>> -> memref<10000x128xf32, #tpu.memory_space<hbm>>
      tpu.enqueue_indirect_dma source(%dma_start3A_456 : memref<10000x128xf32, #tpu.memory_space<hbm>>) target(%arg30 : memref<40x128xf32, #tpu.memory_space<vmem>>) offsets(%arg14 : memref<40xi32, #tpu.memory_space<vmem>>) semaphore(%arg47 : memref<!tpu.dma_semaphore, #tpu.memory_space<semaphore_mem>>)
      %dma_wait3A_457 = arith.constant 0 : i32
      %dma_wait3A_458 = tpu.memref_slice %arg3[%dma_wait3A_457] : memref<320000xi32, #tpu.memory_space<hbm>> -> memref<40xi32, #tpu.memory_space<hbm>>
      %dma_wait3A_459 = arith.constant 0 : i32
      %dma_wait3A_460 = tpu.memref_slice %arg3[%dma_wait3A_459] : memref<320000xi32, #tpu.memory_space<hbm>> -> memref<40xi32, #tpu.memory_space<hbm>>
      tpu.wait_dma2 semaphore(%arg40 : memref<!tpu.dma_semaphore, #tpu.memory_space<semaphore_mem>>) src(%dma_wait3A_460 : memref<40xi32, #tpu.memory_space<hbm>>) dst(%arg15 : memref<40xi32, #tpu.memory_space<vmem>>)
      %dma_wait3A_461 = arith.constant 0 : i32
      %dma_wait3A_462 = tpu.memref_slice %arg4[%dma_wait3A_461] : memref<320000xi32, #tpu.memory_space<hbm>> -> memref<40xi32, #tpu.memory_space<hbm>>
      %dma_wait3A_463 = arith.constant 0 : i32
      %dma_wait3A_464 = tpu.memref_slice %arg4[%dma_wait3A_463] : memref<320000xi32, #tpu.memory_space<hbm>> -> memref<40xi32, #tpu.memory_space<hbm>>
      tpu.wait_dma2 semaphore(%arg40 : memref<!tpu.dma_semaphore, #tpu.memory_space<semaphore_mem>>) src(%dma_wait3A_464 : memref<40xi32, #tpu.memory_space<hbm>>) dst(%arg23 : memref<40xi32, #tpu.memory_space<vmem>>)
      %dma_start3A_465 = arith.constant 0 : i32
      %dma_start3A_466 = arith.constant 0 : i32
      %dma_start3A_467 = tpu.memref_slice %arg2[%dma_start3A_465, %dma_start3A_466] : memref<10000x128xf32, #tpu.memory_space<hbm>> -> memref<10000x128xf32, #tpu.memory_space<hbm>>
      tpu.enqueue_indirect_dma source(%dma_start3A_467 : memref<10000x128xf32, #tpu.memory_space<hbm>>) target(%arg31 : memref<40x128xf32, #tpu.memory_space<vmem>>) offsets(%arg15 : memref<40xi32, #tpu.memory_space<vmem>>) semaphore(%arg48 : memref<!tpu.dma_semaphore, #tpu.memory_space<semaphore_mem>>)
      %dma_wait3A_468 = arith.constant 0 : i32
      %dma_wait3A_469 = arith.constant 0 : i32
      %dma_wait3A_470 = tpu.memref_slice %arg2[%dma_wait3A_468, %dma_wait3A_469] : memref<10000x128xf32, #tpu.memory_space<hbm>> -> memref<10000x128xf32, #tpu.memory_space<hbm>>
      tpu.wait_indirect_dma semaphore(%arg41 : memref<!tpu.dma_semaphore, #tpu.memory_space<semaphore_mem>>) src(%dma_wait3A_470 : memref<10000x128xf32, #tpu.memory_space<hbm>>) dst(%arg24 : memref<40x128xf32, #tpu.memory_space<vmem>>)
      %dma_start3A_471 = arith.constant 0 : i32
      %dma_start3A_472 = arith.constant 0 : i32
      %dma_start3A_473 = tpu.memref_slice %arg32[%dma_start3A_471, %dma_start3A_472] : memref<10000x128xf32, #tpu.memory_space<vmem_shared>> -> memref<10000x128xf32, #tpu.memory_space<vmem_shared>>
      tpu.enqueue_indirect_dma source(%arg24 : memref<40x128xf32, #tpu.memory_space<vmem>>) target(%dma_start3A_473 : memref<10000x128xf32, #tpu.memory_space<vmem_shared>>) offsets(%arg16 : memref<40xi32, #tpu.memory_space<vmem>>) semaphore(%arg49 : memref<!tpu.dma_semaphore, #tpu.memory_space<semaphore_mem>>) {add = true}
      %dma_wait3A_474 = arith.constant 0 : i32
      %dma_wait3A_475 = arith.constant 0 : i32
      %dma_wait3A_476 = tpu.memref_slice %arg2[%dma_wait3A_474, %dma_wait3A_475] : memref<10000x128xf32, #tpu.memory_space<hbm>> -> memref<10000x128xf32, #tpu.memory_space<hbm>>
      tpu.wait_indirect_dma semaphore(%arg42 : memref<!tpu.dma_semaphore, #tpu.memory_space<semaphore_mem>>) src(%dma_wait3A_476 : memref<10000x128xf32, #tpu.memory_space<hbm>>) dst(%arg25 : memref<40x128xf32, #tpu.memory_space<vmem>>)
      %dma_start3A_477 = arith.constant 0 : i32
      %dma_start3A_478 = arith.constant 0 : i32
      %dma_start3A_479 = tpu.memref_slice %arg32[%dma_start3A_477, %dma_start3A_478] : memref<10000x128xf32, #tpu.memory_space<vmem_shared>> -> memref<10000x128xf32, #tpu.memory_space<vmem_shared>>
      tpu.enqueue_indirect_dma source(%arg25 : memref<40x128xf32, #tpu.memory_space<vmem>>) target(%dma_start3A_479 : memref<10000x128xf32, #tpu.memory_space<vmem_shared>>) offsets(%arg17 : memref<40xi32, #tpu.memory_space<vmem>>) semaphore(%arg50 : memref<!tpu.dma_semaphore, #tpu.memory_space<semaphore_mem>>) {add = true}
      %dma_wait3A_480 = arith.constant 0 : i32
      %dma_wait3A_481 = arith.constant 0 : i32
      %dma_wait3A_482 = tpu.memref_slice %arg2[%dma_wait3A_480, %dma_wait3A_481] : memref<10000x128xf32, #tpu.memory_space<hbm>> -> memref<10000x128xf32, #tpu.memory_space<hbm>>
      tpu.wait_indirect_dma semaphore(%arg43 : memref<!tpu.dma_semaphore, #tpu.memory_space<semaphore_mem>>) src(%dma_wait3A_482 : memref<10000x128xf32, #tpu.memory_space<hbm>>) dst(%arg26 : memref<40x128xf32, #tpu.memory_space<vmem>>)
      %dma_start3A_483 = arith.constant 0 : i32
      %dma_start3A_484 = arith.constant 0 : i32
      %dma_start3A_485 = tpu.memref_slice %arg32[%dma_start3A_483, %dma_start3A_484] : memref<10000x128xf32, #tpu.memory_space<vmem_shared>> -> memref<10000x128xf32, #tpu.memory_space<vmem_shared>>
      tpu.enqueue_indirect_dma source(%arg26 : memref<40x128xf32, #tpu.memory_space<vmem>>) target(%dma_start3A_485 : memref<10000x128xf32, #tpu.memory_space<vmem_shared>>) offsets(%arg18 : memref<40xi32, #tpu.memory_space<vmem>>) semaphore(%arg51 : memref<!tpu.dma_semaphore, #tpu.memory_space<semaphore_mem>>) {add = true}
      %dma_wait3A_486 = arith.constant 0 : i32
      %dma_wait3A_487 = arith.constant 0 : i32
      %dma_wait3A_488 = tpu.memref_slice %arg2[%dma_wait3A_486, %dma_wait3A_487] : memref<10000x128xf32, #tpu.memory_space<hbm>> -> memref<10000x128xf32, #tpu.memory_space<hbm>>
      tpu.wait_indirect_dma semaphore(%arg44 : memref<!tpu.dma_semaphore, #tpu.memory_space<semaphore_mem>>) src(%dma_wait3A_488 : memref<10000x128xf32, #tpu.memory_space<hbm>>) dst(%arg27 : memref<40x128xf32, #tpu.memory_space<vmem>>)
      %dma_start3A_489 = arith.constant 0 : i32
      %dma_start3A_490 = arith.constant 0 : i32
      %dma_start3A_491 = tpu.memref_slice %arg32[%dma_start3A_489, %dma_start3A_490] : memref<10000x128xf32, #tpu.memory_space<vmem_shared>> -> memref<10000x128xf32, #tpu.memory_space<vmem_shared>>
      tpu.enqueue_indirect_dma source(%arg27 : memref<40x128xf32, #tpu.memory_space<vmem>>) target(%dma_start3A_491 : memref<10000x128xf32, #tpu.memory_space<vmem_shared>>) offsets(%arg19 : memref<40xi32, #tpu.memory_space<vmem>>) semaphore(%arg52 : memref<!tpu.dma_semaphore, #tpu.memory_space<semaphore_mem>>) {add = true}
      %dma_wait3A_492 = arith.constant 0 : i32
      %dma_wait3A_493 = arith.constant 0 : i32
      %dma_wait3A_494 = tpu.memref_slice %arg2[%dma_wait3A_492, %dma_wait3A_493] : memref<10000x128xf32, #tpu.memory_space<hbm>> -> memref<10000x128xf32, #tpu.memory_space<hbm>>
      tpu.wait_indirect_dma semaphore(%arg45 : memref<!tpu.dma_semaphore, #tpu.memory_space<semaphore_mem>>) src(%dma_wait3A_494 : memref<10000x128xf32, #tpu.memory_space<hbm>>) dst(%arg28 : memref<40x128xf32, #tpu.memory_space<vmem>>)
      %dma_start3A_495 = arith.constant 0 : i32
      %dma_start3A_496 = arith.constant 0 : i32
      %dma_start3A_497 = tpu.memref_slice %arg32[%dma_start3A_495, %dma_start3A_496] : memref<10000x128xf32, #tpu.memory_space<vmem_shared>> -> memref<10000x128xf32, #tpu.memory_space<vmem_shared>>
      tpu.enqueue_indirect_dma source(%arg28 : memref<40x128xf32, #tpu.memory_space<vmem>>) target(%dma_start3A_497 : memref<10000x128xf32, #tpu.memory_space<vmem_shared>>) offsets(%arg20 : memref<40xi32, #tpu.memory_space<vmem>>) semaphore(%arg53 : memref<!tpu.dma_semaphore, #tpu.memory_space<semaphore_mem>>) {add = true}
      %dma_wait3A_498 = arith.constant 0 : i32
      %dma_wait3A_499 = arith.constant 0 : i32
      %dma_wait3A_500 = tpu.memref_slice %arg2[%dma_wait3A_498, %dma_wait3A_499] : memref<10000x128xf32, #tpu.memory_space<hbm>> -> memref<10000x128xf32, #tpu.memory_space<hbm>>
      tpu.wait_indirect_dma semaphore(%arg46 : memref<!tpu.dma_semaphore, #tpu.memory_space<semaphore_mem>>) src(%dma_wait3A_500 : memref<10000x128xf32, #tpu.memory_space<hbm>>) dst(%arg29 : memref<40x128xf32, #tpu.memory_space<vmem>>)
      %dma_start3A_501 = arith.constant 0 : i32
      %dma_start3A_502 = arith.constant 0 : i32
      %dma_start3A_503 = tpu.memref_slice %arg32[%dma_start3A_501, %dma_start3A_502] : memref<10000x128xf32, #tpu.memory_space<vmem_shared>> -> memref<10000x128xf32, #tpu.memory_space<vmem_shared>>
      tpu.enqueue_indirect_dma source(%arg29 : memref<40x128xf32, #tpu.memory_space<vmem>>) target(%dma_start3A_503 : memref<10000x128xf32, #tpu.memory_space<vmem_shared>>) offsets(%arg21 : memref<40xi32, #tpu.memory_space<vmem>>) semaphore(%arg54 : memref<!tpu.dma_semaphore, #tpu.memory_space<semaphore_mem>>) {add = true}
      %dma_wait3A_504 = arith.constant 0 : i32
      %dma_wait3A_505 = arith.constant 0 : i32
      %dma_wait3A_506 = tpu.memref_slice %arg2[%dma_wait3A_504, %dma_wait3A_505] : memref<10000x128xf32, #tpu.memory_space<hbm>> -> memref<10000x128xf32, #tpu.memory_space<hbm>>
      tpu.wait_indirect_dma semaphore(%arg47 : memref<!tpu.dma_semaphore, #tpu.memory_space<semaphore_mem>>) src(%dma_wait3A_506 : memref<10000x128xf32, #tpu.memory_space<hbm>>) dst(%arg30 : memref<40x128xf32, #tpu.memory_space<vmem>>)
      %dma_start3A_507 = arith.constant 0 : i32
      %dma_start3A_508 = arith.constant 0 : i32
      %dma_start3A_509 = tpu.memref_slice %arg32[%dma_start3A_507, %dma_start3A_508] : memref<10000x128xf32, #tpu.memory_space<vmem_shared>> -> memref<10000x128xf32, #tpu.memory_space<vmem_shared>>
      tpu.enqueue_indirect_dma source(%arg30 : memref<40x128xf32, #tpu.memory_space<vmem>>) target(%dma_start3A_509 : memref<10000x128xf32, #tpu.memory_space<vmem_shared>>) offsets(%arg22 : memref<40xi32, #tpu.memory_space<vmem>>) semaphore(%arg55 : memref<!tpu.dma_semaphore, #tpu.memory_space<semaphore_mem>>) {add = true}
      %dma_wait3A_510 = arith.constant 0 : i32
      %dma_wait3A_511 = arith.constant 0 : i32
      %dma_wait3A_512 = tpu.memref_slice %arg2[%dma_wait3A_510, %dma_wait3A_511] : memref<10000x128xf32, #tpu.memory_space<hbm>> -> memref<10000x128xf32, #tpu.memory_space<hbm>>
      tpu.wait_indirect_dma semaphore(%arg48 : memref<!tpu.dma_semaphore, #tpu.memory_space<semaphore_mem>>) src(%dma_wait3A_512 : memref<10000x128xf32, #tpu.memory_space<hbm>>) dst(%arg31 : memref<40x128xf32, #tpu.memory_space<vmem>>)
      %dma_start3A_513 = arith.constant 0 : i32
      %dma_start3A_514 = arith.constant 0 : i32
      %dma_start3A_515 = tpu.memref_slice %arg32[%dma_start3A_513, %dma_start3A_514] : memref<10000x128xf32, #tpu.memory_space<vmem_shared>> -> memref<10000x128xf32, #tpu.memory_space<vmem_shared>>
      tpu.enqueue_indirect_dma source(%arg31 : memref<40x128xf32, #tpu.memory_space<vmem>>) target(%dma_start3A_515 : memref<10000x128xf32, #tpu.memory_space<vmem_shared>>) offsets(%arg23 : memref<40xi32, #tpu.memory_space<vmem>>) semaphore(%arg56 : memref<!tpu.dma_semaphore, #tpu.memory_space<semaphore_mem>>) {add = true}
    }
    %scan3A_191 = arith.constant 30 : i32
    %dma_wait3A_192 = arith.constant 0 : i32
    %dma_wait3A_193 = arith.constant 0 : i32
    %dma_wait3A_194 = tpu.memref_slice %arg32[%dma_wait3A_192, %dma_wait3A_193] : memref<10000x128xf32, #tpu.memory_space<vmem_shared>> -> memref<10000x128xf32, #tpu.memory_space<vmem_shared>>
    tpu.wait_indirect_dma semaphore(%arg49 : memref<!tpu.dma_semaphore, #tpu.memory_space<semaphore_mem>>) src(%arg24 : memref<40x128xf32, #tpu.memory_space<vmem>>) dst(%dma_wait3A_194 : memref<10000x128xf32, #tpu.memory_space<vmem_shared>>)
    %add3A_195 = arith.constant 9920 : i32
    %add3A_196 = arith.addi %mul3A_2, %add3A_195 : i32
    %dma_start3A_197 = tpu.memref_slice %arg3[%add3A_196] : memref<320000xi32, #tpu.memory_space<hbm>> -> memref<40xi32, #tpu.memory_space<hbm>>
    %dma_start3A_198 = tpu.memref_slice %arg3[%add3A_196] : memref<320000xi32, #tpu.memory_space<hbm>> -> memref<40xi32, #tpu.memory_space<hbm>>
    tpu.enqueue_dma source(%dma_start3A_198 : memref<40xi32, #tpu.memory_space<hbm>>) target(%arg8 : memref<40xi32, #tpu.memory_space<vmem>>) target_semaphore(%arg33 : memref<!tpu.dma_semaphore, #tpu.memory_space<semaphore_mem>>)
    %dma_start3A_199 = tpu.memref_slice %arg4[%add3A_196] : memref<320000xi32, #tpu.memory_space<hbm>> -> memref<40xi32, #tpu.memory_space<hbm>>
    %dma_start3A_200 = tpu.memref_slice %arg4[%add3A_196] : memref<320000xi32, #tpu.memory_space<hbm>> -> memref<40xi32, #tpu.memory_space<hbm>>
    tpu.enqueue_dma source(%dma_start3A_200 : memref<40xi32, #tpu.memory_space<hbm>>) target(%arg16 : memref<40xi32, #tpu.memory_space<vmem>>) target_semaphore(%arg33 : memref<!tpu.dma_semaphore, #tpu.memory_space<semaphore_mem>>)
    %dma_wait3A_201 = arith.constant 0 : i32
    %dma_wait3A_202 = tpu.memref_slice %arg3[%dma_wait3A_201] : memref<320000xi32, #tpu.memory_space<hbm>> -> memref<40xi32, #tpu.memory_space<hbm>>
    %dma_wait3A_203 = arith.constant 0 : i32
    %dma_wait3A_204 = tpu.memref_slice %arg3[%dma_wait3A_203] : memref<320000xi32, #tpu.memory_space<hbm>> -> memref<40xi32, #tpu.memory_space<hbm>>
    tpu.wait_dma2 semaphore(%arg33 : memref<!tpu.dma_semaphore, #tpu.memory_space<semaphore_mem>>) src(%dma_wait3A_204 : memref<40xi32, #tpu.memory_space<hbm>>) dst(%arg8 : memref<40xi32, #tpu.memory_space<vmem>>)
    %dma_wait3A_205 = arith.constant 0 : i32
    %dma_wait3A_206 = tpu.memref_slice %arg4[%dma_wait3A_205] : memref<320000xi32, #tpu.memory_space<hbm>> -> memref<40xi32, #tpu.memory_space<hbm>>
    %dma_wait3A_207 = arith.constant 0 : i32
    %dma_wait3A_208 = tpu.memref_slice %arg4[%dma_wait3A_207] : memref<320000xi32, #tpu.memory_space<hbm>> -> memref<40xi32, #tpu.memory_space<hbm>>
    tpu.wait_dma2 semaphore(%arg33 : memref<!tpu.dma_semaphore, #tpu.memory_space<semaphore_mem>>) src(%dma_wait3A_208 : memref<40xi32, #tpu.memory_space<hbm>>) dst(%arg16 : memref<40xi32, #tpu.memory_space<vmem>>)
    %dma_start3A_209 = arith.constant 0 : i32
    %dma_start3A_210 = arith.constant 0 : i32
    %dma_start3A_211 = tpu.memref_slice %arg2[%dma_start3A_209, %dma_start3A_210] : memref<10000x128xf32, #tpu.memory_space<hbm>> -> memref<10000x128xf32, #tpu.memory_space<hbm>>
    tpu.enqueue_indirect_dma source(%dma_start3A_211 : memref<10000x128xf32, #tpu.memory_space<hbm>>) target(%arg24 : memref<40x128xf32, #tpu.memory_space<vmem>>) offsets(%arg8 : memref<40xi32, #tpu.memory_space<vmem>>) semaphore(%arg41 : memref<!tpu.dma_semaphore, #tpu.memory_space<semaphore_mem>>)
    %dma_wait3A_212 = arith.constant 0 : i32
    %dma_wait3A_213 = arith.constant 0 : i32
    %dma_wait3A_214 = tpu.memref_slice %arg2[%dma_wait3A_212, %dma_wait3A_213] : memref<10000x128xf32, #tpu.memory_space<hbm>> -> memref<10000x128xf32, #tpu.memory_space<hbm>>
    tpu.wait_indirect_dma semaphore(%arg41 : memref<!tpu.dma_semaphore, #tpu.memory_space<semaphore_mem>>) src(%dma_wait3A_214 : memref<10000x128xf32, #tpu.memory_space<hbm>>) dst(%arg24 : memref<40x128xf32, #tpu.memory_space<vmem>>)
    %dma_start3A_215 = arith.constant 0 : i32
    %dma_start3A_216 = arith.constant 0 : i32
    %dma_start3A_217 = tpu.memref_slice %arg32[%dma_start3A_215, %dma_start3A_216] : memref<10000x128xf32, #tpu.memory_space<vmem_shared>> -> memref<10000x128xf32, #tpu.memory_space<vmem_shared>>
    tpu.enqueue_indirect_dma source(%arg24 : memref<40x128xf32, #tpu.memory_space<vmem>>) target(%dma_start3A_217 : memref<10000x128xf32, #tpu.memory_space<vmem_shared>>) offsets(%arg16 : memref<40xi32, #tpu.memory_space<vmem>>) semaphore(%arg49 : memref<!tpu.dma_semaphore, #tpu.memory_space<semaphore_mem>>) {add = true}
    %dma_wait3A_218 = arith.constant 0 : i32
    %dma_wait3A_219 = arith.constant 0 : i32
    %dma_wait3A_220 = tpu.memref_slice %arg32[%dma_wait3A_218, %dma_wait3A_219] : memref<10000x128xf32, #tpu.memory_space<vmem_shared>> -> memref<10000x128xf32, #tpu.memory_space<vmem_shared>>
    tpu.wait_indirect_dma semaphore(%arg50 : memref<!tpu.dma_semaphore, #tpu.memory_space<semaphore_mem>>) src(%arg25 : memref<40x128xf32, #tpu.memory_space<vmem>>) dst(%dma_wait3A_220 : memref<10000x128xf32, #tpu.memory_space<vmem_shared>>)
    %add3A_221 = arith.constant 9960 : i32
    %add3A_222 = arith.addi %mul3A_2, %add3A_221 : i32
    %dma_start3A_223 = tpu.memref_slice %arg3[%add3A_222] : memref<320000xi32, #tpu.memory_space<hbm>> -> memref<40xi32, #tpu.memory_space<hbm>>
    %dma_start3A_224 = tpu.memref_slice %arg3[%add3A_222] : memref<320000xi32, #tpu.memory_space<hbm>> -> memref<40xi32, #tpu.memory_space<hbm>>
    tpu.enqueue_dma source(%dma_start3A_224 : memref<40xi32, #tpu.memory_space<hbm>>) target(%arg9 : memref<40xi32, #tpu.memory_space<vmem>>) target_semaphore(%arg34 : memref<!tpu.dma_semaphore, #tpu.memory_space<semaphore_mem>>)
    %dma_start3A_225 = tpu.memref_slice %arg4[%add3A_222] : memref<320000xi32, #tpu.memory_space<hbm>> -> memref<40xi32, #tpu.memory_space<hbm>>
    %dma_start3A_226 = tpu.memref_slice %arg4[%add3A_222] : memref<320000xi32, #tpu.memory_space<hbm>> -> memref<40xi32, #tpu.memory_space<hbm>>
    tpu.enqueue_dma source(%dma_start3A_226 : memref<40xi32, #tpu.memory_space<hbm>>) target(%arg17 : memref<40xi32, #tpu.memory_space<vmem>>) target_semaphore(%arg34 : memref<!tpu.dma_semaphore, #tpu.memory_space<semaphore_mem>>)
    %dma_wait3A_227 = arith.constant 0 : i32
    %dma_wait3A_228 = tpu.memref_slice %arg3[%dma_wait3A_227] : memref<320000xi32, #tpu.memory_space<hbm>> -> memref<40xi32, #tpu.memory_space<hbm>>
    %dma_wait3A_229 = arith.constant 0 : i32
    %dma_wait3A_230 = tpu.memref_slice %arg3[%dma_wait3A_229] : memref<320000xi32, #tpu.memory_space<hbm>> -> memref<40xi32, #tpu.memory_space<hbm>>
    tpu.wait_dma2 semaphore(%arg34 : memref<!tpu.dma_semaphore, #tpu.memory_space<semaphore_mem>>) src(%dma_wait3A_230 : memref<40xi32, #tpu.memory_space<hbm>>) dst(%arg9 : memref<40xi32, #tpu.memory_space<vmem>>)
    %dma_wait3A_231 = arith.constant 0 : i32
    %dma_wait3A_232 = tpu.memref_slice %arg4[%dma_wait3A_231] : memref<320000xi32, #tpu.memory_space<hbm>> -> memref<40xi32, #tpu.memory_space<hbm>>
    %dma_wait3A_233 = arith.constant 0 : i32
    %dma_wait3A_234 = tpu.memref_slice %arg4[%dma_wait3A_233] : memref<320000xi32, #tpu.memory_space<hbm>> -> memref<40xi32, #tpu.memory_space<hbm>>
    tpu.wait_dma2 semaphore(%arg34 : memref<!tpu.dma_semaphore, #tpu.memory_space<semaphore_mem>>) src(%dma_wait3A_234 : memref<40xi32, #tpu.memory_space<hbm>>) dst(%arg17 : memref<40xi32, #tpu.memory_space<vmem>>)
    %dma_start3A_235 = arith.constant 0 : i32
    %dma_start3A_236 = arith.constant 0 : i32
    %dma_start3A_237 = tpu.memref_slice %arg2[%dma_start3A_235, %dma_start3A_236] : memref<10000x128xf32, #tpu.memory_space<hbm>> -> memref<10000x128xf32, #tpu.memory_space<hbm>>
    tpu.enqueue_indirect_dma source(%dma_start3A_237 : memref<10000x128xf32, #tpu.memory_space<hbm>>) target(%arg25 : memref<40x128xf32, #tpu.memory_space<vmem>>) offsets(%arg9 : memref<40xi32, #tpu.memory_space<vmem>>) semaphore(%arg42 : memref<!tpu.dma_semaphore, #tpu.memory_space<semaphore_mem>>)
    %dma_wait3A_238 = arith.constant 0 : i32
    %dma_wait3A_239 = arith.constant 0 : i32
    %dma_wait3A_240 = tpu.memref_slice %arg2[%dma_wait3A_238, %dma_wait3A_239] : memref<10000x128xf32, #tpu.memory_space<hbm>> -> memref<10000x128xf32, #tpu.memory_space<hbm>>
    tpu.wait_indirect_dma semaphore(%arg42 : memref<!tpu.dma_semaphore, #tpu.memory_space<semaphore_mem>>) src(%dma_wait3A_240 : memref<10000x128xf32, #tpu.memory_space<hbm>>) dst(%arg25 : memref<40x128xf32, #tpu.memory_space<vmem>>)
    %dma_start3A_241 = arith.constant 0 : i32
    %dma_start3A_242 = arith.constant 0 : i32
    %dma_start3A_243 = tpu.memref_slice %arg32[%dma_start3A_241, %dma_start3A_242] : memref<10000x128xf32, #tpu.memory_space<vmem_shared>> -> memref<10000x128xf32, #tpu.memory_space<vmem_shared>>
    tpu.enqueue_indirect_dma source(%arg25 : memref<40x128xf32, #tpu.memory_space<vmem>>) target(%dma_start3A_243 : memref<10000x128xf32, #tpu.memory_space<vmem_shared>>) offsets(%arg17 : memref<40xi32, #tpu.memory_space<vmem>>) semaphore(%arg50 : memref<!tpu.dma_semaphore, #tpu.memory_space<semaphore_mem>>) {add = true}
    %dma_wait3A_244 = arith.constant 0 : i32
    %dma_wait3A_245 = arith.constant 0 : i32
    %dma_wait3A_246 = tpu.memref_slice %arg32[%dma_wait3A_244, %dma_wait3A_245] : memref<10000x128xf32, #tpu.memory_space<vmem_shared>> -> memref<10000x128xf32, #tpu.memory_space<vmem_shared>>
    tpu.wait_indirect_dma semaphore(%arg49 : memref<!tpu.dma_semaphore, #tpu.memory_space<semaphore_mem>>) src(%arg24 : memref<40x128xf32, #tpu.memory_space<vmem>>) dst(%dma_wait3A_246 : memref<10000x128xf32, #tpu.memory_space<vmem_shared>>)
    %dma_wait3A_247 = arith.constant 0 : i32
    %dma_wait3A_248 = arith.constant 0 : i32
    %dma_wait3A_249 = tpu.memref_slice %arg32[%dma_wait3A_247, %dma_wait3A_248] : memref<10000x128xf32, #tpu.memory_space<vmem_shared>> -> memref<10000x128xf32, #tpu.memory_space<vmem_shared>>
    tpu.wait_indirect_dma semaphore(%arg50 : memref<!tpu.dma_semaphore, #tpu.memory_space<semaphore_mem>>) src(%arg25 : memref<40x128xf32, #tpu.memory_space<vmem>>) dst(%dma_wait3A_249 : memref<10000x128xf32, #tpu.memory_space<vmem_shared>>)
    %dma_wait3A_250 = arith.constant 0 : i32
    %dma_wait3A_251 = arith.constant 0 : i32
    %dma_wait3A_252 = tpu.memref_slice %arg32[%dma_wait3A_250, %dma_wait3A_251] : memref<10000x128xf32, #tpu.memory_space<vmem_shared>> -> memref<10000x128xf32, #tpu.memory_space<vmem_shared>>
    tpu.wait_indirect_dma semaphore(%arg51 : memref<!tpu.dma_semaphore, #tpu.memory_space<semaphore_mem>>) src(%arg26 : memref<40x128xf32, #tpu.memory_space<vmem>>) dst(%dma_wait3A_252 : memref<10000x128xf32, #tpu.memory_space<vmem_shared>>)
    %dma_wait3A_253 = arith.constant 0 : i32
    %dma_wait3A_254 = arith.constant 0 : i32
    %dma_wait3A_255 = tpu.memref_slice %arg32[%dma_wait3A_253, %dma_wait3A_254] : memref<10000x128xf32, #tpu.memory_space<vmem_shared>> -> memref<10000x128xf32, #tpu.memory_space<vmem_shared>>
    tpu.wait_indirect_dma semaphore(%arg52 : memref<!tpu.dma_semaphore, #tpu.memory_space<semaphore_mem>>) src(%arg27 : memref<40x128xf32, #tpu.memory_space<vmem>>) dst(%dma_wait3A_255 : memref<10000x128xf32, #tpu.memory_space<vmem_shared>>)
    %dma_wait3A_256 = arith.constant 0 : i32
    %dma_wait3A_257 = arith.constant 0 : i32
    %dma_wait3A_258 = tpu.memref_slice %arg32[%dma_wait3A_256, %dma_wait3A_257] : memref<10000x128xf32, #tpu.memory_space<vmem_shared>> -> memref<10000x128xf32, #tpu.memory_space<vmem_shared>>
    tpu.wait_indirect_dma semaphore(%arg53 : memref<!tpu.dma_semaphore, #tpu.memory_space<semaphore_mem>>) src(%arg28 : memref<40x128xf32, #tpu.memory_space<vmem>>) dst(%dma_wait3A_258 : memref<10000x128xf32, #tpu.memory_space<vmem_shared>>)
    %dma_wait3A_259 = arith.constant 0 : i32
    %dma_wait3A_260 = arith.constant 0 : i32
    %dma_wait3A_261 = tpu.memref_slice %arg32[%dma_wait3A_259, %dma_wait3A_260] : memref<10000x128xf32, #tpu.memory_space<vmem_shared>> -> memref<10000x128xf32, #tpu.memory_space<vmem_shared>>
    tpu.wait_indirect_dma semaphore(%arg54 : memref<!tpu.dma_semaphore, #tpu.memory_space<semaphore_mem>>) src(%arg29 : memref<40x128xf32, #tpu.memory_space<vmem>>) dst(%dma_wait3A_261 : memref<10000x128xf32, #tpu.memory_space<vmem_shared>>)
    %dma_wait3A_262 = arith.constant 0 : i32
    %dma_wait3A_263 = arith.constant 0 : i32
    %dma_wait3A_264 = tpu.memref_slice %arg32[%dma_wait3A_262, %dma_wait3A_263] : memref<10000x128xf32, #tpu.memory_space<vmem_shared>> -> memref<10000x128xf32, #tpu.memory_space<vmem_shared>>
    tpu.wait_indirect_dma semaphore(%arg55 : memref<!tpu.dma_semaphore, #tpu.memory_space<semaphore_mem>>) src(%arg30 : memref<40x128xf32, #tpu.memory_space<vmem>>) dst(%dma_wait3A_264 : memref<10000x128xf32, #tpu.memory_space<vmem_shared>>)
    %dma_wait3A_265 = arith.constant 0 : i32
    %dma_wait3A_266 = arith.constant 0 : i32
    %dma_wait3A_267 = tpu.memref_slice %arg32[%dma_wait3A_265, %dma_wait3A_266] : memref<10000x128xf32, #tpu.memory_space<vmem_shared>> -> memref<10000x128xf32, #tpu.memory_space<vmem_shared>>
    tpu.wait_indirect_dma semaphore(%arg56 : memref<!tpu.dma_semaphore, #tpu.memory_space<semaphore_mem>>) src(%arg31 : memref<40x128xf32, #tpu.memory_space<vmem>>) dst(%dma_wait3A_267 : memref<10000x128xf32, #tpu.memory_space<vmem_shared>>)
    %barrier3A_268 = arith.constant 0 : index
    tpu.barrier barrier_id(%barrier3A_268)
    %mul3A_269 = arith.constant 624 : i32
    %mul3A_270 = arith.muli %arg1, %mul3A_269 : i32
    %eq3A_271 = arith.constant 0 : i32
    %eq3A_272 = arith.cmpi eq, %arg0, %eq3A_271 : i32
    %convert_element_type3A_273 = arith.extui %eq3A_272 : i1 to i32
    %cond3A_274 = arith.constant 0 : i32
    %cond3A_275 = arith.cmpi ne, %convert_element_type3A_273, %cond3A_274 : i32
    scf.if %cond3A_275 {
      "tpu.region"() ({
        %run_scoped3A = tpu.sem_alloc : memref<!tpu.dma_semaphore, #tpu.memory_space<semaphore_mem>>
        %dma_start3A_286 = arith.constant 0 : i32
        %dma_start3A_287 = tpu.memref_slice %arg6[%mul3A_270, %dma_start3A_286] : memref<10000x128xf32, #tpu.memory_space<hbm>> -> memref<624x128xf32, #tpu.memory_space<hbm>>
        %dma_start3A_288 = arith.constant 0 : i32
        %dma_start3A_289 = tpu.memref_slice %arg32[%mul3A_270, %dma_start3A_288] : memref<10000x128xf32, #tpu.memory_space<vmem_shared>> -> memref<624x128xf32, #tpu.memory_space<vmem_shared>>
        tpu.enqueue_dma source(%dma_start3A_289 : memref<624x128xf32, #tpu.memory_space<vmem_shared>>) target(%dma_start3A_287 : memref<624x128xf32, #tpu.memory_space<hbm>>) target_semaphore(%run_scoped3A : memref<!tpu.dma_semaphore, #tpu.memory_space<semaphore_mem>>)
        %dma_wait3A_290 = arith.constant 0 : i32
        %dma_wait3A_291 = tpu.memref_slice %arg6[%mul3A_270, %dma_wait3A_290] : memref<10000x128xf32, #tpu.memory_space<hbm>> -> memref<624x128xf32, #tpu.memory_space<hbm>>
        %dma_wait3A_292 = arith.constant 0 : i32
        %dma_wait3A_293 = tpu.memref_slice %arg32[%mul3A_270, %dma_wait3A_292] : memref<10000x128xf32, #tpu.memory_space<vmem_shared>> -> memref<624x128xf32, #tpu.memory_space<vmem_shared>>
        tpu.wait_dma2 semaphore(%run_scoped3A : memref<!tpu.dma_semaphore, #tpu.memory_space<semaphore_mem>>) src(%dma_wait3A_293 : memref<624x128xf32, #tpu.memory_space<vmem_shared>>) dst(%dma_wait3A_291 : memref<624x128xf32, #tpu.memory_space<hbm>>)
        tpu.yield
      }) : () -> ()
      %eq3A_281 = arith.constant 15 : i32
      %eq3A_282 = arith.cmpi eq, %arg1, %eq3A_281 : i32
      %convert_element_type3A_283 = arith.extui %eq3A_282 : i1 to i32
      %cond3A_284 = arith.constant 0 : i32
      %cond3A_285 = arith.cmpi ne, %convert_element_type3A_283, %cond3A_284 : i32
      scf.if %cond3A_285 {
        "tpu.region"() ({
          %run_scoped3A = tpu.sem_alloc : memref<!tpu.dma_semaphore, #tpu.memory_space<semaphore_mem>>
          %dma_start3A_286 = arith.constant 9984 : i32
          %dma_start3A_287 = arith.constant 0 : i32
          %dma_start3A_288 = tpu.memref_slice %arg6[%dma_start3A_286, %dma_start3A_287] : memref<10000x128xf32, #tpu.memory_space<hbm>> -> memref<16x128xf32, #tpu.memory_space<hbm>>
          %dma_start3A_289 = arith.constant 9984 : i32
          %dma_start3A_290 = arith.constant 0 : i32
          %dma_start3A_291 = tpu.memref_slice %arg32[%dma_start3A_289, %dma_start3A_290] : memref<10000x128xf32, #tpu.memory_space<vmem_shared>> -> memref<16x128xf32, #tpu.memory_space<vmem_shared>>
          tpu.enqueue_dma source(%dma_start3A_291 : memref<16x128xf32, #tpu.memory_space<vmem_shared>>) target(%dma_start3A_288 : memref<16x128xf32, #tpu.memory_space<hbm>>) target_semaphore(%run_scoped3A : memref<!tpu.dma_semaphore, #tpu.memory_space<semaphore_mem>>)
          %dma_wait3A_292 = arith.constant 9984 : i32
          %dma_wait3A_293 = arith.constant 0 : i32
          %dma_wait3A_294 = tpu.memref_slice %arg6[%dma_wait3A_292, %dma_wait3A_293] : memref<10000x128xf32, #tpu.memory_space<hbm>> -> memref<16x128xf32, #tpu.memory_space<hbm>>
          %dma_wait3A_295 = arith.constant 9984 : i32
          %dma_wait3A_296 = arith.constant 0 : i32
          %dma_wait3A_297 = tpu.memref_slice %arg32[%dma_wait3A_295, %dma_wait3A_296] : memref<10000x128xf32, #tpu.memory_space<vmem_shared>> -> memref<16x128xf32, #tpu.memory_space<vmem_shared>>
          tpu.wait_dma2 semaphore(%run_scoped3A : memref<!tpu.dma_semaphore, #tpu.memory_space<semaphore_mem>>) src(%dma_wait3A_297 : memref<16x128xf32, #tpu.memory_space<vmem_shared>>) dst(%dma_wait3A_294 : memref<16x128xf32, #tpu.memory_space<hbm>>)
          tpu.yield
        }) : () -> ()
      } else {
      }
    } else {
    }
    %eq3A_276 = arith.constant 1 : i32
    %eq3A_277 = arith.cmpi eq, %arg0, %eq3A_276 : i32
    %convert_element_type3A_278 = arith.extui %eq3A_277 : i1 to i32
    %cond3A_279 = arith.constant 0 : i32
    %cond3A_280 = arith.cmpi ne, %convert_element_type3A_278, %cond3A_279 : i32
    scf.if %cond3A_280 {
      "tpu.region"() ({
        %run_scoped3A = tpu.sem_alloc : memref<!tpu.dma_semaphore, #tpu.memory_space<semaphore_mem>>
        %dma_start3A_286 = arith.constant 0 : i32
        %dma_start3A_287 = tpu.memref_slice %arg7[%mul3A_270, %dma_start3A_286] : memref<10000x128xf32, #tpu.memory_space<hbm>> -> memref<624x128xf32, #tpu.memory_space<hbm>>
        %dma_start3A_288 = arith.constant 0 : i32
        %dma_start3A_289 = tpu.memref_slice %arg32[%mul3A_270, %dma_start3A_288] : memref<10000x128xf32, #tpu.memory_space<vmem_shared>> -> memref<624x128xf32, #tpu.memory_space<vmem_shared>>
        tpu.enqueue_dma source(%dma_start3A_289 : memref<624x128xf32, #tpu.memory_space<vmem_shared>>) target(%dma_start3A_287 : memref<624x128xf32, #tpu.memory_space<hbm>>) target_semaphore(%run_scoped3A : memref<!tpu.dma_semaphore, #tpu.memory_space<semaphore_mem>>)
        %dma_wait3A_290 = arith.constant 0 : i32
        %dma_wait3A_291 = tpu.memref_slice %arg7[%mul3A_270, %dma_wait3A_290] : memref<10000x128xf32, #tpu.memory_space<hbm>> -> memref<624x128xf32, #tpu.memory_space<hbm>>
        %dma_wait3A_292 = arith.constant 0 : i32
        %dma_wait3A_293 = tpu.memref_slice %arg32[%mul3A_270, %dma_wait3A_292] : memref<10000x128xf32, #tpu.memory_space<vmem_shared>> -> memref<624x128xf32, #tpu.memory_space<vmem_shared>>
        tpu.wait_dma2 semaphore(%run_scoped3A : memref<!tpu.dma_semaphore, #tpu.memory_space<semaphore_mem>>) src(%dma_wait3A_293 : memref<624x128xf32, #tpu.memory_space<vmem_shared>>) dst(%dma_wait3A_291 : memref<624x128xf32, #tpu.memory_space<hbm>>)
        tpu.yield
      }) : () -> ()
      %eq3A_281 = arith.constant 15 : i32
      %eq3A_282 = arith.cmpi eq, %arg1, %eq3A_281 : i32
      %convert_element_type3A_283 = arith.extui %eq3A_282 : i1 to i32
      %cond3A_284 = arith.constant 0 : i32
      %cond3A_285 = arith.cmpi ne, %convert_element_type3A_283, %cond3A_284 : i32
      scf.if %cond3A_285 {
        "tpu.region"() ({
          %run_scoped3A = tpu.sem_alloc : memref<!tpu.dma_semaphore, #tpu.memory_space<semaphore_mem>>
          %dma_start3A_286 = arith.constant 9984 : i32
          %dma_start3A_287 = arith.constant 0 : i32
          %dma_start3A_288 = tpu.memref_slice %arg7[%dma_start3A_286, %dma_start3A_287] : memref<10000x128xf32, #tpu.memory_space<hbm>> -> memref<16x128xf32, #tpu.memory_space<hbm>>
          %dma_start3A_289 = arith.constant 9984 : i32
          %dma_start3A_290 = arith.constant 0 : i32
          %dma_start3A_291 = tpu.memref_slice %arg32[%dma_start3A_289, %dma_start3A_290] : memref<10000x128xf32, #tpu.memory_space<vmem_shared>> -> memref<16x128xf32, #tpu.memory_space<vmem_shared>>
          tpu.enqueue_dma source(%dma_start3A_291 : memref<16x128xf32, #tpu.memory_space<vmem_shared>>) target(%dma_start3A_288 : memref<16x128xf32, #tpu.memory_space<hbm>>) target_semaphore(%run_scoped3A : memref<!tpu.dma_semaphore, #tpu.memory_space<semaphore_mem>>)
          %dma_wait3A_292 = arith.constant 9984 : i32
          %dma_wait3A_293 = arith.constant 0 : i32
          %dma_wait3A_294 = tpu.memref_slice %arg7[%dma_wait3A_292, %dma_wait3A_293] : memref<10000x128xf32, #tpu.memory_space<hbm>> -> memref<16x128xf32, #tpu.memory_space<hbm>>
          %dma_wait3A_295 = arith.constant 9984 : i32
          %dma_wait3A_296 = arith.constant 0 : i32
          %dma_wait3A_297 = tpu.memref_slice %arg32[%dma_wait3A_295, %dma_wait3A_296] : memref<10000x128xf32, #tpu.memory_space<vmem_shared>> -> memref<16x128xf32, #tpu.memory_space<vmem_shared>>
          tpu.wait_dma2 semaphore(%run_scoped3A : memref<!tpu.dma_semaphore, #tpu.memory_space<semaphore_mem>>) src(%dma_wait3A_297 : memref<16x128xf32, #tpu.memory_space<vmem_shared>>) dst(%dma_wait3A_294 : memref<16x128xf32, #tpu.memory_space<hbm>>)
          tpu.yield
        }) : () -> ()
      } else {
      }
    } else {
    }
    return
  }
}

#map = affine_map<(d0, d1) -> (0, 0)>
#map1 = affine_map<(d0, d1) -> (0)>
module attributes {stable_mosaic.version = 14 : i64} {
  func.func @_agg_body(%arg0: i32, %arg1: i32, %arg2: memref<10000x128xf32, #tpu.memory_space<hbm>>, %arg3: memref<320000xi32, #tpu.memory_space<hbm>>, %arg4: memref<320000xi32, #tpu.memory_space<hbm>>, %arg5: memref<10000x128xf32, #tpu.memory_space<hbm>>, %arg6: memref<10000x128xf32, #tpu.memory_space<hbm>>, %arg7: memref<10000x128xf32, #tpu.memory_space<hbm>>, %arg8: memref<40xi32, #tpu.memory_space<vmem>>, %arg9: memref<40xi32, #tpu.memory_space<vmem>>, %arg10: memref<40xi32, #tpu.memory_space<vmem>>, %arg11: memref<40xi32, #tpu.memory_space<vmem>>, %arg12: memref<40xi32, #tpu.memory_space<vmem>>, %arg13: memref<40xi32, #tpu.memory_space<vmem>>, %arg14: memref<40xi32, #tpu.memory_space<vmem>>, %arg15: memref<40xi32, #tpu.memory_space<vmem>>, %arg16: memref<40xi32, #tpu.memory_space<vmem>>, %arg17: memref<40xi32, #tpu.memory_space<vmem>>, %arg18: memref<40xi32, #tpu.memory_space<vmem>>, %arg19: memref<40xi32, #tpu.memory_space<vmem>>, %arg20: memref<40xi32, #tpu.memory_space<vmem>>, %arg21: memref<40xi32, #tpu.memory_space<vmem>>, %arg22: memref<40xi32, #tpu.memory_space<vmem>>, %arg23: memref<40xi32, #tpu.memory_space<vmem>>, %arg24: memref<40x128xf32, #tpu.memory_space<vmem>>, %arg25: memref<40x128xf32, #tpu.memory_space<vmem>>, %arg26: memref<40x128xf32, #tpu.memory_space<vmem>>, %arg27: memref<40x128xf32, #tpu.memory_space<vmem>>, %arg28: memref<40x128xf32, #tpu.memory_space<vmem>>, %arg29: memref<40x128xf32, #tpu.memory_space<vmem>>, %arg30: memref<40x128xf32, #tpu.memory_space<vmem>>, %arg31: memref<40x128xf32, #tpu.memory_space<vmem>>, %arg32: memref<10000x128xf32, #tpu.memory_space<vmem_shared>>, %arg33: memref<!tpu.dma_semaphore, #tpu.memory_space<semaphore_mem>>, %arg34: memref<!tpu.dma_semaphore, #tpu.memory_space<semaphore_mem>>, %arg35: memref<!tpu.dma_semaphore, #tpu.memory_space<semaphore_mem>>, %arg36: memref<!tpu.dma_semaphore, #tpu.memory_space<semaphore_mem>>, %arg37: memref<!tpu.dma_semaphore, #tpu.memory_space<semaphore_mem>>, %arg38: memref<!tpu.dma_semaphore, #tpu.memory_space<semaphore_mem>>, %arg39: memref<!tpu.dma_semaphore, #tpu.memory_space<semaphore_mem>>, %arg40: memref<!tpu.dma_semaphore, #tpu.memory_space<semaphore_mem>>, %arg41: memref<!tpu.dma_semaphore, #tpu.memory_space<semaphore_mem>>, %arg42: memref<!tpu.dma_semaphore, #tpu.memory_space<semaphore_mem>>, %arg43: memref<!tpu.dma_semaphore, #tpu.memory_space<semaphore_mem>>, %arg44: memref<!tpu.dma_semaphore, #tpu.memory_space<semaphore_mem>>, %arg45: memref<!tpu.dma_semaphore, #tpu.memory_space<semaphore_mem>>, %arg46: memref<!tpu.dma_semaphore, #tpu.memory_space<semaphore_mem>>, %arg47: memref<!tpu.dma_semaphore, #tpu.memory_space<semaphore_mem>>, %arg48: memref<!tpu.dma_semaphore, #tpu.memory_space<semaphore_mem>>, %arg49: memref<!tpu.dma_semaphore, #tpu.memory_space<semaphore_mem>>, %arg50: memref<!tpu.dma_semaphore, #tpu.memory_space<semaphore_mem>>, %arg51: memref<!tpu.dma_semaphore, #tpu.memory_space<semaphore_mem>>, %arg52: memref<!tpu.dma_semaphore, #tpu.memory_space<semaphore_mem>>, %arg53: memref<!tpu.dma_semaphore, #tpu.memory_space<semaphore_mem>>, %arg54: memref<!tpu.dma_semaphore, #tpu.memory_space<semaphore_mem>>, %arg55: memref<!tpu.dma_semaphore, #tpu.memory_space<semaphore_mem>>, %arg56: memref<!tpu.dma_semaphore, #tpu.memory_space<semaphore_mem>>) attributes {dimension_semantics = [#tpu.dimension_semantics<core_parallel>, #tpu.dimension_semantics<subcore_parallel>], iteration_bounds = array<i64: 2, 16>, scalar_prefetch = 0 : i64, scratch_operands = 49 : i64, tpu.core_type = #tpu.core_type<sc_vector_subcore>, window_params = [{transform_indices = #map}, {transform_indices = #map1}, {transform_indices = #map1}, {transform_indices = #map}, {transform_indices = #map}, {transform_indices = #map}]} {
    %mul3A = arith.constant 16 : i32
    %mul3A_0 = arith.muli %arg0, %mul3A : i32
    %add3A = arith.addi %mul3A_0, %arg1 : i32
    %mul3A_1 = arith.constant 10000 : i32
    %mul3A_2 = arith.muli %add3A, %mul3A_1 : i32
    %eq3A = arith.constant 0 : i32
    %eq3A_3 = arith.cmpi eq, %arg1, %eq3A : i32
    %convert_element_type3A = arith.extui %eq3A_3 : i1 to i32
    %cond3A = arith.constant 0 : i32
    %cond3A_4 = arith.cmpi ne, %convert_element_type3A, %cond3A : i32
    scf.if %cond3A_4 {
      "tpu.region"() ({
        %run_scoped3A = tpu.sem_alloc : memref<!tpu.dma_semaphore, #tpu.memory_space<semaphore_mem>>
        tpu.enqueue_dma source(%arg5 : memref<10000x128xf32, #tpu.memory_space<hbm>>) target(%arg32 : memref<10000x128xf32, #tpu.memory_space<vmem_shared>>) target_semaphore(%run_scoped3A : memref<!tpu.dma_semaphore, #tpu.memory_space<semaphore_mem>>)
        tpu.wait_dma2 semaphore(%run_scoped3A : memref<!tpu.dma_semaphore, #tpu.memory_space<semaphore_mem>>) src(%arg5 : memref<10000x128xf32, #tpu.memory_space<hbm>>) dst(%arg32 : memref<10000x128xf32, #tpu.memory_space<vmem_shared>>)
        tpu.yield
      }) : () -> ()
    } else {
    }
    %barrier3A = arith.constant 0 : index
    tpu.barrier barrier_id(%barrier3A)
    %add3A_5 = arith.constant 0 : i32
    %add3A_6 = arith.addi %mul3A_2, %add3A_5 : i32
    %dma_start3A = tpu.memref_slice %arg3[%add3A_6] : memref<320000xi32, #tpu.memory_space<hbm>> -> memref<40xi32, #tpu.memory_space<hbm>>
    %dma_start3A_7 = tpu.memref_slice %arg3[%add3A_6] : memref<320000xi32, #tpu.memory_space<hbm>> -> memref<40xi32, #tpu.memory_space<hbm>>
    tpu.enqueue_dma source(%dma_start3A_7 : memref<40xi32, #tpu.memory_space<hbm>>) target(%arg8 : memref<40xi32, #tpu.memory_space<vmem>>) target_semaphore(%arg33 : memref<!tpu.dma_semaphore, #tpu.memory_space<semaphore_mem>>)
    %dma_start3A_8 = tpu.memref_slice %arg4[%add3A_6] : memref<320000xi32, #tpu.memory_space<hbm>> -> memref<40xi32, #tpu.memory_space<hbm>>
    %dma_start3A_9 = tpu.memref_slice %arg4[%add3A_6] : memref<320000xi32, #tpu.memory_space<hbm>> -> memref<40xi32, #tpu.memory_space<hbm>>
    tpu.enqueue_dma source(%dma_start3A_9 : memref<40xi32, #tpu.memory_space<hbm>>) target(%arg16 : memref<40xi32, #tpu.memory_space<vmem>>) target_semaphore(%arg33 : memref<!tpu.dma_semaphore, #tpu.memory_space<semaphore_mem>>)
    %add3A_10 = arith.constant 40 : i32
    %add3A_11 = arith.addi %mul3A_2, %add3A_10 : i32
    %dma_start3A_12 = tpu.memref_slice %arg3[%add3A_11] : memref<320000xi32, #tpu.memory_space<hbm>> -> memref<40xi32, #tpu.memory_space<hbm>>
    %dma_start3A_13 = tpu.memref_slice %arg3[%add3A_11] : memref<320000xi32, #tpu.memory_space<hbm>> -> memref<40xi32, #tpu.memory_space<hbm>>
    tpu.enqueue_dma source(%dma_start3A_13 : memref<40xi32, #tpu.memory_space<hbm>>) target(%arg9 : memref<40xi32, #tpu.memory_space<vmem>>) target_semaphore(%arg34 : memref<!tpu.dma_semaphore, #tpu.memory_space<semaphore_mem>>)
    %dma_start3A_14 = tpu.memref_slice %arg4[%add3A_11] : memref<320000xi32, #tpu.memory_space<hbm>> -> memref<40xi32, #tpu.memory_space<hbm>>
    %dma_start3A_15 = tpu.memref_slice %arg4[%add3A_11] : memref<320000xi32, #tpu.memory_space<hbm>> -> memref<40xi32, #tpu.memory_space<hbm>>
    tpu.enqueue_dma source(%dma_start3A_15 : memref<40xi32, #tpu.memory_space<hbm>>) target(%arg17 : memref<40xi32, #tpu.memory_space<vmem>>) target_semaphore(%arg34 : memref<!tpu.dma_semaphore, #tpu.memory_space<semaphore_mem>>)
    %add3A_16 = arith.constant 80 : i32
    %add3A_17 = arith.addi %mul3A_2, %add3A_16 : i32
    %dma_start3A_18 = tpu.memref_slice %arg3[%add3A_17] : memref<320000xi32, #tpu.memory_space<hbm>> -> memref<40xi32, #tpu.memory_space<hbm>>
    %dma_start3A_19 = tpu.memref_slice %arg3[%add3A_17] : memref<320000xi32, #tpu.memory_space<hbm>> -> memref<40xi32, #tpu.memory_space<hbm>>
    tpu.enqueue_dma source(%dma_start3A_19 : memref<40xi32, #tpu.memory_space<hbm>>) target(%arg10 : memref<40xi32, #tpu.memory_space<vmem>>) target_semaphore(%arg35 : memref<!tpu.dma_semaphore, #tpu.memory_space<semaphore_mem>>)
    %dma_start3A_20 = tpu.memref_slice %arg4[%add3A_17] : memref<320000xi32, #tpu.memory_space<hbm>> -> memref<40xi32, #tpu.memory_space<hbm>>
    %dma_start3A_21 = tpu.memref_slice %arg4[%add3A_17] : memref<320000xi32, #tpu.memory_space<hbm>> -> memref<40xi32, #tpu.memory_space<hbm>>
    tpu.enqueue_dma source(%dma_start3A_21 : memref<40xi32, #tpu.memory_space<hbm>>) target(%arg18 : memref<40xi32, #tpu.memory_space<vmem>>) target_semaphore(%arg35 : memref<!tpu.dma_semaphore, #tpu.memory_space<semaphore_mem>>)
    %add3A_22 = arith.constant 120 : i32
    %add3A_23 = arith.addi %mul3A_2, %add3A_22 : i32
    %dma_start3A_24 = tpu.memref_slice %arg3[%add3A_23] : memref<320000xi32, #tpu.memory_space<hbm>> -> memref<40xi32, #tpu.memory_space<hbm>>
    %dma_start3A_25 = tpu.memref_slice %arg3[%add3A_23] : memref<320000xi32, #tpu.memory_space<hbm>> -> memref<40xi32, #tpu.memory_space<hbm>>
    tpu.enqueue_dma source(%dma_start3A_25 : memref<40xi32, #tpu.memory_space<hbm>>) target(%arg11 : memref<40xi32, #tpu.memory_space<vmem>>) target_semaphore(%arg36 : memref<!tpu.dma_semaphore, #tpu.memory_space<semaphore_mem>>)
    %dma_start3A_26 = tpu.memref_slice %arg4[%add3A_23] : memref<320000xi32, #tpu.memory_space<hbm>> -> memref<40xi32, #tpu.memory_space<hbm>>
    %dma_start3A_27 = tpu.memref_slice %arg4[%add3A_23] : memref<320000xi32, #tpu.memory_space<hbm>> -> memref<40xi32, #tpu.memory_space<hbm>>
    tpu.enqueue_dma source(%dma_start3A_27 : memref<40xi32, #tpu.memory_space<hbm>>) target(%arg19 : memref<40xi32, #tpu.memory_space<vmem>>) target_semaphore(%arg36 : memref<!tpu.dma_semaphore, #tpu.memory_space<semaphore_mem>>)
    %add3A_28 = arith.constant 160 : i32
    %add3A_29 = arith.addi %mul3A_2, %add3A_28 : i32
    %dma_start3A_30 = tpu.memref_slice %arg3[%add3A_29] : memref<320000xi32, #tpu.memory_space<hbm>> -> memref<40xi32, #tpu.memory_space<hbm>>
    %dma_start3A_31 = tpu.memref_slice %arg3[%add3A_29] : memref<320000xi32, #tpu.memory_space<hbm>> -> memref<40xi32, #tpu.memory_space<hbm>>
    tpu.enqueue_dma source(%dma_start3A_31 : memref<40xi32, #tpu.memory_space<hbm>>) target(%arg12 : memref<40xi32, #tpu.memory_space<vmem>>) target_semaphore(%arg37 : memref<!tpu.dma_semaphore, #tpu.memory_space<semaphore_mem>>)
    %dma_start3A_32 = tpu.memref_slice %arg4[%add3A_29] : memref<320000xi32, #tpu.memory_space<hbm>> -> memref<40xi32, #tpu.memory_space<hbm>>
    %dma_start3A_33 = tpu.memref_slice %arg4[%add3A_29] : memref<320000xi32, #tpu.memory_space<hbm>> -> memref<40xi32, #tpu.memory_space<hbm>>
    tpu.enqueue_dma source(%dma_start3A_33 : memref<40xi32, #tpu.memory_space<hbm>>) target(%arg20 : memref<40xi32, #tpu.memory_space<vmem>>) target_semaphore(%arg37 : memref<!tpu.dma_semaphore, #tpu.memory_space<semaphore_mem>>)
    %add3A_34 = arith.constant 200 : i32
    %add3A_35 = arith.addi %mul3A_2, %add3A_34 : i32
    %dma_start3A_36 = tpu.memref_slice %arg3[%add3A_35] : memref<320000xi32, #tpu.memory_space<hbm>> -> memref<40xi32, #tpu.memory_space<hbm>>
    %dma_start3A_37 = tpu.memref_slice %arg3[%add3A_35] : memref<320000xi32, #tpu.memory_space<hbm>> -> memref<40xi32, #tpu.memory_space<hbm>>
    tpu.enqueue_dma source(%dma_start3A_37 : memref<40xi32, #tpu.memory_space<hbm>>) target(%arg13 : memref<40xi32, #tpu.memory_space<vmem>>) target_semaphore(%arg38 : memref<!tpu.dma_semaphore, #tpu.memory_space<semaphore_mem>>)
    %dma_start3A_38 = tpu.memref_slice %arg4[%add3A_35] : memref<320000xi32, #tpu.memory_space<hbm>> -> memref<40xi32, #tpu.memory_space<hbm>>
    %dma_start3A_39 = tpu.memref_slice %arg4[%add3A_35] : memref<320000xi32, #tpu.memory_space<hbm>> -> memref<40xi32, #tpu.memory_space<hbm>>
    tpu.enqueue_dma source(%dma_start3A_39 : memref<40xi32, #tpu.memory_space<hbm>>) target(%arg21 : memref<40xi32, #tpu.memory_space<vmem>>) target_semaphore(%arg38 : memref<!tpu.dma_semaphore, #tpu.memory_space<semaphore_mem>>)
    %add3A_40 = arith.constant 240 : i32
    %add3A_41 = arith.addi %mul3A_2, %add3A_40 : i32
    %dma_start3A_42 = tpu.memref_slice %arg3[%add3A_41] : memref<320000xi32, #tpu.memory_space<hbm>> -> memref<40xi32, #tpu.memory_space<hbm>>
    %dma_start3A_43 = tpu.memref_slice %arg3[%add3A_41] : memref<320000xi32, #tpu.memory_space<hbm>> -> memref<40xi32, #tpu.memory_space<hbm>>
    tpu.enqueue_dma source(%dma_start3A_43 : memref<40xi32, #tpu.memory_space<hbm>>) target(%arg14 : memref<40xi32, #tpu.memory_space<vmem>>) target_semaphore(%arg39 : memref<!tpu.dma_semaphore, #tpu.memory_space<semaphore_mem>>)
    %dma_start3A_44 = tpu.memref_slice %arg4[%add3A_41] : memref<320000xi32, #tpu.memory_space<hbm>> -> memref<40xi32, #tpu.memory_space<hbm>>
    %dma_start3A_45 = tpu.memref_slice %arg4[%add3A_41] : memref<320000xi32, #tpu.memory_space<hbm>> -> memref<40xi32, #tpu.memory_space<hbm>>
    tpu.enqueue_dma source(%dma_start3A_45 : memref<40xi32, #tpu.memory_space<hbm>>) target(%arg22 : memref<40xi32, #tpu.memory_space<vmem>>) target_semaphore(%arg39 : memref<!tpu.dma_semaphore, #tpu.memory_space<semaphore_mem>>)
    %add3A_46 = arith.constant 280 : i32
    %add3A_47 = arith.addi %mul3A_2, %add3A_46 : i32
    %dma_start3A_48 = tpu.memref_slice %arg3[%add3A_47] : memref<320000xi32, #tpu.memory_space<hbm>> -> memref<40xi32, #tpu.memory_space<hbm>>
    %dma_start3A_49 = tpu.memref_slice %arg3[%add3A_47] : memref<320000xi32, #tpu.memory_space<hbm>> -> memref<40xi32, #tpu.memory_space<hbm>>
    tpu.enqueue_dma source(%dma_start3A_49 : memref<40xi32, #tpu.memory_space<hbm>>) target(%arg15 : memref<40xi32, #tpu.memory_space<vmem>>) target_semaphore(%arg40 : memref<!tpu.dma_semaphore, #tpu.memory_space<semaphore_mem>>)
    %dma_start3A_50 = tpu.memref_slice %arg4[%add3A_47] : memref<320000xi32, #tpu.memory_space<hbm>> -> memref<40xi32, #tpu.memory_space<hbm>>
    %dma_start3A_51 = tpu.memref_slice %arg4[%add3A_47] : memref<320000xi32, #tpu.memory_space<hbm>> -> memref<40xi32, #tpu.memory_space<hbm>>
    tpu.enqueue_dma source(%dma_start3A_51 : memref<40xi32, #tpu.memory_space<hbm>>) target(%arg23 : memref<40xi32, #tpu.memory_space<vmem>>) target_semaphore(%arg40 : memref<!tpu.dma_semaphore, #tpu.memory_space<semaphore_mem>>)
    %dma_wait3A = arith.constant 0 : i32
    %dma_wait3A_52 = tpu.memref_slice %arg3[%dma_wait3A] : memref<320000xi32, #tpu.memory_space<hbm>> -> memref<40xi32, #tpu.memory_space<hbm>>
    %dma_wait3A_53 = arith.constant 0 : i32
    %dma_wait3A_54 = tpu.memref_slice %arg3[%dma_wait3A_53] : memref<320000xi32, #tpu.memory_space<hbm>> -> memref<40xi32, #tpu.memory_space<hbm>>
    tpu.wait_dma2 semaphore(%arg33 : memref<!tpu.dma_semaphore, #tpu.memory_space<semaphore_mem>>) src(%dma_wait3A_54 : memref<40xi32, #tpu.memory_space<hbm>>) dst(%arg8 : memref<40xi32, #tpu.memory_space<vmem>>)
    %dma_wait3A_55 = arith.constant 0 : i32
    %dma_wait3A_56 = tpu.memref_slice %arg4[%dma_wait3A_55] : memref<320000xi32, #tpu.memory_space<hbm>> -> memref<40xi32, #tpu.memory_space<hbm>>
    %dma_wait3A_57 = arith.constant 0 : i32
    %dma_wait3A_58 = tpu.memref_slice %arg4[%dma_wait3A_57] : memref<320000xi32, #tpu.memory_space<hbm>> -> memref<40xi32, #tpu.memory_space<hbm>>
    tpu.wait_dma2 semaphore(%arg33 : memref<!tpu.dma_semaphore, #tpu.memory_space<semaphore_mem>>) src(%dma_wait3A_58 : memref<40xi32, #tpu.memory_space<hbm>>) dst(%arg16 : memref<40xi32, #tpu.memory_space<vmem>>)
    %dma_start3A_59 = arith.constant 0 : i32
    %dma_start3A_60 = arith.constant 0 : i32
    %dma_start3A_61 = tpu.memref_slice %arg2[%dma_start3A_59, %dma_start3A_60] : memref<10000x128xf32, #tpu.memory_space<hbm>> -> memref<10000x128xf32, #tpu.memory_space<hbm>>
    tpu.enqueue_indirect_dma source(%dma_start3A_61 : memref<10000x128xf32, #tpu.memory_space<hbm>>) target(%arg24 : memref<40x128xf32, #tpu.memory_space<vmem>>) offsets(%arg8 : memref<40xi32, #tpu.memory_space<vmem>>) semaphore(%arg41 : memref<!tpu.dma_semaphore, #tpu.memory_space<semaphore_mem>>)
    %dma_wait3A_62 = arith.constant 0 : i32
    %dma_wait3A_63 = tpu.memref_slice %arg3[%dma_wait3A_62] : memref<320000xi32, #tpu.memory_space<hbm>> -> memref<40xi32, #tpu.memory_space<hbm>>
    %dma_wait3A_64 = arith.constant 0 : i32
    %dma_wait3A_65 = tpu.memref_slice %arg3[%dma_wait3A_64] : memref<320000xi32, #tpu.memory_space<hbm>> -> memref<40xi32, #tpu.memory_space<hbm>>
    tpu.wait_dma2 semaphore(%arg34 : memref<!tpu.dma_semaphore, #tpu.memory_space<semaphore_mem>>) src(%dma_wait3A_65 : memref<40xi32, #tpu.memory_space<hbm>>) dst(%arg9 : memref<40xi32, #tpu.memory_space<vmem>>)
    %dma_wait3A_66 = arith.constant 0 : i32
    %dma_wait3A_67 = tpu.memref_slice %arg4[%dma_wait3A_66] : memref<320000xi32, #tpu.memory_space<hbm>> -> memref<40xi32, #tpu.memory_space<hbm>>
    %dma_wait3A_68 = arith.constant 0 : i32
    %dma_wait3A_69 = tpu.memref_slice %arg4[%dma_wait3A_68] : memref<320000xi32, #tpu.memory_space<hbm>> -> memref<40xi32, #tpu.memory_space<hbm>>
    tpu.wait_dma2 semaphore(%arg34 : memref<!tpu.dma_semaphore, #tpu.memory_space<semaphore_mem>>) src(%dma_wait3A_69 : memref<40xi32, #tpu.memory_space<hbm>>) dst(%arg17 : memref<40xi32, #tpu.memory_space<vmem>>)
    %dma_start3A_70 = arith.constant 0 : i32
    %dma_start3A_71 = arith.constant 0 : i32
    %dma_start3A_72 = tpu.memref_slice %arg2[%dma_start3A_70, %dma_start3A_71] : memref<10000x128xf32, #tpu.memory_space<hbm>> -> memref<10000x128xf32, #tpu.memory_space<hbm>>
    tpu.enqueue_indirect_dma source(%dma_start3A_72 : memref<10000x128xf32, #tpu.memory_space<hbm>>) target(%arg25 : memref<40x128xf32, #tpu.memory_space<vmem>>) offsets(%arg9 : memref<40xi32, #tpu.memory_space<vmem>>) semaphore(%arg42 : memref<!tpu.dma_semaphore, #tpu.memory_space<semaphore_mem>>)
    %dma_wait3A_73 = arith.constant 0 : i32
    %dma_wait3A_74 = tpu.memref_slice %arg3[%dma_wait3A_73] : memref<320000xi32, #tpu.memory_space<hbm>> -> memref<40xi32, #tpu.memory_space<hbm>>
    %dma_wait3A_75 = arith.constant 0 : i32
    %dma_wait3A_76 = tpu.memref_slice %arg3[%dma_wait3A_75] : memref<320000xi32, #tpu.memory_space<hbm>> -> memref<40xi32, #tpu.memory_space<hbm>>
    tpu.wait_dma2 semaphore(%arg35 : memref<!tpu.dma_semaphore, #tpu.memory_space<semaphore_mem>>) src(%dma_wait3A_76 : memref<40xi32, #tpu.memory_space<hbm>>) dst(%arg10 : memref<40xi32, #tpu.memory_space<vmem>>)
    %dma_wait3A_77 = arith.constant 0 : i32
    %dma_wait3A_78 = tpu.memref_slice %arg4[%dma_wait3A_77] : memref<320000xi32, #tpu.memory_space<hbm>> -> memref<40xi32, #tpu.memory_space<hbm>>
    %dma_wait3A_79 = arith.constant 0 : i32
    %dma_wait3A_80 = tpu.memref_slice %arg4[%dma_wait3A_79] : memref<320000xi32, #tpu.memory_space<hbm>> -> memref<40xi32, #tpu.memory_space<hbm>>
    tpu.wait_dma2 semaphore(%arg35 : memref<!tpu.dma_semaphore, #tpu.memory_space<semaphore_mem>>) src(%dma_wait3A_80 : memref<40xi32, #tpu.memory_space<hbm>>) dst(%arg18 : memref<40xi32, #tpu.memory_space<vmem>>)
    %dma_start3A_81 = arith.constant 0 : i32
    %dma_start3A_82 = arith.constant 0 : i32
    %dma_start3A_83 = tpu.memref_slice %arg2[%dma_start3A_81, %dma_start3A_82] : memref<10000x128xf32, #tpu.memory_space<hbm>> -> memref<10000x128xf32, #tpu.memory_space<hbm>>
    tpu.enqueue_indirect_dma source(%dma_start3A_83 : memref<10000x128xf32, #tpu.memory_space<hbm>>) target(%arg26 : memref<40x128xf32, #tpu.memory_space<vmem>>) offsets(%arg10 : memref<40xi32, #tpu.memory_space<vmem>>) semaphore(%arg43 : memref<!tpu.dma_semaphore, #tpu.memory_space<semaphore_mem>>)
    %dma_wait3A_84 = arith.constant 0 : i32
    %dma_wait3A_85 = tpu.memref_slice %arg3[%dma_wait3A_84] : memref<320000xi32, #tpu.memory_space<hbm>> -> memref<40xi32, #tpu.memory_space<hbm>>
    %dma_wait3A_86 = arith.constant 0 : i32
    %dma_wait3A_87 = tpu.memref_slice %arg3[%dma_wait3A_86] : memref<320000xi32, #tpu.memory_space<hbm>> -> memref<40xi32, #tpu.memory_space<hbm>>
    tpu.wait_dma2 semaphore(%arg36 : memref<!tpu.dma_semaphore, #tpu.memory_space<semaphore_mem>>) src(%dma_wait3A_87 : memref<40xi32, #tpu.memory_space<hbm>>) dst(%arg11 : memref<40xi32, #tpu.memory_space<vmem>>)
    %dma_wait3A_88 = arith.constant 0 : i32
    %dma_wait3A_89 = tpu.memref_slice %arg4[%dma_wait3A_88] : memref<320000xi32, #tpu.memory_space<hbm>> -> memref<40xi32, #tpu.memory_space<hbm>>
    %dma_wait3A_90 = arith.constant 0 : i32
    %dma_wait3A_91 = tpu.memref_slice %arg4[%dma_wait3A_90] : memref<320000xi32, #tpu.memory_space<hbm>> -> memref<40xi32, #tpu.memory_space<hbm>>
    tpu.wait_dma2 semaphore(%arg36 : memref<!tpu.dma_semaphore, #tpu.memory_space<semaphore_mem>>) src(%dma_wait3A_91 : memref<40xi32, #tpu.memory_space<hbm>>) dst(%arg19 : memref<40xi32, #tpu.memory_space<vmem>>)
    %dma_start3A_92 = arith.constant 0 : i32
    %dma_start3A_93 = arith.constant 0 : i32
    %dma_start3A_94 = tpu.memref_slice %arg2[%dma_start3A_92, %dma_start3A_93] : memref<10000x128xf32, #tpu.memory_space<hbm>> -> memref<10000x128xf32, #tpu.memory_space<hbm>>
    tpu.enqueue_indirect_dma source(%dma_start3A_94 : memref<10000x128xf32, #tpu.memory_space<hbm>>) target(%arg27 : memref<40x128xf32, #tpu.memory_space<vmem>>) offsets(%arg11 : memref<40xi32, #tpu.memory_space<vmem>>) semaphore(%arg44 : memref<!tpu.dma_semaphore, #tpu.memory_space<semaphore_mem>>)
    %dma_wait3A_95 = arith.constant 0 : i32
    %dma_wait3A_96 = tpu.memref_slice %arg3[%dma_wait3A_95] : memref<320000xi32, #tpu.memory_space<hbm>> -> memref<40xi32, #tpu.memory_space<hbm>>
    %dma_wait3A_97 = arith.constant 0 : i32
    %dma_wait3A_98 = tpu.memref_slice %arg3[%dma_wait3A_97] : memref<320000xi32, #tpu.memory_space<hbm>> -> memref<40xi32, #tpu.memory_space<hbm>>
    tpu.wait_dma2 semaphore(%arg37 : memref<!tpu.dma_semaphore, #tpu.memory_space<semaphore_mem>>) src(%dma_wait3A_98 : memref<40xi32, #tpu.memory_space<hbm>>) dst(%arg12 : memref<40xi32, #tpu.memory_space<vmem>>)
    %dma_wait3A_99 = arith.constant 0 : i32
    %dma_wait3A_100 = tpu.memref_slice %arg4[%dma_wait3A_99] : memref<320000xi32, #tpu.memory_space<hbm>> -> memref<40xi32, #tpu.memory_space<hbm>>
    %dma_wait3A_101 = arith.constant 0 : i32
    %dma_wait3A_102 = tpu.memref_slice %arg4[%dma_wait3A_101] : memref<320000xi32, #tpu.memory_space<hbm>> -> memref<40xi32, #tpu.memory_space<hbm>>
    tpu.wait_dma2 semaphore(%arg37 : memref<!tpu.dma_semaphore, #tpu.memory_space<semaphore_mem>>) src(%dma_wait3A_102 : memref<40xi32, #tpu.memory_space<hbm>>) dst(%arg20 : memref<40xi32, #tpu.memory_space<vmem>>)
    %dma_start3A_103 = arith.constant 0 : i32
    %dma_start3A_104 = arith.constant 0 : i32
    %dma_start3A_105 = tpu.memref_slice %arg2[%dma_start3A_103, %dma_start3A_104] : memref<10000x128xf32, #tpu.memory_space<hbm>> -> memref<10000x128xf32, #tpu.memory_space<hbm>>
    tpu.enqueue_indirect_dma source(%dma_start3A_105 : memref<10000x128xf32, #tpu.memory_space<hbm>>) target(%arg28 : memref<40x128xf32, #tpu.memory_space<vmem>>) offsets(%arg12 : memref<40xi32, #tpu.memory_space<vmem>>) semaphore(%arg45 : memref<!tpu.dma_semaphore, #tpu.memory_space<semaphore_mem>>)
    %dma_wait3A_106 = arith.constant 0 : i32
    %dma_wait3A_107 = tpu.memref_slice %arg3[%dma_wait3A_106] : memref<320000xi32, #tpu.memory_space<hbm>> -> memref<40xi32, #tpu.memory_space<hbm>>
    %dma_wait3A_108 = arith.constant 0 : i32
    %dma_wait3A_109 = tpu.memref_slice %arg3[%dma_wait3A_108] : memref<320000xi32, #tpu.memory_space<hbm>> -> memref<40xi32, #tpu.memory_space<hbm>>
    tpu.wait_dma2 semaphore(%arg38 : memref<!tpu.dma_semaphore, #tpu.memory_space<semaphore_mem>>) src(%dma_wait3A_109 : memref<40xi32, #tpu.memory_space<hbm>>) dst(%arg13 : memref<40xi32, #tpu.memory_space<vmem>>)
    %dma_wait3A_110 = arith.constant 0 : i32
    %dma_wait3A_111 = tpu.memref_slice %arg4[%dma_wait3A_110] : memref<320000xi32, #tpu.memory_space<hbm>> -> memref<40xi32, #tpu.memory_space<hbm>>
    %dma_wait3A_112 = arith.constant 0 : i32
    %dma_wait3A_113 = tpu.memref_slice %arg4[%dma_wait3A_112] : memref<320000xi32, #tpu.memory_space<hbm>> -> memref<40xi32, #tpu.memory_space<hbm>>
    tpu.wait_dma2 semaphore(%arg38 : memref<!tpu.dma_semaphore, #tpu.memory_space<semaphore_mem>>) src(%dma_wait3A_113 : memref<40xi32, #tpu.memory_space<hbm>>) dst(%arg21 : memref<40xi32, #tpu.memory_space<vmem>>)
    %dma_start3A_114 = arith.constant 0 : i32
    %dma_start3A_115 = arith.constant 0 : i32
    %dma_start3A_116 = tpu.memref_slice %arg2[%dma_start3A_114, %dma_start3A_115] : memref<10000x128xf32, #tpu.memory_space<hbm>> -> memref<10000x128xf32, #tpu.memory_space<hbm>>
    tpu.enqueue_indirect_dma source(%dma_start3A_116 : memref<10000x128xf32, #tpu.memory_space<hbm>>) target(%arg29 : memref<40x128xf32, #tpu.memory_space<vmem>>) offsets(%arg13 : memref<40xi32, #tpu.memory_space<vmem>>) semaphore(%arg46 : memref<!tpu.dma_semaphore, #tpu.memory_space<semaphore_mem>>)
    %dma_wait3A_117 = arith.constant 0 : i32
    %dma_wait3A_118 = tpu.memref_slice %arg3[%dma_wait3A_117] : memref<320000xi32, #tpu.memory_space<hbm>> -> memref<40xi32, #tpu.memory_space<hbm>>
    %dma_wait3A_119 = arith.constant 0 : i32
    %dma_wait3A_120 = tpu.memref_slice %arg3[%dma_wait3A_119] : memref<320000xi32, #tpu.memory_space<hbm>> -> memref<40xi32, #tpu.memory_space<hbm>>
    tpu.wait_dma2 semaphore(%arg39 : memref<!tpu.dma_semaphore, #tpu.memory_space<semaphore_mem>>) src(%dma_wait3A_120 : memref<40xi32, #tpu.memory_space<hbm>>) dst(%arg14 : memref<40xi32, #tpu.memory_space<vmem>>)
    %dma_wait3A_121 = arith.constant 0 : i32
    %dma_wait3A_122 = tpu.memref_slice %arg4[%dma_wait3A_121] : memref<320000xi32, #tpu.memory_space<hbm>> -> memref<40xi32, #tpu.memory_space<hbm>>
    %dma_wait3A_123 = arith.constant 0 : i32
    %dma_wait3A_124 = tpu.memref_slice %arg4[%dma_wait3A_123] : memref<320000xi32, #tpu.memory_space<hbm>> -> memref<40xi32, #tpu.memory_space<hbm>>
    tpu.wait_dma2 semaphore(%arg39 : memref<!tpu.dma_semaphore, #tpu.memory_space<semaphore_mem>>) src(%dma_wait3A_124 : memref<40xi32, #tpu.memory_space<hbm>>) dst(%arg22 : memref<40xi32, #tpu.memory_space<vmem>>)
    %dma_start3A_125 = arith.constant 0 : i32
    %dma_start3A_126 = arith.constant 0 : i32
    %dma_start3A_127 = tpu.memref_slice %arg2[%dma_start3A_125, %dma_start3A_126] : memref<10000x128xf32, #tpu.memory_space<hbm>> -> memref<10000x128xf32, #tpu.memory_space<hbm>>
    tpu.enqueue_indirect_dma source(%dma_start3A_127 : memref<10000x128xf32, #tpu.memory_space<hbm>>) target(%arg30 : memref<40x128xf32, #tpu.memory_space<vmem>>) offsets(%arg14 : memref<40xi32, #tpu.memory_space<vmem>>) semaphore(%arg47 : memref<!tpu.dma_semaphore, #tpu.memory_space<semaphore_mem>>)
    %dma_wait3A_128 = arith.constant 0 : i32
    %dma_wait3A_129 = tpu.memref_slice %arg3[%dma_wait3A_128] : memref<320000xi32, #tpu.memory_space<hbm>> -> memref<40xi32, #tpu.memory_space<hbm>>
    %dma_wait3A_130 = arith.constant 0 : i32
    %dma_wait3A_131 = tpu.memref_slice %arg3[%dma_wait3A_130] : memref<320000xi32, #tpu.memory_space<hbm>> -> memref<40xi32, #tpu.memory_space<hbm>>
    tpu.wait_dma2 semaphore(%arg40 : memref<!tpu.dma_semaphore, #tpu.memory_space<semaphore_mem>>) src(%dma_wait3A_131 : memref<40xi32, #tpu.memory_space<hbm>>) dst(%arg15 : memref<40xi32, #tpu.memory_space<vmem>>)
    %dma_wait3A_132 = arith.constant 0 : i32
    %dma_wait3A_133 = tpu.memref_slice %arg4[%dma_wait3A_132] : memref<320000xi32, #tpu.memory_space<hbm>> -> memref<40xi32, #tpu.memory_space<hbm>>
    %dma_wait3A_134 = arith.constant 0 : i32
    %dma_wait3A_135 = tpu.memref_slice %arg4[%dma_wait3A_134] : memref<320000xi32, #tpu.memory_space<hbm>> -> memref<40xi32, #tpu.memory_space<hbm>>
    tpu.wait_dma2 semaphore(%arg40 : memref<!tpu.dma_semaphore, #tpu.memory_space<semaphore_mem>>) src(%dma_wait3A_135 : memref<40xi32, #tpu.memory_space<hbm>>) dst(%arg23 : memref<40xi32, #tpu.memory_space<vmem>>)
    %dma_start3A_136 = arith.constant 0 : i32
    %dma_start3A_137 = arith.constant 0 : i32
    %dma_start3A_138 = tpu.memref_slice %arg2[%dma_start3A_136, %dma_start3A_137] : memref<10000x128xf32, #tpu.memory_space<hbm>> -> memref<10000x128xf32, #tpu.memory_space<hbm>>
    tpu.enqueue_indirect_dma source(%dma_start3A_138 : memref<10000x128xf32, #tpu.memory_space<hbm>>) target(%arg31 : memref<40x128xf32, #tpu.memory_space<vmem>>) offsets(%arg15 : memref<40xi32, #tpu.memory_space<vmem>>) semaphore(%arg48 : memref<!tpu.dma_semaphore, #tpu.memory_space<semaphore_mem>>)
    %dma_wait3A_139 = arith.constant 0 : i32
    %dma_wait3A_140 = arith.constant 0 : i32
    %dma_wait3A_141 = tpu.memref_slice %arg2[%dma_wait3A_139, %dma_wait3A_140] : memref<10000x128xf32, #tpu.memory_space<hbm>> -> memref<10000x128xf32, #tpu.memory_space<hbm>>
    tpu.wait_indirect_dma semaphore(%arg41 : memref<!tpu.dma_semaphore, #tpu.memory_space<semaphore_mem>>) src(%dma_wait3A_141 : memref<10000x128xf32, #tpu.memory_space<hbm>>) dst(%arg24 : memref<40x128xf32, #tpu.memory_space<vmem>>)
    %dma_start3A_142 = arith.constant 0 : i32
    %dma_start3A_143 = arith.constant 0 : i32
    %dma_start3A_144 = tpu.memref_slice %arg32[%dma_start3A_142, %dma_start3A_143] : memref<10000x128xf32, #tpu.memory_space<vmem_shared>> -> memref<10000x128xf32, #tpu.memory_space<vmem_shared>>
    tpu.enqueue_indirect_dma source(%arg24 : memref<40x128xf32, #tpu.memory_space<vmem>>) target(%dma_start3A_144 : memref<10000x128xf32, #tpu.memory_space<vmem_shared>>) offsets(%arg16 : memref<40xi32, #tpu.memory_space<vmem>>) semaphore(%arg49 : memref<!tpu.dma_semaphore, #tpu.memory_space<semaphore_mem>>) {add = true}
    %dma_wait3A_145 = arith.constant 0 : i32
    %dma_wait3A_146 = arith.constant 0 : i32
    %dma_wait3A_147 = tpu.memref_slice %arg2[%dma_wait3A_145, %dma_wait3A_146] : memref<10000x128xf32, #tpu.memory_space<hbm>> -> memref<10000x128xf32, #tpu.memory_space<hbm>>
    tpu.wait_indirect_dma semaphore(%arg42 : memref<!tpu.dma_semaphore, #tpu.memory_space<semaphore_mem>>) src(%dma_wait3A_147 : memref<10000x128xf32, #tpu.memory_space<hbm>>) dst(%arg25 : memref<40x128xf32, #tpu.memory_space<vmem>>)
    %dma_start3A_148 = arith.constant 0 : i32
    %dma_start3A_149 = arith.constant 0 : i32
    %dma_start3A_150 = tpu.memref_slice %arg32[%dma_start3A_148, %dma_start3A_149] : memref<10000x128xf32, #tpu.memory_space<vmem_shared>> -> memref<10000x128xf32, #tpu.memory_space<vmem_shared>>
    tpu.enqueue_indirect_dma source(%arg25 : memref<40x128xf32, #tpu.memory_space<vmem>>) target(%dma_start3A_150 : memref<10000x128xf32, #tpu.memory_space<vmem_shared>>) offsets(%arg17 : memref<40xi32, #tpu.memory_space<vmem>>) semaphore(%arg50 : memref<!tpu.dma_semaphore, #tpu.memory_space<semaphore_mem>>) {add = true}
    %dma_wait3A_151 = arith.constant 0 : i32
    %dma_wait3A_152 = arith.constant 0 : i32
    %dma_wait3A_153 = tpu.memref_slice %arg2[%dma_wait3A_151, %dma_wait3A_152] : memref<10000x128xf32, #tpu.memory_space<hbm>> -> memref<10000x128xf32, #tpu.memory_space<hbm>>
    tpu.wait_indirect_dma semaphore(%arg43 : memref<!tpu.dma_semaphore, #tpu.memory_space<semaphore_mem>>) src(%dma_wait3A_153 : memref<10000x128xf32, #tpu.memory_space<hbm>>) dst(%arg26 : memref<40x128xf32, #tpu.memory_space<vmem>>)
    %dma_start3A_154 = arith.constant 0 : i32
    %dma_start3A_155 = arith.constant 0 : i32
    %dma_start3A_156 = tpu.memref_slice %arg32[%dma_start3A_154, %dma_start3A_155] : memref<10000x128xf32, #tpu.memory_space<vmem_shared>> -> memref<10000x128xf32, #tpu.memory_space<vmem_shared>>
    tpu.enqueue_indirect_dma source(%arg26 : memref<40x128xf32, #tpu.memory_space<vmem>>) target(%dma_start3A_156 : memref<10000x128xf32, #tpu.memory_space<vmem_shared>>) offsets(%arg18 : memref<40xi32, #tpu.memory_space<vmem>>) semaphore(%arg51 : memref<!tpu.dma_semaphore, #tpu.memory_space<semaphore_mem>>) {add = true}
    %dma_wait3A_157 = arith.constant 0 : i32
    %dma_wait3A_158 = arith.constant 0 : i32
    %dma_wait3A_159 = tpu.memref_slice %arg2[%dma_wait3A_157, %dma_wait3A_158] : memref<10000x128xf32, #tpu.memory_space<hbm>> -> memref<10000x128xf32, #tpu.memory_space<hbm>>
    tpu.wait_indirect_dma semaphore(%arg44 : memref<!tpu.dma_semaphore, #tpu.memory_space<semaphore_mem>>) src(%dma_wait3A_159 : memref<10000x128xf32, #tpu.memory_space<hbm>>) dst(%arg27 : memref<40x128xf32, #tpu.memory_space<vmem>>)
    %dma_start3A_160 = arith.constant 0 : i32
    %dma_start3A_161 = arith.constant 0 : i32
    %dma_start3A_162 = tpu.memref_slice %arg32[%dma_start3A_160, %dma_start3A_161] : memref<10000x128xf32, #tpu.memory_space<vmem_shared>> -> memref<10000x128xf32, #tpu.memory_space<vmem_shared>>
    tpu.enqueue_indirect_dma source(%arg27 : memref<40x128xf32, #tpu.memory_space<vmem>>) target(%dma_start3A_162 : memref<10000x128xf32, #tpu.memory_space<vmem_shared>>) offsets(%arg19 : memref<40xi32, #tpu.memory_space<vmem>>) semaphore(%arg52 : memref<!tpu.dma_semaphore, #tpu.memory_space<semaphore_mem>>) {add = true}
    %dma_wait3A_163 = arith.constant 0 : i32
    %dma_wait3A_164 = arith.constant 0 : i32
    %dma_wait3A_165 = tpu.memref_slice %arg2[%dma_wait3A_163, %dma_wait3A_164] : memref<10000x128xf32, #tpu.memory_space<hbm>> -> memref<10000x128xf32, #tpu.memory_space<hbm>>
    tpu.wait_indirect_dma semaphore(%arg45 : memref<!tpu.dma_semaphore, #tpu.memory_space<semaphore_mem>>) src(%dma_wait3A_165 : memref<10000x128xf32, #tpu.memory_space<hbm>>) dst(%arg28 : memref<40x128xf32, #tpu.memory_space<vmem>>)
    %dma_start3A_166 = arith.constant 0 : i32
    %dma_start3A_167 = arith.constant 0 : i32
    %dma_start3A_168 = tpu.memref_slice %arg32[%dma_start3A_166, %dma_start3A_167] : memref<10000x128xf32, #tpu.memory_space<vmem_shared>> -> memref<10000x128xf32, #tpu.memory_space<vmem_shared>>
    tpu.enqueue_indirect_dma source(%arg28 : memref<40x128xf32, #tpu.memory_space<vmem>>) target(%dma_start3A_168 : memref<10000x128xf32, #tpu.memory_space<vmem_shared>>) offsets(%arg20 : memref<40xi32, #tpu.memory_space<vmem>>) semaphore(%arg53 : memref<!tpu.dma_semaphore, #tpu.memory_space<semaphore_mem>>) {add = true}
    %dma_wait3A_169 = arith.constant 0 : i32
    %dma_wait3A_170 = arith.constant 0 : i32
    %dma_wait3A_171 = tpu.memref_slice %arg2[%dma_wait3A_169, %dma_wait3A_170] : memref<10000x128xf32, #tpu.memory_space<hbm>> -> memref<10000x128xf32, #tpu.memory_space<hbm>>
    tpu.wait_indirect_dma semaphore(%arg46 : memref<!tpu.dma_semaphore, #tpu.memory_space<semaphore_mem>>) src(%dma_wait3A_171 : memref<10000x128xf32, #tpu.memory_space<hbm>>) dst(%arg29 : memref<40x128xf32, #tpu.memory_space<vmem>>)
    %dma_start3A_172 = arith.constant 0 : i32
    %dma_start3A_173 = arith.constant 0 : i32
    %dma_start3A_174 = tpu.memref_slice %arg32[%dma_start3A_172, %dma_start3A_173] : memref<10000x128xf32, #tpu.memory_space<vmem_shared>> -> memref<10000x128xf32, #tpu.memory_space<vmem_shared>>
    tpu.enqueue_indirect_dma source(%arg29 : memref<40x128xf32, #tpu.memory_space<vmem>>) target(%dma_start3A_174 : memref<10000x128xf32, #tpu.memory_space<vmem_shared>>) offsets(%arg21 : memref<40xi32, #tpu.memory_space<vmem>>) semaphore(%arg54 : memref<!tpu.dma_semaphore, #tpu.memory_space<semaphore_mem>>) {add = true}
    %dma_wait3A_175 = arith.constant 0 : i32
    %dma_wait3A_176 = arith.constant 0 : i32
    %dma_wait3A_177 = tpu.memref_slice %arg2[%dma_wait3A_175, %dma_wait3A_176] : memref<10000x128xf32, #tpu.memory_space<hbm>> -> memref<10000x128xf32, #tpu.memory_space<hbm>>
    tpu.wait_indirect_dma semaphore(%arg47 : memref<!tpu.dma_semaphore, #tpu.memory_space<semaphore_mem>>) src(%dma_wait3A_177 : memref<10000x128xf32, #tpu.memory_space<hbm>>) dst(%arg30 : memref<40x128xf32, #tpu.memory_space<vmem>>)
    %dma_start3A_178 = arith.constant 0 : i32
    %dma_start3A_179 = arith.constant 0 : i32
    %dma_start3A_180 = tpu.memref_slice %arg32[%dma_start3A_178, %dma_start3A_179] : memref<10000x128xf32, #tpu.memory_space<vmem_shared>> -> memref<10000x128xf32, #tpu.memory_space<vmem_shared>>
    tpu.enqueue_indirect_dma source(%arg30 : memref<40x128xf32, #tpu.memory_space<vmem>>) target(%dma_start3A_180 : memref<10000x128xf32, #tpu.memory_space<vmem_shared>>) offsets(%arg22 : memref<40xi32, #tpu.memory_space<vmem>>) semaphore(%arg55 : memref<!tpu.dma_semaphore, #tpu.memory_space<semaphore_mem>>) {add = true}
    %dma_wait3A_181 = arith.constant 0 : i32
    %dma_wait3A_182 = arith.constant 0 : i32
    %dma_wait3A_183 = tpu.memref_slice %arg2[%dma_wait3A_181, %dma_wait3A_182] : memref<10000x128xf32, #tpu.memory_space<hbm>> -> memref<10000x128xf32, #tpu.memory_space<hbm>>
    tpu.wait_indirect_dma semaphore(%arg48 : memref<!tpu.dma_semaphore, #tpu.memory_space<semaphore_mem>>) src(%dma_wait3A_183 : memref<10000x128xf32, #tpu.memory_space<hbm>>) dst(%arg31 : memref<40x128xf32, #tpu.memory_space<vmem>>)
    %dma_start3A_184 = arith.constant 0 : i32
    %dma_start3A_185 = arith.constant 0 : i32
    %dma_start3A_186 = tpu.memref_slice %arg32[%dma_start3A_184, %dma_start3A_185] : memref<10000x128xf32, #tpu.memory_space<vmem_shared>> -> memref<10000x128xf32, #tpu.memory_space<vmem_shared>>
    tpu.enqueue_indirect_dma source(%arg31 : memref<40x128xf32, #tpu.memory_space<vmem>>) target(%dma_start3A_186 : memref<10000x128xf32, #tpu.memory_space<vmem_shared>>) offsets(%arg23 : memref<40xi32, #tpu.memory_space<vmem>>) semaphore(%arg56 : memref<!tpu.dma_semaphore, #tpu.memory_space<semaphore_mem>>) {add = true}
    %scan3A = arith.constant 0 : i32
    %scan3A_187 = arith.constant 1 : i32
    %scan3A_188 = arith.constant 30 : i32
    %scan3A_189 = arith.addi %scan3A_187, %scan3A_188 : i32
    %scan3A_190 = arith.constant 1 : i32
    scf.for %scan3A_281 = %scan3A_187 to %scan3A_189 step %scan3A_190  : i32 {
      %mul3A_282 = arith.constant 8 : i32
      %mul3A_283 = arith.muli %scan3A_281, %mul3A_282 : i32
      %dma_wait3A_284 = arith.constant 0 : i32
      %dma_wait3A_285 = arith.constant 0 : i32
      %dma_wait3A_286 = tpu.memref_slice %arg32[%dma_wait3A_284, %dma_wait3A_285] : memref<10000x128xf32, #tpu.memory_space<vmem_shared>> -> memref<10000x128xf32, #tpu.memory_space<vmem_shared>>
      tpu.wait_indirect_dma semaphore(%arg49 : memref<!tpu.dma_semaphore, #tpu.memory_space<semaphore_mem>>) src(%arg24 : memref<40x128xf32, #tpu.memory_space<vmem>>) dst(%dma_wait3A_286 : memref<10000x128xf32, #tpu.memory_space<vmem_shared>>)
      %add3A_287 = arith.constant 0 : i32
      %add3A_288 = arith.addi %mul3A_283, %add3A_287 : i32
      %mul3A_289 = arith.constant 40 : i32
      %mul3A_290 = arith.muli %add3A_288, %mul3A_289 : i32
      %add3A_291 = arith.addi %mul3A_2, %mul3A_290 : i32
      %dma_start3A_292 = tpu.memref_slice %arg3[%add3A_291] : memref<320000xi32, #tpu.memory_space<hbm>> -> memref<40xi32, #tpu.memory_space<hbm>>
      %dma_start3A_293 = tpu.memref_slice %arg3[%add3A_291] : memref<320000xi32, #tpu.memory_space<hbm>> -> memref<40xi32, #tpu.memory_space<hbm>>
      tpu.enqueue_dma source(%dma_start3A_293 : memref<40xi32, #tpu.memory_space<hbm>>) target(%arg8 : memref<40xi32, #tpu.memory_space<vmem>>) target_semaphore(%arg33 : memref<!tpu.dma_semaphore, #tpu.memory_space<semaphore_mem>>)
      %dma_start3A_294 = tpu.memref_slice %arg4[%add3A_291] : memref<320000xi32, #tpu.memory_space<hbm>> -> memref<40xi32, #tpu.memory_space<hbm>>
      %dma_start3A_295 = tpu.memref_slice %arg4[%add3A_291] : memref<320000xi32, #tpu.memory_space<hbm>> -> memref<40xi32, #tpu.memory_space<hbm>>
      tpu.enqueue_dma source(%dma_start3A_295 : memref<40xi32, #tpu.memory_space<hbm>>) target(%arg16 : memref<40xi32, #tpu.memory_space<vmem>>) target_semaphore(%arg33 : memref<!tpu.dma_semaphore, #tpu.memory_space<semaphore_mem>>)
      %dma_wait3A_296 = arith.constant 0 : i32
      %dma_wait3A_297 = arith.constant 0 : i32
      %dma_wait3A_298 = tpu.memref_slice %arg32[%dma_wait3A_296, %dma_wait3A_297] : memref<10000x128xf32, #tpu.memory_space<vmem_shared>> -> memref<10000x128xf32, #tpu.memory_space<vmem_shared>>
      tpu.wait_indirect_dma semaphore(%arg50 : memref<!tpu.dma_semaphore, #tpu.memory_space<semaphore_mem>>) src(%arg25 : memref<40x128xf32, #tpu.memory_space<vmem>>) dst(%dma_wait3A_298 : memref<10000x128xf32, #tpu.memory_space<vmem_shared>>)
      %add3A_299 = arith.constant 1 : i32
      %add3A_300 = arith.addi %mul3A_283, %add3A_299 : i32
      %mul3A_301 = arith.constant 40 : i32
      %mul3A_302 = arith.muli %add3A_300, %mul3A_301 : i32
      %add3A_303 = arith.addi %mul3A_2, %mul3A_302 : i32
      %dma_start3A_304 = tpu.memref_slice %arg3[%add3A_303] : memref<320000xi32, #tpu.memory_space<hbm>> -> memref<40xi32, #tpu.memory_space<hbm>>
      %dma_start3A_305 = tpu.memref_slice %arg3[%add3A_303] : memref<320000xi32, #tpu.memory_space<hbm>> -> memref<40xi32, #tpu.memory_space<hbm>>
      tpu.enqueue_dma source(%dma_start3A_305 : memref<40xi32, #tpu.memory_space<hbm>>) target(%arg9 : memref<40xi32, #tpu.memory_space<vmem>>) target_semaphore(%arg34 : memref<!tpu.dma_semaphore, #tpu.memory_space<semaphore_mem>>)
      %dma_start3A_306 = tpu.memref_slice %arg4[%add3A_303] : memref<320000xi32, #tpu.memory_space<hbm>> -> memref<40xi32, #tpu.memory_space<hbm>>
      %dma_start3A_307 = tpu.memref_slice %arg4[%add3A_303] : memref<320000xi32, #tpu.memory_space<hbm>> -> memref<40xi32, #tpu.memory_space<hbm>>
      tpu.enqueue_dma source(%dma_start3A_307 : memref<40xi32, #tpu.memory_space<hbm>>) target(%arg17 : memref<40xi32, #tpu.memory_space<vmem>>) target_semaphore(%arg34 : memref<!tpu.dma_semaphore, #tpu.memory_space<semaphore_mem>>)
      %dma_wait3A_308 = arith.constant 0 : i32
      %dma_wait3A_309 = arith.constant 0 : i32
      %dma_wait3A_310 = tpu.memref_slice %arg32[%dma_wait3A_308, %dma_wait3A_309] : memref<10000x128xf32, #tpu.memory_space<vmem_shared>> -> memref<10000x128xf32, #tpu.memory_space<vmem_shared>>
      tpu.wait_indirect_dma semaphore(%arg51 : memref<!tpu.dma_semaphore, #tpu.memory_space<semaphore_mem>>) src(%arg26 : memref<40x128xf32, #tpu.memory_space<vmem>>) dst(%dma_wait3A_310 : memref<10000x128xf32, #tpu.memory_space<vmem_shared>>)
      %add3A_311 = arith.constant 2 : i32
      %add3A_312 = arith.addi %mul3A_283, %add3A_311 : i32
      %mul3A_313 = arith.constant 40 : i32
      %mul3A_314 = arith.muli %add3A_312, %mul3A_313 : i32
      %add3A_315 = arith.addi %mul3A_2, %mul3A_314 : i32
      %dma_start3A_316 = tpu.memref_slice %arg3[%add3A_315] : memref<320000xi32, #tpu.memory_space<hbm>> -> memref<40xi32, #tpu.memory_space<hbm>>
      %dma_start3A_317 = tpu.memref_slice %arg3[%add3A_315] : memref<320000xi32, #tpu.memory_space<hbm>> -> memref<40xi32, #tpu.memory_space<hbm>>
      tpu.enqueue_dma source(%dma_start3A_317 : memref<40xi32, #tpu.memory_space<hbm>>) target(%arg10 : memref<40xi32, #tpu.memory_space<vmem>>) target_semaphore(%arg35 : memref<!tpu.dma_semaphore, #tpu.memory_space<semaphore_mem>>)
      %dma_start3A_318 = tpu.memref_slice %arg4[%add3A_315] : memref<320000xi32, #tpu.memory_space<hbm>> -> memref<40xi32, #tpu.memory_space<hbm>>
      %dma_start3A_319 = tpu.memref_slice %arg4[%add3A_315] : memref<320000xi32, #tpu.memory_space<hbm>> -> memref<40xi32, #tpu.memory_space<hbm>>
      tpu.enqueue_dma source(%dma_start3A_319 : memref<40xi32, #tpu.memory_space<hbm>>) target(%arg18 : memref<40xi32, #tpu.memory_space<vmem>>) target_semaphore(%arg35 : memref<!tpu.dma_semaphore, #tpu.memory_space<semaphore_mem>>)
      %dma_wait3A_320 = arith.constant 0 : i32
      %dma_wait3A_321 = arith.constant 0 : i32
      %dma_wait3A_322 = tpu.memref_slice %arg32[%dma_wait3A_320, %dma_wait3A_321] : memref<10000x128xf32, #tpu.memory_space<vmem_shared>> -> memref<10000x128xf32, #tpu.memory_space<vmem_shared>>
      tpu.wait_indirect_dma semaphore(%arg52 : memref<!tpu.dma_semaphore, #tpu.memory_space<semaphore_mem>>) src(%arg27 : memref<40x128xf32, #tpu.memory_space<vmem>>) dst(%dma_wait3A_322 : memref<10000x128xf32, #tpu.memory_space<vmem_shared>>)
      %add3A_323 = arith.constant 3 : i32
      %add3A_324 = arith.addi %mul3A_283, %add3A_323 : i32
      %mul3A_325 = arith.constant 40 : i32
      %mul3A_326 = arith.muli %add3A_324, %mul3A_325 : i32
      %add3A_327 = arith.addi %mul3A_2, %mul3A_326 : i32
      %dma_start3A_328 = tpu.memref_slice %arg3[%add3A_327] : memref<320000xi32, #tpu.memory_space<hbm>> -> memref<40xi32, #tpu.memory_space<hbm>>
      %dma_start3A_329 = tpu.memref_slice %arg3[%add3A_327] : memref<320000xi32, #tpu.memory_space<hbm>> -> memref<40xi32, #tpu.memory_space<hbm>>
      tpu.enqueue_dma source(%dma_start3A_329 : memref<40xi32, #tpu.memory_space<hbm>>) target(%arg11 : memref<40xi32, #tpu.memory_space<vmem>>) target_semaphore(%arg36 : memref<!tpu.dma_semaphore, #tpu.memory_space<semaphore_mem>>)
      %dma_start3A_330 = tpu.memref_slice %arg4[%add3A_327] : memref<320000xi32, #tpu.memory_space<hbm>> -> memref<40xi32, #tpu.memory_space<hbm>>
      %dma_start3A_331 = tpu.memref_slice %arg4[%add3A_327] : memref<320000xi32, #tpu.memory_space<hbm>> -> memref<40xi32, #tpu.memory_space<hbm>>
      tpu.enqueue_dma source(%dma_start3A_331 : memref<40xi32, #tpu.memory_space<hbm>>) target(%arg19 : memref<40xi32, #tpu.memory_space<vmem>>) target_semaphore(%arg36 : memref<!tpu.dma_semaphore, #tpu.memory_space<semaphore_mem>>)
      %dma_wait3A_332 = arith.constant 0 : i32
      %dma_wait3A_333 = arith.constant 0 : i32
      %dma_wait3A_334 = tpu.memref_slice %arg32[%dma_wait3A_332, %dma_wait3A_333] : memref<10000x128xf32, #tpu.memory_space<vmem_shared>> -> memref<10000x128xf32, #tpu.memory_space<vmem_shared>>
      tpu.wait_indirect_dma semaphore(%arg53 : memref<!tpu.dma_semaphore, #tpu.memory_space<semaphore_mem>>) src(%arg28 : memref<40x128xf32, #tpu.memory_space<vmem>>) dst(%dma_wait3A_334 : memref<10000x128xf32, #tpu.memory_space<vmem_shared>>)
      %add3A_335 = arith.constant 4 : i32
      %add3A_336 = arith.addi %mul3A_283, %add3A_335 : i32
      %mul3A_337 = arith.constant 40 : i32
      %mul3A_338 = arith.muli %add3A_336, %mul3A_337 : i32
      %add3A_339 = arith.addi %mul3A_2, %mul3A_338 : i32
      %dma_start3A_340 = tpu.memref_slice %arg3[%add3A_339] : memref<320000xi32, #tpu.memory_space<hbm>> -> memref<40xi32, #tpu.memory_space<hbm>>
      %dma_start3A_341 = tpu.memref_slice %arg3[%add3A_339] : memref<320000xi32, #tpu.memory_space<hbm>> -> memref<40xi32, #tpu.memory_space<hbm>>
      tpu.enqueue_dma source(%dma_start3A_341 : memref<40xi32, #tpu.memory_space<hbm>>) target(%arg12 : memref<40xi32, #tpu.memory_space<vmem>>) target_semaphore(%arg37 : memref<!tpu.dma_semaphore, #tpu.memory_space<semaphore_mem>>)
      %dma_start3A_342 = tpu.memref_slice %arg4[%add3A_339] : memref<320000xi32, #tpu.memory_space<hbm>> -> memref<40xi32, #tpu.memory_space<hbm>>
      %dma_start3A_343 = tpu.memref_slice %arg4[%add3A_339] : memref<320000xi32, #tpu.memory_space<hbm>> -> memref<40xi32, #tpu.memory_space<hbm>>
      tpu.enqueue_dma source(%dma_start3A_343 : memref<40xi32, #tpu.memory_space<hbm>>) target(%arg20 : memref<40xi32, #tpu.memory_space<vmem>>) target_semaphore(%arg37 : memref<!tpu.dma_semaphore, #tpu.memory_space<semaphore_mem>>)
      %dma_wait3A_344 = arith.constant 0 : i32
      %dma_wait3A_345 = arith.constant 0 : i32
      %dma_wait3A_346 = tpu.memref_slice %arg32[%dma_wait3A_344, %dma_wait3A_345] : memref<10000x128xf32, #tpu.memory_space<vmem_shared>> -> memref<10000x128xf32, #tpu.memory_space<vmem_shared>>
      tpu.wait_indirect_dma semaphore(%arg54 : memref<!tpu.dma_semaphore, #tpu.memory_space<semaphore_mem>>) src(%arg29 : memref<40x128xf32, #tpu.memory_space<vmem>>) dst(%dma_wait3A_346 : memref<10000x128xf32, #tpu.memory_space<vmem_shared>>)
      %add3A_347 = arith.constant 5 : i32
      %add3A_348 = arith.addi %mul3A_283, %add3A_347 : i32
      %mul3A_349 = arith.constant 40 : i32
      %mul3A_350 = arith.muli %add3A_348, %mul3A_349 : i32
      %add3A_351 = arith.addi %mul3A_2, %mul3A_350 : i32
      %dma_start3A_352 = tpu.memref_slice %arg3[%add3A_351] : memref<320000xi32, #tpu.memory_space<hbm>> -> memref<40xi32, #tpu.memory_space<hbm>>
      %dma_start3A_353 = tpu.memref_slice %arg3[%add3A_351] : memref<320000xi32, #tpu.memory_space<hbm>> -> memref<40xi32, #tpu.memory_space<hbm>>
      tpu.enqueue_dma source(%dma_start3A_353 : memref<40xi32, #tpu.memory_space<hbm>>) target(%arg13 : memref<40xi32, #tpu.memory_space<vmem>>) target_semaphore(%arg38 : memref<!tpu.dma_semaphore, #tpu.memory_space<semaphore_mem>>)
      %dma_start3A_354 = tpu.memref_slice %arg4[%add3A_351] : memref<320000xi32, #tpu.memory_space<hbm>> -> memref<40xi32, #tpu.memory_space<hbm>>
      %dma_start3A_355 = tpu.memref_slice %arg4[%add3A_351] : memref<320000xi32, #tpu.memory_space<hbm>> -> memref<40xi32, #tpu.memory_space<hbm>>
      tpu.enqueue_dma source(%dma_start3A_355 : memref<40xi32, #tpu.memory_space<hbm>>) target(%arg21 : memref<40xi32, #tpu.memory_space<vmem>>) target_semaphore(%arg38 : memref<!tpu.dma_semaphore, #tpu.memory_space<semaphore_mem>>)
      %dma_wait3A_356 = arith.constant 0 : i32
      %dma_wait3A_357 = arith.constant 0 : i32
      %dma_wait3A_358 = tpu.memref_slice %arg32[%dma_wait3A_356, %dma_wait3A_357] : memref<10000x128xf32, #tpu.memory_space<vmem_shared>> -> memref<10000x128xf32, #tpu.memory_space<vmem_shared>>
      tpu.wait_indirect_dma semaphore(%arg55 : memref<!tpu.dma_semaphore, #tpu.memory_space<semaphore_mem>>) src(%arg30 : memref<40x128xf32, #tpu.memory_space<vmem>>) dst(%dma_wait3A_358 : memref<10000x128xf32, #tpu.memory_space<vmem_shared>>)
      %add3A_359 = arith.constant 6 : i32
      %add3A_360 = arith.addi %mul3A_283, %add3A_359 : i32
      %mul3A_361 = arith.constant 40 : i32
      %mul3A_362 = arith.muli %add3A_360, %mul3A_361 : i32
      %add3A_363 = arith.addi %mul3A_2, %mul3A_362 : i32
      %dma_start3A_364 = tpu.memref_slice %arg3[%add3A_363] : memref<320000xi32, #tpu.memory_space<hbm>> -> memref<40xi32, #tpu.memory_space<hbm>>
      %dma_start3A_365 = tpu.memref_slice %arg3[%add3A_363] : memref<320000xi32, #tpu.memory_space<hbm>> -> memref<40xi32, #tpu.memory_space<hbm>>
      tpu.enqueue_dma source(%dma_start3A_365 : memref<40xi32, #tpu.memory_space<hbm>>) target(%arg14 : memref<40xi32, #tpu.memory_space<vmem>>) target_semaphore(%arg39 : memref<!tpu.dma_semaphore, #tpu.memory_space<semaphore_mem>>)
      %dma_start3A_366 = tpu.memref_slice %arg4[%add3A_363] : memref<320000xi32, #tpu.memory_space<hbm>> -> memref<40xi32, #tpu.memory_space<hbm>>
      %dma_start3A_367 = tpu.memref_slice %arg4[%add3A_363] : memref<320000xi32, #tpu.memory_space<hbm>> -> memref<40xi32, #tpu.memory_space<hbm>>
      tpu.enqueue_dma source(%dma_start3A_367 : memref<40xi32, #tpu.memory_space<hbm>>) target(%arg22 : memref<40xi32, #tpu.memory_space<vmem>>) target_semaphore(%arg39 : memref<!tpu.dma_semaphore, #tpu.memory_space<semaphore_mem>>)
      %dma_wait3A_368 = arith.constant 0 : i32
      %dma_wait3A_369 = arith.constant 0 : i32
      %dma_wait3A_370 = tpu.memref_slice %arg32[%dma_wait3A_368, %dma_wait3A_369] : memref<10000x128xf32, #tpu.memory_space<vmem_shared>> -> memref<10000x128xf32, #tpu.memory_space<vmem_shared>>
      tpu.wait_indirect_dma semaphore(%arg56 : memref<!tpu.dma_semaphore, #tpu.memory_space<semaphore_mem>>) src(%arg31 : memref<40x128xf32, #tpu.memory_space<vmem>>) dst(%dma_wait3A_370 : memref<10000x128xf32, #tpu.memory_space<vmem_shared>>)
      %add3A_371 = arith.constant 7 : i32
      %add3A_372 = arith.addi %mul3A_283, %add3A_371 : i32
      %mul3A_373 = arith.constant 40 : i32
      %mul3A_374 = arith.muli %add3A_372, %mul3A_373 : i32
      %add3A_375 = arith.addi %mul3A_2, %mul3A_374 : i32
      %dma_start3A_376 = tpu.memref_slice %arg3[%add3A_375] : memref<320000xi32, #tpu.memory_space<hbm>> -> memref<40xi32, #tpu.memory_space<hbm>>
      %dma_start3A_377 = tpu.memref_slice %arg3[%add3A_375] : memref<320000xi32, #tpu.memory_space<hbm>> -> memref<40xi32, #tpu.memory_space<hbm>>
      tpu.enqueue_dma source(%dma_start3A_377 : memref<40xi32, #tpu.memory_space<hbm>>) target(%arg15 : memref<40xi32, #tpu.memory_space<vmem>>) target_semaphore(%arg40 : memref<!tpu.dma_semaphore, #tpu.memory_space<semaphore_mem>>)
      %dma_start3A_378 = tpu.memref_slice %arg4[%add3A_375] : memref<320000xi32, #tpu.memory_space<hbm>> -> memref<40xi32, #tpu.memory_space<hbm>>
      %dma_start3A_379 = tpu.memref_slice %arg4[%add3A_375] : memref<320000xi32, #tpu.memory_space<hbm>> -> memref<40xi32, #tpu.memory_space<hbm>>
      tpu.enqueue_dma source(%dma_start3A_379 : memref<40xi32, #tpu.memory_space<hbm>>) target(%arg23 : memref<40xi32, #tpu.memory_space<vmem>>) target_semaphore(%arg40 : memref<!tpu.dma_semaphore, #tpu.memory_space<semaphore_mem>>)
      %dma_wait3A_380 = arith.constant 0 : i32
      %dma_wait3A_381 = tpu.memref_slice %arg3[%dma_wait3A_380] : memref<320000xi32, #tpu.memory_space<hbm>> -> memref<40xi32, #tpu.memory_space<hbm>>
      %dma_wait3A_382 = arith.constant 0 : i32
      %dma_wait3A_383 = tpu.memref_slice %arg3[%dma_wait3A_382] : memref<320000xi32, #tpu.memory_space<hbm>> -> memref<40xi32, #tpu.memory_space<hbm>>
      tpu.wait_dma2 semaphore(%arg33 : memref<!tpu.dma_semaphore, #tpu.memory_space<semaphore_mem>>) src(%dma_wait3A_383 : memref<40xi32, #tpu.memory_space<hbm>>) dst(%arg8 : memref<40xi32, #tpu.memory_space<vmem>>)
      %dma_wait3A_384 = arith.constant 0 : i32
      %dma_wait3A_385 = tpu.memref_slice %arg4[%dma_wait3A_384] : memref<320000xi32, #tpu.memory_space<hbm>> -> memref<40xi32, #tpu.memory_space<hbm>>
      %dma_wait3A_386 = arith.constant 0 : i32
      %dma_wait3A_387 = tpu.memref_slice %arg4[%dma_wait3A_386] : memref<320000xi32, #tpu.memory_space<hbm>> -> memref<40xi32, #tpu.memory_space<hbm>>
      tpu.wait_dma2 semaphore(%arg33 : memref<!tpu.dma_semaphore, #tpu.memory_space<semaphore_mem>>) src(%dma_wait3A_387 : memref<40xi32, #tpu.memory_space<hbm>>) dst(%arg16 : memref<40xi32, #tpu.memory_space<vmem>>)
      %dma_start3A_388 = arith.constant 0 : i32
      %dma_start3A_389 = arith.constant 0 : i32
      %dma_start3A_390 = tpu.memref_slice %arg2[%dma_start3A_388, %dma_start3A_389] : memref<10000x128xf32, #tpu.memory_space<hbm>> -> memref<10000x128xf32, #tpu.memory_space<hbm>>
      tpu.enqueue_indirect_dma source(%dma_start3A_390 : memref<10000x128xf32, #tpu.memory_space<hbm>>) target(%arg24 : memref<40x128xf32, #tpu.memory_space<vmem>>) offsets(%arg8 : memref<40xi32, #tpu.memory_space<vmem>>) semaphore(%arg41 : memref<!tpu.dma_semaphore, #tpu.memory_space<semaphore_mem>>)
      %dma_wait3A_391 = arith.constant 0 : i32
      %dma_wait3A_392 = tpu.memref_slice %arg3[%dma_wait3A_391] : memref<320000xi32, #tpu.memory_space<hbm>> -> memref<40xi32, #tpu.memory_space<hbm>>
      %dma_wait3A_393 = arith.constant 0 : i32
      %dma_wait3A_394 = tpu.memref_slice %arg3[%dma_wait3A_393] : memref<320000xi32, #tpu.memory_space<hbm>> -> memref<40xi32, #tpu.memory_space<hbm>>
      tpu.wait_dma2 semaphore(%arg34 : memref<!tpu.dma_semaphore, #tpu.memory_space<semaphore_mem>>) src(%dma_wait3A_394 : memref<40xi32, #tpu.memory_space<hbm>>) dst(%arg9 : memref<40xi32, #tpu.memory_space<vmem>>)
      %dma_wait3A_395 = arith.constant 0 : i32
      %dma_wait3A_396 = tpu.memref_slice %arg4[%dma_wait3A_395] : memref<320000xi32, #tpu.memory_space<hbm>> -> memref<40xi32, #tpu.memory_space<hbm>>
      %dma_wait3A_397 = arith.constant 0 : i32
      %dma_wait3A_398 = tpu.memref_slice %arg4[%dma_wait3A_397] : memref<320000xi32, #tpu.memory_space<hbm>> -> memref<40xi32, #tpu.memory_space<hbm>>
      tpu.wait_dma2 semaphore(%arg34 : memref<!tpu.dma_semaphore, #tpu.memory_space<semaphore_mem>>) src(%dma_wait3A_398 : memref<40xi32, #tpu.memory_space<hbm>>) dst(%arg17 : memref<40xi32, #tpu.memory_space<vmem>>)
      %dma_start3A_399 = arith.constant 0 : i32
      %dma_start3A_400 = arith.constant 0 : i32
      %dma_start3A_401 = tpu.memref_slice %arg2[%dma_start3A_399, %dma_start3A_400] : memref<10000x128xf32, #tpu.memory_space<hbm>> -> memref<10000x128xf32, #tpu.memory_space<hbm>>
      tpu.enqueue_indirect_dma source(%dma_start3A_401 : memref<10000x128xf32, #tpu.memory_space<hbm>>) target(%arg25 : memref<40x128xf32, #tpu.memory_space<vmem>>) offsets(%arg9 : memref<40xi32, #tpu.memory_space<vmem>>) semaphore(%arg42 : memref<!tpu.dma_semaphore, #tpu.memory_space<semaphore_mem>>)
      %dma_wait3A_402 = arith.constant 0 : i32
      %dma_wait3A_403 = tpu.memref_slice %arg3[%dma_wait3A_402] : memref<320000xi32, #tpu.memory_space<hbm>> -> memref<40xi32, #tpu.memory_space<hbm>>
      %dma_wait3A_404 = arith.constant 0 : i32
      %dma_wait3A_405 = tpu.memref_slice %arg3[%dma_wait3A_404] : memref<320000xi32, #tpu.memory_space<hbm>> -> memref<40xi32, #tpu.memory_space<hbm>>
      tpu.wait_dma2 semaphore(%arg35 : memref<!tpu.dma_semaphore, #tpu.memory_space<semaphore_mem>>) src(%dma_wait3A_405 : memref<40xi32, #tpu.memory_space<hbm>>) dst(%arg10 : memref<40xi32, #tpu.memory_space<vmem>>)
      %dma_wait3A_406 = arith.constant 0 : i32
      %dma_wait3A_407 = tpu.memref_slice %arg4[%dma_wait3A_406] : memref<320000xi32, #tpu.memory_space<hbm>> -> memref<40xi32, #tpu.memory_space<hbm>>
      %dma_wait3A_408 = arith.constant 0 : i32
      %dma_wait3A_409 = tpu.memref_slice %arg4[%dma_wait3A_408] : memref<320000xi32, #tpu.memory_space<hbm>> -> memref<40xi32, #tpu.memory_space<hbm>>
      tpu.wait_dma2 semaphore(%arg35 : memref<!tpu.dma_semaphore, #tpu.memory_space<semaphore_mem>>) src(%dma_wait3A_409 : memref<40xi32, #tpu.memory_space<hbm>>) dst(%arg18 : memref<40xi32, #tpu.memory_space<vmem>>)
      %dma_start3A_410 = arith.constant 0 : i32
      %dma_start3A_411 = arith.constant 0 : i32
      %dma_start3A_412 = tpu.memref_slice %arg2[%dma_start3A_410, %dma_start3A_411] : memref<10000x128xf32, #tpu.memory_space<hbm>> -> memref<10000x128xf32, #tpu.memory_space<hbm>>
      tpu.enqueue_indirect_dma source(%dma_start3A_412 : memref<10000x128xf32, #tpu.memory_space<hbm>>) target(%arg26 : memref<40x128xf32, #tpu.memory_space<vmem>>) offsets(%arg10 : memref<40xi32, #tpu.memory_space<vmem>>) semaphore(%arg43 : memref<!tpu.dma_semaphore, #tpu.memory_space<semaphore_mem>>)
      %dma_wait3A_413 = arith.constant 0 : i32
      %dma_wait3A_414 = tpu.memref_slice %arg3[%dma_wait3A_413] : memref<320000xi32, #tpu.memory_space<hbm>> -> memref<40xi32, #tpu.memory_space<hbm>>
      %dma_wait3A_415 = arith.constant 0 : i32
      %dma_wait3A_416 = tpu.memref_slice %arg3[%dma_wait3A_415] : memref<320000xi32, #tpu.memory_space<hbm>> -> memref<40xi32, #tpu.memory_space<hbm>>
      tpu.wait_dma2 semaphore(%arg36 : memref<!tpu.dma_semaphore, #tpu.memory_space<semaphore_mem>>) src(%dma_wait3A_416 : memref<40xi32, #tpu.memory_space<hbm>>) dst(%arg11 : memref<40xi32, #tpu.memory_space<vmem>>)
      %dma_wait3A_417 = arith.constant 0 : i32
      %dma_wait3A_418 = tpu.memref_slice %arg4[%dma_wait3A_417] : memref<320000xi32, #tpu.memory_space<hbm>> -> memref<40xi32, #tpu.memory_space<hbm>>
      %dma_wait3A_419 = arith.constant 0 : i32
      %dma_wait3A_420 = tpu.memref_slice %arg4[%dma_wait3A_419] : memref<320000xi32, #tpu.memory_space<hbm>> -> memref<40xi32, #tpu.memory_space<hbm>>
      tpu.wait_dma2 semaphore(%arg36 : memref<!tpu.dma_semaphore, #tpu.memory_space<semaphore_mem>>) src(%dma_wait3A_420 : memref<40xi32, #tpu.memory_space<hbm>>) dst(%arg19 : memref<40xi32, #tpu.memory_space<vmem>>)
      %dma_start3A_421 = arith.constant 0 : i32
      %dma_start3A_422 = arith.constant 0 : i32
      %dma_start3A_423 = tpu.memref_slice %arg2[%dma_start3A_421, %dma_start3A_422] : memref<10000x128xf32, #tpu.memory_space<hbm>> -> memref<10000x128xf32, #tpu.memory_space<hbm>>
      tpu.enqueue_indirect_dma source(%dma_start3A_423 : memref<10000x128xf32, #tpu.memory_space<hbm>>) target(%arg27 : memref<40x128xf32, #tpu.memory_space<vmem>>) offsets(%arg11 : memref<40xi32, #tpu.memory_space<vmem>>) semaphore(%arg44 : memref<!tpu.dma_semaphore, #tpu.memory_space<semaphore_mem>>)
      %dma_wait3A_424 = arith.constant 0 : i32
      %dma_wait3A_425 = tpu.memref_slice %arg3[%dma_wait3A_424] : memref<320000xi32, #tpu.memory_space<hbm>> -> memref<40xi32, #tpu.memory_space<hbm>>
      %dma_wait3A_426 = arith.constant 0 : i32
      %dma_wait3A_427 = tpu.memref_slice %arg3[%dma_wait3A_426] : memref<320000xi32, #tpu.memory_space<hbm>> -> memref<40xi32, #tpu.memory_space<hbm>>
      tpu.wait_dma2 semaphore(%arg37 : memref<!tpu.dma_semaphore, #tpu.memory_space<semaphore_mem>>) src(%dma_wait3A_427 : memref<40xi32, #tpu.memory_space<hbm>>) dst(%arg12 : memref<40xi32, #tpu.memory_space<vmem>>)
      %dma_wait3A_428 = arith.constant 0 : i32
      %dma_wait3A_429 = tpu.memref_slice %arg4[%dma_wait3A_428] : memref<320000xi32, #tpu.memory_space<hbm>> -> memref<40xi32, #tpu.memory_space<hbm>>
      %dma_wait3A_430 = arith.constant 0 : i32
      %dma_wait3A_431 = tpu.memref_slice %arg4[%dma_wait3A_430] : memref<320000xi32, #tpu.memory_space<hbm>> -> memref<40xi32, #tpu.memory_space<hbm>>
      tpu.wait_dma2 semaphore(%arg37 : memref<!tpu.dma_semaphore, #tpu.memory_space<semaphore_mem>>) src(%dma_wait3A_431 : memref<40xi32, #tpu.memory_space<hbm>>) dst(%arg20 : memref<40xi32, #tpu.memory_space<vmem>>)
      %dma_start3A_432 = arith.constant 0 : i32
      %dma_start3A_433 = arith.constant 0 : i32
      %dma_start3A_434 = tpu.memref_slice %arg2[%dma_start3A_432, %dma_start3A_433] : memref<10000x128xf32, #tpu.memory_space<hbm>> -> memref<10000x128xf32, #tpu.memory_space<hbm>>
      tpu.enqueue_indirect_dma source(%dma_start3A_434 : memref<10000x128xf32, #tpu.memory_space<hbm>>) target(%arg28 : memref<40x128xf32, #tpu.memory_space<vmem>>) offsets(%arg12 : memref<40xi32, #tpu.memory_space<vmem>>) semaphore(%arg45 : memref<!tpu.dma_semaphore, #tpu.memory_space<semaphore_mem>>)
      %dma_wait3A_435 = arith.constant 0 : i32
      %dma_wait3A_436 = tpu.memref_slice %arg3[%dma_wait3A_435] : memref<320000xi32, #tpu.memory_space<hbm>> -> memref<40xi32, #tpu.memory_space<hbm>>
      %dma_wait3A_437 = arith.constant 0 : i32
      %dma_wait3A_438 = tpu.memref_slice %arg3[%dma_wait3A_437] : memref<320000xi32, #tpu.memory_space<hbm>> -> memref<40xi32, #tpu.memory_space<hbm>>
      tpu.wait_dma2 semaphore(%arg38 : memref<!tpu.dma_semaphore, #tpu.memory_space<semaphore_mem>>) src(%dma_wait3A_438 : memref<40xi32, #tpu.memory_space<hbm>>) dst(%arg13 : memref<40xi32, #tpu.memory_space<vmem>>)
      %dma_wait3A_439 = arith.constant 0 : i32
      %dma_wait3A_440 = tpu.memref_slice %arg4[%dma_wait3A_439] : memref<320000xi32, #tpu.memory_space<hbm>> -> memref<40xi32, #tpu.memory_space<hbm>>
      %dma_wait3A_441 = arith.constant 0 : i32
      %dma_wait3A_442 = tpu.memref_slice %arg4[%dma_wait3A_441] : memref<320000xi32, #tpu.memory_space<hbm>> -> memref<40xi32, #tpu.memory_space<hbm>>
      tpu.wait_dma2 semaphore(%arg38 : memref<!tpu.dma_semaphore, #tpu.memory_space<semaphore_mem>>) src(%dma_wait3A_442 : memref<40xi32, #tpu.memory_space<hbm>>) dst(%arg21 : memref<40xi32, #tpu.memory_space<vmem>>)
      %dma_start3A_443 = arith.constant 0 : i32
      %dma_start3A_444 = arith.constant 0 : i32
      %dma_start3A_445 = tpu.memref_slice %arg2[%dma_start3A_443, %dma_start3A_444] : memref<10000x128xf32, #tpu.memory_space<hbm>> -> memref<10000x128xf32, #tpu.memory_space<hbm>>
      tpu.enqueue_indirect_dma source(%dma_start3A_445 : memref<10000x128xf32, #tpu.memory_space<hbm>>) target(%arg29 : memref<40x128xf32, #tpu.memory_space<vmem>>) offsets(%arg13 : memref<40xi32, #tpu.memory_space<vmem>>) semaphore(%arg46 : memref<!tpu.dma_semaphore, #tpu.memory_space<semaphore_mem>>)
      %dma_wait3A_446 = arith.constant 0 : i32
      %dma_wait3A_447 = tpu.memref_slice %arg3[%dma_wait3A_446] : memref<320000xi32, #tpu.memory_space<hbm>> -> memref<40xi32, #tpu.memory_space<hbm>>
      %dma_wait3A_448 = arith.constant 0 : i32
      %dma_wait3A_449 = tpu.memref_slice %arg3[%dma_wait3A_448] : memref<320000xi32, #tpu.memory_space<hbm>> -> memref<40xi32, #tpu.memory_space<hbm>>
      tpu.wait_dma2 semaphore(%arg39 : memref<!tpu.dma_semaphore, #tpu.memory_space<semaphore_mem>>) src(%dma_wait3A_449 : memref<40xi32, #tpu.memory_space<hbm>>) dst(%arg14 : memref<40xi32, #tpu.memory_space<vmem>>)
      %dma_wait3A_450 = arith.constant 0 : i32
      %dma_wait3A_451 = tpu.memref_slice %arg4[%dma_wait3A_450] : memref<320000xi32, #tpu.memory_space<hbm>> -> memref<40xi32, #tpu.memory_space<hbm>>
      %dma_wait3A_452 = arith.constant 0 : i32
      %dma_wait3A_453 = tpu.memref_slice %arg4[%dma_wait3A_452] : memref<320000xi32, #tpu.memory_space<hbm>> -> memref<40xi32, #tpu.memory_space<hbm>>
      tpu.wait_dma2 semaphore(%arg39 : memref<!tpu.dma_semaphore, #tpu.memory_space<semaphore_mem>>) src(%dma_wait3A_453 : memref<40xi32, #tpu.memory_space<hbm>>) dst(%arg22 : memref<40xi32, #tpu.memory_space<vmem>>)
      %dma_start3A_454 = arith.constant 0 : i32
      %dma_start3A_455 = arith.constant 0 : i32
      %dma_start3A_456 = tpu.memref_slice %arg2[%dma_start3A_454, %dma_start3A_455] : memref<10000x128xf32, #tpu.memory_space<hbm>> -> memref<10000x128xf32, #tpu.memory_space<hbm>>
      tpu.enqueue_indirect_dma source(%dma_start3A_456 : memref<10000x128xf32, #tpu.memory_space<hbm>>) target(%arg30 : memref<40x128xf32, #tpu.memory_space<vmem>>) offsets(%arg14 : memref<40xi32, #tpu.memory_space<vmem>>) semaphore(%arg47 : memref<!tpu.dma_semaphore, #tpu.memory_space<semaphore_mem>>)
      %dma_wait3A_457 = arith.constant 0 : i32
      %dma_wait3A_458 = tpu.memref_slice %arg3[%dma_wait3A_457] : memref<320000xi32, #tpu.memory_space<hbm>> -> memref<40xi32, #tpu.memory_space<hbm>>
      %dma_wait3A_459 = arith.constant 0 : i32
      %dma_wait3A_460 = tpu.memref_slice %arg3[%dma_wait3A_459] : memref<320000xi32, #tpu.memory_space<hbm>> -> memref<40xi32, #tpu.memory_space<hbm>>
      tpu.wait_dma2 semaphore(%arg40 : memref<!tpu.dma_semaphore, #tpu.memory_space<semaphore_mem>>) src(%dma_wait3A_460 : memref<40xi32, #tpu.memory_space<hbm>>) dst(%arg15 : memref<40xi32, #tpu.memory_space<vmem>>)
      %dma_wait3A_461 = arith.constant 0 : i32
      %dma_wait3A_462 = tpu.memref_slice %arg4[%dma_wait3A_461] : memref<320000xi32, #tpu.memory_space<hbm>> -> memref<40xi32, #tpu.memory_space<hbm>>
      %dma_wait3A_463 = arith.constant 0 : i32
      %dma_wait3A_464 = tpu.memref_slice %arg4[%dma_wait3A_463] : memref<320000xi32, #tpu.memory_space<hbm>> -> memref<40xi32, #tpu.memory_space<hbm>>
      tpu.wait_dma2 semaphore(%arg40 : memref<!tpu.dma_semaphore, #tpu.memory_space<semaphore_mem>>) src(%dma_wait3A_464 : memref<40xi32, #tpu.memory_space<hbm>>) dst(%arg23 : memref<40xi32, #tpu.memory_space<vmem>>)
      %dma_start3A_465 = arith.constant 0 : i32
      %dma_start3A_466 = arith.constant 0 : i32
      %dma_start3A_467 = tpu.memref_slice %arg2[%dma_start3A_465, %dma_start3A_466] : memref<10000x128xf32, #tpu.memory_space<hbm>> -> memref<10000x128xf32, #tpu.memory_space<hbm>>
      tpu.enqueue_indirect_dma source(%dma_start3A_467 : memref<10000x128xf32, #tpu.memory_space<hbm>>) target(%arg31 : memref<40x128xf32, #tpu.memory_space<vmem>>) offsets(%arg15 : memref<40xi32, #tpu.memory_space<vmem>>) semaphore(%arg48 : memref<!tpu.dma_semaphore, #tpu.memory_space<semaphore_mem>>)
      %dma_wait3A_468 = arith.constant 0 : i32
      %dma_wait3A_469 = arith.constant 0 : i32
      %dma_wait3A_470 = tpu.memref_slice %arg2[%dma_wait3A_468, %dma_wait3A_469] : memref<10000x128xf32, #tpu.memory_space<hbm>> -> memref<10000x128xf32, #tpu.memory_space<hbm>>
      tpu.wait_indirect_dma semaphore(%arg41 : memref<!tpu.dma_semaphore, #tpu.memory_space<semaphore_mem>>) src(%dma_wait3A_470 : memref<10000x128xf32, #tpu.memory_space<hbm>>) dst(%arg24 : memref<40x128xf32, #tpu.memory_space<vmem>>)
      %dma_start3A_471 = arith.constant 0 : i32
      %dma_start3A_472 = arith.constant 0 : i32
      %dma_start3A_473 = tpu.memref_slice %arg32[%dma_start3A_471, %dma_start3A_472] : memref<10000x128xf32, #tpu.memory_space<vmem_shared>> -> memref<10000x128xf32, #tpu.memory_space<vmem_shared>>
      tpu.enqueue_indirect_dma source(%arg24 : memref<40x128xf32, #tpu.memory_space<vmem>>) target(%dma_start3A_473 : memref<10000x128xf32, #tpu.memory_space<vmem_shared>>) offsets(%arg16 : memref<40xi32, #tpu.memory_space<vmem>>) semaphore(%arg49 : memref<!tpu.dma_semaphore, #tpu.memory_space<semaphore_mem>>) {add = true}
      %dma_wait3A_474 = arith.constant 0 : i32
      %dma_wait3A_475 = arith.constant 0 : i32
      %dma_wait3A_476 = tpu.memref_slice %arg2[%dma_wait3A_474, %dma_wait3A_475] : memref<10000x128xf32, #tpu.memory_space<hbm>> -> memref<10000x128xf32, #tpu.memory_space<hbm>>
      tpu.wait_indirect_dma semaphore(%arg42 : memref<!tpu.dma_semaphore, #tpu.memory_space<semaphore_mem>>) src(%dma_wait3A_476 : memref<10000x128xf32, #tpu.memory_space<hbm>>) dst(%arg25 : memref<40x128xf32, #tpu.memory_space<vmem>>)
      %dma_start3A_477 = arith.constant 0 : i32
      %dma_start3A_478 = arith.constant 0 : i32
      %dma_start3A_479 = tpu.memref_slice %arg32[%dma_start3A_477, %dma_start3A_478] : memref<10000x128xf32, #tpu.memory_space<vmem_shared>> -> memref<10000x128xf32, #tpu.memory_space<vmem_shared>>
      tpu.enqueue_indirect_dma source(%arg25 : memref<40x128xf32, #tpu.memory_space<vmem>>) target(%dma_start3A_479 : memref<10000x128xf32, #tpu.memory_space<vmem_shared>>) offsets(%arg17 : memref<40xi32, #tpu.memory_space<vmem>>) semaphore(%arg50 : memref<!tpu.dma_semaphore, #tpu.memory_space<semaphore_mem>>) {add = true}
      %dma_wait3A_480 = arith.constant 0 : i32
      %dma_wait3A_481 = arith.constant 0 : i32
      %dma_wait3A_482 = tpu.memref_slice %arg2[%dma_wait3A_480, %dma_wait3A_481] : memref<10000x128xf32, #tpu.memory_space<hbm>> -> memref<10000x128xf32, #tpu.memory_space<hbm>>
      tpu.wait_indirect_dma semaphore(%arg43 : memref<!tpu.dma_semaphore, #tpu.memory_space<semaphore_mem>>) src(%dma_wait3A_482 : memref<10000x128xf32, #tpu.memory_space<hbm>>) dst(%arg26 : memref<40x128xf32, #tpu.memory_space<vmem>>)
      %dma_start3A_483 = arith.constant 0 : i32
      %dma_start3A_484 = arith.constant 0 : i32
      %dma_start3A_485 = tpu.memref_slice %arg32[%dma_start3A_483, %dma_start3A_484] : memref<10000x128xf32, #tpu.memory_space<vmem_shared>> -> memref<10000x128xf32, #tpu.memory_space<vmem_shared>>
      tpu.enqueue_indirect_dma source(%arg26 : memref<40x128xf32, #tpu.memory_space<vmem>>) target(%dma_start3A_485 : memref<10000x128xf32, #tpu.memory_space<vmem_shared>>) offsets(%arg18 : memref<40xi32, #tpu.memory_space<vmem>>) semaphore(%arg51 : memref<!tpu.dma_semaphore, #tpu.memory_space<semaphore_mem>>) {add = true}
      %dma_wait3A_486 = arith.constant 0 : i32
      %dma_wait3A_487 = arith.constant 0 : i32
      %dma_wait3A_488 = tpu.memref_slice %arg2[%dma_wait3A_486, %dma_wait3A_487] : memref<10000x128xf32, #tpu.memory_space<hbm>> -> memref<10000x128xf32, #tpu.memory_space<hbm>>
      tpu.wait_indirect_dma semaphore(%arg44 : memref<!tpu.dma_semaphore, #tpu.memory_space<semaphore_mem>>) src(%dma_wait3A_488 : memref<10000x128xf32, #tpu.memory_space<hbm>>) dst(%arg27 : memref<40x128xf32, #tpu.memory_space<vmem>>)
      %dma_start3A_489 = arith.constant 0 : i32
      %dma_start3A_490 = arith.constant 0 : i32
      %dma_start3A_491 = tpu.memref_slice %arg32[%dma_start3A_489, %dma_start3A_490] : memref<10000x128xf32, #tpu.memory_space<vmem_shared>> -> memref<10000x128xf32, #tpu.memory_space<vmem_shared>>
      tpu.enqueue_indirect_dma source(%arg27 : memref<40x128xf32, #tpu.memory_space<vmem>>) target(%dma_start3A_491 : memref<10000x128xf32, #tpu.memory_space<vmem_shared>>) offsets(%arg19 : memref<40xi32, #tpu.memory_space<vmem>>) semaphore(%arg52 : memref<!tpu.dma_semaphore, #tpu.memory_space<semaphore_mem>>) {add = true}
      %dma_wait3A_492 = arith.constant 0 : i32
      %dma_wait3A_493 = arith.constant 0 : i32
      %dma_wait3A_494 = tpu.memref_slice %arg2[%dma_wait3A_492, %dma_wait3A_493] : memref<10000x128xf32, #tpu.memory_space<hbm>> -> memref<10000x128xf32, #tpu.memory_space<hbm>>
      tpu.wait_indirect_dma semaphore(%arg45 : memref<!tpu.dma_semaphore, #tpu.memory_space<semaphore_mem>>) src(%dma_wait3A_494 : memref<10000x128xf32, #tpu.memory_space<hbm>>) dst(%arg28 : memref<40x128xf32, #tpu.memory_space<vmem>>)
      %dma_start3A_495 = arith.constant 0 : i32
      %dma_start3A_496 = arith.constant 0 : i32
      %dma_start3A_497 = tpu.memref_slice %arg32[%dma_start3A_495, %dma_start3A_496] : memref<10000x128xf32, #tpu.memory_space<vmem_shared>> -> memref<10000x128xf32, #tpu.memory_space<vmem_shared>>
      tpu.enqueue_indirect_dma source(%arg28 : memref<40x128xf32, #tpu.memory_space<vmem>>) target(%dma_start3A_497 : memref<10000x128xf32, #tpu.memory_space<vmem_shared>>) offsets(%arg20 : memref<40xi32, #tpu.memory_space<vmem>>) semaphore(%arg53 : memref<!tpu.dma_semaphore, #tpu.memory_space<semaphore_mem>>) {add = true}
      %dma_wait3A_498 = arith.constant 0 : i32
      %dma_wait3A_499 = arith.constant 0 : i32
      %dma_wait3A_500 = tpu.memref_slice %arg2[%dma_wait3A_498, %dma_wait3A_499] : memref<10000x128xf32, #tpu.memory_space<hbm>> -> memref<10000x128xf32, #tpu.memory_space<hbm>>
      tpu.wait_indirect_dma semaphore(%arg46 : memref<!tpu.dma_semaphore, #tpu.memory_space<semaphore_mem>>) src(%dma_wait3A_500 : memref<10000x128xf32, #tpu.memory_space<hbm>>) dst(%arg29 : memref<40x128xf32, #tpu.memory_space<vmem>>)
      %dma_start3A_501 = arith.constant 0 : i32
      %dma_start3A_502 = arith.constant 0 : i32
      %dma_start3A_503 = tpu.memref_slice %arg32[%dma_start3A_501, %dma_start3A_502] : memref<10000x128xf32, #tpu.memory_space<vmem_shared>> -> memref<10000x128xf32, #tpu.memory_space<vmem_shared>>
      tpu.enqueue_indirect_dma source(%arg29 : memref<40x128xf32, #tpu.memory_space<vmem>>) target(%dma_start3A_503 : memref<10000x128xf32, #tpu.memory_space<vmem_shared>>) offsets(%arg21 : memref<40xi32, #tpu.memory_space<vmem>>) semaphore(%arg54 : memref<!tpu.dma_semaphore, #tpu.memory_space<semaphore_mem>>) {add = true}
      %dma_wait3A_504 = arith.constant 0 : i32
      %dma_wait3A_505 = arith.constant 0 : i32
      %dma_wait3A_506 = tpu.memref_slice %arg2[%dma_wait3A_504, %dma_wait3A_505] : memref<10000x128xf32, #tpu.memory_space<hbm>> -> memref<10000x128xf32, #tpu.memory_space<hbm>>
      tpu.wait_indirect_dma semaphore(%arg47 : memref<!tpu.dma_semaphore, #tpu.memory_space<semaphore_mem>>) src(%dma_wait3A_506 : memref<10000x128xf32, #tpu.memory_space<hbm>>) dst(%arg30 : memref<40x128xf32, #tpu.memory_space<vmem>>)
      %dma_start3A_507 = arith.constant 0 : i32
      %dma_start3A_508 = arith.constant 0 : i32
      %dma_start3A_509 = tpu.memref_slice %arg32[%dma_start3A_507, %dma_start3A_508] : memref<10000x128xf32, #tpu.memory_space<vmem_shared>> -> memref<10000x128xf32, #tpu.memory_space<vmem_shared>>
      tpu.enqueue_indirect_dma source(%arg30 : memref<40x128xf32, #tpu.memory_space<vmem>>) target(%dma_start3A_509 : memref<10000x128xf32, #tpu.memory_space<vmem_shared>>) offsets(%arg22 : memref<40xi32, #tpu.memory_space<vmem>>) semaphore(%arg55 : memref<!tpu.dma_semaphore, #tpu.memory_space<semaphore_mem>>) {add = true}
      %dma_wait3A_510 = arith.constant 0 : i32
      %dma_wait3A_511 = arith.constant 0 : i32
      %dma_wait3A_512 = tpu.memref_slice %arg2[%dma_wait3A_510, %dma_wait3A_511] : memref<10000x128xf32, #tpu.memory_space<hbm>> -> memref<10000x128xf32, #tpu.memory_space<hbm>>
      tpu.wait_indirect_dma semaphore(%arg48 : memref<!tpu.dma_semaphore, #tpu.memory_space<semaphore_mem>>) src(%dma_wait3A_512 : memref<10000x128xf32, #tpu.memory_space<hbm>>) dst(%arg31 : memref<40x128xf32, #tpu.memory_space<vmem>>)
      %dma_start3A_513 = arith.constant 0 : i32
      %dma_start3A_514 = arith.constant 0 : i32
      %dma_start3A_515 = tpu.memref_slice %arg32[%dma_start3A_513, %dma_start3A_514] : memref<10000x128xf32, #tpu.memory_space<vmem_shared>> -> memref<10000x128xf32, #tpu.memory_space<vmem_shared>>
      tpu.enqueue_indirect_dma source(%arg31 : memref<40x128xf32, #tpu.memory_space<vmem>>) target(%dma_start3A_515 : memref<10000x128xf32, #tpu.memory_space<vmem_shared>>) offsets(%arg23 : memref<40xi32, #tpu.memory_space<vmem>>) semaphore(%arg56 : memref<!tpu.dma_semaphore, #tpu.memory_space<semaphore_mem>>) {add = true}
    }
    %scan3A_191 = arith.constant 30 : i32
    %dma_wait3A_192 = arith.constant 0 : i32
    %dma_wait3A_193 = arith.constant 0 : i32
    %dma_wait3A_194 = tpu.memref_slice %arg32[%dma_wait3A_192, %dma_wait3A_193] : memref<10000x128xf32, #tpu.memory_space<vmem_shared>> -> memref<10000x128xf32, #tpu.memory_space<vmem_shared>>
    tpu.wait_indirect_dma semaphore(%arg49 : memref<!tpu.dma_semaphore, #tpu.memory_space<semaphore_mem>>) src(%arg24 : memref<40x128xf32, #tpu.memory_space<vmem>>) dst(%dma_wait3A_194 : memref<10000x128xf32, #tpu.memory_space<vmem_shared>>)
    %add3A_195 = arith.constant 9920 : i32
    %add3A_196 = arith.addi %mul3A_2, %add3A_195 : i32
    %dma_start3A_197 = tpu.memref_slice %arg3[%add3A_196] : memref<320000xi32, #tpu.memory_space<hbm>> -> memref<40xi32, #tpu.memory_space<hbm>>
    %dma_start3A_198 = tpu.memref_slice %arg3[%add3A_196] : memref<320000xi32, #tpu.memory_space<hbm>> -> memref<40xi32, #tpu.memory_space<hbm>>
    tpu.enqueue_dma source(%dma_start3A_198 : memref<40xi32, #tpu.memory_space<hbm>>) target(%arg8 : memref<40xi32, #tpu.memory_space<vmem>>) target_semaphore(%arg33 : memref<!tpu.dma_semaphore, #tpu.memory_space<semaphore_mem>>)
    %dma_start3A_199 = tpu.memref_slice %arg4[%add3A_196] : memref<320000xi32, #tpu.memory_space<hbm>> -> memref<40xi32, #tpu.memory_space<hbm>>
    %dma_start3A_200 = tpu.memref_slice %arg4[%add3A_196] : memref<320000xi32, #tpu.memory_space<hbm>> -> memref<40xi32, #tpu.memory_space<hbm>>
    tpu.enqueue_dma source(%dma_start3A_200 : memref<40xi32, #tpu.memory_space<hbm>>) target(%arg16 : memref<40xi32, #tpu.memory_space<vmem>>) target_semaphore(%arg33 : memref<!tpu.dma_semaphore, #tpu.memory_space<semaphore_mem>>)
    %dma_wait3A_201 = arith.constant 0 : i32
    %dma_wait3A_202 = tpu.memref_slice %arg3[%dma_wait3A_201] : memref<320000xi32, #tpu.memory_space<hbm>> -> memref<40xi32, #tpu.memory_space<hbm>>
    %dma_wait3A_203 = arith.constant 0 : i32
    %dma_wait3A_204 = tpu.memref_slice %arg3[%dma_wait3A_203] : memref<320000xi32, #tpu.memory_space<hbm>> -> memref<40xi32, #tpu.memory_space<hbm>>
    tpu.wait_dma2 semaphore(%arg33 : memref<!tpu.dma_semaphore, #tpu.memory_space<semaphore_mem>>) src(%dma_wait3A_204 : memref<40xi32, #tpu.memory_space<hbm>>) dst(%arg8 : memref<40xi32, #tpu.memory_space<vmem>>)
    %dma_wait3A_205 = arith.constant 0 : i32
    %dma_wait3A_206 = tpu.memref_slice %arg4[%dma_wait3A_205] : memref<320000xi32, #tpu.memory_space<hbm>> -> memref<40xi32, #tpu.memory_space<hbm>>
    %dma_wait3A_207 = arith.constant 0 : i32
    %dma_wait3A_208 = tpu.memref_slice %arg4[%dma_wait3A_207] : memref<320000xi32, #tpu.memory_space<hbm>> -> memref<40xi32, #tpu.memory_space<hbm>>
    tpu.wait_dma2 semaphore(%arg33 : memref<!tpu.dma_semaphore, #tpu.memory_space<semaphore_mem>>) src(%dma_wait3A_208 : memref<40xi32, #tpu.memory_space<hbm>>) dst(%arg16 : memref<40xi32, #tpu.memory_space<vmem>>)
    %dma_start3A_209 = arith.constant 0 : i32
    %dma_start3A_210 = arith.constant 0 : i32
    %dma_start3A_211 = tpu.memref_slice %arg2[%dma_start3A_209, %dma_start3A_210] : memref<10000x128xf32, #tpu.memory_space<hbm>> -> memref<10000x128xf32, #tpu.memory_space<hbm>>
    tpu.enqueue_indirect_dma source(%dma_start3A_211 : memref<10000x128xf32, #tpu.memory_space<hbm>>) target(%arg24 : memref<40x128xf32, #tpu.memory_space<vmem>>) offsets(%arg8 : memref<40xi32, #tpu.memory_space<vmem>>) semaphore(%arg41 : memref<!tpu.dma_semaphore, #tpu.memory_space<semaphore_mem>>)
    %dma_wait3A_212 = arith.constant 0 : i32
    %dma_wait3A_213 = arith.constant 0 : i32
    %dma_wait3A_214 = tpu.memref_slice %arg2[%dma_wait3A_212, %dma_wait3A_213] : memref<10000x128xf32, #tpu.memory_space<hbm>> -> memref<10000x128xf32, #tpu.memory_space<hbm>>
    tpu.wait_indirect_dma semaphore(%arg41 : memref<!tpu.dma_semaphore, #tpu.memory_space<semaphore_mem>>) src(%dma_wait3A_214 : memref<10000x128xf32, #tpu.memory_space<hbm>>) dst(%arg24 : memref<40x128xf32, #tpu.memory_space<vmem>>)
    %dma_start3A_215 = arith.constant 0 : i32
    %dma_start3A_216 = arith.constant 0 : i32
    %dma_start3A_217 = tpu.memref_slice %arg32[%dma_start3A_215, %dma_start3A_216] : memref<10000x128xf32, #tpu.memory_space<vmem_shared>> -> memref<10000x128xf32, #tpu.memory_space<vmem_shared>>
    tpu.enqueue_indirect_dma source(%arg24 : memref<40x128xf32, #tpu.memory_space<vmem>>) target(%dma_start3A_217 : memref<10000x128xf32, #tpu.memory_space<vmem_shared>>) offsets(%arg16 : memref<40xi32, #tpu.memory_space<vmem>>) semaphore(%arg49 : memref<!tpu.dma_semaphore, #tpu.memory_space<semaphore_mem>>) {add = true}
    %dma_wait3A_218 = arith.constant 0 : i32
    %dma_wait3A_219 = arith.constant 0 : i32
    %dma_wait3A_220 = tpu.memref_slice %arg32[%dma_wait3A_218, %dma_wait3A_219] : memref<10000x128xf32, #tpu.memory_space<vmem_shared>> -> memref<10000x128xf32, #tpu.memory_space<vmem_shared>>
    tpu.wait_indirect_dma semaphore(%arg50 : memref<!tpu.dma_semaphore, #tpu.memory_space<semaphore_mem>>) src(%arg25 : memref<40x128xf32, #tpu.memory_space<vmem>>) dst(%dma_wait3A_220 : memref<10000x128xf32, #tpu.memory_space<vmem_shared>>)
    %add3A_221 = arith.constant 9960 : i32
    %add3A_222 = arith.addi %mul3A_2, %add3A_221 : i32
    %dma_start3A_223 = tpu.memref_slice %arg3[%add3A_222] : memref<320000xi32, #tpu.memory_space<hbm>> -> memref<40xi32, #tpu.memory_space<hbm>>
    %dma_start3A_224 = tpu.memref_slice %arg3[%add3A_222] : memref<320000xi32, #tpu.memory_space<hbm>> -> memref<40xi32, #tpu.memory_space<hbm>>
    tpu.enqueue_dma source(%dma_start3A_224 : memref<40xi32, #tpu.memory_space<hbm>>) target(%arg9 : memref<40xi32, #tpu.memory_space<vmem>>) target_semaphore(%arg34 : memref<!tpu.dma_semaphore, #tpu.memory_space<semaphore_mem>>)
    %dma_start3A_225 = tpu.memref_slice %arg4[%add3A_222] : memref<320000xi32, #tpu.memory_space<hbm>> -> memref<40xi32, #tpu.memory_space<hbm>>
    %dma_start3A_226 = tpu.memref_slice %arg4[%add3A_222] : memref<320000xi32, #tpu.memory_space<hbm>> -> memref<40xi32, #tpu.memory_space<hbm>>
    tpu.enqueue_dma source(%dma_start3A_226 : memref<40xi32, #tpu.memory_space<hbm>>) target(%arg17 : memref<40xi32, #tpu.memory_space<vmem>>) target_semaphore(%arg34 : memref<!tpu.dma_semaphore, #tpu.memory_space<semaphore_mem>>)
    %dma_wait3A_227 = arith.constant 0 : i32
    %dma_wait3A_228 = tpu.memref_slice %arg3[%dma_wait3A_227] : memref<320000xi32, #tpu.memory_space<hbm>> -> memref<40xi32, #tpu.memory_space<hbm>>
    %dma_wait3A_229 = arith.constant 0 : i32
    %dma_wait3A_230 = tpu.memref_slice %arg3[%dma_wait3A_229] : memref<320000xi32, #tpu.memory_space<hbm>> -> memref<40xi32, #tpu.memory_space<hbm>>
    tpu.wait_dma2 semaphore(%arg34 : memref<!tpu.dma_semaphore, #tpu.memory_space<semaphore_mem>>) src(%dma_wait3A_230 : memref<40xi32, #tpu.memory_space<hbm>>) dst(%arg9 : memref<40xi32, #tpu.memory_space<vmem>>)
    %dma_wait3A_231 = arith.constant 0 : i32
    %dma_wait3A_232 = tpu.memref_slice %arg4[%dma_wait3A_231] : memref<320000xi32, #tpu.memory_space<hbm>> -> memref<40xi32, #tpu.memory_space<hbm>>
    %dma_wait3A_233 = arith.constant 0 : i32
    %dma_wait3A_234 = tpu.memref_slice %arg4[%dma_wait3A_233] : memref<320000xi32, #tpu.memory_space<hbm>> -> memref<40xi32, #tpu.memory_space<hbm>>
    tpu.wait_dma2 semaphore(%arg34 : memref<!tpu.dma_semaphore, #tpu.memory_space<semaphore_mem>>) src(%dma_wait3A_234 : memref<40xi32, #tpu.memory_space<hbm>>) dst(%arg17 : memref<40xi32, #tpu.memory_space<vmem>>)
    %dma_start3A_235 = arith.constant 0 : i32
    %dma_start3A_236 = arith.constant 0 : i32
    %dma_start3A_237 = tpu.memref_slice %arg2[%dma_start3A_235, %dma_start3A_236] : memref<10000x128xf32, #tpu.memory_space<hbm>> -> memref<10000x128xf32, #tpu.memory_space<hbm>>
    tpu.enqueue_indirect_dma source(%dma_start3A_237 : memref<10000x128xf32, #tpu.memory_space<hbm>>) target(%arg25 : memref<40x128xf32, #tpu.memory_space<vmem>>) offsets(%arg9 : memref<40xi32, #tpu.memory_space<vmem>>) semaphore(%arg42 : memref<!tpu.dma_semaphore, #tpu.memory_space<semaphore_mem>>)
    %dma_wait3A_238 = arith.constant 0 : i32
    %dma_wait3A_239 = arith.constant 0 : i32
    %dma_wait3A_240 = tpu.memref_slice %arg2[%dma_wait3A_238, %dma_wait3A_239] : memref<10000x128xf32, #tpu.memory_space<hbm>> -> memref<10000x128xf32, #tpu.memory_space<hbm>>
    tpu.wait_indirect_dma semaphore(%arg42 : memref<!tpu.dma_semaphore, #tpu.memory_space<semaphore_mem>>) src(%dma_wait3A_240 : memref<10000x128xf32, #tpu.memory_space<hbm>>) dst(%arg25 : memref<40x128xf32, #tpu.memory_space<vmem>>)
    %dma_start3A_241 = arith.constant 0 : i32
    %dma_start3A_242 = arith.constant 0 : i32
    %dma_start3A_243 = tpu.memref_slice %arg32[%dma_start3A_241, %dma_start3A_242] : memref<10000x128xf32, #tpu.memory_space<vmem_shared>> -> memref<10000x128xf32, #tpu.memory_space<vmem_shared>>
    tpu.enqueue_indirect_dma source(%arg25 : memref<40x128xf32, #tpu.memory_space<vmem>>) target(%dma_start3A_243 : memref<10000x128xf32, #tpu.memory_space<vmem_shared>>) offsets(%arg17 : memref<40xi32, #tpu.memory_space<vmem>>) semaphore(%arg50 : memref<!tpu.dma_semaphore, #tpu.memory_space<semaphore_mem>>) {add = true}
    %dma_wait3A_244 = arith.constant 0 : i32
    %dma_wait3A_245 = arith.constant 0 : i32
    %dma_wait3A_246 = tpu.memref_slice %arg32[%dma_wait3A_244, %dma_wait3A_245] : memref<10000x128xf32, #tpu.memory_space<vmem_shared>> -> memref<10000x128xf32, #tpu.memory_space<vmem_shared>>
    tpu.wait_indirect_dma semaphore(%arg49 : memref<!tpu.dma_semaphore, #tpu.memory_space<semaphore_mem>>) src(%arg24 : memref<40x128xf32, #tpu.memory_space<vmem>>) dst(%dma_wait3A_246 : memref<10000x128xf32, #tpu.memory_space<vmem_shared>>)
    %dma_wait3A_247 = arith.constant 0 : i32
    %dma_wait3A_248 = arith.constant 0 : i32
    %dma_wait3A_249 = tpu.memref_slice %arg32[%dma_wait3A_247, %dma_wait3A_248] : memref<10000x128xf32, #tpu.memory_space<vmem_shared>> -> memref<10000x128xf32, #tpu.memory_space<vmem_shared>>
    tpu.wait_indirect_dma semaphore(%arg50 : memref<!tpu.dma_semaphore, #tpu.memory_space<semaphore_mem>>) src(%arg25 : memref<40x128xf32, #tpu.memory_space<vmem>>) dst(%dma_wait3A_249 : memref<10000x128xf32, #tpu.memory_space<vmem_shared>>)
    %dma_wait3A_250 = arith.constant 0 : i32
    %dma_wait3A_251 = arith.constant 0 : i32
    %dma_wait3A_252 = tpu.memref_slice %arg32[%dma_wait3A_250, %dma_wait3A_251] : memref<10000x128xf32, #tpu.memory_space<vmem_shared>> -> memref<10000x128xf32, #tpu.memory_space<vmem_shared>>
    tpu.wait_indirect_dma semaphore(%arg51 : memref<!tpu.dma_semaphore, #tpu.memory_space<semaphore_mem>>) src(%arg26 : memref<40x128xf32, #tpu.memory_space<vmem>>) dst(%dma_wait3A_252 : memref<10000x128xf32, #tpu.memory_space<vmem_shared>>)
    %dma_wait3A_253 = arith.constant 0 : i32
    %dma_wait3A_254 = arith.constant 0 : i32
    %dma_wait3A_255 = tpu.memref_slice %arg32[%dma_wait3A_253, %dma_wait3A_254] : memref<10000x128xf32, #tpu.memory_space<vmem_shared>> -> memref<10000x128xf32, #tpu.memory_space<vmem_shared>>
    tpu.wait_indirect_dma semaphore(%arg52 : memref<!tpu.dma_semaphore, #tpu.memory_space<semaphore_mem>>) src(%arg27 : memref<40x128xf32, #tpu.memory_space<vmem>>) dst(%dma_wait3A_255 : memref<10000x128xf32, #tpu.memory_space<vmem_shared>>)
    %dma_wait3A_256 = arith.constant 0 : i32
    %dma_wait3A_257 = arith.constant 0 : i32
    %dma_wait3A_258 = tpu.memref_slice %arg32[%dma_wait3A_256, %dma_wait3A_257] : memref<10000x128xf32, #tpu.memory_space<vmem_shared>> -> memref<10000x128xf32, #tpu.memory_space<vmem_shared>>
    tpu.wait_indirect_dma semaphore(%arg53 : memref<!tpu.dma_semaphore, #tpu.memory_space<semaphore_mem>>) src(%arg28 : memref<40x128xf32, #tpu.memory_space<vmem>>) dst(%dma_wait3A_258 : memref<10000x128xf32, #tpu.memory_space<vmem_shared>>)
    %dma_wait3A_259 = arith.constant 0 : i32
    %dma_wait3A_260 = arith.constant 0 : i32
    %dma_wait3A_261 = tpu.memref_slice %arg32[%dma_wait3A_259, %dma_wait3A_260] : memref<10000x128xf32, #tpu.memory_space<vmem_shared>> -> memref<10000x128xf32, #tpu.memory_space<vmem_shared>>
    tpu.wait_indirect_dma semaphore(%arg54 : memref<!tpu.dma_semaphore, #tpu.memory_space<semaphore_mem>>) src(%arg29 : memref<40x128xf32, #tpu.memory_space<vmem>>) dst(%dma_wait3A_261 : memref<10000x128xf32, #tpu.memory_space<vmem_shared>>)
    %dma_wait3A_262 = arith.constant 0 : i32
    %dma_wait3A_263 = arith.constant 0 : i32
    %dma_wait3A_264 = tpu.memref_slice %arg32[%dma_wait3A_262, %dma_wait3A_263] : memref<10000x128xf32, #tpu.memory_space<vmem_shared>> -> memref<10000x128xf32, #tpu.memory_space<vmem_shared>>
    tpu.wait_indirect_dma semaphore(%arg55 : memref<!tpu.dma_semaphore, #tpu.memory_space<semaphore_mem>>) src(%arg30 : memref<40x128xf32, #tpu.memory_space<vmem>>) dst(%dma_wait3A_264 : memref<10000x128xf32, #tpu.memory_space<vmem_shared>>)
    %dma_wait3A_265 = arith.constant 0 : i32
    %dma_wait3A_266 = arith.constant 0 : i32
    %dma_wait3A_267 = tpu.memref_slice %arg32[%dma_wait3A_265, %dma_wait3A_266] : memref<10000x128xf32, #tpu.memory_space<vmem_shared>> -> memref<10000x128xf32, #tpu.memory_space<vmem_shared>>
    tpu.wait_indirect_dma semaphore(%arg56 : memref<!tpu.dma_semaphore, #tpu.memory_space<semaphore_mem>>) src(%arg31 : memref<40x128xf32, #tpu.memory_space<vmem>>) dst(%dma_wait3A_267 : memref<10000x128xf32, #tpu.memory_space<vmem_shared>>)
    %barrier3A_268 = arith.constant 0 : index
    tpu.barrier barrier_id(%barrier3A_268)
    %mul3A_269 = arith.constant 624 : i32
    %mul3A_270 = arith.muli %arg1, %mul3A_269 : i32
    %eq3A_271 = arith.constant 0 : i32
    %eq3A_272 = arith.cmpi eq, %arg0, %eq3A_271 : i32
    %convert_element_type3A_273 = arith.extui %eq3A_272 : i1 to i32
    %cond3A_274 = arith.constant 0 : i32
    %cond3A_275 = arith.cmpi ne, %convert_element_type3A_273, %cond3A_274 : i32
    scf.if %cond3A_275 {
      "tpu.region"() ({
        %run_scoped3A = tpu.sem_alloc : memref<!tpu.dma_semaphore, #tpu.memory_space<semaphore_mem>>
        %dma_start3A_286 = arith.constant 0 : i32
        %dma_start3A_287 = tpu.memref_slice %arg6[%mul3A_270, %dma_start3A_286] : memref<10000x128xf32, #tpu.memory_space<hbm>> -> memref<624x128xf32, #tpu.memory_space<hbm>>
        %dma_start3A_288 = arith.constant 0 : i32
        %dma_start3A_289 = tpu.memref_slice %arg32[%mul3A_270, %dma_start3A_288] : memref<10000x128xf32, #tpu.memory_space<vmem_shared>> -> memref<624x128xf32, #tpu.memory_space<vmem_shared>>
        tpu.enqueue_dma source(%dma_start3A_289 : memref<624x128xf32, #tpu.memory_space<vmem_shared>>) target(%dma_start3A_287 : memref<624x128xf32, #tpu.memory_space<hbm>>) target_semaphore(%run_scoped3A : memref<!tpu.dma_semaphore, #tpu.memory_space<semaphore_mem>>)
        %dma_wait3A_290 = arith.constant 0 : i32
        %dma_wait3A_291 = tpu.memref_slice %arg6[%mul3A_270, %dma_wait3A_290] : memref<10000x128xf32, #tpu.memory_space<hbm>> -> memref<624x128xf32, #tpu.memory_space<hbm>>
        %dma_wait3A_292 = arith.constant 0 : i32
        %dma_wait3A_293 = tpu.memref_slice %arg32[%mul3A_270, %dma_wait3A_292] : memref<10000x128xf32, #tpu.memory_space<vmem_shared>> -> memref<624x128xf32, #tpu.memory_space<vmem_shared>>
        tpu.wait_dma2 semaphore(%run_scoped3A : memref<!tpu.dma_semaphore, #tpu.memory_space<semaphore_mem>>) src(%dma_wait3A_293 : memref<624x128xf32, #tpu.memory_space<vmem_shared>>) dst(%dma_wait3A_291 : memref<624x128xf32, #tpu.memory_space<hbm>>)
        tpu.yield
      }) : () -> ()
      %eq3A_281 = arith.constant 15 : i32
      %eq3A_282 = arith.cmpi eq, %arg1, %eq3A_281 : i32
      %convert_element_type3A_283 = arith.extui %eq3A_282 : i1 to i32
      %cond3A_284 = arith.constant 0 : i32
      %cond3A_285 = arith.cmpi ne, %convert_element_type3A_283, %cond3A_284 : i32
      scf.if %cond3A_285 {
        "tpu.region"() ({
          %run_scoped3A = tpu.sem_alloc : memref<!tpu.dma_semaphore, #tpu.memory_space<semaphore_mem>>
          %dma_start3A_286 = arith.constant 9984 : i32
          %dma_start3A_287 = arith.constant 0 : i32
          %dma_start3A_288 = tpu.memref_slice %arg6[%dma_start3A_286, %dma_start3A_287] : memref<10000x128xf32, #tpu.memory_space<hbm>> -> memref<16x128xf32, #tpu.memory_space<hbm>>
          %dma_start3A_289 = arith.constant 9984 : i32
          %dma_start3A_290 = arith.constant 0 : i32
          %dma_start3A_291 = tpu.memref_slice %arg32[%dma_start3A_289, %dma_start3A_290] : memref<10000x128xf32, #tpu.memory_space<vmem_shared>> -> memref<16x128xf32, #tpu.memory_space<vmem_shared>>
          tpu.enqueue_dma source(%dma_start3A_291 : memref<16x128xf32, #tpu.memory_space<vmem_shared>>) target(%dma_start3A_288 : memref<16x128xf32, #tpu.memory_space<hbm>>) target_semaphore(%run_scoped3A : memref<!tpu.dma_semaphore, #tpu.memory_space<semaphore_mem>>)
          %dma_wait3A_292 = arith.constant 9984 : i32
          %dma_wait3A_293 = arith.constant 0 : i32
          %dma_wait3A_294 = tpu.memref_slice %arg6[%dma_wait3A_292, %dma_wait3A_293] : memref<10000x128xf32, #tpu.memory_space<hbm>> -> memref<16x128xf32, #tpu.memory_space<hbm>>
          %dma_wait3A_295 = arith.constant 9984 : i32
          %dma_wait3A_296 = arith.constant 0 : i32
          %dma_wait3A_297 = tpu.memref_slice %arg32[%dma_wait3A_295, %dma_wait3A_296] : memref<10000x128xf32, #tpu.memory_space<vmem_shared>> -> memref<16x128xf32, #tpu.memory_space<vmem_shared>>
          tpu.wait_dma2 semaphore(%run_scoped3A : memref<!tpu.dma_semaphore, #tpu.memory_space<semaphore_mem>>) src(%dma_wait3A_297 : memref<16x128xf32, #tpu.memory_space<vmem_shared>>) dst(%dma_wait3A_294 : memref<16x128xf32, #tpu.memory_space<hbm>>)
          tpu.yield
        }) : () -> ()
      } else {
      }
    } else {
    }
    %eq3A_276 = arith.constant 1 : i32
    %eq3A_277 = arith.cmpi eq, %arg0, %eq3A_276 : i32
    %convert_element_type3A_278 = arith.extui %eq3A_277 : i1 to i32
    %cond3A_279 = arith.constant 0 : i32
    %cond3A_280 = arith.cmpi ne, %convert_element_type3A_278, %cond3A_279 : i32
    scf.if %cond3A_280 {
      "tpu.region"() ({
        %run_scoped3A = tpu.sem_alloc : memref<!tpu.dma_semaphore, #tpu.memory_space<semaphore_mem>>
        %dma_start3A_286 = arith.constant 0 : i32
        %dma_start3A_287 = tpu.memref_slice %arg7[%mul3A_270, %dma_start3A_286] : memref<10000x128xf32, #tpu.memory_space<hbm>> -> memref<624x128xf32, #tpu.memory_space<hbm>>
        %dma_start3A_288 = arith.constant 0 : i32
        %dma_start3A_289 = tpu.memref_slice %arg32[%mul3A_270, %dma_start3A_288] : memref<10000x128xf32, #tpu.memory_space<vmem_shared>> -> memref<624x128xf32, #tpu.memory_space<vmem_shared>>
        tpu.enqueue_dma source(%dma_start3A_289 : memref<624x128xf32, #tpu.memory_space<vmem_shared>>) target(%dma_start3A_287 : memref<624x128xf32, #tpu.memory_space<hbm>>) target_semaphore(%run_scoped3A : memref<!tpu.dma_semaphore, #tpu.memory_space<semaphore_mem>>)
        %dma_wait3A_290 = arith.constant 0 : i32
        %dma_wait3A_291 = tpu.memref_slice %arg7[%mul3A_270, %dma_wait3A_290] : memref<10000x128xf32, #tpu.memory_space<hbm>> -> memref<624x128xf32, #tpu.memory_space<hbm>>
        %dma_wait3A_292 = arith.constant 0 : i32
        %dma_wait3A_293 = tpu.memref_slice %arg32[%mul3A_270, %dma_wait3A_292] : memref<10000x128xf32, #tpu.memory_space<vmem_shared>> -> memref<624x128xf32, #tpu.memory_space<vmem_shared>>
        tpu.wait_dma2 semaphore(%run_scoped3A : memref<!tpu.dma_semaphore, #tpu.memory_space<semaphore_mem>>) src(%dma_wait3A_293 : memref<624x128xf32, #tpu.memory_space<vmem_shared>>) dst(%dma_wait3A_291 : memref<624x128xf32, #tpu.memory_space<hbm>>)
        tpu.yield
      }) : () -> ()
      %eq3A_281 = arith.constant 15 : i32
      %eq3A_282 = arith.cmpi eq, %arg1, %eq3A_281 : i32
      %convert_element_type3A_283 = arith.extui %eq3A_282 : i1 to i32
      %cond3A_284 = arith.constant 0 : i32
      %cond3A_285 = arith.cmpi ne, %convert_element_type3A_283, %cond3A_284 : i32
      scf.if %cond3A_285 {
        "tpu.region"() ({
          %run_scoped3A = tpu.sem_alloc : memref<!tpu.dma_semaphore, #tpu.memory_space<semaphore_mem>>
          %dma_start3A_286 = arith.constant 9984 : i32
          %dma_start3A_287 = arith.constant 0 : i32
          %dma_start3A_288 = tpu.memref_slice %arg7[%dma_start3A_286, %dma_start3A_287] : memref<10000x128xf32, #tpu.memory_space<hbm>> -> memref<16x128xf32, #tpu.memory_space<hbm>>
          %dma_start3A_289 = arith.constant 9984 : i32
          %dma_start3A_290 = arith.constant 0 : i32
          %dma_start3A_291 = tpu.memref_slice %arg32[%dma_start3A_289, %dma_start3A_290] : memref<10000x128xf32, #tpu.memory_space<vmem_shared>> -> memref<16x128xf32, #tpu.memory_space<vmem_shared>>
          tpu.enqueue_dma source(%dma_start3A_291 : memref<16x128xf32, #tpu.memory_space<vmem_shared>>) target(%dma_start3A_288 : memref<16x128xf32, #tpu.memory_space<hbm>>) target_semaphore(%run_scoped3A : memref<!tpu.dma_semaphore, #tpu.memory_space<semaphore_mem>>)
          %dma_wait3A_292 = arith.constant 9984 : i32
          %dma_wait3A_293 = arith.constant 0 : i32
          %dma_wait3A_294 = tpu.memref_slice %arg7[%dma_wait3A_292, %dma_wait3A_293] : memref<10000x128xf32, #tpu.memory_space<hbm>> -> memref<16x128xf32, #tpu.memory_space<hbm>>
          %dma_wait3A_295 = arith.constant 9984 : i32
          %dma_wait3A_296 = arith.constant 0 : i32
          %dma_wait3A_297 = tpu.memref_slice %arg32[%dma_wait3A_295, %dma_wait3A_296] : memref<10000x128xf32, #tpu.memory_space<vmem_shared>> -> memref<16x128xf32, #tpu.memory_space<vmem_shared>>
          tpu.wait_dma2 semaphore(%run_scoped3A : memref<!tpu.dma_semaphore, #tpu.memory_space<semaphore_mem>>) src(%dma_wait3A_297 : memref<16x128xf32, #tpu.memory_space<vmem_shared>>) dst(%dma_wait3A_294 : memref<16x128xf32, #tpu.memory_space<hbm>>)
          tpu.yield
        }) : () -> ()
      } else {
      }
    } else {
    }
    return
  }
}

#map = affine_map<(d0, d1) -> (0, 0)>
#map1 = affine_map<(d0, d1) -> (0)>
module attributes {stable_mosaic.version = 14 : i64} {
  func.func @_pair_body(%arg0: i32, %arg1: i32, %arg2: memref<10000x128xf32, #tpu.memory_space<hbm>>, %arg3: memref<200000xi32, #tpu.memory_space<hbm>>, %arg4: memref<16384xi32, #tpu.memory_space<hbm>>, %arg5: memref<16384x128xf32, #tpu.memory_space<hbm>>, %arg6: memref<16384x128xf32, #tpu.memory_space<hbm>>, %arg7: memref<512xi32, #tpu.memory_space<vmem>>, %arg8: memref<512xi32, #tpu.memory_space<vmem>>, %arg9: memref<512xi32, #tpu.memory_space<vmem>>, %arg10: memref<512xi32, #tpu.memory_space<vmem>>, %arg11: memref<512xi32, #tpu.memory_space<vmem>>, %arg12: memref<128x128xf32, #tpu.memory_space<vmem>>, %arg13: memref<128x128xf32, #tpu.memory_space<vmem>>, %arg14: memref<128x128xf32, #tpu.memory_space<vmem>>, %arg15: memref<128x128xf32, #tpu.memory_space<vmem>>, %arg16: memref<128x128xf32, #tpu.memory_space<vmem>>, %arg17: memref<128x128xf32, #tpu.memory_space<vmem>>, %arg18: memref<!tpu.dma_semaphore, #tpu.memory_space<semaphore_mem>>, %arg19: memref<!tpu.dma_semaphore, #tpu.memory_space<semaphore_mem>>, %arg20: memref<!tpu.dma_semaphore, #tpu.memory_space<semaphore_mem>>, %arg21: memref<!tpu.dma_semaphore, #tpu.memory_space<semaphore_mem>>, %arg22: memref<!tpu.dma_semaphore, #tpu.memory_space<semaphore_mem>>, %arg23: memref<!tpu.dma_semaphore, #tpu.memory_space<semaphore_mem>>, %arg24: memref<!tpu.dma_semaphore, #tpu.memory_space<semaphore_mem>>, %arg25: memref<!tpu.dma_semaphore, #tpu.memory_space<semaphore_mem>>, %arg26: memref<!tpu.dma_semaphore, #tpu.memory_space<semaphore_mem>>, %arg27: memref<!tpu.dma_semaphore, #tpu.memory_space<semaphore_mem>>, %arg28: memref<!tpu.dma_semaphore, #tpu.memory_space<semaphore_mem>>, %arg29: memref<!tpu.dma_semaphore, #tpu.memory_space<semaphore_mem>>, %arg30: memref<!tpu.dma_semaphore, #tpu.memory_space<semaphore_mem>>, %arg31: memref<!tpu.dma_semaphore, #tpu.memory_space<semaphore_mem>>, %arg32: memref<!tpu.dma_semaphore, #tpu.memory_space<semaphore_mem>>, %arg33: memref<!tpu.dma_semaphore, #tpu.memory_space<semaphore_mem>>, %arg34: memref<!tpu.dma_semaphore, #tpu.memory_space<semaphore_mem>>, %arg35: memref<!tpu.dma_semaphore, #tpu.memory_space<semaphore_mem>>, %arg36: memref<!tpu.dma_semaphore, #tpu.memory_space<semaphore_mem>>, %arg37: memref<!tpu.dma_semaphore, #tpu.memory_space<semaphore_mem>>) attributes {dimension_semantics = [#tpu.dimension_semantics<core_parallel>, #tpu.dimension_semantics<subcore_parallel>], iteration_bounds = array<i64: 2, 16>, scalar_prefetch = 0 : i64, scratch_operands = 31 : i64, tpu.core_type = #tpu.core_type<sc_vector_subcore>, window_params = [{transform_indices = #map}, {transform_indices = #map1}, {transform_indices = #map1}, {transform_indices = #map}, {transform_indices = #map}]} {
    %mul3A = arith.constant 16 : i32
    %mul3A_0 = arith.muli %arg0, %mul3A : i32
    %add3A = arith.addi %mul3A_0, %arg1 : i32
    %mul3A_1 = arith.constant 512 : i32
    %mul3A_2 = arith.muli %add3A, %mul3A_1 : i32
    "tpu.region"() ({
      %run_scoped3A = tpu.sem_alloc : memref<!tpu.dma_semaphore, #tpu.memory_space<semaphore_mem>>
      %dma_start3A_911 = tpu.memref_slice %arg4[%mul3A_2] : memref<16384xi32, #tpu.memory_space<hbm>> -> memref<512xi32, #tpu.memory_space<hbm>>
      %dma_start3A_912 = tpu.memref_slice %arg4[%mul3A_2] : memref<16384xi32, #tpu.memory_space<hbm>> -> memref<512xi32, #tpu.memory_space<hbm>>
      tpu.enqueue_dma source(%dma_start3A_912 : memref<512xi32, #tpu.memory_space<hbm>>) target(%arg7 : memref<512xi32, #tpu.memory_space<vmem>>) target_semaphore(%run_scoped3A : memref<!tpu.dma_semaphore, #tpu.memory_space<semaphore_mem>>)
      %dma_wait3A_913 = tpu.memref_slice %arg4[%mul3A_2] : memref<16384xi32, #tpu.memory_space<hbm>> -> memref<512xi32, #tpu.memory_space<hbm>>
      %dma_wait3A_914 = tpu.memref_slice %arg4[%mul3A_2] : memref<16384xi32, #tpu.memory_space<hbm>> -> memref<512xi32, #tpu.memory_space<hbm>>
      tpu.wait_dma2 semaphore(%run_scoped3A : memref<!tpu.dma_semaphore, #tpu.memory_space<semaphore_mem>>) src(%dma_wait3A_914 : memref<512xi32, #tpu.memory_space<hbm>>) dst(%arg7 : memref<512xi32, #tpu.memory_space<vmem>>)
      tpu.yield
    }) : () -> ()
    %get3A = arith.constant 0 : index
    %get3A_3 = tpu.vector_load %arg7[%get3A] {strides = array<i32>} : memref<512xi32, #tpu.memory_space<vmem>>, vector<16xi32>,
    %get3A_4 = vector.shape_cast %get3A_3 : vector<16xi32> to vector<16xi32>
    %mul3A_5 = arith.constant 2 : i32
    %mul3A_6 = vector.broadcast %mul3A_5 : i32 to vector<16xi32>
    %mul3A_7 = arith.muli %get3A_4, %mul3A_6 : vector<16xi32>
    %swap3A = arith.constant 0 : index
    %swap3A_8 = tpu.vector_load %arg8[%swap3A] {strides = array<i32>} : memref<512xi32, #tpu.memory_space<vmem>>, vector<16xi32>,
    %swap3A_9 = vector.shape_cast %swap3A_8 : vector<16xi32> to vector<16xi32>
    %swap3A_10 = vector.shape_cast %mul3A_7 : vector<16xi32> to vector<16xi32>
    tpu.vector_store %arg8[%swap3A], %swap3A_10 {strides = array<i32>} : memref<512xi32, #tpu.memory_space<vmem>>, vector<16xi32>,
    %mul3A_11 = arith.constant 2 : i32
    %mul3A_12 = vector.broadcast %mul3A_11 : i32 to vector<16xi32>
    %mul3A_13 = arith.muli %get3A_4, %mul3A_12 : vector<16xi32>
    %add3A_14 = arith.constant 1 : i32
    %add3A_15 = vector.broadcast %add3A_14 : i32 to vector<16xi32>
    %add3A_16 = arith.addi %mul3A_13, %add3A_15 : vector<16xi32>
    %swap3A_17 = arith.constant 0 : index
    %swap3A_18 = tpu.vector_load %arg9[%swap3A_17] {strides = array<i32>} : memref<512xi32, #tpu.memory_space<vmem>>, vector<16xi32>,
    %swap3A_19 = vector.shape_cast %swap3A_18 : vector<16xi32> to vector<16xi32>
    %swap3A_20 = vector.shape_cast %add3A_16 : vector<16xi32> to vector<16xi32>
    tpu.vector_store %arg9[%swap3A_17], %swap3A_20 {strides = array<i32>} : memref<512xi32, #tpu.memory_space<vmem>>, vector<16xi32>,
    %get3A_21 = arith.constant 16 : index
    %get3A_22 = tpu.vector_load %arg7[%get3A_21] {strides = array<i32>} : memref<512xi32, #tpu.memory_space<vmem>>, vector<16xi32>,
    %get3A_23 = vector.shape_cast %get3A_22 : vector<16xi32> to vector<16xi32>
    %mul3A_24 = arith.constant 2 : i32
    %mul3A_25 = vector.broadcast %mul3A_24 : i32 to vector<16xi32>
    %mul3A_26 = arith.muli %get3A_23, %mul3A_25 : vector<16xi32>
    %swap3A_27 = arith.constant 16 : index
    %swap3A_28 = tpu.vector_load %arg8[%swap3A_27] {strides = array<i32>} : memref<512xi32, #tpu.memory_space<vmem>>, vector<16xi32>,
    %swap3A_29 = vector.shape_cast %swap3A_28 : vector<16xi32> to vector<16xi32>
    %swap3A_30 = vector.shape_cast %mul3A_26 : vector<16xi32> to vector<16xi32>
    tpu.vector_store %arg8[%swap3A_27], %swap3A_30 {strides = array<i32>} : memref<512xi32, #tpu.memory_space<vmem>>, vector<16xi32>,
    %mul3A_31 = arith.constant 2 : i32
    %mul3A_32 = vector.broadcast %mul3A_31 : i32 to vector<16xi32>
    %mul3A_33 = arith.muli %get3A_23, %mul3A_32 : vector<16xi32>
    %add3A_34 = arith.constant 1 : i32
    %add3A_35 = vector.broadcast %add3A_34 : i32 to vector<16xi32>
    %add3A_36 = arith.addi %mul3A_33, %add3A_35 : vector<16xi32>
    %swap3A_37 = arith.constant 16 : index
    %swap3A_38 = tpu.vector_load %arg9[%swap3A_37] {strides = array<i32>} : memref<512xi32, #tpu.memory_space<vmem>>, vector<16xi32>,
    %swap3A_39 = vector.shape_cast %swap3A_38 : vector<16xi32> to vector<16xi32>
    %swap3A_40 = vector.shape_cast %add3A_36 : vector<16xi32> to vector<16xi32>
    tpu.vector_store %arg9[%swap3A_37], %swap3A_40 {strides = array<i32>} : memref<512xi32, #tpu.memory_space<vmem>>, vector<16xi32>,
    %get3A_41 = arith.constant 32 : index
    %get3A_42 = tpu.vector_load %arg7[%get3A_41] {strides = array<i32>} : memref<512xi32, #tpu.memory_space<vmem>>, vector<16xi32>,
    %get3A_43 = vector.shape_cast %get3A_42 : vector<16xi32> to vector<16xi32>
    %mul3A_44 = arith.constant 2 : i32
    %mul3A_45 = vector.broadcast %mul3A_44 : i32 to vector<16xi32>
    %mul3A_46 = arith.muli %get3A_43, %mul3A_45 : vector<16xi32>
    %swap3A_47 = arith.constant 32 : index
    %swap3A_48 = tpu.vector_load %arg8[%swap3A_47] {strides = array<i32>} : memref<512xi32, #tpu.memory_space<vmem>>, vector<16xi32>,
    %swap3A_49 = vector.shape_cast %swap3A_48 : vector<16xi32> to vector<16xi32>
    %swap3A_50 = vector.shape_cast %mul3A_46 : vector<16xi32> to vector<16xi32>
    tpu.vector_store %arg8[%swap3A_47], %swap3A_50 {strides = array<i32>} : memref<512xi32, #tpu.memory_space<vmem>>, vector<16xi32>,
    %mul3A_51 = arith.constant 2 : i32
    %mul3A_52 = vector.broadcast %mul3A_51 : i32 to vector<16xi32>
    %mul3A_53 = arith.muli %get3A_43, %mul3A_52 : vector<16xi32>
    %add3A_54 = arith.constant 1 : i32
    %add3A_55 = vector.broadcast %add3A_54 : i32 to vector<16xi32>
    %add3A_56 = arith.addi %mul3A_53, %add3A_55 : vector<16xi32>
    %swap3A_57 = arith.constant 32 : index
    %swap3A_58 = tpu.vector_load %arg9[%swap3A_57] {strides = array<i32>} : memref<512xi32, #tpu.memory_space<vmem>>, vector<16xi32>,
    %swap3A_59 = vector.shape_cast %swap3A_58 : vector<16xi32> to vector<16xi32>
    %swap3A_60 = vector.shape_cast %add3A_56 : vector<16xi32> to vector<16xi32>
    tpu.vector_store %arg9[%swap3A_57], %swap3A_60 {strides = array<i32>} : memref<512xi32, #tpu.memory_space<vmem>>, vector<16xi32>,
    %get3A_61 = arith.constant 48 : index
    %get3A_62 = tpu.vector_load %arg7[%get3A_61] {strides = array<i32>} : memref<512xi32, #tpu.memory_space<vmem>>, vector<16xi32>,
    %get3A_63 = vector.shape_cast %get3A_62 : vector<16xi32> to vector<16xi32>
    %mul3A_64 = arith.constant 2 : i32
    %mul3A_65 = vector.broadcast %mul3A_64 : i32 to vector<16xi32>
    %mul3A_66 = arith.muli %get3A_63, %mul3A_65 : vector<16xi32>
    %swap3A_67 = arith.constant 48 : index
    %swap3A_68 = tpu.vector_load %arg8[%swap3A_67] {strides = array<i32>} : memref<512xi32, #tpu.memory_space<vmem>>, vector<16xi32>,
    %swap3A_69 = vector.shape_cast %swap3A_68 : vector<16xi32> to vector<16xi32>
    %swap3A_70 = vector.shape_cast %mul3A_66 : vector<16xi32> to vector<16xi32>
    tpu.vector_store %arg8[%swap3A_67], %swap3A_70 {strides = array<i32>} : memref<512xi32, #tpu.memory_space<vmem>>, vector<16xi32>,
    %mul3A_71 = arith.constant 2 : i32
    %mul3A_72 = vector.broadcast %mul3A_71 : i32 to vector<16xi32>
    %mul3A_73 = arith.muli %get3A_63, %mul3A_72 : vector<16xi32>
    %add3A_74 = arith.constant 1 : i32
    %add3A_75 = vector.broadcast %add3A_74 : i32 to vector<16xi32>
    %add3A_76 = arith.addi %mul3A_73, %add3A_75 : vector<16xi32>
    %swap3A_77 = arith.constant 48 : index
    %swap3A_78 = tpu.vector_load %arg9[%swap3A_77] {strides = array<i32>} : memref<512xi32, #tpu.memory_space<vmem>>, vector<16xi32>,
    %swap3A_79 = vector.shape_cast %swap3A_78 : vector<16xi32> to vector<16xi32>
    %swap3A_80 = vector.shape_cast %add3A_76 : vector<16xi32> to vector<16xi32>
    tpu.vector_store %arg9[%swap3A_77], %swap3A_80 {strides = array<i32>} : memref<512xi32, #tpu.memory_space<vmem>>, vector<16xi32>,
    %get3A_81 = arith.constant 64 : index
    %get3A_82 = tpu.vector_load %arg7[%get3A_81] {strides = array<i32>} : memref<512xi32, #tpu.memory_space<vmem>>, vector<16xi32>,
    %get3A_83 = vector.shape_cast %get3A_82 : vector<16xi32> to vector<16xi32>
    %mul3A_84 = arith.constant 2 : i32
    %mul3A_85 = vector.broadcast %mul3A_84 : i32 to vector<16xi32>
    %mul3A_86 = arith.muli %get3A_83, %mul3A_85 : vector<16xi32>
    %swap3A_87 = arith.constant 64 : index
    %swap3A_88 = tpu.vector_load %arg8[%swap3A_87] {strides = array<i32>} : memref<512xi32, #tpu.memory_space<vmem>>, vector<16xi32>,
    %swap3A_89 = vector.shape_cast %swap3A_88 : vector<16xi32> to vector<16xi32>
    %swap3A_90 = vector.shape_cast %mul3A_86 : vector<16xi32> to vector<16xi32>
    tpu.vector_store %arg8[%swap3A_87], %swap3A_90 {strides = array<i32>} : memref<512xi32, #tpu.memory_space<vmem>>, vector<16xi32>,
    %mul3A_91 = arith.constant 2 : i32
    %mul3A_92 = vector.broadcast %mul3A_91 : i32 to vector<16xi32>
    %mul3A_93 = arith.muli %get3A_83, %mul3A_92 : vector<16xi32>
    %add3A_94 = arith.constant 1 : i32
    %add3A_95 = vector.broadcast %add3A_94 : i32 to vector<16xi32>
    %add3A_96 = arith.addi %mul3A_93, %add3A_95 : vector<16xi32>
    %swap3A_97 = arith.constant 64 : index
    %swap3A_98 = tpu.vector_load %arg9[%swap3A_97] {strides = array<i32>} : memref<512xi32, #tpu.memory_space<vmem>>, vector<16xi32>,
    %swap3A_99 = vector.shape_cast %swap3A_98 : vector<16xi32> to vector<16xi32>
    %swap3A_100 = vector.shape_cast %add3A_96 : vector<16xi32> to vector<16xi32>
    tpu.vector_store %arg9[%swap3A_97], %swap3A_100 {strides = array<i32>} : memref<512xi32, #tpu.memory_space<vmem>>, vector<16xi32>,
    %get3A_101 = arith.constant 80 : index
    %get3A_102 = tpu.vector_load %arg7[%get3A_101] {strides = array<i32>} : memref<512xi32, #tpu.memory_space<vmem>>, vector<16xi32>,
    %get3A_103 = vector.shape_cast %get3A_102 : vector<16xi32> to vector<16xi32>
    %mul3A_104 = arith.constant 2 : i32
    %mul3A_105 = vector.broadcast %mul3A_104 : i32 to vector<16xi32>
    %mul3A_106 = arith.muli %get3A_103, %mul3A_105 : vector<16xi32>
    %swap3A_107 = arith.constant 80 : index
    %swap3A_108 = tpu.vector_load %arg8[%swap3A_107] {strides = array<i32>} : memref<512xi32, #tpu.memory_space<vmem>>, vector<16xi32>,
    %swap3A_109 = vector.shape_cast %swap3A_108 : vector<16xi32> to vector<16xi32>
    %swap3A_110 = vector.shape_cast %mul3A_106 : vector<16xi32> to vector<16xi32>
    tpu.vector_store %arg8[%swap3A_107], %swap3A_110 {strides = array<i32>} : memref<512xi32, #tpu.memory_space<vmem>>, vector<16xi32>,
    %mul3A_111 = arith.constant 2 : i32
    %mul3A_112 = vector.broadcast %mul3A_111 : i32 to vector<16xi32>
    %mul3A_113 = arith.muli %get3A_103, %mul3A_112 : vector<16xi32>
    %add3A_114 = arith.constant 1 : i32
    %add3A_115 = vector.broadcast %add3A_114 : i32 to vector<16xi32>
    %add3A_116 = arith.addi %mul3A_113, %add3A_115 : vector<16xi32>
    %swap3A_117 = arith.constant 80 : index
    %swap3A_118 = tpu.vector_load %arg9[%swap3A_117] {strides = array<i32>} : memref<512xi32, #tpu.memory_space<vmem>>, vector<16xi32>,
    %swap3A_119 = vector.shape_cast %swap3A_118 : vector<16xi32> to vector<16xi32>
    %swap3A_120 = vector.shape_cast %add3A_116 : vector<16xi32> to vector<16xi32>
    tpu.vector_store %arg9[%swap3A_117], %swap3A_120 {strides = array<i32>} : memref<512xi32, #tpu.memory_space<vmem>>, vector<16xi32>,
    %get3A_121 = arith.constant 96 : index
    %get3A_122 = tpu.vector_load %arg7[%get3A_121] {strides = array<i32>} : memref<512xi32, #tpu.memory_space<vmem>>, vector<16xi32>,
    %get3A_123 = vector.shape_cast %get3A_122 : vector<16xi32> to vector<16xi32>
    %mul3A_124 = arith.constant 2 : i32
    %mul3A_125 = vector.broadcast %mul3A_124 : i32 to vector<16xi32>
    %mul3A_126 = arith.muli %get3A_123, %mul3A_125 : vector<16xi32>
    %swap3A_127 = arith.constant 96 : index
    %swap3A_128 = tpu.vector_load %arg8[%swap3A_127] {strides = array<i32>} : memref<512xi32, #tpu.memory_space<vmem>>, vector<16xi32>,
    %swap3A_129 = vector.shape_cast %swap3A_128 : vector<16xi32> to vector<16xi32>
    %swap3A_130 = vector.shape_cast %mul3A_126 : vector<16xi32> to vector<16xi32>
    tpu.vector_store %arg8[%swap3A_127], %swap3A_130 {strides = array<i32>} : memref<512xi32, #tpu.memory_space<vmem>>, vector<16xi32>,
    %mul3A_131 = arith.constant 2 : i32
    %mul3A_132 = vector.broadcast %mul3A_131 : i32 to vector<16xi32>
    %mul3A_133 = arith.muli %get3A_123, %mul3A_132 : vector<16xi32>
    %add3A_134 = arith.constant 1 : i32
    %add3A_135 = vector.broadcast %add3A_134 : i32 to vector<16xi32>
    %add3A_136 = arith.addi %mul3A_133, %add3A_135 : vector<16xi32>
    %swap3A_137 = arith.constant 96 : index
    %swap3A_138 = tpu.vector_load %arg9[%swap3A_137] {strides = array<i32>} : memref<512xi32, #tpu.memory_space<vmem>>, vector<16xi32>,
    %swap3A_139 = vector.shape_cast %swap3A_138 : vector<16xi32> to vector<16xi32>
    %swap3A_140 = vector.shape_cast %add3A_136 : vector<16xi32> to vector<16xi32>
    tpu.vector_store %arg9[%swap3A_137], %swap3A_140 {strides = array<i32>} : memref<512xi32, #tpu.memory_space<vmem>>, vector<16xi32>,
    %get3A_141 = arith.constant 112 : index
    %get3A_142 = tpu.vector_load %arg7[%get3A_141] {strides = array<i32>} : memref<512xi32, #tpu.memory_space<vmem>>, vector<16xi32>,
    %get3A_143 = vector.shape_cast %get3A_142 : vector<16xi32> to vector<16xi32>
    %mul3A_144 = arith.constant 2 : i32
    %mul3A_145 = vector.broadcast %mul3A_144 : i32 to vector<16xi32>
    %mul3A_146 = arith.muli %get3A_143, %mul3A_145 : vector<16xi32>
    %swap3A_147 = arith.constant 112 : index
    %swap3A_148 = tpu.vector_load %arg8[%swap3A_147] {strides = array<i32>} : memref<512xi32, #tpu.memory_space<vmem>>, vector<16xi32>,
    %swap3A_149 = vector.shape_cast %swap3A_148 : vector<16xi32> to vector<16xi32>
    %swap3A_150 = vector.shape_cast %mul3A_146 : vector<16xi32> to vector<16xi32>
    tpu.vector_store %arg8[%swap3A_147], %swap3A_150 {strides = array<i32>} : memref<512xi32, #tpu.memory_space<vmem>>, vector<16xi32>,
    %mul3A_151 = arith.constant 2 : i32
    %mul3A_152 = vector.broadcast %mul3A_151 : i32 to vector<16xi32>
    %mul3A_153 = arith.muli %get3A_143, %mul3A_152 : vector<16xi32>
    %add3A_154 = arith.constant 1 : i32
    %add3A_155 = vector.broadcast %add3A_154 : i32 to vector<16xi32>
    %add3A_156 = arith.addi %mul3A_153, %add3A_155 : vector<16xi32>
    %swap3A_157 = arith.constant 112 : index
    %swap3A_158 = tpu.vector_load %arg9[%swap3A_157] {strides = array<i32>} : memref<512xi32, #tpu.memory_space<vmem>>, vector<16xi32>,
    %swap3A_159 = vector.shape_cast %swap3A_158 : vector<16xi32> to vector<16xi32>
    %swap3A_160 = vector.shape_cast %add3A_156 : vector<16xi32> to vector<16xi32>
    tpu.vector_store %arg9[%swap3A_157], %swap3A_160 {strides = array<i32>} : memref<512xi32, #tpu.memory_space<vmem>>, vector<16xi32>,
    %get3A_161 = arith.constant 128 : index
    %get3A_162 = tpu.vector_load %arg7[%get3A_161] {strides = array<i32>} : memref<512xi32, #tpu.memory_space<vmem>>, vector<16xi32>,
    %get3A_163 = vector.shape_cast %get3A_162 : vector<16xi32> to vector<16xi32>
    %mul3A_164 = arith.constant 2 : i32
    %mul3A_165 = vector.broadcast %mul3A_164 : i32 to vector<16xi32>
    %mul3A_166 = arith.muli %get3A_163, %mul3A_165 : vector<16xi32>
    %swap3A_167 = arith.constant 128 : index
    %swap3A_168 = tpu.vector_load %arg8[%swap3A_167] {strides = array<i32>} : memref<512xi32, #tpu.memory_space<vmem>>, vector<16xi32>,
    %swap3A_169 = vector.shape_cast %swap3A_168 : vector<16xi32> to vector<16xi32>
    %swap3A_170 = vector.shape_cast %mul3A_166 : vector<16xi32> to vector<16xi32>
    tpu.vector_store %arg8[%swap3A_167], %swap3A_170 {strides = array<i32>} : memref<512xi32, #tpu.memory_space<vmem>>, vector<16xi32>,
    %mul3A_171 = arith.constant 2 : i32
    %mul3A_172 = vector.broadcast %mul3A_171 : i32 to vector<16xi32>
    %mul3A_173 = arith.muli %get3A_163, %mul3A_172 : vector<16xi32>
    %add3A_174 = arith.constant 1 : i32
    %add3A_175 = vector.broadcast %add3A_174 : i32 to vector<16xi32>
    %add3A_176 = arith.addi %mul3A_173, %add3A_175 : vector<16xi32>
    %swap3A_177 = arith.constant 128 : index
    %swap3A_178 = tpu.vector_load %arg9[%swap3A_177] {strides = array<i32>} : memref<512xi32, #tpu.memory_space<vmem>>, vector<16xi32>,
    %swap3A_179 = vector.shape_cast %swap3A_178 : vector<16xi32> to vector<16xi32>
    %swap3A_180 = vector.shape_cast %add3A_176 : vector<16xi32> to vector<16xi32>
    tpu.vector_store %arg9[%swap3A_177], %swap3A_180 {strides = array<i32>} : memref<512xi32, #tpu.memory_space<vmem>>, vector<16xi32>,
    %get3A_181 = arith.constant 144 : index
    %get3A_182 = tpu.vector_load %arg7[%get3A_181] {strides = array<i32>} : memref<512xi32, #tpu.memory_space<vmem>>, vector<16xi32>,
    %get3A_183 = vector.shape_cast %get3A_182 : vector<16xi32> to vector<16xi32>
    %mul3A_184 = arith.constant 2 : i32
    %mul3A_185 = vector.broadcast %mul3A_184 : i32 to vector<16xi32>
    %mul3A_186 = arith.muli %get3A_183, %mul3A_185 : vector<16xi32>
    %swap3A_187 = arith.constant 144 : index
    %swap3A_188 = tpu.vector_load %arg8[%swap3A_187] {strides = array<i32>} : memref<512xi32, #tpu.memory_space<vmem>>, vector<16xi32>,
    %swap3A_189 = vector.shape_cast %swap3A_188 : vector<16xi32> to vector<16xi32>
    %swap3A_190 = vector.shape_cast %mul3A_186 : vector<16xi32> to vector<16xi32>
    tpu.vector_store %arg8[%swap3A_187], %swap3A_190 {strides = array<i32>} : memref<512xi32, #tpu.memory_space<vmem>>, vector<16xi32>,
    %mul3A_191 = arith.constant 2 : i32
    %mul3A_192 = vector.broadcast %mul3A_191 : i32 to vector<16xi32>
    %mul3A_193 = arith.muli %get3A_183, %mul3A_192 : vector<16xi32>
    %add3A_194 = arith.constant 1 : i32
    %add3A_195 = vector.broadcast %add3A_194 : i32 to vector<16xi32>
    %add3A_196 = arith.addi %mul3A_193, %add3A_195 : vector<16xi32>
    %swap3A_197 = arith.constant 144 : index
    %swap3A_198 = tpu.vector_load %arg9[%swap3A_197] {strides = array<i32>} : memref<512xi32, #tpu.memory_space<vmem>>, vector<16xi32>,
    %swap3A_199 = vector.shape_cast %swap3A_198 : vector<16xi32> to vector<16xi32>
    %swap3A_200 = vector.shape_cast %add3A_196 : vector<16xi32> to vector<16xi32>
    tpu.vector_store %arg9[%swap3A_197], %swap3A_200 {strides = array<i32>} : memref<512xi32, #tpu.memory_space<vmem>>, vector<16xi32>,
    %get3A_201 = arith.constant 160 : index
    %get3A_202 = tpu.vector_load %arg7[%get3A_201] {strides = array<i32>} : memref<512xi32, #tpu.memory_space<vmem>>, vector<16xi32>,
    %get3A_203 = vector.shape_cast %get3A_202 : vector<16xi32> to vector<16xi32>
    %mul3A_204 = arith.constant 2 : i32
    %mul3A_205 = vector.broadcast %mul3A_204 : i32 to vector<16xi32>
    %mul3A_206 = arith.muli %get3A_203, %mul3A_205 : vector<16xi32>
    %swap3A_207 = arith.constant 160 : index
    %swap3A_208 = tpu.vector_load %arg8[%swap3A_207] {strides = array<i32>} : memref<512xi32, #tpu.memory_space<vmem>>, vector<16xi32>,
    %swap3A_209 = vector.shape_cast %swap3A_208 : vector<16xi32> to vector<16xi32>
    %swap3A_210 = vector.shape_cast %mul3A_206 : vector<16xi32> to vector<16xi32>
    tpu.vector_store %arg8[%swap3A_207], %swap3A_210 {strides = array<i32>} : memref<512xi32, #tpu.memory_space<vmem>>, vector<16xi32>,
    %mul3A_211 = arith.constant 2 : i32
    %mul3A_212 = vector.broadcast %mul3A_211 : i32 to vector<16xi32>
    %mul3A_213 = arith.muli %get3A_203, %mul3A_212 : vector<16xi32>
    %add3A_214 = arith.constant 1 : i32
    %add3A_215 = vector.broadcast %add3A_214 : i32 to vector<16xi32>
    %add3A_216 = arith.addi %mul3A_213, %add3A_215 : vector<16xi32>
    %swap3A_217 = arith.constant 160 : index
    %swap3A_218 = tpu.vector_load %arg9[%swap3A_217] {strides = array<i32>} : memref<512xi32, #tpu.memory_space<vmem>>, vector<16xi32>,
    %swap3A_219 = vector.shape_cast %swap3A_218 : vector<16xi32> to vector<16xi32>
    %swap3A_220 = vector.shape_cast %add3A_216 : vector<16xi32> to vector<16xi32>
    tpu.vector_store %arg9[%swap3A_217], %swap3A_220 {strides = array<i32>} : memref<512xi32, #tpu.memory_space<vmem>>, vector<16xi32>,
    %get3A_221 = arith.constant 176 : index
    %get3A_222 = tpu.vector_load %arg7[%get3A_221] {strides = array<i32>} : memref<512xi32, #tpu.memory_space<vmem>>, vector<16xi32>,
    %get3A_223 = vector.shape_cast %get3A_222 : vector<16xi32> to vector<16xi32>
    %mul3A_224 = arith.constant 2 : i32
    %mul3A_225 = vector.broadcast %mul3A_224 : i32 to vector<16xi32>
    %mul3A_226 = arith.muli %get3A_223, %mul3A_225 : vector<16xi32>
    %swap3A_227 = arith.constant 176 : index
    %swap3A_228 = tpu.vector_load %arg8[%swap3A_227] {strides = array<i32>} : memref<512xi32, #tpu.memory_space<vmem>>, vector<16xi32>,
    %swap3A_229 = vector.shape_cast %swap3A_228 : vector<16xi32> to vector<16xi32>
    %swap3A_230 = vector.shape_cast %mul3A_226 : vector<16xi32> to vector<16xi32>
    tpu.vector_store %arg8[%swap3A_227], %swap3A_230 {strides = array<i32>} : memref<512xi32, #tpu.memory_space<vmem>>, vector<16xi32>,
    %mul3A_231 = arith.constant 2 : i32
    %mul3A_232 = vector.broadcast %mul3A_231 : i32 to vector<16xi32>
    %mul3A_233 = arith.muli %get3A_223, %mul3A_232 : vector<16xi32>
    %add3A_234 = arith.constant 1 : i32
    %add3A_235 = vector.broadcast %add3A_234 : i32 to vector<16xi32>
    %add3A_236 = arith.addi %mul3A_233, %add3A_235 : vector<16xi32>
    %swap3A_237 = arith.constant 176 : index
    %swap3A_238 = tpu.vector_load %arg9[%swap3A_237] {strides = array<i32>} : memref<512xi32, #tpu.memory_space<vmem>>, vector<16xi32>,
    %swap3A_239 = vector.shape_cast %swap3A_238 : vector<16xi32> to vector<16xi32>
    %swap3A_240 = vector.shape_cast %add3A_236 : vector<16xi32> to vector<16xi32>
    tpu.vector_store %arg9[%swap3A_237], %swap3A_240 {strides = array<i32>} : memref<512xi32, #tpu.memory_space<vmem>>, vector<16xi32>,
    %get3A_241 = arith.constant 192 : index
    %get3A_242 = tpu.vector_load %arg7[%get3A_241] {strides = array<i32>} : memref<512xi32, #tpu.memory_space<vmem>>, vector<16xi32>,
    %get3A_243 = vector.shape_cast %get3A_242 : vector<16xi32> to vector<16xi32>
    %mul3A_244 = arith.constant 2 : i32
    %mul3A_245 = vector.broadcast %mul3A_244 : i32 to vector<16xi32>
    %mul3A_246 = arith.muli %get3A_243, %mul3A_245 : vector<16xi32>
    %swap3A_247 = arith.constant 192 : index
    %swap3A_248 = tpu.vector_load %arg8[%swap3A_247] {strides = array<i32>} : memref<512xi32, #tpu.memory_space<vmem>>, vector<16xi32>,
    %swap3A_249 = vector.shape_cast %swap3A_248 : vector<16xi32> to vector<16xi32>
    %swap3A_250 = vector.shape_cast %mul3A_246 : vector<16xi32> to vector<16xi32>
    tpu.vector_store %arg8[%swap3A_247], %swap3A_250 {strides = array<i32>} : memref<512xi32, #tpu.memory_space<vmem>>, vector<16xi32>,
    %mul3A_251 = arith.constant 2 : i32
    %mul3A_252 = vector.broadcast %mul3A_251 : i32 to vector<16xi32>
    %mul3A_253 = arith.muli %get3A_243, %mul3A_252 : vector<16xi32>
    %add3A_254 = arith.constant 1 : i32
    %add3A_255 = vector.broadcast %add3A_254 : i32 to vector<16xi32>
    %add3A_256 = arith.addi %mul3A_253, %add3A_255 : vector<16xi32>
    %swap3A_257 = arith.constant 192 : index
    %swap3A_258 = tpu.vector_load %arg9[%swap3A_257] {strides = array<i32>} : memref<512xi32, #tpu.memory_space<vmem>>, vector<16xi32>,
    %swap3A_259 = vector.shape_cast %swap3A_258 : vector<16xi32> to vector<16xi32>
    %swap3A_260 = vector.shape_cast %add3A_256 : vector<16xi32> to vector<16xi32>
    tpu.vector_store %arg9[%swap3A_257], %swap3A_260 {strides = array<i32>} : memref<512xi32, #tpu.memory_space<vmem>>, vector<16xi32>,
    %get3A_261 = arith.constant 208 : index
    %get3A_262 = tpu.vector_load %arg7[%get3A_261] {strides = array<i32>} : memref<512xi32, #tpu.memory_space<vmem>>, vector<16xi32>,
    %get3A_263 = vector.shape_cast %get3A_262 : vector<16xi32> to vector<16xi32>
    %mul3A_264 = arith.constant 2 : i32
    %mul3A_265 = vector.broadcast %mul3A_264 : i32 to vector<16xi32>
    %mul3A_266 = arith.muli %get3A_263, %mul3A_265 : vector<16xi32>
    %swap3A_267 = arith.constant 208 : index
    %swap3A_268 = tpu.vector_load %arg8[%swap3A_267] {strides = array<i32>} : memref<512xi32, #tpu.memory_space<vmem>>, vector<16xi32>,
    %swap3A_269 = vector.shape_cast %swap3A_268 : vector<16xi32> to vector<16xi32>
    %swap3A_270 = vector.shape_cast %mul3A_266 : vector<16xi32> to vector<16xi32>
    tpu.vector_store %arg8[%swap3A_267], %swap3A_270 {strides = array<i32>} : memref<512xi32, #tpu.memory_space<vmem>>, vector<16xi32>,
    %mul3A_271 = arith.constant 2 : i32
    %mul3A_272 = vector.broadcast %mul3A_271 : i32 to vector<16xi32>
    %mul3A_273 = arith.muli %get3A_263, %mul3A_272 : vector<16xi32>
    %add3A_274 = arith.constant 1 : i32
    %add3A_275 = vector.broadcast %add3A_274 : i32 to vector<16xi32>
    %add3A_276 = arith.addi %mul3A_273, %add3A_275 : vector<16xi32>
    %swap3A_277 = arith.constant 208 : index
    %swap3A_278 = tpu.vector_load %arg9[%swap3A_277] {strides = array<i32>} : memref<512xi32, #tpu.memory_space<vmem>>, vector<16xi32>,
    %swap3A_279 = vector.shape_cast %swap3A_278 : vector<16xi32> to vector<16xi32>
    %swap3A_280 = vector.shape_cast %add3A_276 : vector<16xi32> to vector<16xi32>
    tpu.vector_store %arg9[%swap3A_277], %swap3A_280 {strides = array<i32>} : memref<512xi32, #tpu.memory_space<vmem>>, vector<16xi32>,
    %get3A_281 = arith.constant 224 : index
    %get3A_282 = tpu.vector_load %arg7[%get3A_281] {strides = array<i32>} : memref<512xi32, #tpu.memory_space<vmem>>, vector<16xi32>,
    %get3A_283 = vector.shape_cast %get3A_282 : vector<16xi32> to vector<16xi32>
    %mul3A_284 = arith.constant 2 : i32
    %mul3A_285 = vector.broadcast %mul3A_284 : i32 to vector<16xi32>
    %mul3A_286 = arith.muli %get3A_283, %mul3A_285 : vector<16xi32>
    %swap3A_287 = arith.constant 224 : index
    %swap3A_288 = tpu.vector_load %arg8[%swap3A_287] {strides = array<i32>} : memref<512xi32, #tpu.memory_space<vmem>>, vector<16xi32>,
    %swap3A_289 = vector.shape_cast %swap3A_288 : vector<16xi32> to vector<16xi32>
    %swap3A_290 = vector.shape_cast %mul3A_286 : vector<16xi32> to vector<16xi32>
    tpu.vector_store %arg8[%swap3A_287], %swap3A_290 {strides = array<i32>} : memref<512xi32, #tpu.memory_space<vmem>>, vector<16xi32>,
    %mul3A_291 = arith.constant 2 : i32
    %mul3A_292 = vector.broadcast %mul3A_291 : i32 to vector<16xi32>
    %mul3A_293 = arith.muli %get3A_283, %mul3A_292 : vector<16xi32>
    %add3A_294 = arith.constant 1 : i32
    %add3A_295 = vector.broadcast %add3A_294 : i32 to vector<16xi32>
    %add3A_296 = arith.addi %mul3A_293, %add3A_295 : vector<16xi32>
    %swap3A_297 = arith.constant 224 : index
    %swap3A_298 = tpu.vector_load %arg9[%swap3A_297] {strides = array<i32>} : memref<512xi32, #tpu.memory_space<vmem>>, vector<16xi32>,
    %swap3A_299 = vector.shape_cast %swap3A_298 : vector<16xi32> to vector<16xi32>
    %swap3A_300 = vector.shape_cast %add3A_296 : vector<16xi32> to vector<16xi32>
    tpu.vector_store %arg9[%swap3A_297], %swap3A_300 {strides = array<i32>} : memref<512xi32, #tpu.memory_space<vmem>>, vector<16xi32>,
    %get3A_301 = arith.constant 240 : index
    %get3A_302 = tpu.vector_load %arg7[%get3A_301] {strides = array<i32>} : memref<512xi32, #tpu.memory_space<vmem>>, vector<16xi32>,
    %get3A_303 = vector.shape_cast %get3A_302 : vector<16xi32> to vector<16xi32>
    %mul3A_304 = arith.constant 2 : i32
    %mul3A_305 = vector.broadcast %mul3A_304 : i32 to vector<16xi32>
    %mul3A_306 = arith.muli %get3A_303, %mul3A_305 : vector<16xi32>
    %swap3A_307 = arith.constant 240 : index
    %swap3A_308 = tpu.vector_load %arg8[%swap3A_307] {strides = array<i32>} : memref<512xi32, #tpu.memory_space<vmem>>, vector<16xi32>,
    %swap3A_309 = vector.shape_cast %swap3A_308 : vector<16xi32> to vector<16xi32>
    %swap3A_310 = vector.shape_cast %mul3A_306 : vector<16xi32> to vector<16xi32>
    tpu.vector_store %arg8[%swap3A_307], %swap3A_310 {strides = array<i32>} : memref<512xi32, #tpu.memory_space<vmem>>, vector<16xi32>,
    %mul3A_311 = arith.constant 2 : i32
    %mul3A_312 = vector.broadcast %mul3A_311 : i32 to vector<16xi32>
    %mul3A_313 = arith.muli %get3A_303, %mul3A_312 : vector<16xi32>
    %add3A_314 = arith.constant 1 : i32
    %add3A_315 = vector.broadcast %add3A_314 : i32 to vector<16xi32>
    %add3A_316 = arith.addi %mul3A_313, %add3A_315 : vector<16xi32>
    %swap3A_317 = arith.constant 240 : index
    %swap3A_318 = tpu.vector_load %arg9[%swap3A_317] {strides = array<i32>} : memref<512xi32, #tpu.memory_space<vmem>>, vector<16xi32>,
    %swap3A_319 = vector.shape_cast %swap3A_318 : vector<16xi32> to vector<16xi32>
    %swap3A_320 = vector.shape_cast %add3A_316 : vector<16xi32> to vector<16xi32>
    tpu.vector_store %arg9[%swap3A_317], %swap3A_320 {strides = array<i32>} : memref<512xi32, #tpu.memory_space<vmem>>, vector<16xi32>,
    %get3A_321 = arith.constant 256 : index
    %get3A_322 = tpu.vector_load %arg7[%get3A_321] {strides = array<i32>} : memref<512xi32, #tpu.memory_space<vmem>>, vector<16xi32>,
    %get3A_323 = vector.shape_cast %get3A_322 : vector<16xi32> to vector<16xi32>
    %mul3A_324 = arith.constant 2 : i32
    %mul3A_325 = vector.broadcast %mul3A_324 : i32 to vector<16xi32>
    %mul3A_326 = arith.muli %get3A_323, %mul3A_325 : vector<16xi32>
    %swap3A_327 = arith.constant 256 : index
    %swap3A_328 = tpu.vector_load %arg8[%swap3A_327] {strides = array<i32>} : memref<512xi32, #tpu.memory_space<vmem>>, vector<16xi32>,
    %swap3A_329 = vector.shape_cast %swap3A_328 : vector<16xi32> to vector<16xi32>
    %swap3A_330 = vector.shape_cast %mul3A_326 : vector<16xi32> to vector<16xi32>
    tpu.vector_store %arg8[%swap3A_327], %swap3A_330 {strides = array<i32>} : memref<512xi32, #tpu.memory_space<vmem>>, vector<16xi32>,
    %mul3A_331 = arith.constant 2 : i32
    %mul3A_332 = vector.broadcast %mul3A_331 : i32 to vector<16xi32>
    %mul3A_333 = arith.muli %get3A_323, %mul3A_332 : vector<16xi32>
    %add3A_334 = arith.constant 1 : i32
    %add3A_335 = vector.broadcast %add3A_334 : i32 to vector<16xi32>
    %add3A_336 = arith.addi %mul3A_333, %add3A_335 : vector<16xi32>
    %swap3A_337 = arith.constant 256 : index
    %swap3A_338 = tpu.vector_load %arg9[%swap3A_337] {strides = array<i32>} : memref<512xi32, #tpu.memory_space<vmem>>, vector<16xi32>,
    %swap3A_339 = vector.shape_cast %swap3A_338 : vector<16xi32> to vector<16xi32>
    %swap3A_340 = vector.shape_cast %add3A_336 : vector<16xi32> to vector<16xi32>
    tpu.vector_store %arg9[%swap3A_337], %swap3A_340 {strides = array<i32>} : memref<512xi32, #tpu.memory_space<vmem>>, vector<16xi32>,
    %get3A_341 = arith.constant 272 : index
    %get3A_342 = tpu.vector_load %arg7[%get3A_341] {strides = array<i32>} : memref<512xi32, #tpu.memory_space<vmem>>, vector<16xi32>,
    %get3A_343 = vector.shape_cast %get3A_342 : vector<16xi32> to vector<16xi32>
    %mul3A_344 = arith.constant 2 : i32
    %mul3A_345 = vector.broadcast %mul3A_344 : i32 to vector<16xi32>
    %mul3A_346 = arith.muli %get3A_343, %mul3A_345 : vector<16xi32>
    %swap3A_347 = arith.constant 272 : index
    %swap3A_348 = tpu.vector_load %arg8[%swap3A_347] {strides = array<i32>} : memref<512xi32, #tpu.memory_space<vmem>>, vector<16xi32>,
    %swap3A_349 = vector.shape_cast %swap3A_348 : vector<16xi32> to vector<16xi32>
    %swap3A_350 = vector.shape_cast %mul3A_346 : vector<16xi32> to vector<16xi32>
    tpu.vector_store %arg8[%swap3A_347], %swap3A_350 {strides = array<i32>} : memref<512xi32, #tpu.memory_space<vmem>>, vector<16xi32>,
    %mul3A_351 = arith.constant 2 : i32
    %mul3A_352 = vector.broadcast %mul3A_351 : i32 to vector<16xi32>
    %mul3A_353 = arith.muli %get3A_343, %mul3A_352 : vector<16xi32>
    %add3A_354 = arith.constant 1 : i32
    %add3A_355 = vector.broadcast %add3A_354 : i32 to vector<16xi32>
    %add3A_356 = arith.addi %mul3A_353, %add3A_355 : vector<16xi32>
    %swap3A_357 = arith.constant 272 : index
    %swap3A_358 = tpu.vector_load %arg9[%swap3A_357] {strides = array<i32>} : memref<512xi32, #tpu.memory_space<vmem>>, vector<16xi32>,
    %swap3A_359 = vector.shape_cast %swap3A_358 : vector<16xi32> to vector<16xi32>
    %swap3A_360 = vector.shape_cast %add3A_356 : vector<16xi32> to vector<16xi32>
    tpu.vector_store %arg9[%swap3A_357], %swap3A_360 {strides = array<i32>} : memref<512xi32, #tpu.memory_space<vmem>>, vector<16xi32>,
    %get3A_361 = arith.constant 288 : index
    %get3A_362 = tpu.vector_load %arg7[%get3A_361] {strides = array<i32>} : memref<512xi32, #tpu.memory_space<vmem>>, vector<16xi32>,
    %get3A_363 = vector.shape_cast %get3A_362 : vector<16xi32> to vector<16xi32>
    %mul3A_364 = arith.constant 2 : i32
    %mul3A_365 = vector.broadcast %mul3A_364 : i32 to vector<16xi32>
    %mul3A_366 = arith.muli %get3A_363, %mul3A_365 : vector<16xi32>
    %swap3A_367 = arith.constant 288 : index
    %swap3A_368 = tpu.vector_load %arg8[%swap3A_367] {strides = array<i32>} : memref<512xi32, #tpu.memory_space<vmem>>, vector<16xi32>,
    %swap3A_369 = vector.shape_cast %swap3A_368 : vector<16xi32> to vector<16xi32>
    %swap3A_370 = vector.shape_cast %mul3A_366 : vector<16xi32> to vector<16xi32>
    tpu.vector_store %arg8[%swap3A_367], %swap3A_370 {strides = array<i32>} : memref<512xi32, #tpu.memory_space<vmem>>, vector<16xi32>,
    %mul3A_371 = arith.constant 2 : i32
    %mul3A_372 = vector.broadcast %mul3A_371 : i32 to vector<16xi32>
    %mul3A_373 = arith.muli %get3A_363, %mul3A_372 : vector<16xi32>
    %add3A_374 = arith.constant 1 : i32
    %add3A_375 = vector.broadcast %add3A_374 : i32 to vector<16xi32>
    %add3A_376 = arith.addi %mul3A_373, %add3A_375 : vector<16xi32>
    %swap3A_377 = arith.constant 288 : index
    %swap3A_378 = tpu.vector_load %arg9[%swap3A_377] {strides = array<i32>} : memref<512xi32, #tpu.memory_space<vmem>>, vector<16xi32>,
    %swap3A_379 = vector.shape_cast %swap3A_378 : vector<16xi32> to vector<16xi32>
    %swap3A_380 = vector.shape_cast %add3A_376 : vector<16xi32> to vector<16xi32>
    tpu.vector_store %arg9[%swap3A_377], %swap3A_380 {strides = array<i32>} : memref<512xi32, #tpu.memory_space<vmem>>, vector<16xi32>,
    %get3A_381 = arith.constant 304 : index
    %get3A_382 = tpu.vector_load %arg7[%get3A_381] {strides = array<i32>} : memref<512xi32, #tpu.memory_space<vmem>>, vector<16xi32>,
    %get3A_383 = vector.shape_cast %get3A_382 : vector<16xi32> to vector<16xi32>
    %mul3A_384 = arith.constant 2 : i32
    %mul3A_385 = vector.broadcast %mul3A_384 : i32 to vector<16xi32>
    %mul3A_386 = arith.muli %get3A_383, %mul3A_385 : vector<16xi32>
    %swap3A_387 = arith.constant 304 : index
    %swap3A_388 = tpu.vector_load %arg8[%swap3A_387] {strides = array<i32>} : memref<512xi32, #tpu.memory_space<vmem>>, vector<16xi32>,
    %swap3A_389 = vector.shape_cast %swap3A_388 : vector<16xi32> to vector<16xi32>
    %swap3A_390 = vector.shape_cast %mul3A_386 : vector<16xi32> to vector<16xi32>
    tpu.vector_store %arg8[%swap3A_387], %swap3A_390 {strides = array<i32>} : memref<512xi32, #tpu.memory_space<vmem>>, vector<16xi32>,
    %mul3A_391 = arith.constant 2 : i32
    %mul3A_392 = vector.broadcast %mul3A_391 : i32 to vector<16xi32>
    %mul3A_393 = arith.muli %get3A_383, %mul3A_392 : vector<16xi32>
    %add3A_394 = arith.constant 1 : i32
    %add3A_395 = vector.broadcast %add3A_394 : i32 to vector<16xi32>
    %add3A_396 = arith.addi %mul3A_393, %add3A_395 : vector<16xi32>
    %swap3A_397 = arith.constant 304 : index
    %swap3A_398 = tpu.vector_load %arg9[%swap3A_397] {strides = array<i32>} : memref<512xi32, #tpu.memory_space<vmem>>, vector<16xi32>,
    %swap3A_399 = vector.shape_cast %swap3A_398 : vector<16xi32> to vector<16xi32>
    %swap3A_400 = vector.shape_cast %add3A_396 : vector<16xi32> to vector<16xi32>
    tpu.vector_store %arg9[%swap3A_397], %swap3A_400 {strides = array<i32>} : memref<512xi32, #tpu.memory_space<vmem>>, vector<16xi32>,
    %get3A_401 = arith.constant 320 : index
    %get3A_402 = tpu.vector_load %arg7[%get3A_401] {strides = array<i32>} : memref<512xi32, #tpu.memory_space<vmem>>, vector<16xi32>,
    %get3A_403 = vector.shape_cast %get3A_402 : vector<16xi32> to vector<16xi32>
    %mul3A_404 = arith.constant 2 : i32
    %mul3A_405 = vector.broadcast %mul3A_404 : i32 to vector<16xi32>
    %mul3A_406 = arith.muli %get3A_403, %mul3A_405 : vector<16xi32>
    %swap3A_407 = arith.constant 320 : index
    %swap3A_408 = tpu.vector_load %arg8[%swap3A_407] {strides = array<i32>} : memref<512xi32, #tpu.memory_space<vmem>>, vector<16xi32>,
    %swap3A_409 = vector.shape_cast %swap3A_408 : vector<16xi32> to vector<16xi32>
    %swap3A_410 = vector.shape_cast %mul3A_406 : vector<16xi32> to vector<16xi32>
    tpu.vector_store %arg8[%swap3A_407], %swap3A_410 {strides = array<i32>} : memref<512xi32, #tpu.memory_space<vmem>>, vector<16xi32>,
    %mul3A_411 = arith.constant 2 : i32
    %mul3A_412 = vector.broadcast %mul3A_411 : i32 to vector<16xi32>
    %mul3A_413 = arith.muli %get3A_403, %mul3A_412 : vector<16xi32>
    %add3A_414 = arith.constant 1 : i32
    %add3A_415 = vector.broadcast %add3A_414 : i32 to vector<16xi32>
    %add3A_416 = arith.addi %mul3A_413, %add3A_415 : vector<16xi32>
    %swap3A_417 = arith.constant 320 : index
    %swap3A_418 = tpu.vector_load %arg9[%swap3A_417] {strides = array<i32>} : memref<512xi32, #tpu.memory_space<vmem>>, vector<16xi32>,
    %swap3A_419 = vector.shape_cast %swap3A_418 : vector<16xi32> to vector<16xi32>
    %swap3A_420 = vector.shape_cast %add3A_416 : vector<16xi32> to vector<16xi32>
    tpu.vector_store %arg9[%swap3A_417], %swap3A_420 {strides = array<i32>} : memref<512xi32, #tpu.memory_space<vmem>>, vector<16xi32>,
    %get3A_421 = arith.constant 336 : index
    %get3A_422 = tpu.vector_load %arg7[%get3A_421] {strides = array<i32>} : memref<512xi32, #tpu.memory_space<vmem>>, vector<16xi32>,
    %get3A_423 = vector.shape_cast %get3A_422 : vector<16xi32> to vector<16xi32>
    %mul3A_424 = arith.constant 2 : i32
    %mul3A_425 = vector.broadcast %mul3A_424 : i32 to vector<16xi32>
    %mul3A_426 = arith.muli %get3A_423, %mul3A_425 : vector<16xi32>
    %swap3A_427 = arith.constant 336 : index
    %swap3A_428 = tpu.vector_load %arg8[%swap3A_427] {strides = array<i32>} : memref<512xi32, #tpu.memory_space<vmem>>, vector<16xi32>,
    %swap3A_429 = vector.shape_cast %swap3A_428 : vector<16xi32> to vector<16xi32>
    %swap3A_430 = vector.shape_cast %mul3A_426 : vector<16xi32> to vector<16xi32>
    tpu.vector_store %arg8[%swap3A_427], %swap3A_430 {strides = array<i32>} : memref<512xi32, #tpu.memory_space<vmem>>, vector<16xi32>,
    %mul3A_431 = arith.constant 2 : i32
    %mul3A_432 = vector.broadcast %mul3A_431 : i32 to vector<16xi32>
    %mul3A_433 = arith.muli %get3A_423, %mul3A_432 : vector<16xi32>
    %add3A_434 = arith.constant 1 : i32
    %add3A_435 = vector.broadcast %add3A_434 : i32 to vector<16xi32>
    %add3A_436 = arith.addi %mul3A_433, %add3A_435 : vector<16xi32>
    %swap3A_437 = arith.constant 336 : index
    %swap3A_438 = tpu.vector_load %arg9[%swap3A_437] {strides = array<i32>} : memref<512xi32, #tpu.memory_space<vmem>>, vector<16xi32>,
    %swap3A_439 = vector.shape_cast %swap3A_438 : vector<16xi32> to vector<16xi32>
    %swap3A_440 = vector.shape_cast %add3A_436 : vector<16xi32> to vector<16xi32>
    tpu.vector_store %arg9[%swap3A_437], %swap3A_440 {strides = array<i32>} : memref<512xi32, #tpu.memory_space<vmem>>, vector<16xi32>,
    %get3A_441 = arith.constant 352 : index
    %get3A_442 = tpu.vector_load %arg7[%get3A_441] {strides = array<i32>} : memref<512xi32, #tpu.memory_space<vmem>>, vector<16xi32>,
    %get3A_443 = vector.shape_cast %get3A_442 : vector<16xi32> to vector<16xi32>
    %mul3A_444 = arith.constant 2 : i32
    %mul3A_445 = vector.broadcast %mul3A_444 : i32 to vector<16xi32>
    %mul3A_446 = arith.muli %get3A_443, %mul3A_445 : vector<16xi32>
    %swap3A_447 = arith.constant 352 : index
    %swap3A_448 = tpu.vector_load %arg8[%swap3A_447] {strides = array<i32>} : memref<512xi32, #tpu.memory_space<vmem>>, vector<16xi32>,
    %swap3A_449 = vector.shape_cast %swap3A_448 : vector<16xi32> to vector<16xi32>
    %swap3A_450 = vector.shape_cast %mul3A_446 : vector<16xi32> to vector<16xi32>
    tpu.vector_store %arg8[%swap3A_447], %swap3A_450 {strides = array<i32>} : memref<512xi32, #tpu.memory_space<vmem>>, vector<16xi32>,
    %mul3A_451 = arith.constant 2 : i32
    %mul3A_452 = vector.broadcast %mul3A_451 : i32 to vector<16xi32>
    %mul3A_453 = arith.muli %get3A_443, %mul3A_452 : vector<16xi32>
    %add3A_454 = arith.constant 1 : i32
    %add3A_455 = vector.broadcast %add3A_454 : i32 to vector<16xi32>
    %add3A_456 = arith.addi %mul3A_453, %add3A_455 : vector<16xi32>
    %swap3A_457 = arith.constant 352 : index
    %swap3A_458 = tpu.vector_load %arg9[%swap3A_457] {strides = array<i32>} : memref<512xi32, #tpu.memory_space<vmem>>, vector<16xi32>,
    %swap3A_459 = vector.shape_cast %swap3A_458 : vector<16xi32> to vector<16xi32>
    %swap3A_460 = vector.shape_cast %add3A_456 : vector<16xi32> to vector<16xi32>
    tpu.vector_store %arg9[%swap3A_457], %swap3A_460 {strides = array<i32>} : memref<512xi32, #tpu.memory_space<vmem>>, vector<16xi32>,
    %get3A_461 = arith.constant 368 : index
    %get3A_462 = tpu.vector_load %arg7[%get3A_461] {strides = array<i32>} : memref<512xi32, #tpu.memory_space<vmem>>, vector<16xi32>,
    %get3A_463 = vector.shape_cast %get3A_462 : vector<16xi32> to vector<16xi32>
    %mul3A_464 = arith.constant 2 : i32
    %mul3A_465 = vector.broadcast %mul3A_464 : i32 to vector<16xi32>
    %mul3A_466 = arith.muli %get3A_463, %mul3A_465 : vector<16xi32>
    %swap3A_467 = arith.constant 368 : index
    %swap3A_468 = tpu.vector_load %arg8[%swap3A_467] {strides = array<i32>} : memref<512xi32, #tpu.memory_space<vmem>>, vector<16xi32>,
    %swap3A_469 = vector.shape_cast %swap3A_468 : vector<16xi32> to vector<16xi32>
    %swap3A_470 = vector.shape_cast %mul3A_466 : vector<16xi32> to vector<16xi32>
    tpu.vector_store %arg8[%swap3A_467], %swap3A_470 {strides = array<i32>} : memref<512xi32, #tpu.memory_space<vmem>>, vector<16xi32>,
    %mul3A_471 = arith.constant 2 : i32
    %mul3A_472 = vector.broadcast %mul3A_471 : i32 to vector<16xi32>
    %mul3A_473 = arith.muli %get3A_463, %mul3A_472 : vector<16xi32>
    %add3A_474 = arith.constant 1 : i32
    %add3A_475 = vector.broadcast %add3A_474 : i32 to vector<16xi32>
    %add3A_476 = arith.addi %mul3A_473, %add3A_475 : vector<16xi32>
    %swap3A_477 = arith.constant 368 : index
    %swap3A_478 = tpu.vector_load %arg9[%swap3A_477] {strides = array<i32>} : memref<512xi32, #tpu.memory_space<vmem>>, vector<16xi32>,
    %swap3A_479 = vector.shape_cast %swap3A_478 : vector<16xi32> to vector<16xi32>
    %swap3A_480 = vector.shape_cast %add3A_476 : vector<16xi32> to vector<16xi32>
    tpu.vector_store %arg9[%swap3A_477], %swap3A_480 {strides = array<i32>} : memref<512xi32, #tpu.memory_space<vmem>>, vector<16xi32>,
    %get3A_481 = arith.constant 384 : index
    %get3A_482 = tpu.vector_load %arg7[%get3A_481] {strides = array<i32>} : memref<512xi32, #tpu.memory_space<vmem>>, vector<16xi32>,
    %get3A_483 = vector.shape_cast %get3A_482 : vector<16xi32> to vector<16xi32>
    %mul3A_484 = arith.constant 2 : i32
    %mul3A_485 = vector.broadcast %mul3A_484 : i32 to vector<16xi32>
    %mul3A_486 = arith.muli %get3A_483, %mul3A_485 : vector<16xi32>
    %swap3A_487 = arith.constant 384 : index
    %swap3A_488 = tpu.vector_load %arg8[%swap3A_487] {strides = array<i32>} : memref<512xi32, #tpu.memory_space<vmem>>, vector<16xi32>,
    %swap3A_489 = vector.shape_cast %swap3A_488 : vector<16xi32> to vector<16xi32>
    %swap3A_490 = vector.shape_cast %mul3A_486 : vector<16xi32> to vector<16xi32>
    tpu.vector_store %arg8[%swap3A_487], %swap3A_490 {strides = array<i32>} : memref<512xi32, #tpu.memory_space<vmem>>, vector<16xi32>,
    %mul3A_491 = arith.constant 2 : i32
    %mul3A_492 = vector.broadcast %mul3A_491 : i32 to vector<16xi32>
    %mul3A_493 = arith.muli %get3A_483, %mul3A_492 : vector<16xi32>
    %add3A_494 = arith.constant 1 : i32
    %add3A_495 = vector.broadcast %add3A_494 : i32 to vector<16xi32>
    %add3A_496 = arith.addi %mul3A_493, %add3A_495 : vector<16xi32>
    %swap3A_497 = arith.constant 384 : index
    %swap3A_498 = tpu.vector_load %arg9[%swap3A_497] {strides = array<i32>} : memref<512xi32, #tpu.memory_space<vmem>>, vector<16xi32>,
    %swap3A_499 = vector.shape_cast %swap3A_498 : vector<16xi32> to vector<16xi32>
    %swap3A_500 = vector.shape_cast %add3A_496 : vector<16xi32> to vector<16xi32>
    tpu.vector_store %arg9[%swap3A_497], %swap3A_500 {strides = array<i32>} : memref<512xi32, #tpu.memory_space<vmem>>, vector<16xi32>,
    %get3A_501 = arith.constant 400 : index
    %get3A_502 = tpu.vector_load %arg7[%get3A_501] {strides = array<i32>} : memref<512xi32, #tpu.memory_space<vmem>>, vector<16xi32>,
    %get3A_503 = vector.shape_cast %get3A_502 : vector<16xi32> to vector<16xi32>
    %mul3A_504 = arith.constant 2 : i32
    %mul3A_505 = vector.broadcast %mul3A_504 : i32 to vector<16xi32>
    %mul3A_506 = arith.muli %get3A_503, %mul3A_505 : vector<16xi32>
    %swap3A_507 = arith.constant 400 : index
    %swap3A_508 = tpu.vector_load %arg8[%swap3A_507] {strides = array<i32>} : memref<512xi32, #tpu.memory_space<vmem>>, vector<16xi32>,
    %swap3A_509 = vector.shape_cast %swap3A_508 : vector<16xi32> to vector<16xi32>
    %swap3A_510 = vector.shape_cast %mul3A_506 : vector<16xi32> to vector<16xi32>
    tpu.vector_store %arg8[%swap3A_507], %swap3A_510 {strides = array<i32>} : memref<512xi32, #tpu.memory_space<vmem>>, vector<16xi32>,
    %mul3A_511 = arith.constant 2 : i32
    %mul3A_512 = vector.broadcast %mul3A_511 : i32 to vector<16xi32>
    %mul3A_513 = arith.muli %get3A_503, %mul3A_512 : vector<16xi32>
    %add3A_514 = arith.constant 1 : i32
    %add3A_515 = vector.broadcast %add3A_514 : i32 to vector<16xi32>
    %add3A_516 = arith.addi %mul3A_513, %add3A_515 : vector<16xi32>
    %swap3A_517 = arith.constant 400 : index
    %swap3A_518 = tpu.vector_load %arg9[%swap3A_517] {strides = array<i32>} : memref<512xi32, #tpu.memory_space<vmem>>, vector<16xi32>,
    %swap3A_519 = vector.shape_cast %swap3A_518 : vector<16xi32> to vector<16xi32>
    %swap3A_520 = vector.shape_cast %add3A_516 : vector<16xi32> to vector<16xi32>
    tpu.vector_store %arg9[%swap3A_517], %swap3A_520 {strides = array<i32>} : memref<512xi32, #tpu.memory_space<vmem>>, vector<16xi32>,
    %get3A_521 = arith.constant 416 : index
    %get3A_522 = tpu.vector_load %arg7[%get3A_521] {strides = array<i32>} : memref<512xi32, #tpu.memory_space<vmem>>, vector<16xi32>,
    %get3A_523 = vector.shape_cast %get3A_522 : vector<16xi32> to vector<16xi32>
    %mul3A_524 = arith.constant 2 : i32
    %mul3A_525 = vector.broadcast %mul3A_524 : i32 to vector<16xi32>
    %mul3A_526 = arith.muli %get3A_523, %mul3A_525 : vector<16xi32>
    %swap3A_527 = arith.constant 416 : index
    %swap3A_528 = tpu.vector_load %arg8[%swap3A_527] {strides = array<i32>} : memref<512xi32, #tpu.memory_space<vmem>>, vector<16xi32>,
    %swap3A_529 = vector.shape_cast %swap3A_528 : vector<16xi32> to vector<16xi32>
    %swap3A_530 = vector.shape_cast %mul3A_526 : vector<16xi32> to vector<16xi32>
    tpu.vector_store %arg8[%swap3A_527], %swap3A_530 {strides = array<i32>} : memref<512xi32, #tpu.memory_space<vmem>>, vector<16xi32>,
    %mul3A_531 = arith.constant 2 : i32
    %mul3A_532 = vector.broadcast %mul3A_531 : i32 to vector<16xi32>
    %mul3A_533 = arith.muli %get3A_523, %mul3A_532 : vector<16xi32>
    %add3A_534 = arith.constant 1 : i32
    %add3A_535 = vector.broadcast %add3A_534 : i32 to vector<16xi32>
    %add3A_536 = arith.addi %mul3A_533, %add3A_535 : vector<16xi32>
    %swap3A_537 = arith.constant 416 : index
    %swap3A_538 = tpu.vector_load %arg9[%swap3A_537] {strides = array<i32>} : memref<512xi32, #tpu.memory_space<vmem>>, vector<16xi32>,
    %swap3A_539 = vector.shape_cast %swap3A_538 : vector<16xi32> to vector<16xi32>
    %swap3A_540 = vector.shape_cast %add3A_536 : vector<16xi32> to vector<16xi32>
    tpu.vector_store %arg9[%swap3A_537], %swap3A_540 {strides = array<i32>} : memref<512xi32, #tpu.memory_space<vmem>>, vector<16xi32>,
    %get3A_541 = arith.constant 432 : index
    %get3A_542 = tpu.vector_load %arg7[%get3A_541] {strides = array<i32>} : memref<512xi32, #tpu.memory_space<vmem>>, vector<16xi32>,
    %get3A_543 = vector.shape_cast %get3A_542 : vector<16xi32> to vector<16xi32>
    %mul3A_544 = arith.constant 2 : i32
    %mul3A_545 = vector.broadcast %mul3A_544 : i32 to vector<16xi32>
    %mul3A_546 = arith.muli %get3A_543, %mul3A_545 : vector<16xi32>
    %swap3A_547 = arith.constant 432 : index
    %swap3A_548 = tpu.vector_load %arg8[%swap3A_547] {strides = array<i32>} : memref<512xi32, #tpu.memory_space<vmem>>, vector<16xi32>,
    %swap3A_549 = vector.shape_cast %swap3A_548 : vector<16xi32> to vector<16xi32>
    %swap3A_550 = vector.shape_cast %mul3A_546 : vector<16xi32> to vector<16xi32>
    tpu.vector_store %arg8[%swap3A_547], %swap3A_550 {strides = array<i32>} : memref<512xi32, #tpu.memory_space<vmem>>, vector<16xi32>,
    %mul3A_551 = arith.constant 2 : i32
    %mul3A_552 = vector.broadcast %mul3A_551 : i32 to vector<16xi32>
    %mul3A_553 = arith.muli %get3A_543, %mul3A_552 : vector<16xi32>
    %add3A_554 = arith.constant 1 : i32
    %add3A_555 = vector.broadcast %add3A_554 : i32 to vector<16xi32>
    %add3A_556 = arith.addi %mul3A_553, %add3A_555 : vector<16xi32>
    %swap3A_557 = arith.constant 432 : index
    %swap3A_558 = tpu.vector_load %arg9[%swap3A_557] {strides = array<i32>} : memref<512xi32, #tpu.memory_space<vmem>>, vector<16xi32>,
    %swap3A_559 = vector.shape_cast %swap3A_558 : vector<16xi32> to vector<16xi32>
    %swap3A_560 = vector.shape_cast %add3A_556 : vector<16xi32> to vector<16xi32>
    tpu.vector_store %arg9[%swap3A_557], %swap3A_560 {strides = array<i32>} : memref<512xi32, #tpu.memory_space<vmem>>, vector<16xi32>,
    %get3A_561 = arith.constant 448 : index
    %get3A_562 = tpu.vector_load %arg7[%get3A_561] {strides = array<i32>} : memref<512xi32, #tpu.memory_space<vmem>>, vector<16xi32>,
    %get3A_563 = vector.shape_cast %get3A_562 : vector<16xi32> to vector<16xi32>
    %mul3A_564 = arith.constant 2 : i32
    %mul3A_565 = vector.broadcast %mul3A_564 : i32 to vector<16xi32>
    %mul3A_566 = arith.muli %get3A_563, %mul3A_565 : vector<16xi32>
    %swap3A_567 = arith.constant 448 : index
    %swap3A_568 = tpu.vector_load %arg8[%swap3A_567] {strides = array<i32>} : memref<512xi32, #tpu.memory_space<vmem>>, vector<16xi32>,
    %swap3A_569 = vector.shape_cast %swap3A_568 : vector<16xi32> to vector<16xi32>
    %swap3A_570 = vector.shape_cast %mul3A_566 : vector<16xi32> to vector<16xi32>
    tpu.vector_store %arg8[%swap3A_567], %swap3A_570 {strides = array<i32>} : memref<512xi32, #tpu.memory_space<vmem>>, vector<16xi32>,
    %mul3A_571 = arith.constant 2 : i32
    %mul3A_572 = vector.broadcast %mul3A_571 : i32 to vector<16xi32>
    %mul3A_573 = arith.muli %get3A_563, %mul3A_572 : vector<16xi32>
    %add3A_574 = arith.constant 1 : i32
    %add3A_575 = vector.broadcast %add3A_574 : i32 to vector<16xi32>
    %add3A_576 = arith.addi %mul3A_573, %add3A_575 : vector<16xi32>
    %swap3A_577 = arith.constant 448 : index
    %swap3A_578 = tpu.vector_load %arg9[%swap3A_577] {strides = array<i32>} : memref<512xi32, #tpu.memory_space<vmem>>, vector<16xi32>,
    %swap3A_579 = vector.shape_cast %swap3A_578 : vector<16xi32> to vector<16xi32>
    %swap3A_580 = vector.shape_cast %add3A_576 : vector<16xi32> to vector<16xi32>
    tpu.vector_store %arg9[%swap3A_577], %swap3A_580 {strides = array<i32>} : memref<512xi32, #tpu.memory_space<vmem>>, vector<16xi32>,
    %get3A_581 = arith.constant 464 : index
    %get3A_582 = tpu.vector_load %arg7[%get3A_581] {strides = array<i32>} : memref<512xi32, #tpu.memory_space<vmem>>, vector<16xi32>,
    %get3A_583 = vector.shape_cast %get3A_582 : vector<16xi32> to vector<16xi32>
    %mul3A_584 = arith.constant 2 : i32
    %mul3A_585 = vector.broadcast %mul3A_584 : i32 to vector<16xi32>
    %mul3A_586 = arith.muli %get3A_583, %mul3A_585 : vector<16xi32>
    %swap3A_587 = arith.constant 464 : index
    %swap3A_588 = tpu.vector_load %arg8[%swap3A_587] {strides = array<i32>} : memref<512xi32, #tpu.memory_space<vmem>>, vector<16xi32>,
    %swap3A_589 = vector.shape_cast %swap3A_588 : vector<16xi32> to vector<16xi32>
    %swap3A_590 = vector.shape_cast %mul3A_586 : vector<16xi32> to vector<16xi32>
    tpu.vector_store %arg8[%swap3A_587], %swap3A_590 {strides = array<i32>} : memref<512xi32, #tpu.memory_space<vmem>>, vector<16xi32>,
    %mul3A_591 = arith.constant 2 : i32
    %mul3A_592 = vector.broadcast %mul3A_591 : i32 to vector<16xi32>
    %mul3A_593 = arith.muli %get3A_583, %mul3A_592 : vector<16xi32>
    %add3A_594 = arith.constant 1 : i32
    %add3A_595 = vector.broadcast %add3A_594 : i32 to vector<16xi32>
    %add3A_596 = arith.addi %mul3A_593, %add3A_595 : vector<16xi32>
    %swap3A_597 = arith.constant 464 : index
    %swap3A_598 = tpu.vector_load %arg9[%swap3A_597] {strides = array<i32>} : memref<512xi32, #tpu.memory_space<vmem>>, vector<16xi32>,
    %swap3A_599 = vector.shape_cast %swap3A_598 : vector<16xi32> to vector<16xi32>
    %swap3A_600 = vector.shape_cast %add3A_596 : vector<16xi32> to vector<16xi32>
    tpu.vector_store %arg9[%swap3A_597], %swap3A_600 {strides = array<i32>} : memref<512xi32, #tpu.memory_space<vmem>>, vector<16xi32>,
    %get3A_601 = arith.constant 480 : index
    %get3A_602 = tpu.vector_load %arg7[%get3A_601] {strides = array<i32>} : memref<512xi32, #tpu.memory_space<vmem>>, vector<16xi32>,
    %get3A_603 = vector.shape_cast %get3A_602 : vector<16xi32> to vector<16xi32>
    %mul3A_604 = arith.constant 2 : i32
    %mul3A_605 = vector.broadcast %mul3A_604 : i32 to vector<16xi32>
    %mul3A_606 = arith.muli %get3A_603, %mul3A_605 : vector<16xi32>
    %swap3A_607 = arith.constant 480 : index
    %swap3A_608 = tpu.vector_load %arg8[%swap3A_607] {strides = array<i32>} : memref<512xi32, #tpu.memory_space<vmem>>, vector<16xi32>,
    %swap3A_609 = vector.shape_cast %swap3A_608 : vector<16xi32> to vector<16xi32>
    %swap3A_610 = vector.shape_cast %mul3A_606 : vector<16xi32> to vector<16xi32>
    tpu.vector_store %arg8[%swap3A_607], %swap3A_610 {strides = array<i32>} : memref<512xi32, #tpu.memory_space<vmem>>, vector<16xi32>,
    %mul3A_611 = arith.constant 2 : i32
    %mul3A_612 = vector.broadcast %mul3A_611 : i32 to vector<16xi32>
    %mul3A_613 = arith.muli %get3A_603, %mul3A_612 : vector<16xi32>
    %add3A_614 = arith.constant 1 : i32
    %add3A_615 = vector.broadcast %add3A_614 : i32 to vector<16xi32>
    %add3A_616 = arith.addi %mul3A_613, %add3A_615 : vector<16xi32>
    %swap3A_617 = arith.constant 480 : index
    %swap3A_618 = tpu.vector_load %arg9[%swap3A_617] {strides = array<i32>} : memref<512xi32, #tpu.memory_space<vmem>>, vector<16xi32>,
    %swap3A_619 = vector.shape_cast %swap3A_618 : vector<16xi32> to vector<16xi32>
    %swap3A_620 = vector.shape_cast %add3A_616 : vector<16xi32> to vector<16xi32>
    tpu.vector_store %arg9[%swap3A_617], %swap3A_620 {strides = array<i32>} : memref<512xi32, #tpu.memory_space<vmem>>, vector<16xi32>,
    %get3A_621 = arith.constant 496 : index
    %get3A_622 = tpu.vector_load %arg7[%get3A_621] {strides = array<i32>} : memref<512xi32, #tpu.memory_space<vmem>>, vector<16xi32>,
    %get3A_623 = vector.shape_cast %get3A_622 : vector<16xi32> to vector<16xi32>
    %mul3A_624 = arith.constant 2 : i32
    %mul3A_625 = vector.broadcast %mul3A_624 : i32 to vector<16xi32>
    %mul3A_626 = arith.muli %get3A_623, %mul3A_625 : vector<16xi32>
    %swap3A_627 = arith.constant 496 : index
    %swap3A_628 = tpu.vector_load %arg8[%swap3A_627] {strides = array<i32>} : memref<512xi32, #tpu.memory_space<vmem>>, vector<16xi32>,
    %swap3A_629 = vector.shape_cast %swap3A_628 : vector<16xi32> to vector<16xi32>
    %swap3A_630 = vector.shape_cast %mul3A_626 : vector<16xi32> to vector<16xi32>
    tpu.vector_store %arg8[%swap3A_627], %swap3A_630 {strides = array<i32>} : memref<512xi32, #tpu.memory_space<vmem>>, vector<16xi32>,
    %mul3A_631 = arith.constant 2 : i32
    %mul3A_632 = vector.broadcast %mul3A_631 : i32 to vector<16xi32>
    %mul3A_633 = arith.muli %get3A_623, %mul3A_632 : vector<16xi32>
    %add3A_634 = arith.constant 1 : i32
    %add3A_635 = vector.broadcast %add3A_634 : i32 to vector<16xi32>
    %add3A_636 = arith.addi %mul3A_633, %add3A_635 : vector<16xi32>
    %swap3A_637 = arith.constant 496 : index
    %swap3A_638 = tpu.vector_load %arg9[%swap3A_637] {strides = array<i32>} : memref<512xi32, #tpu.memory_space<vmem>>, vector<16xi32>,
    %swap3A_639 = vector.shape_cast %swap3A_638 : vector<16xi32> to vector<16xi32>
    %swap3A_640 = vector.shape_cast %add3A_636 : vector<16xi32> to vector<16xi32>
    tpu.vector_store %arg9[%swap3A_637], %swap3A_640 {strides = array<i32>} : memref<512xi32, #tpu.memory_space<vmem>>, vector<16xi32>,
    %dma_start3A = arith.constant 0 : i32
    %dma_start3A_641 = tpu.memref_slice %arg10[%dma_start3A] : memref<512xi32, #tpu.memory_space<vmem>> -> memref<128xi32, #tpu.memory_space<vmem>>
    %dma_start3A_642 = arith.constant 0 : i32
    %dma_start3A_643 = tpu.memref_slice %arg8[%dma_start3A_642] : memref<512xi32, #tpu.memory_space<vmem>> -> memref<128xi32, #tpu.memory_space<vmem>>
    %dma_start3A_644 = arith.constant 0 : i32
    %dma_start3A_645 = tpu.memref_slice %arg3[%dma_start3A_644] : memref<200000xi32, #tpu.memory_space<hbm>> -> memref<200000xi32, #tpu.memory_space<hbm>>
    tpu.enqueue_indirect_dma source(%dma_start3A_645 : memref<200000xi32, #tpu.memory_space<hbm>>) target(%dma_start3A_641 : memref<128xi32, #tpu.memory_space<vmem>>) offsets(%dma_start3A_643 : memref<128xi32, #tpu.memory_space<vmem>>) semaphore(%arg18 : memref<!tpu.dma_semaphore, #tpu.memory_space<semaphore_mem>>)
    %dma_start3A_646 = arith.constant 0 : i32
    %dma_start3A_647 = tpu.memref_slice %arg11[%dma_start3A_646] : memref<512xi32, #tpu.memory_space<vmem>> -> memref<128xi32, #tpu.memory_space<vmem>>
    %dma_start3A_648 = arith.constant 0 : i32
    %dma_start3A_649 = tpu.memref_slice %arg9[%dma_start3A_648] : memref<512xi32, #tpu.memory_space<vmem>> -> memref<128xi32, #tpu.memory_space<vmem>>
    %dma_start3A_650 = arith.constant 0 : i32
    %dma_start3A_651 = tpu.memref_slice %arg3[%dma_start3A_650] : memref<200000xi32, #tpu.memory_space<hbm>> -> memref<200000xi32, #tpu.memory_space<hbm>>
    tpu.enqueue_indirect_dma source(%dma_start3A_651 : memref<200000xi32, #tpu.memory_space<hbm>>) target(%dma_start3A_647 : memref<128xi32, #tpu.memory_space<vmem>>) offsets(%dma_start3A_649 : memref<128xi32, #tpu.memory_space<vmem>>) semaphore(%arg22 : memref<!tpu.dma_semaphore, #tpu.memory_space<semaphore_mem>>)
    %dma_start3A_652 = arith.constant 128 : i32
    %dma_start3A_653 = tpu.memref_slice %arg10[%dma_start3A_652] : memref<512xi32, #tpu.memory_space<vmem>> -> memref<128xi32, #tpu.memory_space<vmem>>
    %dma_start3A_654 = arith.constant 128 : i32
    %dma_start3A_655 = tpu.memref_slice %arg8[%dma_start3A_654] : memref<512xi32, #tpu.memory_space<vmem>> -> memref<128xi32, #tpu.memory_space<vmem>>
    %dma_start3A_656 = arith.constant 0 : i32
    %dma_start3A_657 = tpu.memref_slice %arg3[%dma_start3A_656] : memref<200000xi32, #tpu.memory_space<hbm>> -> memref<200000xi32, #tpu.memory_space<hbm>>
    tpu.enqueue_indirect_dma source(%dma_start3A_657 : memref<200000xi32, #tpu.memory_space<hbm>>) target(%dma_start3A_653 : memref<128xi32, #tpu.memory_space<vmem>>) offsets(%dma_start3A_655 : memref<128xi32, #tpu.memory_space<vmem>>) semaphore(%arg19 : memref<!tpu.dma_semaphore, #tpu.memory_space<semaphore_mem>>)
    %dma_start3A_658 = arith.constant 128 : i32
    %dma_start3A_659 = tpu.memref_slice %arg11[%dma_start3A_658] : memref<512xi32, #tpu.memory_space<vmem>> -> memref<128xi32, #tpu.memory_space<vmem>>
    %dma_start3A_660 = arith.constant 128 : i32
    %dma_start3A_661 = tpu.memref_slice %arg9[%dma_start3A_660] : memref<512xi32, #tpu.memory_space<vmem>> -> memref<128xi32, #tpu.memory_space<vmem>>
    %dma_start3A_662 = arith.constant 0 : i32
    %dma_start3A_663 = tpu.memref_slice %arg3[%dma_start3A_662] : memref<200000xi32, #tpu.memory_space<hbm>> -> memref<200000xi32, #tpu.memory_space<hbm>>
    tpu.enqueue_indirect_dma source(%dma_start3A_663 : memref<200000xi32, #tpu.memory_space<hbm>>) target(%dma_start3A_659 : memref<128xi32, #tpu.memory_space<vmem>>) offsets(%dma_start3A_661 : memref<128xi32, #tpu.memory_space<vmem>>) semaphore(%arg23 : memref<!tpu.dma_semaphore, #tpu.memory_space<semaphore_mem>>)
    %dma_start3A_664 = arith.constant 256 : i32
    %dma_start3A_665 = tpu.memref_slice %arg10[%dma_start3A_664] : memref<512xi32, #tpu.memory_space<vmem>> -> memref<128xi32, #tpu.memory_space<vmem>>
    %dma_start3A_666 = arith.constant 256 : i32
    %dma_start3A_667 = tpu.memref_slice %arg8[%dma_start3A_666] : memref<512xi32, #tpu.memory_space<vmem>> -> memref<128xi32, #tpu.memory_space<vmem>>
    %dma_start3A_668 = arith.constant 0 : i32
    %dma_start3A_669 = tpu.memref_slice %arg3[%dma_start3A_668] : memref<200000xi32, #tpu.memory_space<hbm>> -> memref<200000xi32, #tpu.memory_space<hbm>>
    tpu.enqueue_indirect_dma source(%dma_start3A_669 : memref<200000xi32, #tpu.memory_space<hbm>>) target(%dma_start3A_665 : memref<128xi32, #tpu.memory_space<vmem>>) offsets(%dma_start3A_667 : memref<128xi32, #tpu.memory_space<vmem>>) semaphore(%arg20 : memref<!tpu.dma_semaphore, #tpu.memory_space<semaphore_mem>>)
    %dma_start3A_670 = arith.constant 256 : i32
    %dma_start3A_671 = tpu.memref_slice %arg11[%dma_start3A_670] : memref<512xi32, #tpu.memory_space<vmem>> -> memref<128xi32, #tpu.memory_space<vmem>>
    %dma_start3A_672 = arith.constant 256 : i32
    %dma_start3A_673 = tpu.memref_slice %arg9[%dma_start3A_672] : memref<512xi32, #tpu.memory_space<vmem>> -> memref<128xi32, #tpu.memory_space<vmem>>
    %dma_start3A_674 = arith.constant 0 : i32
    %dma_start3A_675 = tpu.memref_slice %arg3[%dma_start3A_674] : memref<200000xi32, #tpu.memory_space<hbm>> -> memref<200000xi32, #tpu.memory_space<hbm>>
    tpu.enqueue_indirect_dma source(%dma_start3A_675 : memref<200000xi32, #tpu.memory_space<hbm>>) target(%dma_start3A_671 : memref<128xi32, #tpu.memory_space<vmem>>) offsets(%dma_start3A_673 : memref<128xi32, #tpu.memory_space<vmem>>) semaphore(%arg24 : memref<!tpu.dma_semaphore, #tpu.memory_space<semaphore_mem>>)
    %dma_start3A_676 = arith.constant 384 : i32
    %dma_start3A_677 = tpu.memref_slice %arg10[%dma_start3A_676] : memref<512xi32, #tpu.memory_space<vmem>> -> memref<128xi32, #tpu.memory_space<vmem>>
    %dma_start3A_678 = arith.constant 384 : i32
    %dma_start3A_679 = tpu.memref_slice %arg8[%dma_start3A_678] : memref<512xi32, #tpu.memory_space<vmem>> -> memref<128xi32, #tpu.memory_space<vmem>>
    %dma_start3A_680 = arith.constant 0 : i32
    %dma_start3A_681 = tpu.memref_slice %arg3[%dma_start3A_680] : memref<200000xi32, #tpu.memory_space<hbm>> -> memref<200000xi32, #tpu.memory_space<hbm>>
    tpu.enqueue_indirect_dma source(%dma_start3A_681 : memref<200000xi32, #tpu.memory_space<hbm>>) target(%dma_start3A_677 : memref<128xi32, #tpu.memory_space<vmem>>) offsets(%dma_start3A_679 : memref<128xi32, #tpu.memory_space<vmem>>) semaphore(%arg21 : memref<!tpu.dma_semaphore, #tpu.memory_space<semaphore_mem>>)
    %dma_start3A_682 = arith.constant 384 : i32
    %dma_start3A_683 = tpu.memref_slice %arg11[%dma_start3A_682] : memref<512xi32, #tpu.memory_space<vmem>> -> memref<128xi32, #tpu.memory_space<vmem>>
    %dma_start3A_684 = arith.constant 384 : i32
    %dma_start3A_685 = tpu.memref_slice %arg9[%dma_start3A_684] : memref<512xi32, #tpu.memory_space<vmem>> -> memref<128xi32, #tpu.memory_space<vmem>>
    %dma_start3A_686 = arith.constant 0 : i32
    %dma_start3A_687 = tpu.memref_slice %arg3[%dma_start3A_686] : memref<200000xi32, #tpu.memory_space<hbm>> -> memref<200000xi32, #tpu.memory_space<hbm>>
    tpu.enqueue_indirect_dma source(%dma_start3A_687 : memref<200000xi32, #tpu.memory_space<hbm>>) target(%dma_start3A_683 : memref<128xi32, #tpu.memory_space<vmem>>) offsets(%dma_start3A_685 : memref<128xi32, #tpu.memory_space<vmem>>) semaphore(%arg25 : memref<!tpu.dma_semaphore, #tpu.memory_space<semaphore_mem>>)
    %dma_wait3A = arith.constant 0 : i32
    %dma_wait3A_688 = tpu.memref_slice %arg10[%dma_wait3A] : memref<512xi32, #tpu.memory_space<vmem>> -> memref<128xi32, #tpu.memory_space<vmem>>
    %dma_wait3A_689 = arith.constant 0 : i32
    %dma_wait3A_690 = tpu.memref_slice %arg8[%dma_wait3A_689] : memref<512xi32, #tpu.memory_space<vmem>> -> memref<128xi32, #tpu.memory_space<vmem>>
    %dma_wait3A_691 = arith.constant 0 : i32
    %dma_wait3A_692 = tpu.memref_slice %arg3[%dma_wait3A_691] : memref<200000xi32, #tpu.memory_space<hbm>> -> memref<200000xi32, #tpu.memory_space<hbm>>
    tpu.wait_indirect_dma semaphore(%arg18 : memref<!tpu.dma_semaphore, #tpu.memory_space<semaphore_mem>>) src(%dma_wait3A_692 : memref<200000xi32, #tpu.memory_space<hbm>>) dst(%dma_wait3A_688 : memref<128xi32, #tpu.memory_space<vmem>>)
    %dma_start3A_693 = arith.constant 0 : i32
    %dma_start3A_694 = tpu.memref_slice %arg10[%dma_start3A_693] : memref<512xi32, #tpu.memory_space<vmem>> -> memref<128xi32, #tpu.memory_space<vmem>>
    %dma_start3A_695 = arith.constant 0 : i32
    %dma_start3A_696 = arith.constant 0 : i32
    %dma_start3A_697 = tpu.memref_slice %arg2[%dma_start3A_695, %dma_start3A_696] : memref<10000x128xf32, #tpu.memory_space<hbm>> -> memref<10000x128xf32, #tpu.memory_space<hbm>>
    tpu.enqueue_indirect_dma source(%dma_start3A_697 : memref<10000x128xf32, #tpu.memory_space<hbm>>) target(%arg12 : memref<128x128xf32, #tpu.memory_space<vmem>>) offsets(%dma_start3A_694 : memref<128xi32, #tpu.memory_space<vmem>>) semaphore(%arg26 : memref<!tpu.dma_semaphore, #tpu.memory_space<semaphore_mem>>)
    %dma_wait3A_698 = arith.constant 0 : i32
    %dma_wait3A_699 = tpu.memref_slice %arg11[%dma_wait3A_698] : memref<512xi32, #tpu.memory_space<vmem>> -> memref<128xi32, #tpu.memory_space<vmem>>
    %dma_wait3A_700 = arith.constant 0 : i32
    %dma_wait3A_701 = tpu.memref_slice %arg9[%dma_wait3A_700] : memref<512xi32, #tpu.memory_space<vmem>> -> memref<128xi32, #tpu.memory_space<vmem>>
    %dma_wait3A_702 = arith.constant 0 : i32
    %dma_wait3A_703 = tpu.memref_slice %arg3[%dma_wait3A_702] : memref<200000xi32, #tpu.memory_space<hbm>> -> memref<200000xi32, #tpu.memory_space<hbm>>
    tpu.wait_indirect_dma semaphore(%arg22 : memref<!tpu.dma_semaphore, #tpu.memory_space<semaphore_mem>>) src(%dma_wait3A_703 : memref<200000xi32, #tpu.memory_space<hbm>>) dst(%dma_wait3A_699 : memref<128xi32, #tpu.memory_space<vmem>>)
    %dma_start3A_704 = arith.constant 0 : i32
    %dma_start3A_705 = tpu.memref_slice %arg11[%dma_start3A_704] : memref<512xi32, #tpu.memory_space<vmem>> -> memref<128xi32, #tpu.memory_space<vmem>>
    %dma_start3A_706 = arith.constant 0 : i32
    %dma_start3A_707 = arith.constant 0 : i32
    %dma_start3A_708 = tpu.memref_slice %arg2[%dma_start3A_706, %dma_start3A_707] : memref<10000x128xf32, #tpu.memory_space<hbm>> -> memref<10000x128xf32, #tpu.memory_space<hbm>>
    tpu.enqueue_indirect_dma source(%dma_start3A_708 : memref<10000x128xf32, #tpu.memory_space<hbm>>) target(%arg15 : memref<128x128xf32, #tpu.memory_space<vmem>>) offsets(%dma_start3A_705 : memref<128xi32, #tpu.memory_space<vmem>>) semaphore(%arg29 : memref<!tpu.dma_semaphore, #tpu.memory_space<semaphore_mem>>)
    %dma_wait3A_709 = arith.constant 128 : i32
    %dma_wait3A_710 = tpu.memref_slice %arg10[%dma_wait3A_709] : memref<512xi32, #tpu.memory_space<vmem>> -> memref<128xi32, #tpu.memory_space<vmem>>
    %dma_wait3A_711 = arith.constant 128 : i32
    %dma_wait3A_712 = tpu.memref_slice %arg8[%dma_wait3A_711] : memref<512xi32, #tpu.memory_space<vmem>> -> memref<128xi32, #tpu.memory_space<vmem>>
    %dma_wait3A_713 = arith.constant 0 : i32
    %dma_wait3A_714 = tpu.memref_slice %arg3[%dma_wait3A_713] : memref<200000xi32, #tpu.memory_space<hbm>> -> memref<200000xi32, #tpu.memory_space<hbm>>
    tpu.wait_indirect_dma semaphore(%arg19 : memref<!tpu.dma_semaphore, #tpu.memory_space<semaphore_mem>>) src(%dma_wait3A_714 : memref<200000xi32, #tpu.memory_space<hbm>>) dst(%dma_wait3A_710 : memref<128xi32, #tpu.memory_space<vmem>>)
    %dma_start3A_715 = arith.constant 128 : i32
    %dma_start3A_716 = tpu.memref_slice %arg10[%dma_start3A_715] : memref<512xi32, #tpu.memory_space<vmem>> -> memref<128xi32, #tpu.memory_space<vmem>>
    %dma_start3A_717 = arith.constant 0 : i32
    %dma_start3A_718 = arith.constant 0 : i32
    %dma_start3A_719 = tpu.memref_slice %arg2[%dma_start3A_717, %dma_start3A_718] : memref<10000x128xf32, #tpu.memory_space<hbm>> -> memref<10000x128xf32, #tpu.memory_space<hbm>>
    tpu.enqueue_indirect_dma source(%dma_start3A_719 : memref<10000x128xf32, #tpu.memory_space<hbm>>) target(%arg13 : memref<128x128xf32, #tpu.memory_space<vmem>>) offsets(%dma_start3A_716 : memref<128xi32, #tpu.memory_space<vmem>>) semaphore(%arg27 : memref<!tpu.dma_semaphore, #tpu.memory_space<semaphore_mem>>)
    %dma_wait3A_720 = arith.constant 128 : i32
    %dma_wait3A_721 = tpu.memref_slice %arg11[%dma_wait3A_720] : memref<512xi32, #tpu.memory_space<vmem>> -> memref<128xi32, #tpu.memory_space<vmem>>
    %dma_wait3A_722 = arith.constant 128 : i32
    %dma_wait3A_723 = tpu.memref_slice %arg9[%dma_wait3A_722] : memref<512xi32, #tpu.memory_space<vmem>> -> memref<128xi32, #tpu.memory_space<vmem>>
    %dma_wait3A_724 = arith.constant 0 : i32
    %dma_wait3A_725 = tpu.memref_slice %arg3[%dma_wait3A_724] : memref<200000xi32, #tpu.memory_space<hbm>> -> memref<200000xi32, #tpu.memory_space<hbm>>
    tpu.wait_indirect_dma semaphore(%arg23 : memref<!tpu.dma_semaphore, #tpu.memory_space<semaphore_mem>>) src(%dma_wait3A_725 : memref<200000xi32, #tpu.memory_space<hbm>>) dst(%dma_wait3A_721 : memref<128xi32, #tpu.memory_space<vmem>>)
    %dma_start3A_726 = arith.constant 128 : i32
    %dma_start3A_727 = tpu.memref_slice %arg11[%dma_start3A_726] : memref<512xi32, #tpu.memory_space<vmem>> -> memref<128xi32, #tpu.memory_space<vmem>>
    %dma_start3A_728 = arith.constant 0 : i32
    %dma_start3A_729 = arith.constant 0 : i32
    %dma_start3A_730 = tpu.memref_slice %arg2[%dma_start3A_728, %dma_start3A_729] : memref<10000x128xf32, #tpu.memory_space<hbm>> -> memref<10000x128xf32, #tpu.memory_space<hbm>>
    tpu.enqueue_indirect_dma source(%dma_start3A_730 : memref<10000x128xf32, #tpu.memory_space<hbm>>) target(%arg16 : memref<128x128xf32, #tpu.memory_space<vmem>>) offsets(%dma_start3A_727 : memref<128xi32, #tpu.memory_space<vmem>>) semaphore(%arg30 : memref<!tpu.dma_semaphore, #tpu.memory_space<semaphore_mem>>)
    %dma_wait3A_731 = arith.constant 256 : i32
    %dma_wait3A_732 = tpu.memref_slice %arg10[%dma_wait3A_731] : memref<512xi32, #tpu.memory_space<vmem>> -> memref<128xi32, #tpu.memory_space<vmem>>
    %dma_wait3A_733 = arith.constant 256 : i32
    %dma_wait3A_734 = tpu.memref_slice %arg8[%dma_wait3A_733] : memref<512xi32, #tpu.memory_space<vmem>> -> memref<128xi32, #tpu.memory_space<vmem>>
    %dma_wait3A_735 = arith.constant 0 : i32
    %dma_wait3A_736 = tpu.memref_slice %arg3[%dma_wait3A_735] : memref<200000xi32, #tpu.memory_space<hbm>> -> memref<200000xi32, #tpu.memory_space<hbm>>
    tpu.wait_indirect_dma semaphore(%arg20 : memref<!tpu.dma_semaphore, #tpu.memory_space<semaphore_mem>>) src(%dma_wait3A_736 : memref<200000xi32, #tpu.memory_space<hbm>>) dst(%dma_wait3A_732 : memref<128xi32, #tpu.memory_space<vmem>>)
    %dma_start3A_737 = arith.constant 256 : i32
    %dma_start3A_738 = tpu.memref_slice %arg10[%dma_start3A_737] : memref<512xi32, #tpu.memory_space<vmem>> -> memref<128xi32, #tpu.memory_space<vmem>>
    %dma_start3A_739 = arith.constant 0 : i32
    %dma_start3A_740 = arith.constant 0 : i32
    %dma_start3A_741 = tpu.memref_slice %arg2[%dma_start3A_739, %dma_start3A_740] : memref<10000x128xf32, #tpu.memory_space<hbm>> -> memref<10000x128xf32, #tpu.memory_space<hbm>>
    tpu.enqueue_indirect_dma source(%dma_start3A_741 : memref<10000x128xf32, #tpu.memory_space<hbm>>) target(%arg14 : memref<128x128xf32, #tpu.memory_space<vmem>>) offsets(%dma_start3A_738 : memref<128xi32, #tpu.memory_space<vmem>>) semaphore(%arg28 : memref<!tpu.dma_semaphore, #tpu.memory_space<semaphore_mem>>)
    %dma_wait3A_742 = arith.constant 256 : i32
    %dma_wait3A_743 = tpu.memref_slice %arg11[%dma_wait3A_742] : memref<512xi32, #tpu.memory_space<vmem>> -> memref<128xi32, #tpu.memory_space<vmem>>
    %dma_wait3A_744 = arith.constant 256 : i32
    %dma_wait3A_745 = tpu.memref_slice %arg9[%dma_wait3A_744] : memref<512xi32, #tpu.memory_space<vmem>> -> memref<128xi32, #tpu.memory_space<vmem>>
    %dma_wait3A_746 = arith.constant 0 : i32
    %dma_wait3A_747 = tpu.memref_slice %arg3[%dma_wait3A_746] : memref<200000xi32, #tpu.memory_space<hbm>> -> memref<200000xi32, #tpu.memory_space<hbm>>
    tpu.wait_indirect_dma semaphore(%arg24 : memref<!tpu.dma_semaphore, #tpu.memory_space<semaphore_mem>>) src(%dma_wait3A_747 : memref<200000xi32, #tpu.memory_space<hbm>>) dst(%dma_wait3A_743 : memref<128xi32, #tpu.memory_space<vmem>>)
    %dma_start3A_748 = arith.constant 256 : i32
    %dma_start3A_749 = tpu.memref_slice %arg11[%dma_start3A_748] : memref<512xi32, #tpu.memory_space<vmem>> -> memref<128xi32, #tpu.memory_space<vmem>>
    %dma_start3A_750 = arith.constant 0 : i32
    %dma_start3A_751 = arith.constant 0 : i32
    %dma_start3A_752 = tpu.memref_slice %arg2[%dma_start3A_750, %dma_start3A_751] : memref<10000x128xf32, #tpu.memory_space<hbm>> -> memref<10000x128xf32, #tpu.memory_space<hbm>>
    tpu.enqueue_indirect_dma source(%dma_start3A_752 : memref<10000x128xf32, #tpu.memory_space<hbm>>) target(%arg17 : memref<128x128xf32, #tpu.memory_space<vmem>>) offsets(%dma_start3A_749 : memref<128xi32, #tpu.memory_space<vmem>>) semaphore(%arg31 : memref<!tpu.dma_semaphore, #tpu.memory_space<semaphore_mem>>)
    %dma_wait3A_753 = arith.constant 0 : i32
    %dma_wait3A_754 = tpu.memref_slice %arg10[%dma_wait3A_753] : memref<512xi32, #tpu.memory_space<vmem>> -> memref<128xi32, #tpu.memory_space<vmem>>
    %dma_wait3A_755 = arith.constant 0 : i32
    %dma_wait3A_756 = arith.constant 0 : i32
    %dma_wait3A_757 = tpu.memref_slice %arg2[%dma_wait3A_755, %dma_wait3A_756] : memref<10000x128xf32, #tpu.memory_space<hbm>> -> memref<10000x128xf32, #tpu.memory_space<hbm>>
    tpu.wait_indirect_dma semaphore(%arg26 : memref<!tpu.dma_semaphore, #tpu.memory_space<semaphore_mem>>) src(%dma_wait3A_757 : memref<10000x128xf32, #tpu.memory_space<hbm>>) dst(%arg12 : memref<128x128xf32, #tpu.memory_space<vmem>>)
    %add3A_758 = arith.constant 0 : i32
    %add3A_759 = arith.addi %mul3A_2, %add3A_758 : i32
    %dma_start3A_760 = arith.constant 0 : i32
    %dma_start3A_761 = tpu.memref_slice %arg5[%add3A_759, %dma_start3A_760] : memref<16384x128xf32, #tpu.memory_space<hbm>> -> memref<128x128xf32, #tpu.memory_space<hbm>>
    %dma_start3A_762 = arith.constant 0 : i32
    %dma_start3A_763 = tpu.memref_slice %arg5[%add3A_759, %dma_start3A_762] : memref<16384x128xf32, #tpu.memory_space<hbm>> -> memref<128x128xf32, #tpu.memory_space<hbm>>
    tpu.enqueue_dma source(%arg12 : memref<128x128xf32, #tpu.memory_space<vmem>>) target(%dma_start3A_763 : memref<128x128xf32, #tpu.memory_space<hbm>>) target_semaphore(%arg32 : memref<!tpu.dma_semaphore, #tpu.memory_space<semaphore_mem>>)
    %dma_wait3A_764 = arith.constant 0 : i32
    %dma_wait3A_765 = tpu.memref_slice %arg11[%dma_wait3A_764] : memref<512xi32, #tpu.memory_space<vmem>> -> memref<128xi32, #tpu.memory_space<vmem>>
    %dma_wait3A_766 = arith.constant 0 : i32
    %dma_wait3A_767 = arith.constant 0 : i32
    %dma_wait3A_768 = tpu.memref_slice %arg2[%dma_wait3A_766, %dma_wait3A_767] : memref<10000x128xf32, #tpu.memory_space<hbm>> -> memref<10000x128xf32, #tpu.memory_space<hbm>>
    tpu.wait_indirect_dma semaphore(%arg29 : memref<!tpu.dma_semaphore, #tpu.memory_space<semaphore_mem>>) src(%dma_wait3A_768 : memref<10000x128xf32, #tpu.memory_space<hbm>>) dst(%arg15 : memref<128x128xf32, #tpu.memory_space<vmem>>)
    %add3A_769 = arith.constant 0 : i32
    %add3A_770 = arith.addi %mul3A_2, %add3A_769 : i32
    %dma_start3A_771 = arith.constant 0 : i32
    %dma_start3A_772 = tpu.memref_slice %arg6[%add3A_770, %dma_start3A_771] : memref<16384x128xf32, #tpu.memory_space<hbm>> -> memref<128x128xf32, #tpu.memory_space<hbm>>
    %dma_start3A_773 = arith.constant 0 : i32
    %dma_start3A_774 = tpu.memref_slice %arg6[%add3A_770, %dma_start3A_773] : memref<16384x128xf32, #tpu.memory_space<hbm>> -> memref<128x128xf32, #tpu.memory_space<hbm>>
    tpu.enqueue_dma source(%arg15 : memref<128x128xf32, #tpu.memory_space<vmem>>) target(%dma_start3A_774 : memref<128x128xf32, #tpu.memory_space<hbm>>) target_semaphore(%arg35 : memref<!tpu.dma_semaphore, #tpu.memory_space<semaphore_mem>>)
    %add3A_775 = arith.constant 0 : i32
    %add3A_776 = arith.addi %mul3A_2, %add3A_775 : i32
    %dma_wait3A_777 = arith.constant 0 : i32
    %dma_wait3A_778 = tpu.memref_slice %arg5[%add3A_776, %dma_wait3A_777] : memref<16384x128xf32, #tpu.memory_space<hbm>> -> memref<128x128xf32, #tpu.memory_space<hbm>>
    %dma_wait3A_779 = arith.constant 0 : i32
    %dma_wait3A_780 = tpu.memref_slice %arg5[%add3A_776, %dma_wait3A_779] : memref<16384x128xf32, #tpu.memory_space<hbm>> -> memref<128x128xf32, #tpu.memory_space<hbm>>
    tpu.wait_dma2 semaphore(%arg32 : memref<!tpu.dma_semaphore, #tpu.memory_space<semaphore_mem>>) src(%arg12 : memref<128x128xf32, #tpu.memory_space<vmem>>) dst(%dma_wait3A_780 : memref<128x128xf32, #tpu.memory_space<hbm>>)
    %add3A_781 = arith.constant 0 : i32
    %add3A_782 = arith.addi %mul3A_2, %add3A_781 : i32
    %dma_wait3A_783 = arith.constant 0 : i32
    %dma_wait3A_784 = tpu.memref_slice %arg6[%add3A_782, %dma_wait3A_783] : memref<16384x128xf32, #tpu.memory_space<hbm>> -> memref<128x128xf32, #tpu.memory_space<hbm>>
    %dma_wait3A_785 = arith.constant 0 : i32
    %dma_wait3A_786 = tpu.memref_slice %arg6[%add3A_782, %dma_wait3A_785] : memref<16384x128xf32, #tpu.memory_space<hbm>> -> memref<128x128xf32, #tpu.memory_space<hbm>>
    tpu.wait_dma2 semaphore(%arg35 : memref<!tpu.dma_semaphore, #tpu.memory_space<semaphore_mem>>) src(%arg15 : memref<128x128xf32, #tpu.memory_space<vmem>>) dst(%dma_wait3A_786 : memref<128x128xf32, #tpu.memory_space<hbm>>)
    %dma_wait3A_787 = arith.constant 384 : i32
    %dma_wait3A_788 = tpu.memref_slice %arg10[%dma_wait3A_787] : memref<512xi32, #tpu.memory_space<vmem>> -> memref<128xi32, #tpu.memory_space<vmem>>
    %dma_wait3A_789 = arith.constant 384 : i32
    %dma_wait3A_790 = tpu.memref_slice %arg8[%dma_wait3A_789] : memref<512xi32, #tpu.memory_space<vmem>> -> memref<128xi32, #tpu.memory_space<vmem>>
    %dma_wait3A_791 = arith.constant 0 : i32
    %dma_wait3A_792 = tpu.memref_slice %arg3[%dma_wait3A_791] : memref<200000xi32, #tpu.memory_space<hbm>> -> memref<200000xi32, #tpu.memory_space<hbm>>
    tpu.wait_indirect_dma semaphore(%arg21 : memref<!tpu.dma_semaphore, #tpu.memory_space<semaphore_mem>>) src(%dma_wait3A_792 : memref<200000xi32, #tpu.memory_space<hbm>>) dst(%dma_wait3A_788 : memref<128xi32, #tpu.memory_space<vmem>>)
    %dma_start3A_793 = arith.constant 384 : i32
    %dma_start3A_794 = tpu.memref_slice %arg10[%dma_start3A_793] : memref<512xi32, #tpu.memory_space<vmem>> -> memref<128xi32, #tpu.memory_space<vmem>>
    %dma_start3A_795 = arith.constant 0 : i32
    %dma_start3A_796 = arith.constant 0 : i32
    %dma_start3A_797 = tpu.memref_slice %arg2[%dma_start3A_795, %dma_start3A_796] : memref<10000x128xf32, #tpu.memory_space<hbm>> -> memref<10000x128xf32, #tpu.memory_space<hbm>>
    tpu.enqueue_indirect_dma source(%dma_start3A_797 : memref<10000x128xf32, #tpu.memory_space<hbm>>) target(%arg12 : memref<128x128xf32, #tpu.memory_space<vmem>>) offsets(%dma_start3A_794 : memref<128xi32, #tpu.memory_space<vmem>>) semaphore(%arg26 : memref<!tpu.dma_semaphore, #tpu.memory_space<semaphore_mem>>)
    %dma_wait3A_798 = arith.constant 384 : i32
    %dma_wait3A_799 = tpu.memref_slice %arg11[%dma_wait3A_798] : memref<512xi32, #tpu.memory_space<vmem>> -> memref<128xi32, #tpu.memory_space<vmem>>
    %dma_wait3A_800 = arith.constant 384 : i32
    %dma_wait3A_801 = tpu.memref_slice %arg9[%dma_wait3A_800] : memref<512xi32, #tpu.memory_space<vmem>> -> memref<128xi32, #tpu.memory_space<vmem>>
    %dma_wait3A_802 = arith.constant 0 : i32
    %dma_wait3A_803 = tpu.memref_slice %arg3[%dma_wait3A_802] : memref<200000xi32, #tpu.memory_space<hbm>> -> memref<200000xi32, #tpu.memory_space<hbm>>
    tpu.wait_indirect_dma semaphore(%arg25 : memref<!tpu.dma_semaphore, #tpu.memory_space<semaphore_mem>>) src(%dma_wait3A_803 : memref<200000xi32, #tpu.memory_space<hbm>>) dst(%dma_wait3A_799 : memref<128xi32, #tpu.memory_space<vmem>>)
    %dma_start3A_804 = arith.constant 384 : i32
    %dma_start3A_805 = tpu.memref_slice %arg11[%dma_start3A_804] : memref<512xi32, #tpu.memory_space<vmem>> -> memref<128xi32, #tpu.memory_space<vmem>>
    %dma_start3A_806 = arith.constant 0 : i32
    %dma_start3A_807 = arith.constant 0 : i32
    %dma_start3A_808 = tpu.memref_slice %arg2[%dma_start3A_806, %dma_start3A_807] : memref<10000x128xf32, #tpu.memory_space<hbm>> -> memref<10000x128xf32, #tpu.memory_space<hbm>>
    tpu.enqueue_indirect_dma source(%dma_start3A_808 : memref<10000x128xf32, #tpu.memory_space<hbm>>) target(%arg15 : memref<128x128xf32, #tpu.memory_space<vmem>>) offsets(%dma_start3A_805 : memref<128xi32, #tpu.memory_space<vmem>>) semaphore(%arg29 : memref<!tpu.dma_semaphore, #tpu.memory_space<semaphore_mem>>)
    %dma_wait3A_809 = arith.constant 128 : i32
    %dma_wait3A_810 = tpu.memref_slice %arg10[%dma_wait3A_809] : memref<512xi32, #tpu.memory_space<vmem>> -> memref<128xi32, #tpu.memory_space<vmem>>
    %dma_wait3A_811 = arith.constant 0 : i32
    %dma_wait3A_812 = arith.constant 0 : i32
    %dma_wait3A_813 = tpu.memref_slice %arg2[%dma_wait3A_811, %dma_wait3A_812] : memref<10000x128xf32, #tpu.memory_space<hbm>> -> memref<10000x128xf32, #tpu.memory_space<hbm>>
    tpu.wait_indirect_dma semaphore(%arg27 : memref<!tpu.dma_semaphore, #tpu.memory_space<semaphore_mem>>) src(%dma_wait3A_813 : memref<10000x128xf32, #tpu.memory_space<hbm>>) dst(%arg13 : memref<128x128xf32, #tpu.memory_space<vmem>>)
    %add3A_814 = arith.constant 128 : i32
    %add3A_815 = arith.addi %mul3A_2, %add3A_814 : i32
    %dma_start3A_816 = arith.constant 0 : i32
    %dma_start3A_817 = tpu.memref_slice %arg5[%add3A_815, %dma_start3A_816] : memref<16384x128xf32, #tpu.memory_space<hbm>> -> memref<128x128xf32, #tpu.memory_space<hbm>>
    %dma_start3A_818 = arith.constant 0 : i32
    %dma_start3A_819 = tpu.memref_slice %arg5[%add3A_815, %dma_start3A_818] : memref<16384x128xf32, #tpu.memory_space<hbm>> -> memref<128x128xf32, #tpu.memory_space<hbm>>
    tpu.enqueue_dma source(%arg13 : memref<128x128xf32, #tpu.memory_space<vmem>>) target(%dma_start3A_819 : memref<128x128xf32, #tpu.memory_space<hbm>>) target_semaphore(%arg33 : memref<!tpu.dma_semaphore, #tpu.memory_space<semaphore_mem>>)
    %dma_wait3A_820 = arith.constant 128 : i32
    %dma_wait3A_821 = tpu.memref_slice %arg11[%dma_wait3A_820] : memref<512xi32, #tpu.memory_space<vmem>> -> memref<128xi32, #tpu.memory_space<vmem>>
    %dma_wait3A_822 = arith.constant 0 : i32
    %dma_wait3A_823 = arith.constant 0 : i32
    %dma_wait3A_824 = tpu.memref_slice %arg2[%dma_wait3A_822, %dma_wait3A_823] : memref<10000x128xf32, #tpu.memory_space<hbm>> -> memref<10000x128xf32, #tpu.memory_space<hbm>>
    tpu.wait_indirect_dma semaphore(%arg30 : memref<!tpu.dma_semaphore, #tpu.memory_space<semaphore_mem>>) src(%dma_wait3A_824 : memref<10000x128xf32, #tpu.memory_space<hbm>>) dst(%arg16 : memref<128x128xf32, #tpu.memory_space<vmem>>)
    %add3A_825 = arith.constant 128 : i32
    %add3A_826 = arith.addi %mul3A_2, %add3A_825 : i32
    %dma_start3A_827 = arith.constant 0 : i32
    %dma_start3A_828 = tpu.memref_slice %arg6[%add3A_826, %dma_start3A_827] : memref<16384x128xf32, #tpu.memory_space<hbm>> -> memref<128x128xf32, #tpu.memory_space<hbm>>
    %dma_start3A_829 = arith.constant 0 : i32
    %dma_start3A_830 = tpu.memref_slice %arg6[%add3A_826, %dma_start3A_829] : memref<16384x128xf32, #tpu.memory_space<hbm>> -> memref<128x128xf32, #tpu.memory_space<hbm>>
    tpu.enqueue_dma source(%arg16 : memref<128x128xf32, #tpu.memory_space<vmem>>) target(%dma_start3A_830 : memref<128x128xf32, #tpu.memory_space<hbm>>) target_semaphore(%arg36 : memref<!tpu.dma_semaphore, #tpu.memory_space<semaphore_mem>>)
    %dma_wait3A_831 = arith.constant 256 : i32
    %dma_wait3A_832 = tpu.memref_slice %arg10[%dma_wait3A_831] : memref<512xi32, #tpu.memory_space<vmem>> -> memref<128xi32, #tpu.memory_space<vmem>>
    %dma_wait3A_833 = arith.constant 0 : i32
    %dma_wait3A_834 = arith.constant 0 : i32
    %dma_wait3A_835 = tpu.memref_slice %arg2[%dma_wait3A_833, %dma_wait3A_834] : memref<10000x128xf32, #tpu.memory_space<hbm>> -> memref<10000x128xf32, #tpu.memory_space<hbm>>
    tpu.wait_indirect_dma semaphore(%arg28 : memref<!tpu.dma_semaphore, #tpu.memory_space<semaphore_mem>>) src(%dma_wait3A_835 : memref<10000x128xf32, #tpu.memory_space<hbm>>) dst(%arg14 : memref<128x128xf32, #tpu.memory_space<vmem>>)
    %add3A_836 = arith.constant 256 : i32
    %add3A_837 = arith.addi %mul3A_2, %add3A_836 : i32
    %dma_start3A_838 = arith.constant 0 : i32
    %dma_start3A_839 = tpu.memref_slice %arg5[%add3A_837, %dma_start3A_838] : memref<16384x128xf32, #tpu.memory_space<hbm>> -> memref<128x128xf32, #tpu.memory_space<hbm>>
    %dma_start3A_840 = arith.constant 0 : i32
    %dma_start3A_841 = tpu.memref_slice %arg5[%add3A_837, %dma_start3A_840] : memref<16384x128xf32, #tpu.memory_space<hbm>> -> memref<128x128xf32, #tpu.memory_space<hbm>>
    tpu.enqueue_dma source(%arg14 : memref<128x128xf32, #tpu.memory_space<vmem>>) target(%dma_start3A_841 : memref<128x128xf32, #tpu.memory_space<hbm>>) target_semaphore(%arg34 : memref<!tpu.dma_semaphore, #tpu.memory_space<semaphore_mem>>)
    %dma_wait3A_842 = arith.constant 256 : i32
    %dma_wait3A_843 = tpu.memref_slice %arg11[%dma_wait3A_842] : memref<512xi32, #tpu.memory_space<vmem>> -> memref<128xi32, #tpu.memory_space<vmem>>
    %dma_wait3A_844 = arith.constant 0 : i32
    %dma_wait3A_845 = arith.constant 0 : i32
    %dma_wait3A_846 = tpu.memref_slice %arg2[%dma_wait3A_844, %dma_wait3A_845] : memref<10000x128xf32, #tpu.memory_space<hbm>> -> memref<10000x128xf32, #tpu.memory_space<hbm>>
    tpu.wait_indirect_dma semaphore(%arg31 : memref<!tpu.dma_semaphore, #tpu.memory_space<semaphore_mem>>) src(%dma_wait3A_846 : memref<10000x128xf32, #tpu.memory_space<hbm>>) dst(%arg17 : memref<128x128xf32, #tpu.memory_space<vmem>>)
    %add3A_847 = arith.constant 256 : i32
    %add3A_848 = arith.addi %mul3A_2, %add3A_847 : i32
    %dma_start3A_849 = arith.constant 0 : i32
    %dma_start3A_850 = tpu.memref_slice %arg6[%add3A_848, %dma_start3A_849] : memref<16384x128xf32, #tpu.memory_space<hbm>> -> memref<128x128xf32, #tpu.memory_space<hbm>>
    %dma_start3A_851 = arith.constant 0 : i32
    %dma_start3A_852 = tpu.memref_slice %arg6[%add3A_848, %dma_start3A_851] : memref<16384x128xf32, #tpu.memory_space<hbm>> -> memref<128x128xf32, #tpu.memory_space<hbm>>
    tpu.enqueue_dma source(%arg17 : memref<128x128xf32, #tpu.memory_space<vmem>>) target(%dma_start3A_852 : memref<128x128xf32, #tpu.memory_space<hbm>>) target_semaphore(%arg37 : memref<!tpu.dma_semaphore, #tpu.memory_space<semaphore_mem>>)
    %dma_wait3A_853 = arith.constant 384 : i32
    %dma_wait3A_854 = tpu.memref_slice %arg10[%dma_wait3A_853] : memref<512xi32, #tpu.memory_space<vmem>> -> memref<128xi32, #tpu.memory_space<vmem>>
    %dma_wait3A_855 = arith.constant 0 : i32
    %dma_wait3A_856 = arith.constant 0 : i32
    %dma_wait3A_857 = tpu.memref_slice %arg2[%dma_wait3A_855, %dma_wait3A_856] : memref<10000x128xf32, #tpu.memory_space<hbm>> -> memref<10000x128xf32, #tpu.memory_space<hbm>>
    tpu.wait_indirect_dma semaphore(%arg26 : memref<!tpu.dma_semaphore, #tpu.memory_space<semaphore_mem>>) src(%dma_wait3A_857 : memref<10000x128xf32, #tpu.memory_space<hbm>>) dst(%arg12 : memref<128x128xf32, #tpu.memory_space<vmem>>)
    %add3A_858 = arith.constant 384 : i32
    %add3A_859 = arith.addi %mul3A_2, %add3A_858 : i32
    %dma_start3A_860 = arith.constant 0 : i32
    %dma_start3A_861 = tpu.memref_slice %arg5[%add3A_859, %dma_start3A_860] : memref<16384x128xf32, #tpu.memory_space<hbm>> -> memref<128x128xf32, #tpu.memory_space<hbm>>
    %dma_start3A_862 = arith.constant 0 : i32
    %dma_start3A_863 = tpu.memref_slice %arg5[%add3A_859, %dma_start3A_862] : memref<16384x128xf32, #tpu.memory_space<hbm>> -> memref<128x128xf32, #tpu.memory_space<hbm>>
    tpu.enqueue_dma source(%arg12 : memref<128x128xf32, #tpu.memory_space<vmem>>) target(%dma_start3A_863 : memref<128x128xf32, #tpu.memory_space<hbm>>) target_semaphore(%arg32 : memref<!tpu.dma_semaphore, #tpu.memory_space<semaphore_mem>>)
    %dma_wait3A_864 = arith.constant 384 : i32
    %dma_wait3A_865 = tpu.memref_slice %arg11[%dma_wait3A_864] : memref<512xi32, #tpu.memory_space<vmem>> -> memref<128xi32, #tpu.memory_space<vmem>>
    %dma_wait3A_866 = arith.constant 0 : i32
    %dma_wait3A_867 = arith.constant 0 : i32
    %dma_wait3A_868 = tpu.memref_slice %arg2[%dma_wait3A_866, %dma_wait3A_867] : memref<10000x128xf32, #tpu.memory_space<hbm>> -> memref<10000x128xf32, #tpu.memory_space<hbm>>
    tpu.wait_indirect_dma semaphore(%arg29 : memref<!tpu.dma_semaphore, #tpu.memory_space<semaphore_mem>>) src(%dma_wait3A_868 : memref<10000x128xf32, #tpu.memory_space<hbm>>) dst(%arg15 : memref<128x128xf32, #tpu.memory_space<vmem>>)
    %add3A_869 = arith.constant 384 : i32
    %add3A_870 = arith.addi %mul3A_2, %add3A_869 : i32
    %dma_start3A_871 = arith.constant 0 : i32
    %dma_start3A_872 = tpu.memref_slice %arg6[%add3A_870, %dma_start3A_871] : memref<16384x128xf32, #tpu.memory_space<hbm>> -> memref<128x128xf32, #tpu.memory_space<hbm>>
    %dma_start3A_873 = arith.constant 0 : i32
    %dma_start3A_874 = tpu.memref_slice %arg6[%add3A_870, %dma_start3A_873] : memref<16384x128xf32, #tpu.memory_space<hbm>> -> memref<128x128xf32, #tpu.memory_space<hbm>>
    tpu.enqueue_dma source(%arg15 : memref<128x128xf32, #tpu.memory_space<vmem>>) target(%dma_start3A_874 : memref<128x128xf32, #tpu.memory_space<hbm>>) target_semaphore(%arg35 : memref<!tpu.dma_semaphore, #tpu.memory_space<semaphore_mem>>)
    %add3A_875 = arith.constant 128 : i32
    %add3A_876 = arith.addi %mul3A_2, %add3A_875 : i32
    %dma_wait3A_877 = arith.constant 0 : i32
    %dma_wait3A_878 = tpu.memref_slice %arg5[%add3A_876, %dma_wait3A_877] : memref<16384x128xf32, #tpu.memory_space<hbm>> -> memref<128x128xf32, #tpu.memory_space<hbm>>
    %dma_wait3A_879 = arith.constant 0 : i32
    %dma_wait3A_880 = tpu.memref_slice %arg5[%add3A_876, %dma_wait3A_879] : memref<16384x128xf32, #tpu.memory_space<hbm>> -> memref<128x128xf32, #tpu.memory_space<hbm>>
    tpu.wait_dma2 semaphore(%arg33 : memref<!tpu.dma_semaphore, #tpu.memory_space<semaphore_mem>>) src(%arg13 : memref<128x128xf32, #tpu.memory_space<vmem>>) dst(%dma_wait3A_880 : memref<128x128xf32, #tpu.memory_space<hbm>>)
    %add3A_881 = arith.constant 128 : i32
    %add3A_882 = arith.addi %mul3A_2, %add3A_881 : i32
    %dma_wait3A_883 = arith.constant 0 : i32
    %dma_wait3A_884 = tpu.memref_slice %arg6[%add3A_882, %dma_wait3A_883] : memref<16384x128xf32, #tpu.memory_space<hbm>> -> memref<128x128xf32, #tpu.memory_space<hbm>>
    %dma_wait3A_885 = arith.constant 0 : i32
    %dma_wait3A_886 = tpu.memref_slice %arg6[%add3A_882, %dma_wait3A_885] : memref<16384x128xf32, #tpu.memory_space<hbm>> -> memref<128x128xf32, #tpu.memory_space<hbm>>
    tpu.wait_dma2 semaphore(%arg36 : memref<!tpu.dma_semaphore, #tpu.memory_space<semaphore_mem>>) src(%arg16 : memref<128x128xf32, #tpu.memory_space<vmem>>) dst(%dma_wait3A_886 : memref<128x128xf32, #tpu.memory_space<hbm>>)
    %add3A_887 = arith.constant 256 : i32
    %add3A_888 = arith.addi %mul3A_2, %add3A_887 : i32
    %dma_wait3A_889 = arith.constant 0 : i32
    %dma_wait3A_890 = tpu.memref_slice %arg5[%add3A_888, %dma_wait3A_889] : memref<16384x128xf32, #tpu.memory_space<hbm>> -> memref<128x128xf32, #tpu.memory_space<hbm>>
    %dma_wait3A_891 = arith.constant 0 : i32
    %dma_wait3A_892 = tpu.memref_slice %arg5[%add3A_888, %dma_wait3A_891] : memref<16384x128xf32, #tpu.memory_space<hbm>> -> memref<128x128xf32, #tpu.memory_space<hbm>>
    tpu.wait_dma2 semaphore(%arg34 : memref<!tpu.dma_semaphore, #tpu.memory_space<semaphore_mem>>) src(%arg14 : memref<128x128xf32, #tpu.memory_space<vmem>>) dst(%dma_wait3A_892 : memref<128x128xf32, #tpu.memory_space<hbm>>)
    %add3A_893 = arith.constant 256 : i32
    %add3A_894 = arith.addi %mul3A_2, %add3A_893 : i32
    %dma_wait3A_895 = arith.constant 0 : i32
    %dma_wait3A_896 = tpu.memref_slice %arg6[%add3A_894, %dma_wait3A_895] : memref<16384x128xf32, #tpu.memory_space<hbm>> -> memref<128x128xf32, #tpu.memory_space<hbm>>
    %dma_wait3A_897 = arith.constant 0 : i32
    %dma_wait3A_898 = tpu.memref_slice %arg6[%add3A_894, %dma_wait3A_897] : memref<16384x128xf32, #tpu.memory_space<hbm>> -> memref<128x128xf32, #tpu.memory_space<hbm>>
    tpu.wait_dma2 semaphore(%arg37 : memref<!tpu.dma_semaphore, #tpu.memory_space<semaphore_mem>>) src(%arg17 : memref<128x128xf32, #tpu.memory_space<vmem>>) dst(%dma_wait3A_898 : memref<128x128xf32, #tpu.memory_space<hbm>>)
    %add3A_899 = arith.constant 384 : i32
    %add3A_900 = arith.addi %mul3A_2, %add3A_899 : i32
    %dma_wait3A_901 = arith.constant 0 : i32
    %dma_wait3A_902 = tpu.memref_slice %arg5[%add3A_900, %dma_wait3A_901] : memref<16384x128xf32, #tpu.memory_space<hbm>> -> memref<128x128xf32, #tpu.memory_space<hbm>>
    %dma_wait3A_903 = arith.constant 0 : i32
    %dma_wait3A_904 = tpu.memref_slice %arg5[%add3A_900, %dma_wait3A_903] : memref<16384x128xf32, #tpu.memory_space<hbm>> -> memref<128x128xf32, #tpu.memory_space<hbm>>
    tpu.wait_dma2 semaphore(%arg32 : memref<!tpu.dma_semaphore, #tpu.memory_space<semaphore_mem>>) src(%arg12 : memref<128x128xf32, #tpu.memory_space<vmem>>) dst(%dma_wait3A_904 : memref<128x128xf32, #tpu.memory_space<hbm>>)
    %add3A_905 = arith.constant 384 : i32
    %add3A_906 = arith.addi %mul3A_2, %add3A_905 : i32
    %dma_wait3A_907 = arith.constant 0 : i32
    %dma_wait3A_908 = tpu.memref_slice %arg6[%add3A_906, %dma_wait3A_907] : memref<16384x128xf32, #tpu.memory_space<hbm>> -> memref<128x128xf32, #tpu.memory_space<hbm>>
    %dma_wait3A_909 = arith.constant 0 : i32
    %dma_wait3A_910 = tpu.memref_slice %arg6[%add3A_906, %dma_wait3A_909] : memref<16384x128xf32, #tpu.memory_space<hbm>> -> memref<128x128xf32, #tpu.memory_space<hbm>>
    tpu.wait_dma2 semaphore(%arg35 : memref<!tpu.dma_semaphore, #tpu.memory_space<semaphore_mem>>) src(%arg15 : memref<128x128xf32, #tpu.memory_space<vmem>>) dst(%dma_wait3A_910 : memref<128x128xf32, #tpu.memory_space<hbm>>)
    return
  }
}

module attributes {stable_mosaic.version = 14 : i64} {
  func.func @_mlp_body(%arg0: memref<10000x128xf32, #tpu.memory_space<vmem>>, %arg1: memref<10000x128xf32, #tpu.memory_space<vmem>>, %arg2: memref<10000x128xf32, #tpu.memory_space<vmem>>, %arg3: memref<128x128xf32, #tpu.memory_space<vmem>>, %arg4: memref<1x128xf32, #tpu.memory_space<vmem>>, %arg5: memref<128x128xf32, #tpu.memory_space<vmem>>, %arg6: memref<1x128xf32, #tpu.memory_space<vmem>>, %arg7: memref<1x128xf32, #tpu.memory_space<vmem>>, %arg8: memref<1x128xf32, #tpu.memory_space<vmem>>, %arg9: memref<1x1xf32, #tpu.memory_space<vmem>>, %arg10: memref<10000x128xf32, #tpu.memory_space<vmem>>) attributes {dimension_semantics = [], scalar_prefetch = 0 : i64, scratch_operands = 0 : i64, tpu.core_type = #tpu.core_type<tc>} {
    %get3A = arith.constant 0 : index
    %get3A_0 = arith.constant 0 : index
    %get3A_1 = vector.load %arg9[%get3A, %get3A_0] : memref<1x1xf32, #tpu.memory_space<vmem>>, vector<1x1xf32>
    %get3A_2 = vector.extract %get3A_1[0, 0] : f32 from vector<1x1xf32>
    %add3A = arith.constant 1.000000e+00 : f32
    %add3A_3 = arith.addf %add3A, %get3A_2 : f32
    %get3A_4 = arith.constant 0 : index
    %get3A_5 = arith.constant 0 : index
    %get3A_6 = vector.load %arg0[%get3A_4, %get3A_5] : memref<10000x128xf32, #tpu.memory_space<vmem>>, vector<10000x128xf32>
    %mul3A = vector.broadcast %add3A_3 : f32 to vector<10000x128xf32>
    %mul3A_7 = arith.mulf %mul3A, %get3A_6 : vector<10000x128xf32>
    %get3A_8 = arith.constant 0 : index
    %get3A_9 = arith.constant 0 : index
    %get3A_10 = vector.load %arg1[%get3A_8, %get3A_9] : memref<10000x128xf32, #tpu.memory_space<vmem>>, vector<10000x128xf32>
    %add3A_11 = arith.addf %mul3A_7, %get3A_10 : vector<10000x128xf32>
    %get3A_12 = arith.constant 0 : index
    %get3A_13 = arith.constant 0 : index
    %get3A_14 = vector.load %arg2[%get3A_12, %get3A_13] : memref<10000x128xf32, #tpu.memory_space<vmem>>, vector<10000x128xf32>
    %add3A_15 = arith.addf %add3A_11, %get3A_14 : vector<10000x128xf32>
    %get3A_16 = arith.constant 0 : index
    %get3A_17 = arith.constant 0 : index
    %get3A_18 = vector.load %arg3[%get3A_16, %get3A_17] : memref<128x128xf32, #tpu.memory_space<vmem>>, vector<128x128xf32>
    %dot_general3A = arith.constant dense<0.000000e+00> : vector<10000x128xf32>
    %dot_general3A_19 = tpu.matmul %add3A_15, %get3A_18, %dot_general3A {dimension_numbers = #tpu.dot_dimension_numbers<[1], [0], [0], [1], [0, 0, 1, 1], [], []>, transpose_lhs_hint = false} : vector<10000x128xf32>, vector<128x128xf32>, vector<10000x128xf32> -> vector<10000x128xf32>
    %get3A_20 = arith.constant 0 : index
    %get3A_21 = arith.constant 0 : index
    %get3A_22 = vector.load %arg4[%get3A_20, %get3A_21] : memref<1x128xf32, #tpu.memory_space<vmem>>, vector<1x128xf32>
    %add3A_23 = vector.broadcast %get3A_22 : vector<1x128xf32> to vector<10000x128xf32>
    %add3A_24 = arith.addf %dot_general3A_19, %add3A_23 : vector<10000x128xf32>
    %max3A = arith.constant 0.000000e+00 : f32
    %max3A_25 = vector.broadcast %max3A : f32 to vector<10000x128xf32>
    %max3A_26 = arith.maximumf %add3A_24, %max3A_25 : vector<10000x128xf32>
    %get3A_27 = arith.constant 0 : index
    %get3A_28 = arith.constant 0 : index
    %get3A_29 = vector.load %arg5[%get3A_27, %get3A_28] : memref<128x128xf32, #tpu.memory_space<vmem>>, vector<128x128xf32>
    %dot_general3A_30 = arith.constant dense<0.000000e+00> : vector<10000x128xf32>
    %dot_general3A_31 = tpu.matmul %max3A_26, %get3A_29, %dot_general3A_30 {dimension_numbers = #tpu.dot_dimension_numbers<[1], [0], [0], [1], [0, 0, 1, 1], [], []>, transpose_lhs_hint = false} : vector<10000x128xf32>, vector<128x128xf32>, vector<10000x128xf32> -> vector<10000x128xf32>
    %get3A_32 = arith.constant 0 : index
    %get3A_33 = arith.constant 0 : index
    %get3A_34 = vector.load %arg6[%get3A_32, %get3A_33] : memref<1x128xf32, #tpu.memory_space<vmem>>, vector<1x128xf32>
    %add3A_35 = vector.broadcast %get3A_34 : vector<1x128xf32> to vector<10000x128xf32>
    %add3A_36 = arith.addf %dot_general3A_31, %add3A_35 : vector<10000x128xf32>
    %max3A_37 = arith.constant 0.000000e+00 : f32
    %max3A_38 = vector.broadcast %max3A_37 : f32 to vector<10000x128xf32>
    %max3A_39 = arith.maximumf %add3A_36, %max3A_38 : vector<10000x128xf32>
    %reduce_sum3A = arith.constant dense<0.000000e+00> : vector<128xf32>
    %reduce_sum3A_40 = vector.multi_reduction <add>, %max3A_39, %reduce_sum3A [0] : vector<10000x128xf32> to vector<128xf32>
    %broadcast_in_dim3A = vector.shape_cast %reduce_sum3A_40 : vector<128xf32> to vector<1x128xf32>
    %div3A = arith.constant 1.000000e+04 : f32
    %div3A_41 = vector.broadcast %div3A : f32 to vector<1x128xf32>
    %div3A_42 = arith.divf %broadcast_in_dim3A, %div3A_41 : vector<1x128xf32>
    %sub3A = vector.broadcast %div3A_42 : vector<1x128xf32> to vector<10000x128xf32>
    %sub3A_43 = arith.subf %max3A_39, %sub3A : vector<10000x128xf32>
    %mul3A_44 = arith.mulf %sub3A_43, %sub3A_43 : vector<10000x128xf32>
    %reduce_sum3A_45 = arith.constant dense<0.000000e+00> : vector<128xf32>
    %reduce_sum3A_46 = vector.multi_reduction <add>, %mul3A_44, %reduce_sum3A_45 [0] : vector<10000x128xf32> to vector<128xf32>
    %broadcast_in_dim3A_47 = vector.shape_cast %reduce_sum3A_46 : vector<128xf32> to vector<1x128xf32>
    %div3A_48 = arith.constant 1.000000e+04 : f32
    %div3A_49 = vector.broadcast %div3A_48 : f32 to vector<1x128xf32>
    %div3A_50 = arith.divf %broadcast_in_dim3A_47, %div3A_49 : vector<1x128xf32>
    %add3A_51 = arith.constant 9.99999974E-6 : f32
    %add3A_52 = vector.broadcast %add3A_51 : f32 to vector<1x128xf32>
    %add3A_53 = arith.addf %div3A_50, %add3A_52 : vector<1x128xf32>
    %rsqrt3A = math.rsqrt %add3A_53 : vector<1x128xf32>
    %mul3A_54 = vector.broadcast %rsqrt3A : vector<1x128xf32> to vector<10000x128xf32>
    %mul3A_55 = arith.mulf %sub3A_43, %mul3A_54 : vector<10000x128xf32>
    %get3A_56 = arith.constant 0 : index
    %get3A_57 = arith.constant 0 : index
    %get3A_58 = vector.load %arg7[%get3A_56, %get3A_57] : memref<1x128xf32, #tpu.memory_space<vmem>>, vector<1x128xf32>
    %mul3A_59 = vector.broadcast %get3A_58 : vector<1x128xf32> to vector<10000x128xf32>
    %mul3A_60 = arith.mulf %mul3A_55, %mul3A_59 : vector<10000x128xf32>
    %get3A_61 = arith.constant 0 : index
    %get3A_62 = arith.constant 0 : index
    %get3A_63 = vector.load %arg8[%get3A_61, %get3A_62] : memref<1x128xf32, #tpu.memory_space<vmem>>, vector<1x128xf32>
    %add3A_64 = vector.broadcast %get3A_63 : vector<1x128xf32> to vector<10000x128xf32>
    %add3A_65 = arith.addf %mul3A_60, %add3A_64 : vector<10000x128xf32>
    %swap3A = arith.constant 0 : index
    %swap3A_66 = arith.constant 0 : index
    %swap3A_67 = vector.load %arg10[%swap3A, %swap3A_66] : memref<10000x128xf32, #tpu.memory_space<vmem>>, vector<10000x128xf32>
    tpu.vector_store %arg10[%swap3A, %swap3A_66], %add3A_65 {strides = array<i32>} : memref<10000x128xf32, #tpu.memory_space<vmem>>, vector<10000x128xf32>,
    return
  }
}

module attributes {stable_mosaic.version = 14 : i64} {
  func.func @_mlp_final_body(%arg0: memref<10000x128xf32, #tpu.memory_space<vmem>>, %arg1: memref<10000x128xf32, #tpu.memory_space<vmem>>, %arg2: memref<10000x128xf32, #tpu.memory_space<vmem>>, %arg3: memref<128x128xf32, #tpu.memory_space<vmem>>, %arg4: memref<1x128xf32, #tpu.memory_space<vmem>>, %arg5: memref<128x128xf32, #tpu.memory_space<vmem>>, %arg6: memref<1x128xf32, #tpu.memory_space<vmem>>, %arg7: memref<1x128xf32, #tpu.memory_space<vmem>>, %arg8: memref<1x128xf32, #tpu.memory_space<vmem>>, %arg9: memref<1x1xf32, #tpu.memory_space<vmem>>, %arg10: memref<128x128xf32, #tpu.memory_space<vmem>>, %arg11: memref<1x128xf32, #tpu.memory_space<vmem>>, %arg12: memref<10000x128xf32, #tpu.memory_space<vmem>>) attributes {dimension_semantics = [], scalar_prefetch = 0 : i64, scratch_operands = 0 : i64, tpu.core_type = #tpu.core_type<tc>} {
    %get3A = arith.constant 0 : index
    %get3A_0 = arith.constant 0 : index
    %get3A_1 = vector.load %arg9[%get3A, %get3A_0] : memref<1x1xf32, #tpu.memory_space<vmem>>, vector<1x1xf32>
    %get3A_2 = vector.extract %get3A_1[0, 0] : f32 from vector<1x1xf32>
    %add3A = arith.constant 1.000000e+00 : f32
    %add3A_3 = arith.addf %add3A, %get3A_2 : f32
    %get3A_4 = arith.constant 0 : index
    %get3A_5 = arith.constant 0 : index
    %get3A_6 = vector.load %arg0[%get3A_4, %get3A_5] : memref<10000x128xf32, #tpu.memory_space<vmem>>, vector<10000x128xf32>
    %mul3A = vector.broadcast %add3A_3 : f32 to vector<10000x128xf32>
    %mul3A_7 = arith.mulf %mul3A, %get3A_6 : vector<10000x128xf32>
    %get3A_8 = arith.constant 0 : index
    %get3A_9 = arith.constant 0 : index
    %get3A_10 = vector.load %arg1[%get3A_8, %get3A_9] : memref<10000x128xf32, #tpu.memory_space<vmem>>, vector<10000x128xf32>
    %add3A_11 = arith.addf %mul3A_7, %get3A_10 : vector<10000x128xf32>
    %get3A_12 = arith.constant 0 : index
    %get3A_13 = arith.constant 0 : index
    %get3A_14 = vector.load %arg2[%get3A_12, %get3A_13] : memref<10000x128xf32, #tpu.memory_space<vmem>>, vector<10000x128xf32>
    %add3A_15 = arith.addf %add3A_11, %get3A_14 : vector<10000x128xf32>
    %get3A_16 = arith.constant 0 : index
    %get3A_17 = arith.constant 0 : index
    %get3A_18 = vector.load %arg3[%get3A_16, %get3A_17] : memref<128x128xf32, #tpu.memory_space<vmem>>, vector<128x128xf32>
    %dot_general3A = arith.constant dense<0.000000e+00> : vector<10000x128xf32>
    %dot_general3A_19 = tpu.matmul %add3A_15, %get3A_18, %dot_general3A {dimension_numbers = #tpu.dot_dimension_numbers<[1], [0], [0], [1], [0, 0, 1, 1], [], []>, transpose_lhs_hint = false} : vector<10000x128xf32>, vector<128x128xf32>, vector<10000x128xf32> -> vector<10000x128xf32>
    %get3A_20 = arith.constant 0 : index
    %get3A_21 = arith.constant 0 : index
    %get3A_22 = vector.load %arg4[%get3A_20, %get3A_21] : memref<1x128xf32, #tpu.memory_space<vmem>>, vector<1x128xf32>
    %add3A_23 = vector.broadcast %get3A_22 : vector<1x128xf32> to vector<10000x128xf32>
    %add3A_24 = arith.addf %dot_general3A_19, %add3A_23 : vector<10000x128xf32>
    %max3A = arith.constant 0.000000e+00 : f32
    %max3A_25 = vector.broadcast %max3A : f32 to vector<10000x128xf32>
    %max3A_26 = arith.maximumf %add3A_24, %max3A_25 : vector<10000x128xf32>
    %get3A_27 = arith.constant 0 : index
    %get3A_28 = arith.constant 0 : index
    %get3A_29 = vector.load %arg5[%get3A_27, %get3A_28] : memref<128x128xf32, #tpu.memory_space<vmem>>, vector<128x128xf32>
    %dot_general3A_30 = arith.constant dense<0.000000e+00> : vector<10000x128xf32>
    %dot_general3A_31 = tpu.matmul %max3A_26, %get3A_29, %dot_general3A_30 {dimension_numbers = #tpu.dot_dimension_numbers<[1], [0], [0], [1], [0, 0, 1, 1], [], []>, transpose_lhs_hint = false} : vector<10000x128xf32>, vector<128x128xf32>, vector<10000x128xf32> -> vector<10000x128xf32>
    %get3A_32 = arith.constant 0 : index
    %get3A_33 = arith.constant 0 : index
    %get3A_34 = vector.load %arg6[%get3A_32, %get3A_33] : memref<1x128xf32, #tpu.memory_space<vmem>>, vector<1x128xf32>
    %add3A_35 = vector.broadcast %get3A_34 : vector<1x128xf32> to vector<10000x128xf32>
    %add3A_36 = arith.addf %dot_general3A_31, %add3A_35 : vector<10000x128xf32>
    %max3A_37 = arith.constant 0.000000e+00 : f32
    %max3A_38 = vector.broadcast %max3A_37 : f32 to vector<10000x128xf32>
    %max3A_39 = arith.maximumf %add3A_36, %max3A_38 : vector<10000x128xf32>
    %reduce_sum3A = arith.constant dense<0.000000e+00> : vector<128xf32>
    %reduce_sum3A_40 = vector.multi_reduction <add>, %max3A_39, %reduce_sum3A [0] : vector<10000x128xf32> to vector<128xf32>
    %broadcast_in_dim3A = vector.shape_cast %reduce_sum3A_40 : vector<128xf32> to vector<1x128xf32>
    %div3A = arith.constant 1.000000e+04 : f32
    %div3A_41 = vector.broadcast %div3A : f32 to vector<1x128xf32>
    %div3A_42 = arith.divf %broadcast_in_dim3A, %div3A_41 : vector<1x128xf32>
    %sub3A = vector.broadcast %div3A_42 : vector<1x128xf32> to vector<10000x128xf32>
    %sub3A_43 = arith.subf %max3A_39, %sub3A : vector<10000x128xf32>
    %mul3A_44 = arith.mulf %sub3A_43, %sub3A_43 : vector<10000x128xf32>
    %reduce_sum3A_45 = arith.constant dense<0.000000e+00> : vector<128xf32>
    %reduce_sum3A_46 = vector.multi_reduction <add>, %mul3A_44, %reduce_sum3A_45 [0] : vector<10000x128xf32> to vector<128xf32>
    %broadcast_in_dim3A_47 = vector.shape_cast %reduce_sum3A_46 : vector<128xf32> to vector<1x128xf32>
    %div3A_48 = arith.constant 1.000000e+04 : f32
    %div3A_49 = vector.broadcast %div3A_48 : f32 to vector<1x128xf32>
    %div3A_50 = arith.divf %broadcast_in_dim3A_47, %div3A_49 : vector<1x128xf32>
    %add3A_51 = arith.constant 9.99999974E-6 : f32
    %add3A_52 = vector.broadcast %add3A_51 : f32 to vector<1x128xf32>
    %add3A_53 = arith.addf %div3A_50, %add3A_52 : vector<1x128xf32>
    %rsqrt3A = math.rsqrt %add3A_53 : vector<1x128xf32>
    %mul3A_54 = vector.broadcast %rsqrt3A : vector<1x128xf32> to vector<10000x128xf32>
    %mul3A_55 = arith.mulf %sub3A_43, %mul3A_54 : vector<10000x128xf32>
    %get3A_56 = arith.constant 0 : index
    %get3A_57 = arith.constant 0 : index
    %get3A_58 = vector.load %arg7[%get3A_56, %get3A_57] : memref<1x128xf32, #tpu.memory_space<vmem>>, vector<1x128xf32>
    %mul3A_59 = vector.broadcast %get3A_58 : vector<1x128xf32> to vector<10000x128xf32>
    %mul3A_60 = arith.mulf %mul3A_55, %mul3A_59 : vector<10000x128xf32>
    %get3A_61 = arith.constant 0 : index
    %get3A_62 = arith.constant 0 : index
    %get3A_63 = vector.load %arg8[%get3A_61, %get3A_62] : memref<1x128xf32, #tpu.memory_space<vmem>>, vector<1x128xf32>
    %add3A_64 = vector.broadcast %get3A_63 : vector<1x128xf32> to vector<10000x128xf32>
    %add3A_65 = arith.addf %mul3A_60, %add3A_64 : vector<10000x128xf32>
    %get3A_66 = arith.constant 0 : index
    %get3A_67 = arith.constant 0 : index
    %get3A_68 = vector.load %arg10[%get3A_66, %get3A_67] : memref<128x128xf32, #tpu.memory_space<vmem>>, vector<128x128xf32>
    %dot_general3A_69 = arith.constant dense<0.000000e+00> : vector<10000x128xf32>
    %dot_general3A_70 = tpu.matmul %add3A_65, %get3A_68, %dot_general3A_69 {dimension_numbers = #tpu.dot_dimension_numbers<[1], [0], [0], [1], [0, 0, 1, 1], [], []>, transpose_lhs_hint = false} : vector<10000x128xf32>, vector<128x128xf32>, vector<10000x128xf32> -> vector<10000x128xf32>
    %get3A_71 = arith.constant 0 : index
    %get3A_72 = arith.constant 0 : index
    %get3A_73 = vector.load %arg11[%get3A_71, %get3A_72] : memref<1x128xf32, #tpu.memory_space<vmem>>, vector<1x128xf32>
    %add3A_74 = vector.broadcast %get3A_73 : vector<1x128xf32> to vector<10000x128xf32>
    %add3A_75 = arith.addf %dot_general3A_70, %add3A_74 : vector<10000x128xf32>
    %max3A_76 = arith.constant 0.000000e+00 : f32
    %max3A_77 = vector.broadcast %max3A_76 : f32 to vector<10000x128xf32>
    %max3A_78 = arith.maximumf %add3A_75, %max3A_77 : vector<10000x128xf32>
    %swap3A = arith.constant 0 : index
    %swap3A_79 = arith.constant 0 : index
    %swap3A_80 = vector.load %arg12[%swap3A, %swap3A_79] : memref<10000x128xf32, #tpu.memory_space<vmem>>, vector<10000x128xf32>
    tpu.vector_store %arg12[%swap3A, %swap3A_79], %max3A_78 {strides = array<i32>} : memref<10000x128xf32, #tpu.memory_space<vmem>>, vector<10000x128xf32>,
    return
  }
}

module attributes {stable_mosaic.version = 14 : i64} {
  func.func @_final_body(%arg0: memref<16384x128xf32, #tpu.memory_space<vmem>>, %arg1: memref<16384x128xf32, #tpu.memory_space<vmem>>, %arg2: memref<128x7xf32, #tpu.memory_space<vmem>>, %arg3: memref<1x7xf32, #tpu.memory_space<vmem>>, %arg4: memref<16384x7xf32, #tpu.memory_space<vmem>>) attributes {dimension_semantics = [], scalar_prefetch = 0 : i64, scratch_operands = 0 : i64, tpu.core_type = #tpu.core_type<tc>} {
    %get3A = arith.constant 0 : index
    %get3A_0 = arith.constant 0 : index
    %get3A_1 = vector.load %arg0[%get3A, %get3A_0] : memref<16384x128xf32, #tpu.memory_space<vmem>>, vector<16384x128xf32>
    %get3A_2 = arith.constant 0 : index
    %get3A_3 = arith.constant 0 : index
    %get3A_4 = vector.load %arg1[%get3A_2, %get3A_3] : memref<16384x128xf32, #tpu.memory_space<vmem>>, vector<16384x128xf32>
    %mul3A = arith.mulf %get3A_1, %get3A_4 : vector<16384x128xf32>
    %get3A_5 = arith.constant 0 : index
    %get3A_6 = arith.constant 0 : index
    %get3A_7 = vector.load %arg2[%get3A_5, %get3A_6] : memref<128x7xf32, #tpu.memory_space<vmem>>, vector<128x7xf32>
    %dot_general3A = arith.constant dense<0.000000e+00> : vector<16384x7xf32>
    %dot_general3A_8 = tpu.matmul %mul3A, %get3A_7, %dot_general3A {dimension_numbers = #tpu.dot_dimension_numbers<[1], [0], [0], [1], [0, 0, 1, 1], [], []>, transpose_lhs_hint = false} : vector<16384x128xf32>, vector<128x7xf32>, vector<16384x7xf32> -> vector<16384x7xf32>
    %get3A_9 = arith.constant 0 : index
    %get3A_10 = arith.constant 0 : index
    %get3A_11 = vector.load %arg3[%get3A_9, %get3A_10] : memref<1x7xf32, #tpu.memory_space<vmem>>, vector<1x7xf32>
    %add3A = vector.broadcast %get3A_11 : vector<1x7xf32> to vector<16384x7xf32>
    %add3A_12 = arith.addf %dot_general3A_8, %add3A : vector<16384x7xf32>
    %swap3A = arith.constant 0 : index
    %swap3A_13 = arith.constant 0 : index
    %swap3A_14 = vector.load %arg4[%swap3A, %swap3A_13] : memref<16384x7xf32, #tpu.memory_space<vmem>>, vector<16384x7xf32>
    tpu.vector_store %arg4[%swap3A, %swap3A_13], %add3A_12 {strides = array<i32>} : memref<16384x7xf32, #tpu.memory_space<vmem>>, vector<16384x7xf32>,
    return
  }
}

</mosaic_0001>

<sc_bundles>
// kernel: kernel.11.cloned.1.call-start
scs
__scs_entry_jumppad:
0x0: {  	(pc) =	sbr.rel $0x88, $3  }
0x1: {  	(tag) =	ssettag $0x0;
	lr =	simm.s32 $0x1  }
0x2: {  	[smem:$0x3F8B] =	sst lr;
	_ =	strace $0xD0000000  }
0x3: {  	_ = 	snop  }
0x4: {  	_ = 	snop  }
0x5: {  	_ = 	snop  }
0x6: {  	_ = 	snop  }
0x7: {  	_ = 	snop  }
__scs_overlays_trampoline_lowered:
0x8: {  	[smem:$0x3F9A] =	sst s0  }
0x9: {  	[smem:$0x3F9B] =	sst s1  }
0xa: {  	[smem:$0x3F9C] =	sst s2  }
0xb: {  	[smem:$0x3F9D] =	sst s3  }
0xc: {  	[smem:$0x3F9E] =	sst s4  }
0xd: {  	[smem:$0x3F9F] =	sst s5  }
0xe: {  	[smem:$0x3FA0] =	sst s6  }
0xf: {  	[smem:$0x3FA1] =	sst s7  }
0x10: {  	[smem:$0x3FA2] =	sst s8  }
0x11: {  	[smem:$0x3FA3] =	sst s9;
	s0 =	simm.s32 @!p0 $0x0  }
0x12: {  	s1 =	sld [smem:$0x3F89];
	s0 =	simm.s32 @p0 $0x1  }
0x13: {  	[smem:$0x3FA4] =	sst s0;
	s0 =	simm.s32 @!p1 $0x0  }
0x14: {  	s2 =	sld [smem:$0x3F88];
	s0 =	simm.s32 @p1 $0x1  }
0x15: {  	[smem:$0x3FA5] =	sst s0;
	s0 =	simm.s32 @!p2 $0x0  }
0x16: {  	s3 =	sld [smem:$0x3FDB];
	s0 =	simm.s32 @p2 $0x1  }
0x17: {  	s4 =	simm.s32 $0x1BF5;
	[smem:$0x3FA7] =	sst s0  }
0x18: {  	s0 =	sld [smem:$0x3F8A];
	_ =	swait.ge [sflag:s4], $0x0  }
0x19: {  	s7 =	sld [smem:$0x3F8B]  }
0x1a: {  	s8 =	sadd.s32 $0xFFFFE003, lr  }
0x1b: {  	s9 =	sadd.s32 $0xFFFFFEF7, lr;
	s5 =	simm.s32 $0xFFFFFFFF;
	p2 =	slt.u32 s8, $0xFFFFF086  }
0x1c: {  	p1 =	slt.u32 s9, $0xF7A;
	s5 =	simm.s32 @!p2 $0x0  }
0x1d: {  	s5 =	simm.s32 @p1 $0x1;
	p0 =	seq.s32 s7, s2  }
0x1e: {  	s7 =	smul.u32 @!p0 $0xF7A, s2;
	p2 =	seq.s32 @!p0 s5, $0x0  }
0x1f: {  	s9 =	smul.u32 $0xF7A, s1;
	s8 =	simm.s32 @!p0 $0x1BF5;
	p2 =	por !p2, p0  }
0x20: {  	[sflag:s8] =	ssyncset.s32 @!p0 $0xFFFFF086;
	s6 =	sadd.s32 @!p0 s3, s7;
	s7 =	simm.s32 @!p0 $0x108  }
0x21: {  	s3 =	sadd.s32 s3, s9;
	s6 =	sadd.s32 @!p0 $0x88, s6;
	s7 =	simm.s32 @p2 $0x1082  }
0x22: {  	[simem:s7], [sflag:s8] =	dma.local @!p0 [hbm:s6], $0xF7A  }
0x23: {  	s9 =	sor.u32 $0xD0000000, s2;
	s6 =	simm.s32 $0x108;
	_ =	swait.ge @!p0 [sflag:s8], $0x0  }
0x24: {  	s3 =	sadd.s32 $0x88, s3;
	s6 =	simm.s32 @!p1 $0x1082;
	[sflag:s4] =	ssyncset.s32 $0xFFFFF086  }
0x25: {  	[simem:s6], [sflag:s4] =	dma.local [hbm:s3], $0xF7A  }
0x26: {  	[smem:$0x3F8B] =	sst s1;
	(tag) =	ssettag s2;
	_ =	strace s9  }
0x27: {  	s1 =	sld [smem:$0x3F9B]  }
0x28: {  	s2 =	sld [smem:$0x3F9C]  }
0x29: {  	s4 =	sld [smem:$0x3F9E]  }
0x2a: {  	p0 =	seq.s32 s5, $0x0;
	s5 =	sld [smem:$0x3F9F]  }
0x2b: {  	s6 =	sld [smem:$0x3FA0]  }
0x2c: {  	s7 =	sld [smem:$0x3FA1]  }
0x2d: {  	s3 =	simm.s32 $0x108;
	s8 =	sld [smem:$0x3FA2]  }
0x2e: {  	s3 =	simm.s32 @!p0 $0x1082;
	s9 =	sld [smem:$0x3FA3]  }
0x2f: {  	lr =	sadd.s32 s0, s3;
	s0 =	sld [smem:$0x3F9A]  }
0x30: {  	s3 =	sld [smem:$0x3F9D]  }
0x31: {  	[smem:$0x3FA6] =	sst s10  }
0x32: {  	s10 =	sld [smem:$0x3FA4];
	_ =	sdelay $0x3  }
0x33: {  	p0 =	seq.s32 s10, $0x1;
	s10 =	sld [smem:$0x3FA6];
	_ =	sdelay $0x3  }
0x34: {  	[smem:$0x3FA6] =	sst s10  }
0x35: {  	s10 =	sld [smem:$0x3FA5];
	_ =	sdelay $0x3  }
0x36: {  	p1 =	seq.s32 s10, $0x1;
	s10 =	sld [smem:$0x3FA6];
	_ =	sdelay $0x3  }
0x37: {  	[smem:$0x3FA6] =	sst s10  }
0x38: {  	s10 =	sld [smem:$0x3FA7]  }
0x39: {  	_ = 	snop;
	(pc) =	sbr.ind lr, $3  }
0x3a: {  	_ = 	snop  }
0x3b: {  	_ = 	snop  }
0x3c: {  	p2 =	seq.s32 s10, $0x1;
	s10 =	sld [smem:$0x3FA6]  }
0x3d: {  	_ =	shalt  }
0x3e: {  	_ =	shalt  }
0x3f: {  	_ =	shalt  }
0x40: {  	_ =	shalt  }
0x41: {  	_ =	shalt  }
0x42: {  	_ =	shalt  }
0x43: {  	_ =	shalt  }
0x44: {  	_ =	shalt  }
0x45: {  	_ =	shalt  }
0x46: {  	_ =	shalt  }
0x47: {  	_ =	shalt  }
0x48: {  	_ =	shalt  }
0x49: {  	_ =	shalt  }
0x4a: {  	_ =	shalt  }
0x4b: {  	_ =	shalt  }
0x4c: {  	_ =	shalt  }
0x4d: {  	_ =	shalt  }
0x4e: {  	_ =	shalt  }
0x4f: {  	_ =	shalt  }
0x50: {  	_ =	shalt  }
0x51: {  	_ =	shalt  }
0x52: {  	_ =	shalt  }
0x53: {  	_ =	shalt  }
0x54: {  	_ =	shalt  }
0x55: {  	_ =	shalt  }
0x56: {  	_ =	shalt  }
0x57: {  	_ =	shalt  }
0x58: {  	_ =	shalt  }
0x59: {  	_ =	shalt  }
0x5a: {  	_ =	shalt  }
0x5b: {  	_ =	shalt  }
0x5c: {  	_ =	shalt  }
0x5d: {  	_ =	shalt  }
0x5e: {  	_ =	shalt  }
0x5f: {  	_ =	shalt  }
0x60: {  	_ =	shalt  }
0x61: {  	_ =	shalt  }
0x62: {  	_ =	shalt  }
0x63: {  	_ =	shalt  }
0x64: {  	_ =	shalt  }
0x65: {  	_ =	shalt  }
0x66: {  	_ =	shalt  }
0x67: {  	_ =	shalt  }
0x68: {  	_ =	shalt  }
0x69: {  	_ =	shalt  }
0x6a: {  	_ =	shalt  }
0x6b: {  	_ =	shalt  }
0x6c: {  	_ =	shalt  }
0x6d: {  	_ =	shalt  }
0x6e: {  	_ =	shalt  }
0x6f: {  	_ =	shalt  }
0x70: {  	_ =	shalt  }
0x71: {  	_ =	shalt  }
0x72: {  	_ =	shalt  }
0x73: {  	_ =	shalt  }
0x74: {  	_ =	shalt  }
0x75: {  	_ =	shalt  }
0x76: {  	_ =	shalt  }
0x77: {  	_ =	shalt  }
0x78: {  	_ =	shalt  }
0x79: {  	_ =	shalt  }
0x7a: {  	_ =	shalt  }
0x7b: {  	_ =	shalt  }
0x7c: {  	_ =	shalt  }
0x7d: {  	_ =	shalt  }
0x7e: {  	_ =	shalt  }
0x7f: {  	_ =	shalt  }
0x80: {  	_ =	shalt  }
0x81: {  	_ =	shalt  }
0x82: {  	_ =	shalt  }
0x83: {  	_ =	shalt  }
0x84: {  	_ =	shalt  }
0x85: {  	_ =	shalt  }
0x86: {  	_ =	shalt  }
0x87: {  	_ =	shalt  }
.Lfunc_end0:
.L_simem_size_0:
called_computation.1_lowered:
.L_overlay_start_0:
0x88: {  	s2 =	sld [smem:$0x3FD9]  }
0x89: {  	s3 =	sld [smem:$0x3FFE];
	_ =	sdelay $0x1  }
0x8a: {  	s1 =	srdreg.scid  }
0x8b: {  	s0 =	sand.u32 $0x1, s1  }
0x8c: {  	s16 =	sshll.u32 s0, $0xA;
	s2 =	sadd.s32 s3, s2  }
0x8d: {  	s2 =	sadd.s32 s2, s16  }
0x8e: {  	[smem:$0x3FB2] =	sst s2  }
0x8f: {  	_ = 	snop  }
0x90: {  	(tm) =	ssettm $0x1  }
0x91: {  	s17 =	sld [smem:$0x3FFB];
	_ =	sdelay $0x3  }
0x92: {  	_ =	strace s17  }
0x93: {  	s2 =	sld [smem:$0x3FFC];
	_ =	sdelay $0x3  }
0x94: {  	_ =	strace s2  }
0x95: {  	s2 =	sld [smem:$0x3FFD];
	_ =	sdelay $0x3  }
0x96: {  	_ =	strace s2  }
0x97: {  	_ =	strace $0x8FFFFFFF  }
0x98: {  	s18 =	sld [smem:$0x3FDB];
	_ =	sdelay $0x1  }
0x99: {  	s19 =	simm.s32 $_scs_section_size  }
0x9a: {  	s4 =	simm.s32 $_size__tile_overlayer_lowered;
	s5 =	simm.s32 $_tile_overlayer_lowered  }
0x9b: {  	s22 =	simm.s32 $0x1BFF;
	s21 =	sshll.u32 s5, $0x1;
	s2 =	sadd.s32 s19, s18  }
0x9c: {  	s6 =	simm.s32 $0x0;
	s20 =	sshll.u32 s4, $0x1;
	s4 =	sadd.s32 s21, s2  }
0x9d: {  	[timem:s6], [sflag:s22] =	dma.local [hbm:s4], s20  }
0x9e: {  	_ =	swait.ge [sflag:s22], s20  }
0x9f: {  	s3 =	ssub.s32 $0x0, s20;
	[sflag:s22] =	ssyncset.done $0x0  }
0xa0: {  	[sflag:s22] =	ssyncadd.s32 s3;
	_ =	sdelay $0x1  }
0xa1: {  	s23 =	simm.s32 $0x1B8B  }
0xa2: {  	_ =	swait.ge [sflag:s23], $0x1  }
0xa3: {  	[sflag:s23] =	ssyncset.done $0x0  }
0xa4: {  	s25 =	simm.s32 $0x1B8E;
	s24 =	sld [smem:$0x3FFE];
	[sflag:s23] =	ssyncadd.s32 $0xFFFFFFFF  }
0xa5: {  	s26 =	simm.s32 $execute0_lowered;
	[smem:$0x3FD2] =	sst s25  }
0xa6: {  	s4 =	sshll.u32 s26, $0x1;
	_ =	strace $0x80000049;
	[dreg:$0x1] =	wrdreg $0xFFFFFFFF  }
0xa7: {  	s28 =	simm.s32 $_size_execute0_lowered;
	s2 =	sadd.s32 s2, s4;
	[dreg:$0x0] =	wrdreg $0x0  }
0xa8: {  	s4 =	sshll.u32 s28, $0x1;
	[dreg:$0x2] =	wrdreg s2  }
0xa9: {  	[dreg:$0x3] =	wrdreg s4  }
0xaa: {  	[dreg:$0x4] =	wrdreg $0xC0  }
0xab: {  	_ =	task [dreg:s6], $0x5FFFF  }
0xac: {  	[dreg:$0x1] =	wrdreg $0xFFFFFFFF  }
0xad: {  	[dreg:$0x0] =	wrdreg $0x60  }
0xae: {  	[dreg:$0x2] =	wrdreg s24  }
0xaf: {  	[dreg:$0x3] =	wrdreg $0xA8000  }
0xb0: {  	[dreg:$0x4] =	wrdreg $0x9  }
0xb1: {  	_ =	task.clear_ibuf [dreg:s6], $0x5FFFF;
	_ =	strace $0x90000049  }
0xb2: {  	s29 =	simm.s32 $0x9;
	_ =	strace $0x8000004B  }
0xb3: {  	_ =	swait.ge [sflag:s29], $0x1  }
0xb4: {  	[sflag:s29] =	ssyncadd.s32 $0xFFFFFFFF  }
0xb5: {  	_ =	strace $0x9000004B  }
0xb6: {  	_ =	sfence  }
0xb7: {  	s30 =	sld [smem:$0x0];
	_ =	sdelay $0x2  }
0xb8: {  	s31 =	sshll.u32 s1, $0xD;
	s1 =	sshrl.u32 s1, $0x2  }
0xb9: {  	s3 =	sand.u32 $0x4000, s31;
	s1 =	sadd.s32 s1, s30  }
0xba: {  	s0 =	sor.u32 s3, s0;
	s1 =	sshll.u32 s1, $0x11  }
0xbb: {  	s0 =	sor.u32 s1, s0  }
0xbc: {  	s0 =	sadd.s32 $0x8F2B, s0  }
0xbd: {  	[sflag:s0] =	ssyncadd.remote.s32 $0x1  }
0xbe: {  	_ =	sfence.sel $0xFFFF  }
0xbf: {  	[dreg:$0x0] =	wrdreg $0xFFFFFFFF;
	(pc) =	sbr.abs _section_cstart, $3  }
0xc0: {  	[dreg:$0x1] =	wrdreg $0xFFFFFFFF  }
0xc1: {  	_ =	task.clear_ibuf [dreg:s6], $0x2FFFF;
	_ =	strace $0x9FFFFFFF  }
0xc2: {  	(tm) =	ssettm $0x7FFFFFFF  }
0xc3: {  	_ =	shalt  }
tec
execute0_lowered:
.L_overlay_start_1:
0x0: {  	(tag) =	ssettag $0x1  }
0x1: {  	s0 =	rddreg [dreg:$0x0]  }
0x2: {  	s1 =	rddreg [dreg:$0x1]  }
0x3: {  	s3 =	srdreg.scid;
	s2 =	simm.s32 $0x0;
	s12 =	stileid.u32  }
0x4: {  	s31 =	simm.s32 $0x180;
	s29 =	simm.s32 $0x200;
	s30 =	simm.s32 $0x300  }
0x5: {  	s28 =	simm.s32 $0x380;
	s6 =	sand.u32 $0x1, s3;
	[smem:$0x7FF] =	sst s2  }
0x6: {  	s4 =	sadd.s32 $0x3FE00, s0;
	s13 =	sadd.s32 $0xEE00, s0;
	s14 =	sadd.s32 $0x5000, s0  }
0x7: {  	s5 =	sadd.s32 $0x18C00, s0;
	s15 =	sadd.s32 $0x67000, s0;
	s16 =	sadd.s32 $0x8E200, s0  }
0x8: {  	s24 =	smul.u32 $0x2710, s12;
	p1 =	sne.s32 s12, $0x0;
	s3 =	sshll.u32 s6, $0x4  }
0x9: {  	p2 =	sne.s32 s12, $0xF;
	_ =	strace $0x8000004A;
	s3 =	sor.u32 s12, s3  }
0xa: {  	[dreg:$0x12] =	wrdreg s5;
	s21 =	ssub.s32 $0x2, s6;
	s3 =	smul.u32 $0x2710, s3  }
0xb: {  	p3 =	seq.s32 s12, $0xF;
	[dreg:$0x11] =	wrdreg s14;
	s22 =	sshrl.u32 s21, $0x1  }
0xc: {  	[dreg:$0x13] =	wrdreg s15;
	s0 =	ssub.s32 s21, s22;
	s7 =	sadd.s32 $0x28, s3  }
0xd: {  	[dreg:$0x14] =	wrdreg s16;
	s0 =	smax.u32 s0, $0x1;
	s23 =	sshrl.u32 s7, $0x3  }
0xe: {  	s25 =	sadd.s32 $0x78, s3;
	[smem:$0x7FB] =	sst s0;
	s9 =	sadd.s32 s13, s23  }
0xf: {  	s26 =	sshrl.u32 s25, $0x3;
	s5 =	sadd.s32 s14, s23;
	[dreg:$0x15] =	wrdreg s9  }
0x10: {  	s7 =	sshrl.u32 s3, $0x3;
	s18 =	sadd.s32 s13, s26;
	[dreg:$0x16] =	wrdreg s5  }
0x11: {  	s10 =	sadd.s32 $0xA, s7;
	s20 =	sadd.s32 s14, s26;
	[dreg:$0x19] =	wrdreg s18  }
0x12: {  	s8 =	smul.u32 $0x27100, s6;
	s11 =	sadd.s32 s13, s10;
	[dreg:$0x1a] =	wrdreg s20  }
0x13: {  	p0 =	seq.s32 s6, $0x1;
	s17 =	sadd.s32 s14, s10;
	[dreg:$0x17] =	wrdreg s11  }
0x14: {  	s5 =	sadd.s32 s24, s8;
	s9 =	sadd.s32 $0x14, s7;
	[dreg:$0x18] =	wrdreg s17  }
0x15: {  	s19 =	sadd.s32 $0x258, s5;
	s21 =	sadd.s32 s13, s9;
	s23 =	sadd.s32 $0x230, s5  }
0x16: {  	s9 =	sadd.s32 s14, s9;
	s8 =	sshrl.u32 s19, $0x3;
	[dreg:$0x1b] =	wrdreg s21  }
0x17: {  	s26 =	sadd.s32 $0x208, s5;
	[dreg:$0x1c] =	wrdreg s9;
	s22 =	sadd.s32 s8, s14  }
0x18: {  	s24 =	sshrl.u32 s23, $0x3;
	s8 =	sadd.s32 s8, s13;
	[dreg:$0x3] =	wrdreg s22  }
0x19: {  	s18 =	sadd.s32 $0x1E0, s5;
	s25 =	sadd.s32 s24, s14;
	[dreg:$0x4] =	wrdreg s8  }
0x1a: {  	s11 =	sshrl.u32 s26, $0x3;
	s10 =	sadd.s32 s24, s13;
	[dreg:$0x5] =	wrdreg s25  }
0x1b: {  	s20 =	sshrl.u32 s18, $0x3;
	s17 =	sadd.s32 s11, s14;
	[dreg:$0x6] =	wrdreg s10  }
0x1c: {  	s26 =	sadd.s32 $0x190, s5;
	s19 =	sadd.s32 s11, s13;
	[dreg:$0x7] =	wrdreg s17  }
0x1d: {  	s21 =	sadd.s32 s20, s14;
	s23 =	sadd.s32 s20, s13;
	[dreg:$0x8] =	wrdreg s19  }
0x1e: {  	s20 =	sadd.s32 $0x168, s5;
	s11 =	sadd.s32 s13, s7;
	[dreg:$0x9] =	wrdreg s21  }
0x1f: {  	s22 =	sadd.s32 $0x1B8, s5;
	[dreg:$0xa] =	wrdreg s23;
	s17 =	sshrl.u32 s26, $0x3  }
0x20: {  	s19 =	sadd.s32 $0xC8, s3;
	s8 =	sshrl.u32 s20, $0x3;
	[smem:$0x7F2] =	sst s11  }
0x21: {  	s20 =	smul.u32 $0x2700, s12;
	s24 =	sshrl.u32 s22, $0x3;
	s18 =	sadd.s32 s17, s14  }
0x22: {  	s9 =	sshrl.u32 s19, $0x3;
	s21 =	sadd.s32 s8, s14;
	s23 =	sadd.s32 s8, s13  }
0x23: {  	s19 =	smul.u32 $0x4E000, s12;
	s12 =	smov.u32 s13;
	[dreg:$0xd] =	wrdreg s18  }
0x24: {  	s25 =	sadd.s32 s24, s14;
	s10 =	sadd.s32 s24, s13;
	[dreg:$0xf] =	wrdreg s21  }
0x25: {  	s22 =	sadd.s32 s13, s9;
	s24 =	sadd.s32 $0x1E, s7;
	[dreg:$0x10] =	wrdreg s23  }
0x26: {  	s9 =	sadd.s32 s14, s9;
	s18 =	sadd.s32 $0x4D8, s7;
	[dreg:$0xb] =	wrdreg s25  }
0x27: {  	s23 =	sadd.s32 s15, s20;
	s15 =	simm.s32 $0x80;
	[dreg:$0xc] =	wrdreg s10  }
0x28: {  	s10 =	sadd.s32 s17, s13;
	[dreg:$0x1d] =	wrdreg s22;
	s25 =	sadd.s32 $0x118, s3  }
0x29: {  	[dreg:$0x1e] =	wrdreg s9;
	s26 =	sadd.s32 s13, s24;
	s8 =	sadd.s32 s14, s24  }
0x2a: {  	s17 =	sadd.s32 s14, s7;
	s3 =	sadd.s32 $0x26E8, s3;
	[smem:$0x7F9] =	sst s23  }
0x2b: {  	s7 =	sadd.s32 s13, s18;
	s22 =	sshrl.u32 s19, $0x2;
	[dreg:$0xe] =	wrdreg s10  }
0x2c: {  	s24 =	sadd.s32 s16, s20;
	s16 =	simm.s32 $0x480;
	[dreg:$0x1f] =	wrdreg s26  }
0x2d: {  	s20 =	simm.s32 $0x100;
	s19 =	simm.s32 $0x700;
	[smem:$0x7EF] =	sst s8  }
0x2e: {  	s23 =	simm.s32 $0x28;
	s9 =	simm.s32 $0x7;
	[smem:$0x7F3] =	sst s17  }
0x2f: {  	s6 =	sshrl.u32 s25, $0x3;
	[smem:$0x7F4] =	sst s7;
	s3 =	sshrl.u32 s3, $0x3  }
0x30: {  	[smem:$0x7FA] =	sst s24;
	s25 =	sadd.s32 $0x140, s5;
	s26 =	sadd.s32 $0x138000, s1  }
0x31: {  	s17 =	simm.s32 $0x600;
	s24 =	simm.s32 $0x2;
	s5 =	simm.s32 $0x5  }
0x32: {  	s8 =	simm.s32 $0x6;
	s7 =	simm.s32 $0x8;
	s10 =	sadd.s32 s13, s6  }
0x33: {  	s6 =	sadd.s32 s14, s6;
	s21 =	sadd.s32 s13, s3;
	[smem:$0x7FC] =	sst s25  }
0x34: {  	s3 =	sadd.s32 s14, s3;
	s0 =	sshrl.u32 s26, $0x3;
	[smem:$0x7F0] =	sst s10  }
0x35: {  	s13 =	simm.s32 $0x400;
	s25 =	simm.s32 $0x3;
	[smem:$0x7F1] =	sst s6  }
.Ltmp0:
0x36: {  	s26 =	simm.s32 $0x4;
	[smem:$0x7F6] =	sst s21;
	(pc) =	sbr.rel .LBB2_1-.Ltmp0, $4  }
0x37: {  	s6 =	sadd.s32 s14, s18;
	[smem:$0x7F7] =	sst s3;
	s3 =	sadd.s32 s22, s1  }
0x38: {  	[smem:$0x7FD] =	sst s0;
	s0 =	simm.s32 $0x500;
	s10 =	simm.s32 $0x580  }
0x39: {  	s14 =	simm.s32 $0x280;
	s18 =	simm.s32 $0x680;
	[smem:$0x7F5] =	sst s6  }
0x3a: {  	s22 =	simm.s32 $0x1;
	s21 =	simm.s32 $0x0;
	[smem:$0x7F8] =	sst s3  }
.LBB2_6:
0x3b: {  	s11 =	sld [smem:$0x7FD];
	_ =	sdelay $0x1  }
0x3c: {  	s6 =	sadd.s32 $0x27000, s6;
	s20 =	simm.s32 $0x19  }
0x3d: {  	[hbm:s6], [sflag:s3] =	dma.local [spmem:s11], $0x100  }
0x3e: {  	_ =	swait.ge [sflag:s20], $0x100  }
0x3f: {  	[sflag:s20] =	ssyncset.done $0x0  }
0x40: {  	[sflag:s20] =	ssyncadd.s32 $0xFFFFFF00  }
.LBB2_7:
0x41: {  	s3 =	sld [smem:$0x7FB];
	_ =	sdelay $0x1  }
0x42: {  	s21 =	sadd.s32 $0x1, s21  }
0x43: {  	p4 =	sne.s32 s21, s3  }
.Ltmp1:
0x44: {  	_ = 	snop;
	(pc) =	sbr.rel @!p4 .LBB2_8-.Ltmp1, $2  }
0x45: {  	_ =	sdelay $0x2  }
0x46: {  	s13 =	simm.s32 $0x400;
	s20 =	simm.s32 $0x100  }
.LBB2_1:
0x47: {  	[smem:$0x7EE] =	sst s21  }
0x48: {  	s3 =	sshrl.u32 @!p1 s1, $0x3;
	s6 =	simm.s32 @!p1 $0x1C19;
	s11 =	rddreg [dreg:$0x12]  }
0x49: {  	[spmem:s3], [sflag:s6] =	dma.local @!p1 [hbm:s11], $0x27100  }
0x4a: {  	s3 =	simm.s32 @!p1 $0x19  }
0x4b: {  	_ =	swait.ge @!p1 [sflag:s3], $0x27100  }
0x4c: {  	[sflag:s3] =	ssyncset.done @!p1 $0x0  }
0x4d: {  	[sflag:s3] =	ssyncadd.s32 @!p1 $0xFFFD8F00  }
0x4e: {  	[bflag:$0x0] =	sbarrier.arrive $0xFFFF  }
0x4f: {  	s21 =	sld [smem:$0x7F2];
	_ =	sdelay $0x1  }
0x50: {  	s6 =	sld [smem:$0x7F3]  }
0x51: {  	[tilespmem:s2], [sflag:$0x1] =	stream.linear.gather [hbm4b:s21+s2], $0x28, $0x38;
	[tilespmem:$0x1E080] =	vst v63  }
0x52: {  	s11 =	rddreg [dreg:$0x15]  }
0x53: {  	[tilespmem:s13], [sflag:$0x1] =	stream.linear.gather [hbm4b:s6+s2], $0x28, $0x38;
	[tilespmem:$0x1E080] =	vst v63  }
0x54: {  	s21 =	rddreg [dreg:$0x16]  }
0x55: {  	[tilespmem:s15], [sflag:$0x2] =	stream.linear.gather [hbm4b:s11+s2], $0x28, $0x38;
	[tilespmem:$0x1E080] =	vst v63  }
0x56: {  	s6 =	rddreg [dreg:$0x17]  }
0x57: {  	[tilespmem:s16], [sflag:$0x2] =	stream.linear.gather [hbm4b:s21+s2], $0x28, $0x38;
	[tilespmem:$0x1E080] =	vst v63  }
0x58: {  	s11 =	rddreg [dreg:$0x18]  }
0x59: {  	[tilespmem:s20], [sflag:$0x3] =	stream.linear.gather [hbm4b:s6+s2], $0x28, $0x38;
	[tilespmem:$0x1E080] =	vst v63  }
0x5a: {  	s21 =	rddreg [dreg:$0x19]  }
0x5b: {  	[tilespmem:s0], [sflag:$0x3] =	stream.linear.gather [hbm4b:s11+s2], $0x28, $0x38;
	[tilespmem:$0x1E080] =	vst v63  }
0x5c: {  	s6 =	rddreg [dreg:$0x1a]  }
0x5d: {  	[tilespmem:s31], [sflag:$0x4] =	stream.linear.gather [hbm4b:s21+s2], $0x28, $0x38;
	[tilespmem:$0x1E080] =	vst v63  }
0x5e: {  	s11 =	rddreg [dreg:$0x1b]  }
0x5f: {  	[tilespmem:s10], [sflag:$0x4] =	stream.linear.gather [hbm4b:s6+s2], $0x28, $0x38;
	[tilespmem:$0x1E080] =	vst v63  }
0x60: {  	s21 =	rddreg [dreg:$0x1c]  }
0x61: {  	[tilespmem:s29], [sflag:$0x5] =	stream.linear.gather [hbm4b:s11+s2], $0x28, $0x38;
	[tilespmem:$0x1E080] =	vst v63  }
0x62: {  	s6 =	rddreg [dreg:$0x1d]  }
0x63: {  	[tilespmem:s17], [sflag:$0x5] =	stream.linear.gather [hbm4b:s21+s2], $0x28, $0x38;
	[tilespmem:$0x1E080] =	vst v63  }
0x64: {  	s11 =	rddreg [dreg:$0x1e]  }
0x65: {  	[tilespmem:s14], [sflag:$0x6] =	stream.linear.gather [hbm4b:s6+s2], $0x28, $0x38;
	[tilespmem:$0x1E080] =	vst v63  }
0x66: {  	s17 =	rddreg [dreg:$0x1f]  }
0x67: {  	[tilespmem:s18], [sflag:$0x6] =	stream.linear.gather [hbm4b:s11+s2], $0x28, $0x38;
	[tilespmem:$0x1E080] =	vst v63  }
0x68: {  	s18 =	sld [smem:$0x7EF]  }
0x69: {  	[tilespmem:s30], [sflag:$0x7] =	stream.linear.gather [hbm4b:s17+s2], $0x28, $0x38;
	[tilespmem:$0x1E080] =	vst v63  }
0x6a: {  	s21 =	sld [smem:$0x7F0]  }
0x6b: {  	[tilespmem:s19], [sflag:$0x7] =	stream.linear.gather [hbm4b:s18+s2], $0x28, $0x38;
	[tilespmem:$0x1E080] =	vst v63  }
0x6c: {  	s6 =	sld [smem:$0x7F1]  }
0x6d: {  	[tilespmem:s28], [sflag:$0x8] =	stream.linear.gather [hbm4b:s21+s2], $0x28, $0x38;
	[tilespmem:$0x1E080] =	vst v63  }
0x6e: {  	s11 =	simm.s32 $0x780  }
0x6f: {  	[tilespmem:s11], [sflag:$0x8] =	stream.linear.gather [hbm4b:s6+s2], $0x28, $0x38;
	[tilespmem:$0x1E080] =	vst v63  }
0x70: {  	_ =	swait.ge [sflag:s22], $0x28  }
0x71: {  	[sflag:s22] =	ssyncset.done $0x0  }
0x72: {  	[sflag:s22] =	ssyncadd.s32 $0xFFFFFFD8  }
0x73: {  	_ =	swait.ge [sflag:s22], $0x28  }
0x74: {  	[sflag:s22] =	ssyncset.done $0x0  }
0x75: {  	s17 =	simm.s32 $0x800;
	[sflag:s22] =	ssyncadd.s32 $0xFFFFFFD8  }
0x76: {  	[tilespmem:s17], [sflag:$0x9] =	stream.indirect.gather [hbm4b:s4+s23], $0x80, s2, s23, $0xb8;
	[tilespmem:$0x1E080] =	vst v63  }
0x77: {  	_ =	swait.ge [sflag:s24], $0x28  }
0x78: {  	[sflag:s24] =	ssyncset.done $0x0  }
0x79: {  	[sflag:s24] =	ssyncadd.s32 $0xFFFFFFD8  }
0x7a: {  	_ =	swait.ge [sflag:s24], $0x28  }
0x7b: {  	[sflag:s24] =	ssyncset.done $0x0  }
0x7c: {  	s18 =	simm.s32 $0x1C00;
	[sflag:s24] =	ssyncadd.s32 $0xFFFFFFD8  }
0x7d: {  	[tilespmem:s18], [sflag:$0xA] =	stream.indirect.gather [hbm4b:s4+s23], $0x80, s15, s23, $0xb8;
	[tilespmem:$0x1E080] =	vst v63  }
0x7e: {  	_ =	swait.ge [sflag:s25], $0x28  }
0x7f: {  	[sflag:s25] =	ssyncset.done $0x0  }
0x80: {  	[sflag:s25] =	ssyncadd.s32 $0xFFFFFFD8  }
0x81: {  	_ =	swait.ge [sflag:s25], $0x28  }
0x82: {  	[sflag:s25] =	ssyncset.done $0x0  }
0x83: {  	s21 =	simm.s32 $0x3000;
	[sflag:s25] =	ssyncadd.s32 $0xFFFFFFD8  }
0x84: {  	[tilespmem:s21], [sflag:$0xB] =	stream.indirect.gather [hbm4b:s4+s23], $0x80, s20, s23, $0xb8;
	[tilespmem:$0x1E080] =	vst v63  }
0x85: {  	_ =	swait.ge [sflag:s26], $0x28  }
0x86: {  	[sflag:s26] =	ssyncset.done $0x0  }
0x87: {  	[sflag:s26] =	ssyncadd.s32 $0xFFFFFFD8  }
0x88: {  	_ =	swait.ge [sflag:s26], $0x28  }
0x89: {  	[sflag:s26] =	ssyncset.done $0x0  }
0x8a: {  	s24 =	simm.s32 $0x4400;
	[sflag:s26] =	ssyncadd.s32 $0xFFFFFFD8  }
0x8b: {  	[tilespmem:s24], [sflag:$0xC] =	stream.indirect.gather [hbm4b:s4+s23], $0x80, s31, s23, $0xb8;
	[tilespmem:$0x1E080] =	vst v63  }
0x8c: {  	_ =	swait.ge [sflag:s5], $0x28  }
0x8d: {  	[sflag:s5] =	ssyncset.done $0x0  }
0x8e: {  	[sflag:s5] =	ssyncadd.s32 $0xFFFFFFD8  }
0x8f: {  	_ =	swait.ge [sflag:s5], $0x28  }
0x90: {  	[sflag:s5] =	ssyncset.done $0x0  }
0x91: {  	s26 =	simm.s32 $0x5800;
	[sflag:s5] =	ssyncadd.s32 $0xFFFFFFD8  }
0x92: {  	[tilespmem:s26], [sflag:$0xD] =	stream.indirect.gather [hbm4b:s4+s23], $0x80, s29, s23, $0xb8;
	[tilespmem:$0x1E080] =	vst v63  }
0x93: {  	_ =	swait.ge [sflag:s8], $0x28  }
0x94: {  	[sflag:s8] =	ssyncset.done $0x0  }
0x95: {  	[sflag:s8] =	ssyncadd.s32 $0xFFFFFFD8  }
0x96: {  	_ =	swait.ge [sflag:s8], $0x28  }
0x97: {  	[sflag:s8] =	ssyncset.done $0x0  }
0x98: {  	s31 =	simm.s32 $0x6C00;
	[sflag:s8] =	ssyncadd.s32 $0xFFFFFFD8  }
0x99: {  	[tilespmem:s31], [sflag:$0xE] =	stream.indirect.gather [hbm4b:s4+s23], $0x80, s14, s23, $0xb8;
	[tilespmem:$0x1E080] =	vst v63  }
0x9a: {  	_ =	swait.ge [sflag:s9], $0x28  }
0x9b: {  	[sflag:s9] =	ssyncset.done $0x0  }
0x9c: {  	[sflag:s9] =	ssyncadd.s32 $0xFFFFFFD8  }
0x9d: {  	_ =	swait.ge [sflag:s9], $0x28  }
0x9e: {  	[sflag:s9] =	ssyncset.done $0x0  }
0x9f: {  	s15 =	simm.s32 $0x8000;
	[sflag:s9] =	ssyncadd.s32 $0xFFFFFFD8  }
0xa0: {  	[tilespmem:s15], [sflag:$0xF] =	stream.indirect.gather [hbm4b:s4+s23], $0x80, s30, s23, $0xb8;
	[tilespmem:$0x1E080] =	vst v63  }
0xa1: {  	_ =	swait.ge [sflag:s7], $0x28  }
0xa2: {  	[sflag:s7] =	ssyncset.done $0x0  }
0xa3: {  	[sflag:s7] =	ssyncadd.s32 $0xFFFFFFD8  }
0xa4: {  	_ =	swait.ge [sflag:s7], $0x28  }
0xa5: {  	[sflag:s7] =	ssyncset.done $0x0  }
0xa6: {  	s3 =	simm.s32 $0x9400;
	s17 =	simm.s32 $0x9;
	[sflag:s7] =	ssyncadd.s32 $0xFFFFFFD8  }
0xa7: {  	[tilespmem:s3], [sflag:$0x10] =	stream.indirect.gather [hbm4b:s4+s23], $0x80, s28, s23, $0xb8;
	[tilespmem:$0x1E080] =	vst v63  }
0xa8: {  	_ =	swait.ge [sflag:s17], $0x1400  }
0xa9: {  	[sflag:s17] =	ssyncset.done $0x0  }
0xaa: {  	s6 =	simm.s32 $0x800;
	s21 =	simm.s32 $0xA;
	[sflag:s17] =	ssyncadd.s32 $0xFFFFEC00  }
0xab: {  	[spmem:s1] =	stream.indirect.scatter.add.f32 [tilespmem:s6], [sflag:$0x11], $0x80, s13, s23, $0xb8;
	[tilespmem:$0x1E080] =	vst v63  }
0xac: {  	_ =	swait.ge [sflag:s21], $0x1400  }
0xad: {  	[sflag:s21] =	ssyncset.done $0x0  }
0xae: {  	s11 =	simm.s32 $0x1C00;
	s30 =	simm.s32 $0xB;
	[sflag:s21] =	ssyncadd.s32 $0xFFFFEC00  }
0xaf: {  	[spmem:s1] =	stream.indirect.scatter.add.f32 [tilespmem:s11], [sflag:$0x12], $0x80, s16, s23, $0xb8;
	[tilespmem:$0x1E080] =	vst v63  }
0xb0: {  	_ =	swait.ge [sflag:s30], $0x1400  }
0xb1: {  	[sflag:s30] =	ssyncset.done $0x0  }
0xb2: {  	s18 =	simm.s32 $0x3000;
	s21 =	simm.s32 $0xC;
	[sflag:s30] =	ssyncadd.s32 $0xFFFFEC00  }
0xb3: {  	[spmem:s1] =	stream.indirect.scatter.add.f32 [tilespmem:s18], [sflag:$0x13], $0x80, s0, s23, $0xb8;
	[tilespmem:$0x1E080] =	vst v63  }
0xb4: {  	_ =	swait.ge [sflag:s21], $0x1400  }
0xb5: {  	[sflag:s21] =	ssyncset.done $0x0  }
0xb6: {  	s24 =	simm.s32 $0x4400;
	s18 =	simm.s32 $0xD;
	[sflag:s21] =	ssyncadd.s32 $0xFFFFEC00  }
0xb7: {  	[spmem:s1] =	stream.indirect.scatter.add.f32 [tilespmem:s24], [sflag:$0x14], $0x80, s10, s23, $0xb8;
	[tilespmem:$0x1E080] =	vst v63  }
0xb8: {  	_ =	swait.ge [sflag:s18], $0x1400  }
0xb9: {  	[sflag:s18] =	ssyncset.done $0x0  }
0xba: {  	s26 =	simm.s32 $0x5800;
	s31 =	simm.s32 $0x600;
	[sflag:s18] =	ssyncadd.s32 $0xFFFFEC00  }
0xbb: {  	[spmem:s1] =	stream.indirect.scatter.add.f32 [tilespmem:s26], [sflag:$0x15], $0x80, s31, s23, $0xb8;
	[tilespmem:$0x1E080] =	vst v63  }
0xbc: {  	s31 =	simm.s32 $0xE  }
0xbd: {  	_ =	swait.ge [sflag:s31], $0x1400  }
0xbe: {  	s14 =	simm.s32 $0x6C00;
	[sflag:s31] =	ssyncset.done $0x0  }
0xbf: {  	s28 =	simm.s32 $0x680;
	[sflag:s31] =	ssyncadd.s32 $0xFFFFEC00;
	s31 =	simm.s32 $0xF  }
0xc0: {  	[spmem:s1] =	stream.indirect.scatter.add.f32 [tilespmem:s14], [sflag:$0x16], $0x80, s28, s23, $0xb8;
	[tilespmem:$0x1E080] =	vst v63  }
0xc1: {  	_ =	swait.ge [sflag:s31], $0x1400  }
0xc2: {  	[sflag:s31] =	ssyncset.done $0x0  }
0xc3: {  	s29 =	simm.s32 $0x8000;
	s17 =	simm.s32 $0x10;
	[sflag:s31] =	ssyncadd.s32 $0xFFFFEC00  }
0xc4: {  	[spmem:s1] =	stream.indirect.scatter.add.f32 [tilespmem:s29], [sflag:$0x17], $0x80, s19, s23, $0xb8;
	[tilespmem:$0x1E080] =	vst v63  }
0xc5: {  	_ =	swait.ge [sflag:s17], $0x1400  }
0xc6: {  	[sflag:s17] =	ssyncset.done $0x0  }
0xc7: {  	s6 =	simm.s32 $0x11;
	s28 =	simm.s32 $0x780;
	[sflag:s17] =	ssyncadd.s32 $0xFFFFEC00  }
0xc8: {  	[spmem:s1] =	stream.indirect.scatter.add.f32 [tilespmem:s3], [sflag:$0x18], $0x80, s28, s23, $0xb8;
	[tilespmem:$0x1E080] =	vst v63  }
0xc9: {  	_ =	swait.ge [sflag:s6], $0x1400  }
0xca: {  	s28 =	sld [smem:$0x7FC];
	_ =	sdelay $0x2  }
0xcb: {  	[sflag:s6] =	ssyncset.done $0x0;
	s3 =	sshrl.u32 s28, $0x3  }
0xcc: {  	[sflag:s6] =	ssyncadd.s32 $0xFFFFEC00;
	s6 =	sadd.s32 s12, s3  }
0xcd: {  	[tilespmem:s2], [sflag:$0x1] =	stream.linear.gather [hbm4b:s6+s2], $0x28, $0x38;
	[tilespmem:$0x1E080] =	vst v63  }
0xce: {  	s6 =	rddreg [dreg:$0x11]  }
0xcf: {  	s24 =	simm.s32 $0x12;
	s3 =	sadd.s32 s6, s3  }
0xd0: {  	[tilespmem:s13], [sflag:$0x1] =	stream.linear.gather [hbm4b:s3+s2], $0x28, $0x38;
	[tilespmem:$0x1E080] =	vst v63  }
0xd1: {  	_ =	swait.ge [sflag:s24], $0x1400  }
0xd2: {  	s14 =	simm.s32 $0x80;
	s3 =	rddreg [dreg:$0x10];
	[sflag:s24] =	ssyncset.done $0x0  }
0xd3: {  	s6 =	rddreg [dreg:$0xf];
	[sflag:s24] =	ssyncadd.s32 $0xFFFFEC00;
	s3 =	sadd.s32 $0x0, s3  }
0xd4: {  	[tilespmem:s14], [sflag:$0x2] =	stream.linear.gather [hbm4b:s3+s2], $0x28, $0x38;
	[tilespmem:$0x1E080] =	vst v63  }
0xd5: {  	s11 =	simm.s32 $0x480;
	s0 =	simm.s32 $0x13;
	s6 =	sadd.s32 $0x0, s6  }
0xd6: {  	[tilespmem:s11], [sflag:$0x2] =	stream.linear.gather [hbm4b:s6+s2], $0x28, $0x38;
	[tilespmem:$0x1E080] =	vst v63  }
0xd7: {  	_ =	swait.ge [sflag:s0], $0x1400  }
0xd8: {  	s6 =	rddreg [dreg:$0xe];
	[sflag:s0] =	ssyncset.done $0x0  }
0xd9: {  	s11 =	rddreg [dreg:$0xd];
	[sflag:s0] =	ssyncadd.s32 $0xFFFFEC00;
	s3 =	sadd.s32 $0x0, s6  }
0xda: {  	[tilespmem:s20], [sflag:$0x3] =	stream.linear.gather [hbm4b:s3+s2], $0x28, $0x38;
	[tilespmem:$0x1E080] =	vst v63  }
0xdb: {  	s15 =	simm.s32 $0x500;
	s16 =	simm.s32 $0x14;
	s6 =	sadd.s32 $0x0, s11  }
0xdc: {  	[tilespmem:s15], [sflag:$0x3] =	stream.linear.gather [hbm4b:s6+s2], $0x28, $0x38;
	[tilespmem:$0x1E080] =	vst v63  }
0xdd: {  	_ =	swait.ge [sflag:s16], $0x1400  }
0xde: {  	s11 =	rddreg [dreg:$0xc]  }
0xdf: {  	[sflag:s16] =	ssyncset.done $0x0;
	s15 =	rddreg [dreg:$0xb]  }
0xe0: {  	[sflag:s16] =	ssyncadd.s32 $0xFFFFEC00;
	s3 =	sadd.s32 $0x0, s11;
	s16 =	simm.s32 $0x180  }
0xe1: {  	[tilespmem:s16], [sflag:$0x4] =	stream.linear.gather [hbm4b:s3+s2], $0x28, $0x38;
	[tilespmem:$0x1E080] =	vst v63  }
0xe2: {  	s19 =	simm.s32 $0x15;
	s6 =	sadd.s32 $0x0, s15;
	s11 =	simm.s32 $0x580  }
0xe3: {  	[tilespmem:s11], [sflag:$0x4] =	stream.linear.gather [hbm4b:s6+s2], $0x28, $0x38;
	[tilespmem:$0x1E080] =	vst v63  }
0xe4: {  	_ =	swait.ge [sflag:s19], $0x1400  }
0xe5: {  	s15 =	rddreg [dreg:$0xa]  }
0xe6: {  	[sflag:s19] =	ssyncset.done $0x0;
	s16 =	rddreg [dreg:$0x9]  }
0xe7: {  	[sflag:s19] =	ssyncadd.s32 $0xFFFFEC00;
	s3 =	sadd.s32 $0x0, s15;
	s19 =	simm.s32 $0x200  }
0xe8: {  	[tilespmem:s19], [sflag:$0x5] =	stream.linear.gather [hbm4b:s3+s2], $0x28, $0x38;
	[tilespmem:$0x1E080] =	vst v63  }
0xe9: {  	s10 =	simm.s32 $0x16;
	s11 =	sadd.s32 $0x0, s16;
	s15 =	simm.s32 $0x600  }
0xea: {  	[tilespmem:s15], [sflag:$0x5] =	stream.linear.gather [hbm4b:s11+s2], $0x28, $0x38;
	[tilespmem:$0x1E080] =	vst v63  }
0xeb: {  	_ =	swait.ge [sflag:s10], $0x1400  }
0xec: {  	s11 =	simm.s32 $0x280;
	s16 =	rddreg [dreg:$0x8];
	[sflag:s10] =	ssyncset.done $0x0  }
0xed: {  	s19 =	rddreg [dreg:$0x7];
	[sflag:s10] =	ssyncadd.s32 $0xFFFFEC00;
	s3 =	sadd.s32 $0x0, s16  }
0xee: {  	[tilespmem:s11], [sflag:$0x6] =	stream.linear.gather [hbm4b:s3+s2], $0x28, $0x38;
	[tilespmem:$0x1E080] =	vst v63  }
0xef: {  	s26 =	simm.s32 $0x17;
	s15 =	sadd.s32 $0x0, s19;
	s19 =	simm.s32 $0x680  }
0xf0: {  	[tilespmem:s19], [sflag:$0x6] =	stream.linear.gather [hbm4b:s15+s2], $0x28, $0x38;
	[tilespmem:$0x1E080] =	vst v63  }
0xf1: {  	_ =	swait.ge [sflag:s26], $0x1400  }
0xf2: {  	s10 =	simm.s32 $0x300;
	s16 =	rddreg [dreg:$0x6];
	[sflag:s26] =	ssyncset.done $0x0  }
0xf3: {  	s0 =	rddreg [dreg:$0x5];
	[sflag:s26] =	ssyncadd.s32 $0xFFFFEC00;
	s3 =	sadd.s32 $0x0, s16  }
0xf4: {  	[tilespmem:s10], [sflag:$0x7] =	stream.linear.gather [hbm4b:s3+s2], $0x28, $0x38;
	[tilespmem:$0x1E080] =	vst v63  }
0xf5: {  	s29 =	simm.s32 $0x18;
	s15 =	simm.s32 $0x700;
	s11 =	sadd.s32 $0x0, s0  }
0xf6: {  	[tilespmem:s15], [sflag:$0x7] =	stream.linear.gather [hbm4b:s11+s2], $0x28, $0x38;
	[tilespmem:$0x1E080] =	vst v63  }
0xf7: {  	_ =	swait.ge [sflag:s29], $0x1400  }
0xf8: {  	s11 =	simm.s32 $0x380;
	s16 =	rddreg [dreg:$0x4];
	[sflag:s29] =	ssyncset.done $0x0  }
0xf9: {  	s0 =	rddreg [dreg:$0x3];
	[sflag:s29] =	ssyncadd.s32 $0xFFFFEC00;
	s3 =	sadd.s32 $0x0, s16  }
0xfa: {  	[tilespmem:s11], [sflag:$0x8] =	stream.linear.gather [hbm4b:s3+s2], $0x28, $0x38;
	[tilespmem:$0x1E080] =	vst v63  }
0xfb: {  	s15 =	simm.s32 $0x780;
	s6 =	sadd.s32 $0x0, s0  }
0xfc: {  	[tilespmem:s15], [sflag:$0x8] =	stream.linear.gather [hbm4b:s6+s2], $0x28, $0x38;
	[tilespmem:$0x1E080] =	vst v63  }
0xfd: {  	_ =	swait.ge [sflag:s22], $0x28  }
0xfe: {  	[sflag:s22] =	ssyncset.done $0x0  }
0xff: {  	[sflag:s22] =	ssyncadd.s32 $0xFFFFFFD8  }
0x100: {  	_ =	swait.ge [sflag:s22], $0x28  }
0x101: {  	[sflag:s22] =	ssyncset.done $0x0  }
0x102: {  	s24 =	simm.s32 $0x2;
	s0 =	simm.s32 $0x800;
	[sflag:s22] =	ssyncadd.s32 $0xFFFFFFD8  }
0x103: {  	[tilespmem:s0], [sflag:$0x9] =	stream.indirect.gather [hbm4b:s4+s23], $0x80, s2, s23, $0xb8;
	[tilespmem:$0x1E080] =	vst v63  }
0x104: {  	_ =	swait.ge [sflag:s24], $0x28  }
0x105: {  	[sflag:s24] =	ssyncset.done $0x0  }
0x106: {  	[sflag:s24] =	ssyncadd.s32 $0xFFFFFFD8  }
0x107: {  	_ =	swait.ge [sflag:s24], $0x28  }
0x108: {  	[sflag:s24] =	ssyncset.done $0x0  }
0x109: {  	s14 =	simm.s32 $0x80;
	s16 =	simm.s32 $0x1C00;
	[sflag:s24] =	ssyncadd.s32 $0xFFFFFFD8  }
0x10a: {  	[tilespmem:s16], [sflag:$0xA] =	stream.indirect.gather [hbm4b:s4+s23], $0x80, s14, s23, $0xb8;
	[tilespmem:$0x1E080] =	vst v63  }
0x10b: {  	_ =	swait.ge [sflag:s25], $0x28  }
0x10c: {  	[sflag:s25] =	ssyncset.done $0x0  }
0x10d: {  	[sflag:s25] =	ssyncadd.s32 $0xFFFFFFD8  }
0x10e: {  	_ =	swait.ge [sflag:s25], $0x28  }
0x10f: {  	[sflag:s25] =	ssyncset.done $0x0  }
0x110: {  	s26 =	simm.s32 $0x4;
	s3 =	simm.s32 $0x3000;
	[sflag:s25] =	ssyncadd.s32 $0xFFFFFFD8  }
0x111: {  	[tilespmem:s3], [sflag:$0xB] =	stream.indirect.gather [hbm4b:s4+s23], $0x80, s20, s23, $0xb8;
	[tilespmem:$0x1E080] =	vst v63  }
0x112: {  	_ =	swait.ge [sflag:s26], $0x28  }
0x113: {  	[sflag:s26] =	ssyncset.done $0x0  }
0x114: {  	[sflag:s26] =	ssyncadd.s32 $0xFFFFFFD8  }
0x115: {  	_ =	swait.ge [sflag:s26], $0x28  }
0x116: {  	[sflag:s26] =	ssyncset.done $0x0  }
0x117: {  	s22 =	simm.s32 $0x180;
	s16 =	simm.s32 $0x4400;
	[sflag:s26] =	ssyncadd.s32 $0xFFFFFFD8  }
0x118: {  	[tilespmem:s16], [sflag:$0xC] =	stream.indirect.gather [hbm4b:s4+s23], $0x80, s22, s23, $0xb8;
	[tilespmem:$0x1E080] =	vst v63  }
0x119: {  	_ =	swait.ge [sflag:s5], $0x28  }
0x11a: {  	[sflag:s5] =	ssyncset.done $0x0  }
0x11b: {  	[sflag:s5] =	ssyncadd.s32 $0xFFFFFFD8  }
0x11c: {  	_ =	swait.ge [sflag:s5], $0x28  }
0x11d: {  	[sflag:s5] =	ssyncset.done $0x0  }
0x11e: {  	s6 =	simm.s32 $0x5800;
	s25 =	simm.s32 $0x200;
	[sflag:s5] =	ssyncadd.s32 $0xFFFFFFD8  }
0x11f: {  	[tilespmem:s6], [sflag:$0xD] =	stream.indirect.gather [hbm4b:s4+s23], $0x80, s25, s23, $0xb8;
	[tilespmem:$0x1E080] =	vst v63  }
0x120: {  	_ =	swait.ge [sflag:s8], $0x28  }
0x121: {  	[sflag:s8] =	ssyncset.done $0x0  }
0x122: {  	[sflag:s8] =	ssyncadd.s32 $0xFFFFFFD8  }
0x123: {  	_ =	swait.ge [sflag:s8], $0x28  }
0x124: {  	[sflag:s8] =	ssyncset.done $0x0  }
0x125: {  	s29 =	simm.s32 $0x280;
	[sflag:s8] =	ssyncadd.s32 $0xFFFFFFD8;
	s8 =	simm.s32 $0x6C00  }
0x126: {  	[tilespmem:s8], [sflag:$0xE] =	stream.indirect.gather [hbm4b:s4+s23], $0x80, s29, s23, $0xb8;
	[tilespmem:$0x1E080] =	vst v63  }
0x127: {  	_ =	swait.ge [sflag:s9], $0x28  }
0x128: {  	[sflag:s9] =	ssyncset.done $0x0  }
0x129: {  	[sflag:s9] =	ssyncadd.s32 $0xFFFFFFD8  }
0x12a: {  	_ =	swait.ge [sflag:s9], $0x28  }
0x12b: {  	[sflag:s9] =	ssyncset.done $0x0  }
0x12c: {  	[sflag:s9] =	ssyncadd.s32 $0xFFFFFFD8;
	s9 =	simm.s32 $0x8000  }
0x12d: {  	[tilespmem:s9], [sflag:$0xF] =	stream.indirect.gather [hbm4b:s4+s23], $0x80, s10, s23, $0xb8;
	[tilespmem:$0x1E080] =	vst v63  }
0x12e: {  	_ =	swait.ge [sflag:s7], $0x28  }
0x12f: {  	[sflag:s7] =	ssyncset.done $0x0  }
0x130: {  	[sflag:s7] =	ssyncadd.s32 $0xFFFFFFD8  }
0x131: {  	_ =	swait.ge [sflag:s7], $0x28  }
0x132: {  	[sflag:s7] =	ssyncset.done $0x0  }
0x133: {  	s15 =	simm.s32 $0x9400;
	s10 =	simm.s32 $0x9;
	[sflag:s7] =	ssyncadd.s32 $0xFFFFFFD8  }
0x134: {  	[tilespmem:s15], [sflag:$0x10] =	stream.indirect.gather [hbm4b:s4+s23], $0x80, s11, s23, $0xb8;
	[tilespmem:$0x1E080] =	vst v63  }
0x135: {  	_ =	swait.ge [sflag:s10], $0x1400  }
0x136: {  	[sflag:s10] =	ssyncset.done $0x0  }
0x137: {  	[sflag:s10] =	ssyncadd.s32 $0xFFFFEC00  }
0x138: {  	[spmem:s1] =	stream.indirect.scatter.add.f32 [tilespmem:s0], [sflag:$0x11], $0x80, s13, s23, $0xb8;
	[tilespmem:$0x1E080] =	vst v63  }
0x139: {  	s13 =	simm.s32 $0xA  }
0x13a: {  	_ =	swait.ge [sflag:s13], $0x1400  }
0x13b: {  	[sflag:s13] =	ssyncset.done $0x0  }
0x13c: {  	s14 =	simm.s32 $0x480;
	s11 =	simm.s32 $0x1C00;
	[sflag:s13] =	ssyncadd.s32 $0xFFFFEC00  }
0x13d: {  	[spmem:s1] =	stream.indirect.scatter.add.f32 [tilespmem:s11], [sflag:$0x12], $0x80, s14, s23, $0xb8;
	[tilespmem:$0x1E080] =	vst v63  }
0x13e: {  	_ =	swait.ge [sflag:s30], $0x1400  }
0x13f: {  	[sflag:s30] =	ssyncset.done $0x0  }
0x140: {  	s20 =	simm.s32 $0x500;
	[sflag:s30] =	ssyncadd.s32 $0xFFFFEC00  }
0x141: {  	[spmem:s1] =	stream.indirect.scatter.add.f32 [tilespmem:s3], [sflag:$0x13], $0x80, s20, s23, $0xb8;
	[tilespmem:$0x1E080] =	vst v63  }
0x142: {  	_ =	swait.ge [sflag:s21], $0x1400  }
0x143: {  	[sflag:s21] =	ssyncset.done $0x0  }
0x144: {  	s22 =	simm.s32 $0x580;
	[sflag:s21] =	ssyncadd.s32 $0xFFFFEC00  }
0x145: {  	[spmem:s1] =	stream.indirect.scatter.add.f32 [tilespmem:s16], [sflag:$0x14], $0x80, s22, s23, $0xb8;
	[tilespmem:$0x1E080] =	vst v63  }
0x146: {  	_ =	swait.ge [sflag:s18], $0x1400  }
0x147: {  	[sflag:s18] =	ssyncset.done $0x0  }
0x148: {  	s25 =	simm.s32 $0x600;
	s29 =	simm.s32 $0xE;
	[sflag:s18] =	ssyncadd.s32 $0xFFFFEC00  }
0x149: {  	[spmem:s1] =	stream.indirect.scatter.add.f32 [tilespmem:s6], [sflag:$0x15], $0x80, s25, s23, $0xb8;
	[tilespmem:$0x1E080] =	vst v63  }
0x14a: {  	_ =	swait.ge [sflag:s29], $0x1400  }
0x14b: {  	[sflag:s29] =	ssyncset.done $0x0  }
0x14c: {  	[sflag:s29] =	ssyncadd.s32 $0xFFFFEC00  }
0x14d: {  	[spmem:s1] =	stream.indirect.scatter.add.f32 [tilespmem:s8], [sflag:$0x16], $0x80, s19, s23, $0xb8;
	[tilespmem:$0x1E080] =	vst v63  }
0x14e: {  	_ =	swait.ge [sflag:s31], $0x1400  }
0x14f: {  	[sflag:s31] =	ssyncset.done $0x0  }
0x150: {  	s5 =	simm.s32 $0x5;
	[sflag:s31] =	ssyncadd.s32 $0xFFFFEC00;
	s31 =	simm.s32 $0x700  }
0x151: {  	[spmem:s1] =	stream.indirect.scatter.add.f32 [tilespmem:s9], [sflag:$0x17], $0x80, s31, s23, $0xb8;
	[tilespmem:$0x1E080] =	vst v63  }
0x152: {  	s10 =	simm.s32 $0x780;
	s30 =	simm.s32 $0x3;
	_ =	swait.ge [sflag:s17], $0x1400  }
0x153: {  	s3 =	sadd.s32 $0x140, s28;
	s6 =	simm.s32 $0x28;
	[sflag:s17] =	ssyncset.done $0x0  }
0x154: {  	s25 =	simm.s32 $0x1;
	s8 =	simm.s32 $0x6;
	[sflag:s17] =	ssyncadd.s32 $0xFFFFEC00  }
.LBB2_2:
0x155: {  	[spmem:s1] =	stream.indirect.scatter.add.f32 [tilespmem:s15], [sflag:$0x18], $0x80, s10, s23, $0xb8;
	[tilespmem:$0x1E080] =	vst v63  }
0x156: {  	s13 =	simm.s32 $0x11  }
0x157: {  	_ =	swait.ge [sflag:s13], $0x1400  }
0x158: {  	s11 =	sshrl.u32 s3, $0x3;
	[sflag:s13] =	ssyncset.done $0x0  }
0x159: {  	s19 =	sadd.s32 s12, s11;
	s0 =	rddreg [dreg:$0x11];
	[sflag:s13] =	ssyncadd.s32 $0xFFFFEC00  }
0x15a: {  	[tilespmem:s2], [sflag:$0x1] =	stream.linear.gather [hbm4b:s19+s2], $0x28, $0x38;
	[tilespmem:$0x1E080] =	vst v63  }
0x15b: {  	s20 =	simm.s32 $0x400;
	s16 =	simm.s32 $0x12;
	s11 =	sadd.s32 s0, s11  }
0x15c: {  	[tilespmem:s20], [sflag:$0x1] =	stream.linear.gather [hbm4b:s11+s2], $0x28, $0x38;
	[tilespmem:$0x1E080] =	vst v63  }
0x15d: {  	s10 =	smov.u32 s6;
	_ =	swait.ge [sflag:s16], $0x1400  }
0x15e: {  	s18 =	simm.s32 $0x80;
	s21 =	rddreg [dreg:$0x10];
	[sflag:s16] =	ssyncset.done $0x0  }
0x15f: {  	s22 =	rddreg [dreg:$0xf];
	[sflag:s16] =	ssyncadd.s32 $0xFFFFEC00;
	s11 =	sadd.s32 s10, s21  }
0x160: {  	[tilespmem:s18], [sflag:$0x2] =	stream.linear.gather [hbm4b:s11+s2], $0x28, $0x38;
	[tilespmem:$0x1E080] =	vst v63  }
0x161: {  	s31 =	simm.s32 $0x480;
	s29 =	simm.s32 $0x13;
	s28 =	sadd.s32 s10, s22  }
0x162: {  	[tilespmem:s31], [sflag:$0x2] =	stream.linear.gather [hbm4b:s28+s2], $0x28, $0x38;
	[tilespmem:$0x1E080] =	vst v63  }
0x163: {  	_ =	swait.ge [sflag:s29], $0x1400  }
0x164: {  	s0 =	rddreg [dreg:$0xe]  }
0x165: {  	s13 =	smov.u32 s12;
	[sflag:s29] =	ssyncset.done $0x0;
	s7 =	rddreg [dreg:$0xd]  }
0x166: {  	[sflag:s29] =	ssyncadd.s32 $0xFFFFEC00;
	s11 =	sadd.s32 s10, s0;
	s0 =	simm.s32 $0x100  }
0x167: {  	[tilespmem:s0], [sflag:$0x3] =	stream.linear.gather [hbm4b:s11+s2], $0x28, $0x38;
	[tilespmem:$0x1E080] =	vst v63  }
0x168: {  	s12 =	simm.s32 $0x14;
	s9 =	sadd.s32 s10, s7;
	s29 =	simm.s32 $0x500  }
0x169: {  	[tilespmem:s29], [sflag:$0x3] =	stream.linear.gather [hbm4b:s9+s2], $0x28, $0x38;
	[tilespmem:$0x1E080] =	vst v63  }
0x16a: {  	_ =	swait.ge [sflag:s12], $0x1400  }
0x16b: {  	s7 =	simm.s32 $0x180;
	s14 =	rddreg [dreg:$0xc];
	[sflag:s12] =	ssyncset.done $0x0  }
0x16c: {  	s17 =	rddreg [dreg:$0xb];
	[sflag:s12] =	ssyncadd.s32 $0xFFFFEC00;
	s11 =	sadd.s32 s10, s14  }
0x16d: {  	[tilespmem:s7], [sflag:$0x4] =	stream.linear.gather [hbm4b:s11+s2], $0x28, $0x38;
	[tilespmem:$0x1E080] =	vst v63  }
0x16e: {  	s20 =	simm.s32 $0x15;
	s21 =	simm.s32 $0x580;
	s19 =	sadd.s32 s10, s17  }
0x16f: {  	[tilespmem:s21], [sflag:$0x4] =	stream.linear.gather [hbm4b:s19+s2], $0x28, $0x38;
	[tilespmem:$0x1E080] =	vst v63  }
0x170: {  	_ =	swait.ge [sflag:s20], $0x1400  }
0x171: {  	s22 =	rddreg [dreg:$0xa]  }
0x172: {  	[sflag:s20] =	ssyncset.done $0x0;
	s28 =	rddreg [dreg:$0x9]  }
0x173: {  	[sflag:s20] =	ssyncadd.s32 $0xFFFFEC00;
	s11 =	sadd.s32 s10, s22;
	s20 =	simm.s32 $0x200  }
0x174: {  	[tilespmem:s20], [sflag:$0x5] =	stream.linear.gather [hbm4b:s11+s2], $0x28, $0x38;
	[tilespmem:$0x1E080] =	vst v63  }
0x175: {  	s17 =	simm.s32 $0x600;
	s9 =	sadd.s32 s10, s28;
	s11 =	simm.s32 $0x16  }
0x176: {  	[tilespmem:s17], [sflag:$0x5] =	stream.linear.gather [hbm4b:s9+s2], $0x28, $0x38;
	[tilespmem:$0x1E080] =	vst v63  }
0x177: {  	_ =	swait.ge [sflag:s11], $0x1400  }
0x178: {  	s9 =	simm.s32 $0x280;
	s12 =	rddreg [dreg:$0x8];
	[sflag:s11] =	ssyncset.done $0x0  }
0x179: {  	s14 =	rddreg [dreg:$0x7];
	[sflag:s11] =	ssyncadd.s32 $0xFFFFEC00;
	s11 =	sadd.s32 s10, s12  }
0x17a: {  	[tilespmem:s9], [sflag:$0x6] =	stream.linear.gather [hbm4b:s11+s2], $0x28, $0x38;
	[tilespmem:$0x1E080] =	vst v63  }
0x17b: {  	s19 =	simm.s32 $0x17;
	s16 =	sadd.s32 s10, s14;
	s14 =	simm.s32 $0x680  }
0x17c: {  	[tilespmem:s14], [sflag:$0x6] =	stream.linear.gather [hbm4b:s16+s2], $0x28, $0x38;
	[tilespmem:$0x1E080] =	vst v63  }
0x17d: {  	_ =	swait.ge [sflag:s19], $0x1400  }
0x17e: {  	s22 =	rddreg [dreg:$0x6]  }
0x17f: {  	[sflag:s19] =	ssyncset.done $0x0;
	s28 =	rddreg [dreg:$0x5]  }
0x180: {  	[sflag:s19] =	ssyncadd.s32 $0xFFFFEC00;
	s11 =	sadd.s32 s10, s22;
	s22 =	simm.s32 $0x300  }
0x181: {  	[tilespmem:s22], [sflag:$0x7] =	stream.linear.gather [hbm4b:s11+s2], $0x28, $0x38;
	[tilespmem:$0x1E080] =	vst v63  }
0x182: {  	s19 =	sadd.s32 s10, s28;
	s28 =	simm.s32 $0x700;
	s11 =	simm.s32 $0x18  }
0x183: {  	[tilespmem:s28], [sflag:$0x7] =	stream.linear.gather [hbm4b:s19+s2], $0x28, $0x38;
	[tilespmem:$0x1E080] =	vst v63  }
0x184: {  	_ =	swait.ge [sflag:s11], $0x1400  }
0x185: {  	s16 =	simm.s32 $0x380;
	s12 =	rddreg [dreg:$0x4];
	[sflag:s11] =	ssyncset.done $0x0  }
0x186: {  	s19 =	rddreg [dreg:$0x3];
	[sflag:s11] =	ssyncadd.s32 $0xFFFFEC00;
	s11 =	sadd.s32 s10, s12  }
0x187: {  	[tilespmem:s16], [sflag:$0x8] =	stream.linear.gather [hbm4b:s11+s2], $0x28, $0x38;
	[tilespmem:$0x1E080] =	vst v63  }
0x188: {  	s15 =	simm.s32 $0x780;
	s10 =	sadd.s32 s10, s19  }
0x189: {  	[tilespmem:s15], [sflag:$0x8] =	stream.linear.gather [hbm4b:s10+s2], $0x28, $0x38;
	[tilespmem:$0x1E080] =	vst v63  }
0x18a: {  	_ =	swait.ge [sflag:s25], $0x28  }
0x18b: {  	[sflag:s25] =	ssyncset.done $0x0  }
0x18c: {  	[sflag:s25] =	ssyncadd.s32 $0xFFFFFFD8  }
0x18d: {  	_ =	swait.ge [sflag:s25], $0x28  }
0x18e: {  	[sflag:s25] =	ssyncset.done $0x0  }
0x18f: {  	s11 =	simm.s32 $0x800;
	[sflag:s25] =	ssyncadd.s32 $0xFFFFFFD8  }
0x190: {  	[tilespmem:s11], [sflag:$0x9] =	stream.indirect.gather [hbm4b:s4+s23], $0x80, s2, s23, $0xb8;
	[tilespmem:$0x1E080] =	vst v63  }
0x191: {  	_ =	swait.ge [sflag:s24], $0x28  }
0x192: {  	[sflag:s24] =	ssyncset.done $0x0  }
0x193: {  	[sflag:s24] =	ssyncadd.s32 $0xFFFFFFD8  }
0x194: {  	_ =	swait.ge [sflag:s24], $0x28  }
0x195: {  	[sflag:s24] =	ssyncset.done $0x0  }
0x196: {  	s12 =	smov.u32 s13;
	s13 =	simm.s32 $0x1C00;
	[sflag:s24] =	ssyncadd.s32 $0xFFFFFFD8  }
0x197: {  	[tilespmem:s13], [sflag:$0xA] =	stream.indirect.gather [hbm4b:s4+s23], $0x80, s18, s23, $0xb8;
	[tilespmem:$0x1E080] =	vst v63  }
0x198: {  	_ =	swait.ge [sflag:s30], $0x28  }
0x199: {  	[sflag:s30] =	ssyncset.done $0x0  }
0x19a: {  	[sflag:s30] =	ssyncadd.s32 $0xFFFFFFD8  }
0x19b: {  	_ =	swait.ge [sflag:s30], $0x28  }
0x19c: {  	[sflag:s30] =	ssyncset.done $0x0  }
0x19d: {  	s19 =	simm.s32 $0x3000;
	[sflag:s30] =	ssyncadd.s32 $0xFFFFFFD8  }
0x19e: {  	[tilespmem:s19], [sflag:$0xB] =	stream.indirect.gather [hbm4b:s4+s23], $0x80, s0, s23, $0xb8;
	[tilespmem:$0x1E080] =	vst v63  }
0x19f: {  	_ =	swait.ge [sflag:s26], $0x28  }
0x1a0: {  	[sflag:s26] =	ssyncset.done $0x0  }
0x1a1: {  	[sflag:s26] =	ssyncadd.s32 $0xFFFFFFD8  }
0x1a2: {  	_ =	swait.ge [sflag:s26], $0x28  }
0x1a3: {  	[sflag:s26] =	ssyncset.done $0x0  }
0x1a4: {  	[sflag:s26] =	ssyncadd.s32 $0xFFFFFFD8;
	s26 =	simm.s32 $0x4400  }
0x1a5: {  	[tilespmem:s26], [sflag:$0xC] =	stream.indirect.gather [hbm4b:s4+s23], $0x80, s7, s23, $0xb8;
	[tilespmem:$0x1E080] =	vst v63  }
0x1a6: {  	_ =	swait.ge [sflag:s5], $0x28  }
0x1a7: {  	[sflag:s5] =	ssyncset.done $0x0  }
0x1a8: {  	[sflag:s5] =	ssyncadd.s32 $0xFFFFFFD8  }
0x1a9: {  	_ =	swait.ge [sflag:s5], $0x28  }
0x1aa: {  	[sflag:s5] =	ssyncset.done $0x0  }
0x1ab: {  	s18 =	simm.s32 $0x5800;
	[sflag:s5] =	ssyncadd.s32 $0xFFFFFFD8  }
0x1ac: {  	[tilespmem:s18], [sflag:$0xD] =	stream.indirect.gather [hbm4b:s4+s23], $0x80, s20, s23, $0xb8;
	[tilespmem:$0x1E080] =	vst v63  }
0x1ad: {  	_ =	swait.ge [sflag:s8], $0x28  }
0x1ae: {  	[sflag:s8] =	ssyncset.done $0x0  }
0x1af: {  	[sflag:s8] =	ssyncadd.s32 $0xFFFFFFD8  }
0x1b0: {  	_ =	swait.ge [sflag:s8], $0x28  }
0x1b1: {  	[sflag:s8] =	ssyncset.done $0x0  }
0x1b2: {  	s20 =	simm.s32 $0x6C00;
	[sflag:s8] =	ssyncadd.s32 $0xFFFFFFD8  }
0x1b3: {  	[tilespmem:s20], [sflag:$0xE] =	stream.indirect.gather [hbm4b:s4+s23], $0x80, s9, s23, $0xb8;
	[tilespmem:$0x1E080] =	vst v63  }
0x1b4: {  	s9 =	simm.s32 $0x7  }
0x1b5: {  	_ =	swait.ge [sflag:s9], $0x28  }
0x1b6: {  	[sflag:s9] =	ssyncset.done $0x0  }
0x1b7: {  	[sflag:s9] =	ssyncadd.s32 $0xFFFFFFD8  }
0x1b8: {  	_ =	swait.ge [sflag:s9], $0x28  }
0x1b9: {  	[sflag:s9] =	ssyncset.done $0x0  }
0x1ba: {  	s24 =	simm.s32 $0x8000;
	s7 =	simm.s32 $0x8;
	[sflag:s9] =	ssyncadd.s32 $0xFFFFFFD8  }
0x1bb: {  	[tilespmem:s24], [sflag:$0xF] =	stream.indirect.gather [hbm4b:s4+s23], $0x80, s22, s23, $0xb8;
	[tilespmem:$0x1E080] =	vst v63  }
0x1bc: {  	_ =	swait.ge [sflag:s7], $0x28  }
0x1bd: {  	[sflag:s7] =	ssyncset.done $0x0  }
0x1be: {  	[sflag:s7] =	ssyncadd.s32 $0xFFFFFFD8  }
0x1bf: {  	_ =	swait.ge [sflag:s7], $0x28  }
0x1c0: {  	[sflag:s7] =	ssyncset.done $0x0  }
0x1c1: {  	s15 =	simm.s32 $0x9400;
	s0 =	simm.s32 $0x9;
	[sflag:s7] =	ssyncadd.s32 $0xFFFFFFD8  }
0x1c2: {  	[tilespmem:s15], [sflag:$0x10] =	stream.indirect.gather [hbm4b:s4+s23], $0x80, s16, s23, $0xb8;
	[tilespmem:$0x1E080] =	vst v63  }
0x1c3: {  	_ =	swait.ge [sflag:s0], $0x1400  }
0x1c4: {  	[sflag:s0] =	ssyncset.done $0x0  }
0x1c5: {  	s22 =	simm.s32 $0xA;
	s16 =	simm.s32 $0x400;
	[sflag:s0] =	ssyncadd.s32 $0xFFFFEC00  }
0x1c6: {  	[spmem:s1] =	stream.indirect.scatter.add.f32 [tilespmem:s11], [sflag:$0x11], $0x80, s16, s23, $0xb8;
	[tilespmem:$0x1E080] =	vst v63  }
0x1c7: {  	_ =	swait.ge [sflag:s22], $0x1400  }
0x1c8: {  	[sflag:s22] =	ssyncset.done $0x0  }
0x1c9: {  	s0 =	simm.s32 $0xB;
	[sflag:s22] =	ssyncadd.s32 $0xFFFFEC00  }
0x1ca: {  	[spmem:s1] =	stream.indirect.scatter.add.f32 [tilespmem:s13], [sflag:$0x12], $0x80, s31, s23, $0xb8;
	[tilespmem:$0x1E080] =	vst v63  }
0x1cb: {  	_ =	swait.ge [sflag:s0], $0x1400  }
0x1cc: {  	[sflag:s0] =	ssyncset.done $0x0  }
0x1cd: {  	[sflag:s0] =	ssyncadd.s32 $0xFFFFEC00  }
0x1ce: {  	[spmem:s1] =	stream.indirect.scatter.add.f32 [tilespmem:s19], [sflag:$0x13], $0x80, s29, s23, $0xb8;
	[tilespmem:$0x1E080] =	vst v63  }
0x1cf: {  	s19 =	simm.s32 $0xC  }
0x1d0: {  	_ =	swait.ge [sflag:s19], $0x1400  }
0x1d1: {  	[sflag:s19] =	ssyncset.done $0x0  }
0x1d2: {  	[sflag:s19] =	ssyncadd.s32 $0xFFFFEC00  }
0x1d3: {  	[spmem:s1] =	stream.indirect.scatter.add.f32 [tilespmem:s26], [sflag:$0x14], $0x80, s21, s23, $0xb8;
	[tilespmem:$0x1E080] =	vst v63  }
0x1d4: {  	s21 =	simm.s32 $0xD  }
0x1d5: {  	_ =	swait.ge [sflag:s21], $0x1400  }
0x1d6: {  	[sflag:s21] =	ssyncset.done $0x0  }
0x1d7: {  	s22 =	simm.s32 $0xE;
	[sflag:s21] =	ssyncadd.s32 $0xFFFFEC00  }
0x1d8: {  	[spmem:s1] =	stream.indirect.scatter.add.f32 [tilespmem:s18], [sflag:$0x15], $0x80, s17, s23, $0xb8;
	[tilespmem:$0x1E080] =	vst v63  }
0x1d9: {  	_ =	swait.ge [sflag:s22], $0x1400  }
0x1da: {  	[sflag:s22] =	ssyncset.done $0x0  }
0x1db: {  	s29 =	simm.s32 $0xF;
	[sflag:s22] =	ssyncadd.s32 $0xFFFFEC00  }
0x1dc: {  	[spmem:s1] =	stream.indirect.scatter.add.f32 [tilespmem:s20], [sflag:$0x16], $0x80, s14, s23, $0xb8;
	[tilespmem:$0x1E080] =	vst v63  }
0x1dd: {  	_ =	swait.ge [sflag:s29], $0x1400  }
0x1de: {  	p4 =	sne.s32 s6, $0x488;
	[sflag:s29] =	ssyncset.done $0x0  }
.Ltmp2:
0x1df: {  	s31 =	simm.s32 $0x10;
	[sflag:s29] =	ssyncadd.s32 $0xFFFFEC00;
	(pc) =	sbr.rel @p4 .LBB2_2-.Ltmp2, $4  }
0x1e0: {  	[spmem:s1] =	stream.indirect.scatter.add.f32 [tilespmem:s24], [sflag:$0x17], $0x80, s28, s23, $0xb8;
	[tilespmem:$0x1E080] =	vst v63  }
0x1e1: {  	s6 =	sadd.s32 $0x28, s6;
	_ =	swait.ge [sflag:s31], $0x1400  }
0x1e2: {  	s3 =	sadd.s32 $0x140, s3;
	s10 =	simm.s32 $0x780;
	[sflag:s31] =	ssyncset.done $0x0  }
0x1e3: {  	s26 =	simm.s32 $0x4;
	s24 =	simm.s32 $0x2;
	[sflag:s31] =	ssyncadd.s32 $0xFFFFEC00  }
0x1e4: {  	[spmem:s1] =	stream.indirect.scatter.add.f32 [tilespmem:s15], [sflag:$0x18], $0x80, s10, s23, $0xb8;
	[tilespmem:$0x1E080] =	vst v63  }
0x1e5: {  	s5 =	simm.s32 $0x11  }
0x1e6: {  	_ =	swait.ge [sflag:s5], $0x1400  }
0x1e7: {  	s3 =	sld [smem:$0x7F4]  }
0x1e8: {  	[sflag:s5] =	ssyncset.done $0x0  }
0x1e9: {  	s8 =	sld [smem:$0x7F5];
	[sflag:s5] =	ssyncadd.s32 $0xFFFFEC00  }
0x1ea: {  	[tilespmem:s2], [sflag:$0x1] =	stream.linear.gather [hbm4b:s3+s2], $0x28, $0x38;
	[tilespmem:$0x1E080] =	vst v63  }
0x1eb: {  	s6 =	simm.s32 $0x400  }
0x1ec: {  	[tilespmem:s6], [sflag:$0x1] =	stream.linear.gather [hbm4b:s8+s2], $0x28, $0x38;
	[tilespmem:$0x1E080] =	vst v63  }
0x1ed: {  	_ =	swait.ge [sflag:s25], $0x28  }
0x1ee: {  	[sflag:s25] =	ssyncset.done $0x0  }
0x1ef: {  	[sflag:s25] =	ssyncadd.s32 $0xFFFFFFD8  }
0x1f0: {  	_ =	swait.ge [sflag:s25], $0x28  }
0x1f1: {  	[sflag:s25] =	ssyncset.done $0x0  }
0x1f2: {  	s0 =	simm.s32 $0x9;
	[sflag:s25] =	ssyncadd.s32 $0xFFFFFFD8  }
0x1f3: {  	[tilespmem:s11], [sflag:$0x9] =	stream.indirect.gather [hbm4b:s4+s23], $0x80, s2, s23, $0xb8;
	[tilespmem:$0x1E080] =	vst v63  }
0x1f4: {  	_ =	swait.ge [sflag:s0], $0x1400  }
0x1f5: {  	[sflag:s0] =	ssyncset.done $0x0  }
0x1f6: {  	s14 =	simm.s32 $0x12;
	[sflag:s0] =	ssyncadd.s32 $0xFFFFEC00  }
0x1f7: {  	[spmem:s1] =	stream.indirect.scatter.add.f32 [tilespmem:s11], [sflag:$0x11], $0x80, s6, s23, $0xb8;
	[tilespmem:$0x1E080] =	vst v63  }
0x1f8: {  	_ =	swait.ge [sflag:s14], $0x1400  }
0x1f9: {  	s15 =	sld [smem:$0x7F6]  }
0x1fa: {  	[sflag:s14] =	ssyncset.done $0x0  }
0x1fb: {  	s16 =	simm.s32 $0x80;
	s17 =	sld [smem:$0x7F7];
	[sflag:s14] =	ssyncadd.s32 $0xFFFFEC00  }
0x1fc: {  	[tilespmem:s16], [sflag:$0x2] =	stream.linear.gather [hbm4b:s15+s2], $0x28, $0x38;
	[tilespmem:$0x1E080] =	vst v63  }
0x1fd: {  	s18 =	simm.s32 $0x480  }
0x1fe: {  	[tilespmem:s18], [sflag:$0x2] =	stream.linear.gather [hbm4b:s17+s2], $0x28, $0x38;
	[tilespmem:$0x1E080] =	vst v63  }
0x1ff: {  	_ =	swait.ge [sflag:s24], $0x28  }
0x200: {  	[sflag:s24] =	ssyncset.done $0x0  }
0x201: {  	[sflag:s24] =	ssyncadd.s32 $0xFFFFFFD8  }
0x202: {  	_ =	swait.ge [sflag:s24], $0x28  }
0x203: {  	[sflag:s24] =	ssyncset.done $0x0  }
0x204: {  	s19 =	simm.s32 $0xA;
	[sflag:s24] =	ssyncadd.s32 $0xFFFFFFD8  }
0x205: {  	[tilespmem:s13], [sflag:$0xA] =	stream.indirect.gather [hbm4b:s4+s23], $0x80, s16, s23, $0xb8;
	[tilespmem:$0x1E080] =	vst v63  }
0x206: {  	_ =	swait.ge [sflag:s19], $0x1400  }
0x207: {  	[sflag:s19] =	ssyncset.done $0x0  }
0x208: {  	[sflag:s19] =	ssyncadd.s32 $0xFFFFEC00  }
0x209: {  	[spmem:s1] =	stream.indirect.scatter.add.f32 [tilespmem:s13], [sflag:$0x12], $0x80, s18, s23, $0xb8;
	[tilespmem:$0x1E080] =	vst v63  }
0x20a: {  	_ =	swait.ge [sflag:s5], $0x1400  }
0x20b: {  	[sflag:s5] =	ssyncset.done $0x0  }
0x20c: {  	[sflag:s5] =	ssyncadd.s32 $0xFFFFEC00  }
0x20d: {  	_ =	swait.ge [sflag:s14], $0x1400  }
0x20e: {  	[sflag:s14] =	ssyncset.done $0x0  }
0x20f: {  	s20 =	simm.s32 $0x13;
	[sflag:s14] =	ssyncadd.s32 $0xFFFFEC00  }
0x210: {  	_ =	swait.ge [sflag:s20], $0x1400  }
0x211: {  	[sflag:s20] =	ssyncset.done $0x0  }
0x212: {  	s21 =	simm.s32 $0x14;
	[sflag:s20] =	ssyncadd.s32 $0xFFFFEC00  }
0x213: {  	_ =	swait.ge [sflag:s21], $0x1400  }
0x214: {  	[sflag:s21] =	ssyncset.done $0x0  }
0x215: {  	s22 =	simm.s32 $0x15;
	[sflag:s21] =	ssyncadd.s32 $0xFFFFEC00  }
0x216: {  	_ =	swait.ge [sflag:s22], $0x1400  }
0x217: {  	[sflag:s22] =	ssyncset.done $0x0  }
0x218: {  	s25 =	simm.s32 $0x16;
	[sflag:s22] =	ssyncadd.s32 $0xFFFFEC00  }
0x219: {  	_ =	swait.ge [sflag:s25], $0x1400  }
0x21a: {  	[sflag:s25] =	ssyncset.done $0x0  }
0x21b: {  	s28 =	simm.s32 $0x17;
	[sflag:s25] =	ssyncadd.s32 $0xFFFFEC00  }
0x21c: {  	_ =	swait.ge [sflag:s28], $0x1400  }
0x21d: {  	[sflag:s28] =	ssyncset.done $0x0  }
0x21e: {  	s29 =	simm.s32 $0x18;
	[sflag:s28] =	ssyncadd.s32 $0xFFFFEC00  }
0x21f: {  	_ =	swait.ge [sflag:s29], $0x1400  }
0x220: {  	[sflag:s29] =	ssyncset.done $0x0  }
0x221: {  	[sflag:s29] =	ssyncadd.s32 $0xFFFFEC00  }
.Ltmp3:
0x222: {  	[bflag:$0x0] =	sbarrier.arrive $0xFFFF;
	(pc) =	sbr.rel @!p0 .LBB2_4-.Ltmp3, $4  }
0x223: {  	s30 =	stileid.u32;
	s31 =	sld [smem:$0x7F8]  }
0x224: {  	s10 =	sshll.u32 s30, $0x6  }
0x225: {  	s3 =	sor.u32 $0x1C19, s10;
	s15 =	simm.s32 $0x80  }
0x226: {  	s16 =	simm.s32 $0x480;
	s22 =	simm.s32 $0x1;
	s6 =	sshrl.u32 s31, $0x3  }
0x227: {  	s3 =	sor.u32 $0x1C19, s10;
	s25 =	sld [smem:$0x7FA]  }
0x228: {  	s0 =	simm.s32 $0x19;
	s31 =	simm.s32 $0x180;
	s10 =	simm.s32 $0x580  }
0x229: {  	s29 =	simm.s32 $0x200;
	s17 =	simm.s32 $0x600;
	s14 =	simm.s32 $0x280  }
0x22a: {  	[hbm:s25], [sflag:s3] =	dma.local [spmem:s6], $0x2700  }
.Ltmp4:
0x22b: {  	s18 =	simm.s32 $0x680;
	s30 =	simm.s32 $0x300;
	(pc) =	sbr.rel @p2 .LBB2_7-.Ltmp4, $4  }
.Ltmp5:
0x22c: {  	s19 =	simm.s32 $0x700;
	s28 =	simm.s32 $0x380;
	(pc) =	sbr.rel @!p2 .LBB2_6-.Ltmp5, $4  }
0x22d: {  	s5 =	simm.s32 $0x5;
	s8 =	simm.s32 $0x6;
	_ =	swait.ge [sflag:s0], $0x2700  }
0x22e: {  	s25 =	simm.s32 $0x3;
	[sflag:s0] =	ssyncset.done $0x0;
	s6 =	rddreg [dreg:$0x14]  }
0x22f: {  	s21 =	sld [smem:$0x7EE];
	[sflag:s0] =	ssyncadd.s32 $0xFFFFD900;
	s0 =	simm.s32 $0x500  }
0x230: {  	_ = 	snop  }
.LBB2_4:
0x231: {  	s10 =	sld [smem:$0x7F9]  }
0x232: {  	s0 =	simm.s32 $0x19;
	s31 =	simm.s32 $0x180;
	s29 =	simm.s32 $0x200  }
0x233: {  	s17 =	simm.s32 $0x600;
	s14 =	simm.s32 $0x280;
	s18 =	simm.s32 $0x680  }
0x234: {  	[hbm:s10], [sflag:s3] =	dma.local [spmem:s6], $0x2700  }
.Ltmp6:
0x235: {  	s30 =	simm.s32 $0x300;
	s19 =	simm.s32 $0x700;
	(pc) =	sbr.rel @p3 .LBB2_6-.Ltmp6, $4  }
.Ltmp7:
0x236: {  	s28 =	simm.s32 $0x380;
	s25 =	simm.s32 $0x3;
	(pc) =	sbr.rel @!p3 .LBB2_7-.Ltmp7, $4  }
0x237: {  	s5 =	simm.s32 $0x5;
	s8 =	simm.s32 $0x6;
	_ =	swait.ge [sflag:s0], $0x2700  }
0x238: {  	s10 =	simm.s32 $0x580;
	[sflag:s0] =	ssyncset.done $0x0;
	s6 =	rddreg [dreg:$0x13]  }
0x239: {  	s21 =	sld [smem:$0x7EE];
	[sflag:s0] =	ssyncadd.s32 $0xFFFFD900;
	s0 =	simm.s32 $0x500  }
0x23a: {  	_ = 	snop  }
.LBB2_8:
0x23b: {  	_ =	sfence.sel $0x180000  }
0x23c: {  	[bflag:$0x0] =	sbarrier.arrive $0xFFFF  }
0x23d: {  	_ =	strace $0x9000004A  }
0x23e: {  	[bflag:$0x2] =	sbarrier.arrive $0xFFFF  }
0x23f: {  	s0 =	rddreg [dreg:$0x2]  }
0x240: {  	s0 =	sadd.s32 @!p1 $0x100000, s0  }
0x241: {  	[sflag:s0] =	ssyncadd.tile.s32 @!p1 $0x1;
	_ =	shalt  }
.Lfunc_end2:
_tile_overlayer_lowered:
.L_overlay_start_2:
0x242: {  	(tag) =	ssettag $0x2  }
0x243: {  	s0 =	rddreg [dreg:$0x0];
	s2 =	stileid.u32  }
0x244: {  	s1 =	rddreg [dreg:$0x1];
	p0 =	sne.s32 s2, $0x0  }
0x245: {  	s3 =	rddreg [dreg:$0x2];
	[bflag:$0x3] =	sbarrier.arrive $0xFFFF;
	s2 =	simm.s32 @!p0 $0x1C19  }
0x246: {  	[timem:s3], [sflag:s2] =	dma.local @!p0 [hbm:s0], s1  }
0x247: {  	s0 =	simm.s32 @!p0 $0x19  }
0x248: {  	_ =	swait.ge @!p0 [sflag:s0], s1  }
0x249: {  	s1 =	ssub.s32 @!p0 $0x0, s1;
	[sflag:s0] =	ssyncset.done @!p0 $0x0  }
0x24a: {  	[sflag:s0] =	ssyncadd.s32 @!p0 s1  }
0x24b: {  	[bflag:$0x3] =	sbarrier.arrive $0xFFFF  }
0x24c: {  	_ =	shalt  }

// kernel: kernel.14.cloned.1.call-start
scs
__scs_entry_jumppad:
0x0: {  	(pc) =	sbr.rel $0x88, $3  }
0x1: {  	(tag) =	ssettag $0x0;
	lr =	simm.s32 $0x1  }
0x2: {  	[smem:$0x3F8B] =	sst lr;
	_ =	strace $0xD0000000  }
0x3: {  	_ = 	snop  }
0x4: {  	_ = 	snop  }
0x5: {  	_ = 	snop  }
0x6: {  	_ = 	snop  }
0x7: {  	_ = 	snop  }
__scs_overlays_trampoline_lowered:
0x8: {  	[smem:$0x3F9A] =	sst s0  }
0x9: {  	[smem:$0x3F9B] =	sst s1  }
0xa: {  	[smem:$0x3F9C] =	sst s2  }
0xb: {  	[smem:$0x3F9D] =	sst s3  }
0xc: {  	[smem:$0x3F9E] =	sst s4  }
0xd: {  	[smem:$0x3F9F] =	sst s5  }
0xe: {  	[smem:$0x3FA0] =	sst s6  }
0xf: {  	[smem:$0x3FA1] =	sst s7  }
0x10: {  	[smem:$0x3FA2] =	sst s8  }
0x11: {  	[smem:$0x3FA3] =	sst s9;
	s0 =	simm.s32 @!p0 $0x0  }
0x12: {  	s1 =	sld [smem:$0x3F89];
	s0 =	simm.s32 @p0 $0x1  }
0x13: {  	[smem:$0x3FA4] =	sst s0;
	s0 =	simm.s32 @!p1 $0x0  }
0x14: {  	s2 =	sld [smem:$0x3F88];
	s0 =	simm.s32 @p1 $0x1  }
0x15: {  	[smem:$0x3FA5] =	sst s0;
	s0 =	simm.s32 @!p2 $0x0  }
0x16: {  	s3 =	sld [smem:$0x3FDB];
	s0 =	simm.s32 @p2 $0x1  }
0x17: {  	s4 =	simm.s32 $0x1BF5;
	[smem:$0x3FA7] =	sst s0  }
0x18: {  	s0 =	sld [smem:$0x3F8A];
	_ =	swait.ge [sflag:s4], $0x0  }
0x19: {  	s7 =	sld [smem:$0x3F8B]  }
0x1a: {  	s8 =	sadd.s32 $0xFFFFE003, lr  }
0x1b: {  	s9 =	sadd.s32 $0xFFFFFEF7, lr;
	s5 =	simm.s32 $0xFFFFFFFF;
	p2 =	slt.u32 s8, $0xFFFFF086  }
0x1c: {  	p1 =	slt.u32 s9, $0xF7A;
	s5 =	simm.s32 @!p2 $0x0  }
0x1d: {  	s5 =	simm.s32 @p1 $0x1;
	p0 =	seq.s32 s7, s2  }
0x1e: {  	s7 =	smul.u32 @!p0 $0xF7A, s2;
	p2 =	seq.s32 @!p0 s5, $0x0  }
0x1f: {  	s9 =	smul.u32 $0xF7A, s1;
	s8 =	simm.s32 @!p0 $0x1BF5;
	p2 =	por !p2, p0  }
0x20: {  	[sflag:s8] =	ssyncset.s32 @!p0 $0xFFFFF086;
	s6 =	sadd.s32 @!p0 s3, s7;
	s7 =	simm.s32 @!p0 $0x108  }
0x21: {  	s3 =	sadd.s32 s3, s9;
	s6 =	sadd.s32 @!p0 $0x88, s6;
	s7 =	simm.s32 @p2 $0x1082  }
0x22: {  	[simem:s7], [sflag:s8] =	dma.local @!p0 [hbm:s6], $0xF7A  }
0x23: {  	s9 =	sor.u32 $0xD0000000, s2;
	s6 =	simm.s32 $0x108;
	_ =	swait.ge @!p0 [sflag:s8], $0x0  }
0x24: {  	s3 =	sadd.s32 $0x88, s3;
	s6 =	simm.s32 @!p1 $0x1082;
	[sflag:s4] =	ssyncset.s32 $0xFFFFF086  }
0x25: {  	[simem:s6], [sflag:s4] =	dma.local [hbm:s3], $0xF7A  }
0x26: {  	[smem:$0x3F8B] =	sst s1;
	(tag) =	ssettag s2;
	_ =	strace s9  }
0x27: {  	s1 =	sld [smem:$0x3F9B]  }
0x28: {  	s2 =	sld [smem:$0x3F9C]  }
0x29: {  	s4 =	sld [smem:$0x3F9E]  }
0x2a: {  	p0 =	seq.s32 s5, $0x0;
	s5 =	sld [smem:$0x3F9F]  }
0x2b: {  	s6 =	sld [smem:$0x3FA0]  }
0x2c: {  	s7 =	sld [smem:$0x3FA1]  }
0x2d: {  	s3 =	simm.s32 $0x108;
	s8 =	sld [smem:$0x3FA2]  }
0x2e: {  	s3 =	simm.s32 @!p0 $0x1082;
	s9 =	sld [smem:$0x3FA3]  }
0x2f: {  	lr =	sadd.s32 s0, s3;
	s0 =	sld [smem:$0x3F9A]  }
0x30: {  	s3 =	sld [smem:$0x3F9D]  }
0x31: {  	[smem:$0x3FA6] =	sst s10  }
0x32: {  	s10 =	sld [smem:$0x3FA4];
	_ =	sdelay $0x3  }
0x33: {  	p0 =	seq.s32 s10, $0x1;
	s10 =	sld [smem:$0x3FA6];
	_ =	sdelay $0x3  }
0x34: {  	[smem:$0x3FA6] =	sst s10  }
0x35: {  	s10 =	sld [smem:$0x3FA5];
	_ =	sdelay $0x3  }
0x36: {  	p1 =	seq.s32 s10, $0x1;
	s10 =	sld [smem:$0x3FA6];
	_ =	sdelay $0x3  }
0x37: {  	[smem:$0x3FA6] =	sst s10  }
0x38: {  	s10 =	sld [smem:$0x3FA7]  }
0x39: {  	_ = 	snop;
	(pc) =	sbr.ind lr, $3  }
0x3a: {  	_ = 	snop  }
0x3b: {  	_ = 	snop  }
0x3c: {  	p2 =	seq.s32 s10, $0x1;
	s10 =	sld [smem:$0x3FA6]  }
0x3d: {  	_ =	shalt  }
0x3e: {  	_ =	shalt  }
0x3f: {  	_ =	shalt  }
0x40: {  	_ =	shalt  }
0x41: {  	_ =	shalt  }
0x42: {  	_ =	shalt  }
0x43: {  	_ =	shalt  }
0x44: {  	_ =	shalt  }
0x45: {  	_ =	shalt  }
0x46: {  	_ =	shalt  }
0x47: {  	_ =	shalt  }
0x48: {  	_ =	shalt  }
0x49: {  	_ =	shalt  }
0x4a: {  	_ =	shalt  }
0x4b: {  	_ =	shalt  }
0x4c: {  	_ =	shalt  }
0x4d: {  	_ =	shalt  }
0x4e: {  	_ =	shalt  }
0x4f: {  	_ =	shalt  }
0x50: {  	_ =	shalt  }
0x51: {  	_ =	shalt  }
0x52: {  	_ =	shalt  }
0x53: {  	_ =	shalt  }
0x54: {  	_ =	shalt  }
0x55: {  	_ =	shalt  }
0x56: {  	_ =	shalt  }
0x57: {  	_ =	shalt  }
0x58: {  	_ =	shalt  }
0x59: {  	_ =	shalt  }
0x5a: {  	_ =	shalt  }
0x5b: {  	_ =	shalt  }
0x5c: {  	_ =	shalt  }
0x5d: {  	_ =	shalt  }
0x5e: {  	_ =	shalt  }
0x5f: {  	_ =	shalt  }
0x60: {  	_ =	shalt  }
0x61: {  	_ =	shalt  }
0x62: {  	_ =	shalt  }
0x63: {  	_ =	shalt  }
0x64: {  	_ =	shalt  }
0x65: {  	_ =	shalt  }
0x66: {  	_ =	shalt  }
0x67: {  	_ =	shalt  }
0x68: {  	_ =	shalt  }
0x69: {  	_ =	shalt  }
0x6a: {  	_ =	shalt  }
0x6b: {  	_ =	shalt  }
0x6c: {  	_ =	shalt  }
0x6d: {  	_ =	shalt  }
0x6e: {  	_ =	shalt  }
0x6f: {  	_ =	shalt  }
0x70: {  	_ =	shalt  }
0x71: {  	_ =	shalt  }
0x72: {  	_ =	shalt  }
0x73: {  	_ =	shalt  }
0x74: {  	_ =	shalt  }
0x75: {  	_ =	shalt  }
0x76: {  	_ =	shalt  }
0x77: {  	_ =	shalt  }
0x78: {  	_ =	shalt  }
0x79: {  	_ =	shalt  }
0x7a: {  	_ =	shalt  }
0x7b: {  	_ =	shalt  }
0x7c: {  	_ =	shalt  }
0x7d: {  	_ =	shalt  }
0x7e: {  	_ =	shalt  }
0x7f: {  	_ =	shalt  }
0x80: {  	_ =	shalt  }
0x81: {  	_ =	shalt  }
0x82: {  	_ =	shalt  }
0x83: {  	_ =	shalt  }
0x84: {  	_ =	shalt  }
0x85: {  	_ =	shalt  }
0x86: {  	_ =	shalt  }
0x87: {  	_ =	shalt  }
.Lfunc_end0:
.L_simem_size_0:
called_computation.2_lowered:
.L_overlay_start_0:
0x88: {  	s2 =	sld [smem:$0x3FD9]  }
0x89: {  	s3 =	sld [smem:$0x3FFE];
	_ =	sdelay $0x1  }
0x8a: {  	s1 =	srdreg.scid  }
0x8b: {  	s0 =	sand.u32 $0x1, s1  }
0x8c: {  	s17 =	sshll.u32 s0, $0xA;
	s2 =	sadd.s32 s3, s2  }
0x8d: {  	s2 =	sadd.s32 s2, s17  }
0x8e: {  	[smem:$0x3FB2] =	sst s2  }
0x8f: {  	_ = 	snop  }
0x90: {  	s2 =	sld [smem:$0x3FC6];
	(tm) =	ssettm $0x1  }
0x91: {  	s18 =	sld [smem:$0x3FFB];
	_ =	sdelay $0x3  }
0x92: {  	_ =	strace s18  }
0x93: {  	s3 =	sld [smem:$0x3FFC];
	_ =	sdelay $0x3  }
0x94: {  	_ =	strace s3  }
0x95: {  	s3 =	sld [smem:$0x3FFD];
	_ =	sdelay $0x3  }
0x96: {  	_ =	strace s3  }
0x97: {  	_ =	strace $0x8FFFFFFF  }
0x98: {  	s19 =	sld [smem:$0x3FDB];
	_ =	sdelay $0x1  }
0x99: {  	s4 =	simm.s32 $_scs_section_size  }
0x9a: {  	s5 =	simm.s32 $_size__tile_overlayer_lowered;
	s6 =	simm.s32 $_tile_overlayer_lowered  }
0x9b: {  	s22 =	simm.s32 $0x1BFF;
	s21 =	sshll.u32 s6, $0x1;
	s3 =	sadd.s32 s4, s19  }
0x9c: {  	s7 =	simm.s32 $0x0;
	s20 =	sshll.u32 s5, $0x1;
	s5 =	sadd.s32 s21, s3  }
0x9d: {  	[timem:s7], [sflag:s22] =	dma.local [hbm:s5], s20  }
0x9e: {  	_ =	swait.ge [sflag:s22], s20  }
0x9f: {  	s4 =	ssub.s32 $0x0, s20;
	[sflag:s22] =	ssyncset.done $0x0  }
0xa0: {  	[sflag:s22] =	ssyncadd.s32 s4;
	_ =	sdelay $0x1  }
0xa1: {  	s23 =	simm.s32 $0x1B8B  }
0xa2: {  	_ =	swait.ge [sflag:s23], $0x1  }
0xa3: {  	[sflag:s23] =	ssyncset.done $0x0  }
0xa4: {  	s25 =	simm.s32 $0x1B8E;
	s24 =	sld [smem:$0x3FFE];
	[sflag:s23] =	ssyncadd.s32 $0xFFFFFFFF  }
0xa5: {  	s26 =	simm.s32 $execute0_lowered;
	[smem:$0x3FD2] =	sst s25  }
0xa6: {  	s5 =	sshll.u32 s26, $0x1;
	_ =	strace $0x8000004C;
	[dreg:$0x1] =	wrdreg $0xFFFFFFFF  }
0xa7: {  	s28 =	simm.s32 $_size_execute0_lowered;
	s3 =	sadd.s32 s3, s5;
	[dreg:$0x0] =	wrdreg $0x0  }
0xa8: {  	s5 =	sshll.u32 s28, $0x1;
	[dreg:$0x2] =	wrdreg s3  }
0xa9: {  	[dreg:$0x3] =	wrdreg s5  }
0xaa: {  	[dreg:$0x4] =	wrdreg $0xC0  }
0xab: {  	_ =	task [dreg:s7], $0x5FFFF  }
0xac: {  	[dreg:$0x1] =	wrdreg $0xFFFFFFFF  }
0xad: {  	[dreg:$0x0] =	wrdreg $0x60  }
0xae: {  	[dreg:$0x2] =	wrdreg s24  }
0xaf: {  	[dreg:$0x3] =	wrdreg s2  }
0xb0: {  	[dreg:$0x4] =	wrdreg $0x9  }
0xb1: {  	_ =	task.clear_ibuf [dreg:s7], $0x5FFFF;
	_ =	strace $0x9000004C  }
0xb2: {  	s29 =	simm.s32 $0x9;
	_ =	strace $0x8000004E  }
0xb3: {  	_ =	swait.ge [sflag:s29], $0x1  }
0xb4: {  	[sflag:s29] =	ssyncadd.s32 $0xFFFFFFFF  }
0xb5: {  	_ =	strace $0x9000004E  }
0xb6: {  	_ =	sfence  }
0xb7: {  	s30 =	sld [smem:$0x0];
	_ =	sdelay $0x2  }
0xb8: {  	s31 =	sshll.u32 s1, $0xD;
	s1 =	sshrl.u32 s1, $0x2  }
0xb9: {  	s3 =	sand.u32 $0x4000, s31;
	s1 =	sadd.s32 s1, s30  }
0xba: {  	s0 =	sor.u32 s3, s0;
	s1 =	sshll.u32 s1, $0x11  }
0xbb: {  	s0 =	sor.u32 s1, s0  }
0xbc: {  	s0 =	sadd.s32 $0x8F2B, s0  }
0xbd: {  	[sflag:s0] =	ssyncadd.remote.s32 $0x1  }
0xbe: {  	_ =	sfence.sel $0xFFFF  }
0xbf: {  	[dreg:$0x0] =	wrdreg $0xFFFFFFFF;
	(pc) =	sbr.abs _section_cstart, $3  }
0xc0: {  	[dreg:$0x1] =	wrdreg $0xFFFFFFFF  }
0xc1: {  	_ =	task.clear_ibuf [dreg:s7], $0x2FFFF;
	_ =	strace $0x9FFFFFFF  }
0xc2: {  	(tm) =	ssettm $0x7FFFFFFF  }
0xc3: {  	_ =	shalt  }
tec
execute0_lowered:
.L_overlay_start_1:
0x0: {  	(tag) =	ssettag $0x1  }
0x1: {  	s1 =	rddreg [dreg:$0x0]  }
0x2: {  	s3 =	rddreg [dreg:$0x1];
	s0 =	srdreg.scid;
	s2 =	simm.s32 $0x0  }
0x3: {  	s5 =	stileid.u32;
	s14 =	simm.s32 $0x200;
	[smem:$0x7FF] =	sst s2  }
0x4: {  	s15 =	simm.s32 $0x400;
	_ =	strace $0x8000004D;
	[dreg:$0xc] =	wrdreg s14  }
0x5: {  	s16 =	simm.s32 $0x280;
	s17 =	simm.s32 $0x480;
	[dreg:$0xd] =	wrdreg s15  }
0x6: {  	s18 =	simm.s32 $0x300;
	s19 =	simm.s32 $0x500;
	[dreg:$0xe] =	wrdreg s16  }
0x7: {  	s20 =	simm.s32 $0x380;
	s0 =	sand.u32 $0x1, s0;
	[dreg:$0xf] =	wrdreg s17  }
0x8: {  	s5 =	sshll.u32 s5, $0x9;
	s4 =	sshll.u32 s0, $0xD;
	[dreg:$0x10] =	wrdreg s18  }
0x9: {  	s22 =	simm.s32 $0x580;
	[dreg:$0x11] =	wrdreg s19;
	s4 =	sor.u32 s5, s4  }
0xa: {  	s6 =	sadd.s32 $0x2C200, s1;
	[dreg:$0x12] =	wrdreg s20;
	s5 =	sshrl.u32 s4, $0x3  }
0xb: {  	[dreg:$0x13] =	wrdreg s22;
	s4 =	sshll.u32 s4, $0x4;
	s3 =	sadd.s32 s3, s5  }
0xc: {  	s26 =	sadd.s32 $0x6C200, s1;
	s28 =	sadd.s32 s6, s4;
	[dreg:$0x3] =	wrdreg s3  }
0xd: {  	s29 =	sadd.s32 s26, s4;
	s7 =	sor.u32 $0x800, s4;
	[dreg:$0x4] =	wrdreg s28  }
0xe: {  	[dreg:$0x5] =	wrdreg s29;
	s31 =	sadd.s32 s6, s7  }
0xf: {  	s9 =	sor.u32 $0x1000, s4;
	s8 =	sadd.s32 s26, s7;
	[dreg:$0x6] =	wrdreg s31  }
0x10: {  	s10 =	sadd.s32 s6, s9;
	[dreg:$0x7] =	wrdreg s8  }
0x11: {  	s4 =	sor.u32 $0x1800, s4;
	s11 =	sadd.s32 s26, s9;
	[dreg:$0x8] =	wrdreg s10  }
0x12: {  	s12 =	sadd.s32 s6, s4;
	[dreg:$0x9] =	wrdreg s11  }
0x13: {  	s13 =	sadd.s32 s26, s4;
	[dreg:$0xa] =	wrdreg s12  }
0x14: {  	[dreg:$0xb] =	wrdreg s13  }
0x15: {  	s23 =	simm.s32 $0x15;
	s21 =	rddreg [dreg:$0x3]  }
0x16: {  	[tilespmem:s2], [sflag:$0x15] =	stream.linear.gather [hbm4b:s21+s2], $0x200, $0x38;
	[tilespmem:$0x18A00] =	vst v63  }
0x17: {  	_ =	swait.ge [sflag:s23], $0x200  }
0x18: {  	[sflag:s23] =	ssyncset.done $0x0  }
0x19: {  	[sflag:s23] =	ssyncadd.s32 $0xFFFFFE00  }
0x1a: {  	v0 =	vld [tilespmem:$0x1F0]  }
0x1b: {  	v1 =	vld [tilespmem:$0x170]  }
0x1c: {  	v2 =	vld [tilespmem:$0x30]  }
0x1d: {  	v3 =	vld [tilespmem:$0x20]  }
0x1e: {  	v4 =	vld [tilespmem:$0x70]  }
0x1f: {  	v12 =	vld [tilespmem:$0xF0];
	v0 =	vshll.u32 v0, $0x1  }
0x20: {  	v13 =	vld [tilespmem:$0x60];
	v1 =	vshll.u32 v1, $0x1;
	[tilespmem:$0x3F0] =	vst v0  }
0x21: {  	v5 =	vld [tilespmem:$0x10];
	v10 =	vshll.u32 v2, $0x1;
	[tilespmem:$0x370] =	vst v1  }
0x22: {  	v17 =	vld [tilespmem:$0xD0];
	v11 =	vshll.u32 v3, $0x1;
	[tilespmem:$0x230] =	vst v10  }
0x23: {  	v6 =	vld [tilespmem:$0x50];
	v4 =	vshll.u32 v4, $0x1;
	[tilespmem:$0x220] =	vst v11  }
0x24: {  	v22 =	vld [tilespmem:$0xB0];
	v2 =	vshll.u32 v12, $0x1;
	[tilespmem:$0x270] =	vst v4  }
0x25: {  	v24 =	vld [tilespmem:$0x160];
	v3 =	vshll.u32 v13, $0x1;
	[tilespmem:$0x2F0] =	vst v2  }
0x26: {  	v25 =	vld [tilespmem:$0x40];
	v16 =	vshll.u32 v5, $0x1;
	[tilespmem:$0x260] =	vst v3  }
0x27: {  	v28 =	vld [tilespmem:$0x150];
	v20 =	vshll.u32 v17, $0x1;
	[tilespmem:$0x210] =	vst v16  }
0x28: {  	v31 =	vld [tilespmem:$0xA0];
	v23 =	vshll.u32 v6, $0x1;
	[tilespmem:$0x2D0] =	vst v20  }
0x29: {  	v32 =	vld [tilespmem:$0x140];
	v26 =	vshll.u32 v22, $0x1;
	[tilespmem:$0x250] =	vst v23  }
0x2a: {  	v35 =	vld [tilespmem:$0x90];
	v29 =	vshll.u32 v24, $0x1;
	[tilespmem:$0x2B0] =	vst v26  }
0x2b: {  	v37 =	vld [tilespmem:$0x130];
	v30 =	vshll.u32 v25, $0x1;
	[tilespmem:$0x360] =	vst v29  }
0x2c: {  	v39 =	vld [tilespmem:$0x80];
	v34 =	vshll.u32 v28, $0x1;
	[tilespmem:$0x240] =	vst v30  }
0x2d: {  	v45 =	vld [tilespmem:$0x1A0];
	v36 =	vshll.u32 v31, $0x1;
	[tilespmem:$0x350] =	vst v34  }
0x2e: {  	v46 =	vld [tilespmem:$0x110];
	v38 =	vshll.u32 v32, $0x1;
	[tilespmem:$0x2A0] =	vst v36  }
0x2f: {  	v47 =	vld [tilespmem:$0x190];
	v40 =	vshll.u32 v35, $0x1;
	[tilespmem:$0x340] =	vst v38  }
0x30: {  	v48 =	vld [tilespmem:$0x100];
	v42 =	vshll.u32 v37, $0x1;
	[tilespmem:$0x290] =	vst v40  }
0x31: {  	v52 =	vld [tilespmem:$0x1D0];
	v44 =	vshll.u32 v39, $0x1;
	[tilespmem:$0x330] =	vst v42  }
0x32: {  	v55 =	vld [tilespmem:$0x1C0];
	v50 =	vshll.u32 v45, $0x1;
	[tilespmem:$0x280] =	vst v44  }
0x33: {  	v59 =	vld [tilespmem:$0x180];
	v51 =	vshll.u32 v46, $0x1;
	[tilespmem:$0x3A0] =	vst v50  }
0x34: {  	v53 =	vshll.u32 v47, $0x1;
	[tilespmem:$0x310] =	vst v51  }
0x35: {  	v54 =	vshll.u32 v48, $0x1;
	[tilespmem:$0x390] =	vst v53  }
0x36: {  	v56 =	vshll.u32 v52, $0x1;
	[tilespmem:$0x300] =	vst v54  }
0x37: {  	v61 =	vshll.u32 v55, $0x1;
	[tilespmem:$0x3D0] =	vst v56  }
0x38: {  	v62 =	vshll.u32 v59, $0x1;
	[tilespmem:$0x3C0] =	vst v61  }
0x39: {  	v0 =	vor.u32 $0x1, v0;
	[tilespmem:$0x380] =	vst v62  }
0x3a: {  	v9 =	vor.u32 $0x1, v1;
	[tilespmem:$0x5F0] =	vst v0  }
0x3b: {  	v19 =	vld [tilespmem:$0xC0];
	v1 =	vor.u32 $0x1, v10;
	[tilespmem:$0x570] =	vst v9  }
0x3c: {  	v4 =	vor.u32 $0x1, v4;
	[tilespmem:$0x430] =	vst v1  }
0x3d: {  	v2 =	vor.u32 $0x1, v2;
	[tilespmem:$0x470] =	vst v4  }
0x3e: {  	v18 =	vor.u32 $0x1, v3;
	[tilespmem:$0x4F0] =	vst v2  }
0x3f: {  	v21 =	vor.u32 $0x1, v16;
	[tilespmem:$0x460] =	vst v18  }
0x40: {  	v3 =	vshll.u32 v19, $0x1;
	[tilespmem:$0x410] =	vst v21  }
0x41: {  	v14 =	vld [tilespmem:$0xE0];
	v33 =	vor.u32 $0x1, v30;
	[tilespmem:$0x2C0] =	vst v3  }
0x42: {  	v58 =	vor.u32 $0x1, v54;
	[tilespmem:$0x440] =	vst v33  }
0x43: {  	v60 =	vor.u32 $0x1, v53;
	[tilespmem:$0x500] =	vst v58  }
0x44: {  	v43 =	vld [tilespmem:$0x1B0];
	v63 =	vor.u32 $0x1, v62;
	[tilespmem:$0x590] =	vst v60  }
0x45: {  	v15 =	vld [tilespmem:$0x0];
	v0 =	vor.u32 $0x1, v11;
	[tilespmem:$0x580] =	vst v63  }
0x46: {  	v1 =	vshll.u32 v14, $0x1;
	[tilespmem:$0x420] =	vst v0  }
0x47: {  	v27 =	vor.u32 $0x1, v3;
	[tilespmem:$0x2E0] =	vst v1  }
0x48: {  	v2 =	vor.u32 $0x1, v34;
	[tilespmem:$0x4C0] =	vst v27  }
0x49: {  	v3 =	vshll.u32 v43, $0x1;
	[tilespmem:$0x550] =	vst v2  }
0x4a: {  	v0 =	vshll.u32 v15, $0x1;
	[tilespmem:$0x3B0] =	vst v3  }
0x4b: {  	v1 =	vor.u32 $0x1, v1;
	[tilespmem:$0x200] =	vst v0  }
0x4c: {  	v2 =	vor.u32 $0x1, v38;
	[tilespmem:$0x4E0] =	vst v1  }
0x4d: {  	v3 =	vor.u32 $0x1, v3;
	[tilespmem:$0x540] =	vst v2  }
0x4e: {  	v0 =	vor.u32 $0x1, v0;
	[tilespmem:$0x5B0] =	vst v3  }
0x4f: {  	v41 =	vld [tilespmem:$0x120];
	v1 =	vor.u32 $0x1, v23;
	[tilespmem:$0x400] =	vst v0  }
0x50: {  	v2 =	vor.u32 $0x1, v42;
	[tilespmem:$0x450] =	vst v1  }
0x51: {  	v0 =	vor.u32 $0x1, v20;
	[tilespmem:$0x530] =	vst v2  }
0x52: {  	v1 =	vor.u32 $0x1, v29;
	[tilespmem:$0x4D0] =	vst v0  }
0x53: {  	v0 =	vor.u32 $0x1, v26;
	[tilespmem:$0x560] =	vst v1  }
0x54: {  	v57 =	vld [tilespmem:$0x1E0];
	v1 =	vshll.u32 v41, $0x1;
	[tilespmem:$0x4B0] =	vst v0  }
0x55: {  	v0 =	vor.u32 $0x1, v36;
	[tilespmem:$0x320] =	vst v1  }
0x56: {  	v49 =	vor.u32 $0x1, v1;
	[tilespmem:$0x4A0] =	vst v0  }
0x57: {  	v1 =	vor.u32 $0x1, v50;
	[tilespmem:$0x520] =	vst v49  }
0x58: {  	v0 =	vor.u32 $0x1, v40;
	[tilespmem:$0x5A0] =	vst v1  }
0x59: {  	v1 =	vshll.u32 v57, $0x1;
	[tilespmem:$0x490] =	vst v0  }
0x5a: {  	v0 =	vor.u32 $0x1, v44;
	[tilespmem:$0x3E0] =	vst v1  }
0x5b: {  	v1 =	vor.u32 $0x1, v1;
	[tilespmem:$0x480] =	vst v0  }
0x5c: {  	v0 =	vor.u32 $0x1, v51;
	[tilespmem:$0x5E0] =	vst v1  }
0x5d: {  	[tilespmem:$0x510] =	vst v0;
	v0 =	vor.u32 $0x1, v56  }
0x5e: {  	s7 =	sadd.s32 $0x23BE00, s1;
	[tilespmem:$0x5D0] =	vst v0;
	v0 =	vor.u32 $0x1, v61  }
0x5f: {  	s4 =	simm.s32 $0x80;
	s8 =	simm.s32 $0x600;
	s24 =	rddreg [dreg:$0xc];
	[tilespmem:$0x5C0] =	vst v0  }
0x60: {  	[tilespmem:s8], [sflag:$0x1] =	stream.indirect.gather [hbm4b:s7+s4], $0x1, s24, s4, $0xb8;
	[tilespmem:$0x18A00] =	vst v63  }
0x61: {  	s26 =	simm.s32 $0x800;
	s25 =	rddreg [dreg:$0xd]  }
0x62: {  	[tilespmem:s26], [sflag:$0x5] =	stream.indirect.gather [hbm4b:s7+s4], $0x1, s25, s4, $0xb8;
	[tilespmem:$0x18A00] =	vst v63  }
0x63: {  	s9 =	simm.s32 $0x680;
	s28 =	rddreg [dreg:$0xe]  }
0x64: {  	[tilespmem:s9], [sflag:$0x2] =	stream.indirect.gather [hbm4b:s7+s4], $0x1, s28, s4, $0xb8;
	[tilespmem:$0x18A00] =	vst v63  }
0x65: {  	s11 =	simm.s32 $0x880;
	s29 =	rddreg [dreg:$0xf]  }
0x66: {  	[tilespmem:s11], [sflag:$0x6] =	stream.indirect.gather [hbm4b:s7+s4], $0x1, s29, s4, $0xb8;
	[tilespmem:$0x18A00] =	vst v63  }
0x67: {  	s12 =	simm.s32 $0x700;
	s31 =	rddreg [dreg:$0x10]  }
0x68: {  	[tilespmem:s12], [sflag:$0x3] =	stream.indirect.gather [hbm4b:s7+s4], $0x1, s31, s4, $0xb8;
	[tilespmem:$0x18A00] =	vst v63  }
0x69: {  	s13 =	simm.s32 $0x900;
	s10 =	rddreg [dreg:$0x11]  }
0x6a: {  	[tilespmem:s13], [sflag:$0x7] =	stream.indirect.gather [hbm4b:s7+s4], $0x1, s10, s4, $0xb8;
	[tilespmem:$0x18A00] =	vst v63  }
0x6b: {  	s14 =	rddreg [dreg:$0x12];
	s10 =	simm.s32 $0x780  }
0x6c: {  	[tilespmem:s10], [sflag:$0x4] =	stream.indirect.gather [hbm4b:s7+s4], $0x1, s14, s4, $0xb8;
	[tilespmem:$0x18A00] =	vst v63  }
0x6d: {  	s16 =	simm.s32 $0x980;
	s17 =	simm.s32 $0x1;
	s15 =	rddreg [dreg:$0x13]  }
0x6e: {  	[tilespmem:s16], [sflag:$0x8] =	stream.indirect.gather [hbm4b:s7+s4], $0x1, s15, s4, $0xb8;
	[tilespmem:$0x18A00] =	vst v63  }
0x6f: {  	_ =	swait.ge [sflag:s17], $0x80  }
0x70: {  	s18 =	simm.s32 $0x5;
	[sflag:s17] =	ssyncset.done $0x0  }
0x71: {  	s5 =	simm.s32 $0xA00;
	s14 =	sadd.s32 $0x5000, s1;
	[sflag:s17] =	ssyncadd.s32 $0xFFFFFF80  }
0x72: {  	[tilespmem:s5], [sflag:$0x9] =	stream.indirect.gather [hbm4b:s14+s4], $0x80, s8, s4, $0xb8;
	[tilespmem:$0x18A00] =	vst v63  }
0x73: {  	_ =	swait.ge [sflag:s18], $0x80  }
0x74: {  	[sflag:s18] =	ssyncset.done $0x0  }
0x75: {  	s19 =	simm.s32 $0x2;
	s6 =	simm.s32 $0xCA00;
	[sflag:s18] =	ssyncadd.s32 $0xFFFFFF80  }
0x76: {  	[tilespmem:s6], [sflag:$0xC] =	stream.indirect.gather [hbm4b:s14+s4], $0x80, s26, s4, $0xb8;
	[tilespmem:$0x18A00] =	vst v63  }
0x77: {  	_ =	swait.ge [sflag:s19], $0x80  }
0x78: {  	[sflag:s19] =	ssyncset.done $0x0  }
0x79: {  	s20 =	simm.s32 $0x4A00;
	s21 =	simm.s32 $0x6;
	[sflag:s19] =	ssyncadd.s32 $0xFFFFFF80  }
0x7a: {  	[tilespmem:s20], [sflag:$0xA] =	stream.indirect.gather [hbm4b:s14+s4], $0x80, s9, s4, $0xb8;
	[tilespmem:$0x18A00] =	vst v63  }
0x7b: {  	_ =	swait.ge [sflag:s21], $0x80  }
0x7c: {  	s30 =	simm.s32 $0x780;
	s22 =	simm.s32 $0x10A00;
	[sflag:s21] =	ssyncset.done $0x0  }
0x7d: {  	s0 =	ssub.s32 $0x2, s0;
	s23 =	simm.s32 $0x3;
	[sflag:s21] =	ssyncadd.s32 $0xFFFFFF80  }
0x7e: {  	[tilespmem:s22], [sflag:$0xD] =	stream.indirect.gather [hbm4b:s14+s4], $0x80, s11, s4, $0xb8;
	[tilespmem:$0x18A00] =	vst v63  }
0x7f: {  	s3 =	simm.s32 $0x4A00;
	s24 =	simm.s32 $0x980;
	_ =	swait.ge [sflag:s23], $0x80  }
0x80: {  	s25 =	simm.s32 $0x8A00;
	s31 =	sshrl.u32 s0, $0x1;
	[sflag:s23] =	ssyncset.done $0x0  }
0x81: {  	s0 =	ssub.s32 s0, s31;
	s26 =	simm.s32 $0x7;
	[sflag:s23] =	ssyncadd.s32 $0xFFFFFF80  }
0x82: {  	[tilespmem:s25], [sflag:$0xB] =	stream.indirect.gather [hbm4b:s14+s4], $0x80, s12, s4, $0xb8;
	[tilespmem:$0x18A00] =	vst v63  }
0x83: {  	s28 =	simm.s32 $0x14A00;
	s0 =	smax.u32 s0, $0x1;
	_ =	swait.ge [sflag:s26], $0x80  }
0x84: {  	p0 =	sne.s32 s0, $0x1;
	s10 =	simm.s32 $0x14A00;
	[sflag:s26] =	ssyncset.done $0x0  }
0x85: {  	s16 =	simm.s32 $0x12;
	s22 =	simm.s32 $0x9;
	[sflag:s26] =	ssyncadd.s32 $0xFFFFFF80  }
0x86: {  	[tilespmem:s28], [sflag:$0xE] =	stream.indirect.gather [hbm4b:s14+s4], $0x80, s13, s4, $0xb8;
	[tilespmem:$0x18A00] =	vst v63  }
0x87: {  	s15 =	simm.s32 $0x8;
	s17 =	simm.s32 $0x4;
	_ =	swait.ge [sflag:s22], $0x4000  }
0x88: {  	s8 =	simm.s32 $0x10A00;
	s25 =	simm.s32 $0xC;
	[sflag:s22] =	ssyncset.done $0x0  }
.Ltmp0:
0x89: {  	s29 =	rddreg [dreg:$0x4];
	[sflag:s22] =	ssyncadd.s32 $0xFFFFC000;
	(pc) =	sbr.rel @!p0 .LBB2_3-.Ltmp0, $4  }
0x8a: {  	[hbm4b:s29+s2] =	stream.linear.scatter [tilespmem:s5], [sflag:$0xF], $0x4000, $0x38;
	[tilespmem:$0x18A00] =	vst v63  }
0x8b: {  	s18 =	simm.s32 $0xF;
	s19 =	sadd.s32 $0xFFFFFFFF, s0;
	_ =	swait.ge [sflag:s25], $0x4000  }
0x8c: {  	s21 =	simm.s32 $0x8A00;
	s12 =	simm.s32 $0xD;
	[sflag:s25] =	ssyncset.done $0x0  }
0x8d: {  	s13 =	simm.s32 $0xA;
	s20 =	rddreg [dreg:$0x5];
	[sflag:s25] =	ssyncadd.s32 $0xFFFFC000  }
0x8e: {  	s29 =	simm.s32 $0x780;
	s26 =	simm.s32 $0x980  }
0x8f: {  	s11 =	simm.s32 $0x14A00;
	s23 =	simm.s32 $0x800;
	s28 =	simm.s32 $0x680  }
0x90: {  	s31 =	simm.s32 $0x880;
	s1 =	simm.s32 $0x900;
	s30 =	simm.s32 $0x780  }
.LBB2_2:
0x91: {  	[hbm4b:s20+s2] =	stream.linear.scatter [tilespmem:s6], [sflag:$0x12], $0x4000, $0x38;
	[tilespmem:$0x18A00] =	vst v63  }
0x92: {  	_ =	swait.ge [sflag:s18], $0x4000  }
0x93: {  	[sflag:s18] =	ssyncset.done $0x0  }
0x94: {  	[sflag:s18] =	ssyncadd.s32 $0xFFFFC000  }
0x95: {  	_ =	swait.ge [sflag:s16], $0x4000  }
0x96: {  	[sflag:s16] =	ssyncset.done $0x0  }
0x97: {  	[sflag:s16] =	ssyncadd.s32 $0xFFFFC000  }
0x98: {  	_ =	swait.ge [sflag:s17], $0x80  }
0x99: {  	[sflag:s17] =	ssyncset.done $0x0  }
0x9a: {  	[sflag:s17] =	ssyncadd.s32 $0xFFFFFF80  }
0x9b: {  	[tilespmem:s5], [sflag:$0x9] =	stream.indirect.gather [hbm4b:s14+s4], $0x80, s29, s4, $0xb8;
	[tilespmem:$0x18A00] =	vst v63  }
0x9c: {  	_ =	swait.ge [sflag:s15], $0x80  }
0x9d: {  	[sflag:s15] =	ssyncset.done $0x0  }
0x9e: {  	[sflag:s15] =	ssyncadd.s32 $0xFFFFFF80  }
0x9f: {  	[tilespmem:s6], [sflag:$0xC] =	stream.indirect.gather [hbm4b:s14+s4], $0x80, s26, s4, $0xb8;
	[tilespmem:$0x18A00] =	vst v63  }
0xa0: {  	_ =	swait.ge [sflag:s13], $0x4000  }
0xa1: {  	[sflag:s13] =	ssyncset.done $0x0  }
0xa2: {  	s8 =	simm.s32 $0x4A00;
	s24 =	rddreg [dreg:$0x6];
	[sflag:s13] =	ssyncadd.s32 $0xFFFFC000  }
0xa3: {  	[hbm4b:s24+s2] =	stream.linear.scatter [tilespmem:s8], [sflag:$0x10], $0x4000, $0x38;
	[tilespmem:$0x18A00] =	vst v63  }
0xa4: {  	_ =	swait.ge [sflag:s12], $0x4000  }
0xa5: {  	[sflag:s12] =	ssyncset.done $0x0  }
0xa6: {  	s9 =	simm.s32 $0x10A00;
	s0 =	rddreg [dreg:$0x7];
	[sflag:s12] =	ssyncadd.s32 $0xFFFFC000  }
0xa7: {  	[hbm4b:s0+s2] =	stream.linear.scatter [tilespmem:s9], [sflag:$0x13], $0x4000, $0x38;
	[tilespmem:$0x18A00] =	vst v63  }
0xa8: {  	s0 =	simm.s32 $0xB  }
0xa9: {  	_ =	swait.ge [sflag:s0], $0x4000  }
0xaa: {  	s10 =	simm.s32 $0x8A00;
	[sflag:s0] =	ssyncset.done $0x0  }
0xab: {  	s21 =	simm.s32 $0xE;
	s3 =	rddreg [dreg:$0x8];
	[sflag:s0] =	ssyncadd.s32 $0xFFFFC000  }
0xac: {  	[hbm4b:s3+s2] =	stream.linear.scatter [tilespmem:s10], [sflag:$0x11], $0x4000, $0x38;
	[tilespmem:$0x18A00] =	vst v63  }
0xad: {  	_ =	swait.ge [sflag:s21], $0x4000  }
0xae: {  	[sflag:s21] =	ssyncset.done $0x0  }
0xaf: {  	s24 =	rddreg [dreg:$0x9];
	[sflag:s21] =	ssyncadd.s32 $0xFFFFC000  }
0xb0: {  	[hbm4b:s24+s2] =	stream.linear.scatter [tilespmem:s11], [sflag:$0x14], $0x4000, $0x38;
	[tilespmem:$0x18A00] =	vst v63  }
0xb1: {  	_ =	swait.ge [sflag:s22], $0x4000  }
0xb2: {  	[sflag:s22] =	ssyncset.done $0x0  }
0xb3: {  	s3 =	rddreg [dreg:$0xa];
	[sflag:s22] =	ssyncadd.s32 $0xFFFFC000  }
0xb4: {  	[hbm4b:s3+s2] =	stream.linear.scatter [tilespmem:s5], [sflag:$0xF], $0x4000, $0x38;
	[tilespmem:$0x18A00] =	vst v63  }
0xb5: {  	_ =	swait.ge [sflag:s25], $0x4000  }
0xb6: {  	[sflag:s25] =	ssyncset.done $0x0  }
0xb7: {  	s24 =	simm.s32 $0x10;
	s21 =	rddreg [dreg:$0xb];
	[sflag:s25] =	ssyncadd.s32 $0xFFFFC000  }
0xb8: {  	[hbm4b:s21+s2] =	stream.linear.scatter [tilespmem:s6], [sflag:$0x12], $0x4000, $0x38;
	[tilespmem:$0x18A00] =	vst v63  }
0xb9: {  	_ =	swait.ge [sflag:s24], $0x4000  }
0xba: {  	[sflag:s24] =	ssyncset.done $0x0  }
0xbb: {  	s3 =	simm.s32 $0x13;
	[sflag:s24] =	ssyncadd.s32 $0xFFFFC000  }
0xbc: {  	_ =	swait.ge [sflag:s3], $0x4000  }
0xbd: {  	[sflag:s3] =	ssyncset.done $0x0  }
0xbe: {  	s20 =	simm.s32 $0x11;
	[sflag:s3] =	ssyncadd.s32 $0xFFFFC000  }
0xbf: {  	_ =	swait.ge [sflag:s20], $0x4000  }
0xc0: {  	[sflag:s20] =	ssyncset.done $0x0  }
0xc1: {  	s21 =	simm.s32 $0x14;
	[sflag:s20] =	ssyncadd.s32 $0xFFFFC000  }
0xc2: {  	_ =	swait.ge [sflag:s21], $0x4000  }
0xc3: {  	[sflag:s21] =	ssyncset.done $0x0  }
0xc4: {  	[sflag:s21] =	ssyncadd.s32 $0xFFFFC000  }
0xc5: {  	_ =	swait.ge [sflag:s18], $0x4000  }
0xc6: {  	[sflag:s18] =	ssyncset.done $0x0  }
0xc7: {  	[sflag:s18] =	ssyncadd.s32 $0xFFFFC000  }
0xc8: {  	_ =	swait.ge [sflag:s16], $0x4000  }
0xc9: {  	[sflag:s16] =	ssyncset.done $0x0  }
0xca: {  	s3 =	simm.s32 $0x15;
	s24 =	rddreg [dreg:$0x3];
	[sflag:s16] =	ssyncadd.s32 $0xFFFFC000  }
0xcb: {  	[tilespmem:s2], [sflag:$0x15] =	stream.linear.gather [hbm4b:s24+s2], $0x200, $0x38;
	[tilespmem:$0x18A00] =	vst v63  }
0xcc: {  	_ =	swait.ge [sflag:s3], $0x200  }
0xcd: {  	[sflag:s3] =	ssyncset.done $0x0  }
0xce: {  	[sflag:s3] =	ssyncadd.s32 $0xFFFFFE00  }
0xcf: {  	v0 =	vld [tilespmem:$0x1F0]  }
0xd0: {  	v1 =	vld [tilespmem:$0x170]  }
0xd1: {  	v4 =	vld [tilespmem:$0x30]  }
0xd2: {  	v3 =	vld [tilespmem:$0x20]  }
0xd3: {  	v6 =	vld [tilespmem:$0x70]  }
0xd4: {  	v9 =	vld [tilespmem:$0xF0];
	v0 =	vshll.u32 v0, $0x1  }
0xd5: {  	v7 =	vld [tilespmem:$0x60];
	v1 =	vshll.u32 v1, $0x1;
	[tilespmem:$0x3F0] =	vst v0  }
0xd6: {  	v2 =	vld [tilespmem:$0x10];
	v4 =	vshll.u32 v4, $0x1;
	[tilespmem:$0x370] =	vst v1  }
0xd7: {  	v61 =	vld [tilespmem:$0xE0];
	v3 =	vshll.u32 v3, $0x1;
	[tilespmem:$0x230] =	vst v4  }
0xd8: {  	v5 =	vld [tilespmem:$0x0];
	v60 =	vshll.u32 v6, $0x1;
	[tilespmem:$0x220] =	vst v3  }
0xd9: {  	v12 =	vld [tilespmem:$0xD0];
	v9 =	vshll.u32 v9, $0x1;
	[tilespmem:$0x270] =	vst v60  }
0xda: {  	v13 =	vld [tilespmem:$0xC0];
	v7 =	vshll.u32 v7, $0x1;
	[tilespmem:$0x2F0] =	vst v9  }
0xdb: {  	v14 =	vld [tilespmem:$0xB0];
	v2 =	vshll.u32 v2, $0x1;
	[tilespmem:$0x260] =	vst v7  }
0xdc: {  	v8 =	vld [tilespmem:$0x40];
	v6 =	vshll.u32 v61, $0x1;
	[tilespmem:$0x210] =	vst v2  }
0xdd: {  	v34 =	vld [tilespmem:$0x140];
	v58 =	vshll.u32 v5, $0x1;
	[tilespmem:$0x2E0] =	vst v6  }
0xde: {  	v16 =	vld [tilespmem:$0x90];
	v12 =	vshll.u32 v12, $0x1;
	[tilespmem:$0x200] =	vst v58  }
0xdf: {  	v35 =	vld [tilespmem:$0x130];
	v24 =	vshll.u32 v13, $0x1;
	[tilespmem:$0x2D0] =	vst v12  }
0xe0: {  	v23 =	vld [tilespmem:$0x80];
	v14 =	vshll.u32 v14, $0x1;
	[tilespmem:$0x2C0] =	vst v24  }
0xe1: {  	v36 =	vld [tilespmem:$0x120];
	v63 =	vshll.u32 v8, $0x1;
	[tilespmem:$0x2B0] =	vst v14  }
0xe2: {  	v49 =	vld [tilespmem:$0x1A0];
	v39 =	vshll.u32 v34, $0x1;
	[tilespmem:$0x240] =	vst v63  }
0xe3: {  	v37 =	vld [tilespmem:$0x110];
	v27 =	vshll.u32 v16, $0x1;
	[tilespmem:$0x340] =	vst v39  }
0xe4: {  	v50 =	vld [tilespmem:$0x190];
	v8 =	vshll.u32 v35, $0x1;
	[tilespmem:$0x290] =	vst v27  }
0xe5: {  	v51 =	vld [tilespmem:$0x180];
	v29 =	vshll.u32 v23, $0x1;
	[tilespmem:$0x330] =	vst v8  }
0xe6: {  	v42 =	vshll.u32 v36, $0x1;
	[tilespmem:$0x280] =	vst v29  }
0xe7: {  	v52 =	vshll.u32 v49, $0x1;
	[tilespmem:$0x320] =	vst v42  }
0xe8: {  	v44 =	vshll.u32 v37, $0x1;
	[tilespmem:$0x3A0] =	vst v52  }
0xe9: {  	v53 =	vshll.u32 v50, $0x1;
	[tilespmem:$0x310] =	vst v44  }
0xea: {  	v55 =	vshll.u32 v51, $0x1;
	[tilespmem:$0x390] =	vst v53  }
0xeb: {  	v0 =	vor.u32 $0x1, v0;
	[tilespmem:$0x380] =	vst v55  }
0xec: {  	v1 =	vor.u32 $0x1, v1;
	[tilespmem:$0x5F0] =	vst v0  }
0xed: {  	v4 =	vor.u32 $0x1, v4;
	[tilespmem:$0x570] =	vst v1  }
0xee: {  	v59 =	vor.u32 $0x1, v3;
	[tilespmem:$0x430] =	vst v4  }
0xef: {  	v3 =	vor.u32 $0x1, v60;
	[tilespmem:$0x420] =	vst v59  }
0xf0: {  	v9 =	vor.u32 $0x1, v9;
	[tilespmem:$0x470] =	vst v3  }
0xf1: {  	v62 =	vor.u32 $0x1, v7;
	[tilespmem:$0x4F0] =	vst v9  }
0xf2: {  	v32 =	vld [tilespmem:$0x160];
	v10 =	vor.u32 $0x1, v58;
	[tilespmem:$0x460] =	vst v62  }
0xf3: {  	v17 =	vor.u32 $0x1, v6;
	[tilespmem:$0x400] =	vst v10  }
0xf4: {  	v11 =	vor.u32 $0x1, v2;
	[tilespmem:$0x4E0] =	vst v17  }
0xf5: {  	v25 =	vor.u32 $0x1, v12;
	[tilespmem:$0x410] =	vst v11  }
0xf6: {  	v18 =	vor.u32 $0x1, v24;
	[tilespmem:$0x4D0] =	vst v25  }
0xf7: {  	v2 =	vshll.u32 v32, $0x1;
	[tilespmem:$0x4C0] =	vst v18  }
0xf8: {  	v26 =	vor.u32 $0x1, v14;
	[tilespmem:$0x360] =	vst v2  }
0xf9: {  	v15 =	vor.u32 $0x1, v63;
	[tilespmem:$0x4B0] =	vst v26  }
0xfa: {  	v38 =	vld [tilespmem:$0x100];
	v41 =	vor.u32 $0x1, v39;
	[tilespmem:$0x440] =	vst v15  }
0xfb: {  	v30 =	vor.u32 $0x1, v27;
	[tilespmem:$0x540] =	vst v41  }
0xfc: {  	v43 =	vor.u32 $0x1, v8;
	[tilespmem:$0x490] =	vst v30  }
0xfd: {  	v31 =	vor.u32 $0x1, v29;
	[tilespmem:$0x530] =	vst v43  }
0xfe: {  	v57 =	vld [tilespmem:$0x50];
	v45 =	vor.u32 $0x1, v42;
	[tilespmem:$0x480] =	vst v31  }
0xff: {  	v14 =	vshll.u32 v38, $0x1;
	[tilespmem:$0x520] =	vst v45  }
0x100: {  	v22 =	vld [tilespmem:$0xA0];
	v46 =	vor.u32 $0x1, v44;
	[tilespmem:$0x300] =	vst v14  }
0x101: {  	v48 =	vld [tilespmem:$0x1B0];
	v54 =	vor.u32 $0x1, v52;
	[tilespmem:$0x510] =	vst v46  }
0x102: {  	v56 =	vor.u32 $0x1, v53;
	[tilespmem:$0x5A0] =	vst v54  }
0x103: {  	v0 =	vshll.u32 v57, $0x1;
	[tilespmem:$0x590] =	vst v56  }
0x104: {  	v2 =	vor.u32 $0x1, v2;
	[tilespmem:$0x250] =	vst v0  }
0x105: {  	v33 =	vld [tilespmem:$0x150];
	v3 =	vshll.u32 v22, $0x1;
	[tilespmem:$0x560] =	vst v2  }
0x106: {  	v1 =	vshll.u32 v48, $0x1;
	[tilespmem:$0x2A0] =	vst v3  }
0x107: {  	v47 =	vor.u32 $0x1, v14;
	[tilespmem:$0x3B0] =	vst v1  }
0x108: {  	v57 =	vor.u32 $0x1, v55;
	[tilespmem:$0x500] =	vst v47  }
0x109: {  	v58 =	vld [tilespmem:$0x1D0];
	v21 =	vor.u32 $0x1, v0;
	[tilespmem:$0x580] =	vst v57  }
0x10a: {  	v60 =	vld [tilespmem:$0x1E0];
	v0 =	vshll.u32 v33, $0x1;
	[tilespmem:$0x450] =	vst v21  }
0x10b: {  	v28 =	vor.u32 $0x1, v3;
	[tilespmem:$0x350] =	vst v0  }
0x10c: {  	v59 =	vld [tilespmem:$0x1C0];
	v1 =	vor.u32 $0x1, v1;
	[tilespmem:$0x4A0] =	vst v28  }
0x10d: {  	v40 =	vor.u32 $0x1, v0;
	[tilespmem:$0x5B0] =	vst v1  }
0x10e: {  	[tilespmem:$0x550] =	vst v40;
	v2 =	vshll.u32 v58, $0x1  }
0x10f: {  	v63 =	vshll.u32 v60, $0x1;
	[tilespmem:$0x3D0] =	vst v2  }
0x110: {  	v2 =	vor.u32 $0x1, v2;
	[tilespmem:$0x3E0] =	vst v63  }
0x111: {  	v61 =	vshll.u32 v59, $0x1;
	[tilespmem:$0x5D0] =	vst v2  }
0x112: {  	[tilespmem:$0x3C0] =	vst v61;
	v2 =	vor.u32 $0x1, v63  }
0x113: {  	v62 =	vor.u32 $0x1, v61;
	[tilespmem:$0x5E0] =	vst v2  }
0x114: {  	s0 =	rddreg [dreg:$0xc];
	s3 =	simm.s32 $0x600;
	[tilespmem:$0x5C0] =	vst v62  }
0x115: {  	[tilespmem:s3], [sflag:$0x1] =	stream.indirect.gather [hbm4b:s7+s4], $0x1, s0, s4, $0xb8;
	[tilespmem:$0x18A00] =	vst v63  }
0x116: {  	s21 =	rddreg [dreg:$0xd]  }
0x117: {  	[tilespmem:s23], [sflag:$0x5] =	stream.indirect.gather [hbm4b:s7+s4], $0x1, s21, s4, $0xb8;
	[tilespmem:$0x18A00] =	vst v63  }
0x118: {  	s24 =	rddreg [dreg:$0xe]  }
0x119: {  	[tilespmem:s28], [sflag:$0x2] =	stream.indirect.gather [hbm4b:s7+s4], $0x1, s24, s4, $0xb8;
	[tilespmem:$0x18A00] =	vst v63  }
0x11a: {  	s0 =	rddreg [dreg:$0xf]  }
0x11b: {  	[tilespmem:s31], [sflag:$0x6] =	stream.indirect.gather [hbm4b:s7+s4], $0x1, s0, s4, $0xb8;
	[tilespmem:$0x18A00] =	vst v63  }
0x11c: {  	s21 =	rddreg [dreg:$0x10];
	s0 =	simm.s32 $0x700  }
0x11d: {  	[tilespmem:s0], [sflag:$0x3] =	stream.indirect.gather [hbm4b:s7+s4], $0x1, s21, s4, $0xb8;
	[tilespmem:$0x18A00] =	vst v63  }
0x11e: {  	s24 =	rddreg [dreg:$0x11]  }
0x11f: {  	[tilespmem:s1], [sflag:$0x7] =	stream.indirect.gather [hbm4b:s7+s4], $0x1, s24, s4, $0xb8;
	[tilespmem:$0x18A00] =	vst v63  }
0x120: {  	s20 =	rddreg [dreg:$0x12]  }
0x121: {  	[tilespmem:s29], [sflag:$0x4] =	stream.indirect.gather [hbm4b:s7+s4], $0x1, s20, s4, $0xb8;
	[tilespmem:$0x18A00] =	vst v63  }
0x122: {  	s21 =	rddreg [dreg:$0x13]  }
0x123: {  	[tilespmem:s26], [sflag:$0x8] =	stream.indirect.gather [hbm4b:s7+s4], $0x1, s21, s4, $0xb8;
	[tilespmem:$0x18A00] =	vst v63  }
0x124: {  	s21 =	simm.s32 $0x1  }
0x125: {  	_ =	swait.ge [sflag:s21], $0x80  }
0x126: {  	[sflag:s21] =	ssyncset.done $0x0  }
0x127: {  	s20 =	simm.s32 $0x5;
	[sflag:s21] =	ssyncadd.s32 $0xFFFFFF80  }
0x128: {  	[tilespmem:s5], [sflag:$0x9] =	stream.indirect.gather [hbm4b:s14+s4], $0x80, s3, s4, $0xb8;
	[tilespmem:$0x18A00] =	vst v63  }
0x129: {  	_ =	swait.ge [sflag:s20], $0x80  }
0x12a: {  	[sflag:s20] =	ssyncset.done $0x0  }
0x12b: {  	s21 =	simm.s32 $0x2;
	[sflag:s20] =	ssyncadd.s32 $0xFFFFFF80  }
0x12c: {  	[tilespmem:s6], [sflag:$0xC] =	stream.indirect.gather [hbm4b:s14+s4], $0x80, s23, s4, $0xb8;
	[tilespmem:$0x18A00] =	vst v63  }
0x12d: {  	_ =	swait.ge [sflag:s21], $0x80  }
0x12e: {  	[sflag:s21] =	ssyncset.done $0x0  }
0x12f: {  	s20 =	simm.s32 $0x6;
	[sflag:s21] =	ssyncadd.s32 $0xFFFFFF80  }
0x130: {  	[tilespmem:s8], [sflag:$0xA] =	stream.indirect.gather [hbm4b:s14+s4], $0x80, s28, s4, $0xb8;
	[tilespmem:$0x18A00] =	vst v63  }
0x131: {  	_ =	swait.ge [sflag:s20], $0x80  }
0x132: {  	[sflag:s20] =	ssyncset.done $0x0  }
0x133: {  	s21 =	simm.s32 $0x3;
	[sflag:s20] =	ssyncadd.s32 $0xFFFFFF80  }
0x134: {  	[tilespmem:s9], [sflag:$0xD] =	stream.indirect.gather [hbm4b:s14+s4], $0x80, s31, s4, $0xb8;
	[tilespmem:$0x18A00] =	vst v63  }
0x135: {  	_ =	swait.ge [sflag:s21], $0x80  }
0x136: {  	[sflag:s21] =	ssyncset.done $0x0  }
0x137: {  	s20 =	simm.s32 $0x7;
	[sflag:s21] =	ssyncadd.s32 $0xFFFFFF80  }
0x138: {  	[tilespmem:s10], [sflag:$0xB] =	stream.indirect.gather [hbm4b:s14+s4], $0x80, s0, s4, $0xb8;
	[tilespmem:$0x18A00] =	vst v63  }
0x139: {  	_ =	swait.ge [sflag:s20], $0x80  }
0x13a: {  	[sflag:s20] =	ssyncset.done $0x0  }
0x13b: {  	[sflag:s20] =	ssyncadd.s32 $0xFFFFFF80  }
0x13c: {  	[tilespmem:s11], [sflag:$0xE] =	stream.indirect.gather [hbm4b:s14+s4], $0x80, s1, s4, $0xb8;
	[tilespmem:$0x18A00] =	vst v63  }
0x13d: {  	_ =	swait.ge [sflag:s22], $0x4000  }
0x13e: {  	p0 =	sne.s32 s19, $0x1;
	s19 =	sadd.s32 $0xFFFFFFFF, s19;
	[sflag:s22] =	ssyncset.done $0x0  }
.Ltmp1:
0x13f: {  	s9 =	rddreg [dreg:$0x4];
	[sflag:s22] =	ssyncadd.s32 $0xFFFFC000;
	(pc) =	sbr.rel @p0 .LBB2_2-.Ltmp1, $4  }
0x140: {  	[hbm4b:s9+s2] =	stream.linear.scatter [tilespmem:s5], [sflag:$0xF], $0x4000, $0x38;
	[tilespmem:$0x18A00] =	vst v63  }
0x141: {  	s24 =	simm.s32 $0x980;
	s3 =	simm.s32 $0x4A00;
	_ =	swait.ge [sflag:s25], $0x4000  }
0x142: {  	s8 =	simm.s32 $0x10A00;
	s21 =	simm.s32 $0x8A00;
	[sflag:s25] =	ssyncset.done $0x0  }
0x143: {  	s10 =	simm.s32 $0x14A00;
	s20 =	rddreg [dreg:$0x5];
	[sflag:s25] =	ssyncadd.s32 $0xFFFFC000  }
.LBB2_3:
0x144: {  	[hbm4b:s20+s2] =	stream.linear.scatter [tilespmem:s6], [sflag:$0x12], $0x4000, $0x38;
	[tilespmem:$0x18A00] =	vst v63  }
0x145: {  	_ =	swait.ge [sflag:s18], $0x4000  }
0x146: {  	[sflag:s18] =	ssyncset.done $0x0  }
0x147: {  	[sflag:s18] =	ssyncadd.s32 $0xFFFFC000  }
0x148: {  	_ =	swait.ge [sflag:s16], $0x4000  }
0x149: {  	[sflag:s16] =	ssyncset.done $0x0  }
0x14a: {  	[sflag:s16] =	ssyncadd.s32 $0xFFFFC000  }
0x14b: {  	_ =	swait.ge [sflag:s17], $0x80  }
0x14c: {  	[sflag:s17] =	ssyncset.done $0x0  }
0x14d: {  	[sflag:s17] =	ssyncadd.s32 $0xFFFFFF80  }
0x14e: {  	[tilespmem:s5], [sflag:$0x9] =	stream.indirect.gather [hbm4b:s14+s4], $0x80, s30, s4, $0xb8;
	[tilespmem:$0x18A00] =	vst v63  }
0x14f: {  	_ =	swait.ge [sflag:s15], $0x80  }
0x150: {  	[sflag:s15] =	ssyncset.done $0x0  }
0x151: {  	[sflag:s15] =	ssyncadd.s32 $0xFFFFFF80  }
0x152: {  	[tilespmem:s6], [sflag:$0xC] =	stream.indirect.gather [hbm4b:s14+s4], $0x80, s24, s4, $0xb8;
	[tilespmem:$0x18A00] =	vst v63  }
0x153: {  	_ =	swait.ge [sflag:s13], $0x4000  }
0x154: {  	[sflag:s13] =	ssyncset.done $0x0  }
0x155: {  	s1 =	rddreg [dreg:$0x6];
	[sflag:s13] =	ssyncadd.s32 $0xFFFFC000  }
0x156: {  	[hbm4b:s1+s2] =	stream.linear.scatter [tilespmem:s3], [sflag:$0x10], $0x4000, $0x38;
	[tilespmem:$0x18A00] =	vst v63  }
0x157: {  	_ =	swait.ge [sflag:s12], $0x4000  }
0x158: {  	[sflag:s12] =	ssyncset.done $0x0  }
0x159: {  	s0 =	simm.s32 $0xB;
	s17 =	rddreg [dreg:$0x7];
	[sflag:s12] =	ssyncadd.s32 $0xFFFFC000  }
0x15a: {  	[hbm4b:s17+s2] =	stream.linear.scatter [tilespmem:s8], [sflag:$0x13], $0x4000, $0x38;
	[tilespmem:$0x18A00] =	vst v63  }
0x15b: {  	_ =	swait.ge [sflag:s0], $0x4000  }
0x15c: {  	[sflag:s0] =	ssyncset.done $0x0  }
0x15d: {  	s20 =	simm.s32 $0xE;
	s19 =	rddreg [dreg:$0x8];
	[sflag:s0] =	ssyncadd.s32 $0xFFFFC000  }
0x15e: {  	[hbm4b:s19+s2] =	stream.linear.scatter [tilespmem:s21], [sflag:$0x11], $0x4000, $0x38;
	[tilespmem:$0x18A00] =	vst v63  }
0x15f: {  	_ =	swait.ge [sflag:s20], $0x4000  }
0x160: {  	[sflag:s20] =	ssyncset.done $0x0  }
0x161: {  	s21 =	rddreg [dreg:$0x9];
	[sflag:s20] =	ssyncadd.s32 $0xFFFFC000  }
0x162: {  	[hbm4b:s21+s2] =	stream.linear.scatter [tilespmem:s10], [sflag:$0x14], $0x4000, $0x38;
	[tilespmem:$0x18A00] =	vst v63  }
0x163: {  	_ =	swait.ge [sflag:s22], $0x4000  }
0x164: {  	[sflag:s22] =	ssyncset.done $0x0  }
0x165: {  	s23 =	rddreg [dreg:$0xa];
	[sflag:s22] =	ssyncadd.s32 $0xFFFFC000  }
0x166: {  	[hbm4b:s23+s2] =	stream.linear.scatter [tilespmem:s5], [sflag:$0xF], $0x4000, $0x38;
	[tilespmem:$0x18A00] =	vst v63  }
0x167: {  	_ =	swait.ge [sflag:s25], $0x4000  }
0x168: {  	[sflag:s25] =	ssyncset.done $0x0  }
0x169: {  	s26 =	simm.s32 $0x10;
	s24 =	rddreg [dreg:$0xb];
	[sflag:s25] =	ssyncadd.s32 $0xFFFFC000  }
0x16a: {  	[hbm4b:s24+s2] =	stream.linear.scatter [tilespmem:s6], [sflag:$0x12], $0x4000, $0x38;
	[tilespmem:$0x18A00] =	vst v63  }
0x16b: {  	_ =	swait.ge [sflag:s26], $0x4000  }
0x16c: {  	[sflag:s26] =	ssyncset.done $0x0  }
0x16d: {  	s28 =	simm.s32 $0x13;
	[sflag:s26] =	ssyncadd.s32 $0xFFFFC000  }
0x16e: {  	_ =	swait.ge [sflag:s28], $0x4000  }
0x16f: {  	[sflag:s28] =	ssyncset.done $0x0  }
0x170: {  	s29 =	simm.s32 $0x11;
	[sflag:s28] =	ssyncadd.s32 $0xFFFFC000  }
0x171: {  	_ =	swait.ge [sflag:s29], $0x4000  }
0x172: {  	[sflag:s29] =	ssyncset.done $0x0  }
0x173: {  	s30 =	simm.s32 $0x14;
	[sflag:s29] =	ssyncadd.s32 $0xFFFFC000  }
0x174: {  	_ =	swait.ge [sflag:s30], $0x4000  }
0x175: {  	[sflag:s30] =	ssyncset.done $0x0  }
0x176: {  	[sflag:s30] =	ssyncadd.s32 $0xFFFFC000  }
0x177: {  	_ =	swait.ge [sflag:s18], $0x4000  }
0x178: {  	[sflag:s18] =	ssyncset.done $0x0  }
0x179: {  	[sflag:s18] =	ssyncadd.s32 $0xFFFFC000  }
0x17a: {  	_ =	swait.ge [sflag:s16], $0x4000  }
0x17b: {  	[sflag:s16] =	ssyncset.done $0x0  }
0x17c: {  	[sflag:s16] =	ssyncadd.s32 $0xFFFFC000  }
0x17d: {  	_ =	sfence.sel $0x180000  }
0x17e: {  	[bflag:$0x0] =	sbarrier.arrive $0xFFFF  }
0x17f: {  	_ =	strace $0x9000004D  }
0x180: {  	s31 =	stileid.u32;
	[bflag:$0x2] =	sbarrier.arrive $0xFFFF  }
0x181: {  	p0 =	sne.s32 s31, $0x0;
	s0 =	rddreg [dreg:$0x2]  }
0x182: {  	s0 =	sadd.s32 @!p0 $0x100000, s0  }
0x183: {  	[sflag:s0] =	ssyncadd.tile.s32 @!p0 $0x1;
	_ =	shalt  }
.Lfunc_end2:
_tile_overlayer_lowered:
.L_overlay_start_2:
0x184: {  	(tag) =	ssettag $0x2  }
0x185: {  	s0 =	rddreg [dreg:$0x0];
	s2 =	stileid.u32  }
0x186: {  	s1 =	rddreg [dreg:$0x1];
	p0 =	sne.s32 s2, $0x0  }
0x187: {  	s3 =	rddreg [dreg:$0x2];
	[bflag:$0x3] =	sbarrier.arrive $0xFFFF;
	s2 =	simm.s32 @!p0 $0x1C15  }
0x188: {  	[timem:s3], [sflag:s2] =	dma.local @!p0 [hbm:s0], s1  }
0x189: {  	s0 =	simm.s32 @!p0 $0x15  }
0x18a: {  	_ =	swait.ge @!p0 [sflag:s0], s1  }
0x18b: {  	s1 =	ssub.s32 @!p0 $0x0, s1;
	[sflag:s0] =	ssyncset.done @!p0 $0x0  }
0x18c: {  	[sflag:s0] =	ssyncadd.s32 @!p0 s1  }
0x18d: {  	[bflag:$0x3] =	sbarrier.arrive $0xFFFF  }
0x18e: {  	_ =	shalt  }

// kernel: kernel.8.cloned.1.call-start
scs
__scs_entry_jumppad:
0x0: {  	(pc) =	sbr.rel $0x88, $3  }
0x1: {  	(tag) =	ssettag $0x0;
	lr =	simm.s32 $0x1  }
0x2: {  	[smem:$0x3F8B] =	sst lr;
	_ =	strace $0xD0000000  }
0x3: {  	_ = 	snop  }
0x4: {  	_ = 	snop  }
0x5: {  	_ = 	snop  }
0x6: {  	_ = 	snop  }
0x7: {  	_ = 	snop  }
__scs_overlays_trampoline_lowered:
0x8: {  	[smem:$0x3F9A] =	sst s0  }
0x9: {  	[smem:$0x3F9B] =	sst s1  }
0xa: {  	[smem:$0x3F9C] =	sst s2  }
0xb: {  	[smem:$0x3F9D] =	sst s3  }
0xc: {  	[smem:$0x3F9E] =	sst s4  }
0xd: {  	[smem:$0x3F9F] =	sst s5  }
0xe: {  	[smem:$0x3FA0] =	sst s6  }
0xf: {  	[smem:$0x3FA1] =	sst s7  }
0x10: {  	[smem:$0x3FA2] =	sst s8  }
0x11: {  	[smem:$0x3FA3] =	sst s9;
	s0 =	simm.s32 @!p0 $0x0  }
0x12: {  	s1 =	sld [smem:$0x3F89];
	s0 =	simm.s32 @p0 $0x1  }
0x13: {  	[smem:$0x3FA4] =	sst s0;
	s0 =	simm.s32 @!p1 $0x0  }
0x14: {  	s2 =	sld [smem:$0x3F88];
	s0 =	simm.s32 @p1 $0x1  }
0x15: {  	[smem:$0x3FA5] =	sst s0;
	s0 =	simm.s32 @!p2 $0x0  }
0x16: {  	s3 =	sld [smem:$0x3FDB];
	s0 =	simm.s32 @p2 $0x1  }
0x17: {  	s4 =	simm.s32 $0x1BF5;
	[smem:$0x3FA7] =	sst s0  }
0x18: {  	s0 =	sld [smem:$0x3F8A];
	_ =	swait.ge [sflag:s4], $0x0  }
0x19: {  	s7 =	sld [smem:$0x3F8B]  }
0x1a: {  	s8 =	sadd.s32 $0xFFFFE003, lr  }
0x1b: {  	s9 =	sadd.s32 $0xFFFFFEF7, lr;
	s5 =	simm.s32 $0xFFFFFFFF;
	p2 =	slt.u32 s8, $0xFFFFF086  }
0x1c: {  	p1 =	slt.u32 s9, $0xF7A;
	s5 =	simm.s32 @!p2 $0x0  }
0x1d: {  	s5 =	simm.s32 @p1 $0x1;
	p0 =	seq.s32 s7, s2  }
0x1e: {  	s7 =	smul.u32 @!p0 $0xF7A, s2;
	p2 =	seq.s32 @!p0 s5, $0x0  }
0x1f: {  	s9 =	smul.u32 $0xF7A, s1;
	s8 =	simm.s32 @!p0 $0x1BF5;
	p2 =	por !p2, p0  }
0x20: {  	[sflag:s8] =	ssyncset.s32 @!p0 $0xFFFFF086;
	s6 =	sadd.s32 @!p0 s3, s7;
	s7 =	simm.s32 @!p0 $0x108  }
0x21: {  	s3 =	sadd.s32 s3, s9;
	s6 =	sadd.s32 @!p0 $0x88, s6;
	s7 =	simm.s32 @p2 $0x1082  }
0x22: {  	[simem:s7], [sflag:s8] =	dma.local @!p0 [hbm:s6], $0xF7A  }
0x23: {  	s9 =	sor.u32 $0xD0000000, s2;
	s6 =	simm.s32 $0x108;
	_ =	swait.ge @!p0 [sflag:s8], $0x0  }
0x24: {  	s3 =	sadd.s32 $0x88, s3;
	s6 =	simm.s32 @!p1 $0x1082;
	[sflag:s4] =	ssyncset.s32 $0xFFFFF086  }
0x25: {  	[simem:s6], [sflag:s4] =	dma.local [hbm:s3], $0xF7A  }
0x26: {  	[smem:$0x3F8B] =	sst s1;
	(tag) =	ssettag s2;
	_ =	strace s9  }
0x27: {  	s1 =	sld [smem:$0x3F9B]  }
0x28: {  	s2 =	sld [smem:$0x3F9C]  }
0x29: {  	s4 =	sld [smem:$0x3F9E]  }
0x2a: {  	p0 =	seq.s32 s5, $0x0;
	s5 =	sld [smem:$0x3F9F]  }
0x2b: {  	s6 =	sld [smem:$0x3FA0]  }
0x2c: {  	s7 =	sld [smem:$0x3FA1]  }
0x2d: {  	s3 =	simm.s32 $0x108;
	s8 =	sld [smem:$0x3FA2]  }
0x2e: {  	s3 =	simm.s32 @!p0 $0x1082;
	s9 =	sld [smem:$0x3FA3]  }
0x2f: {  	lr =	sadd.s32 s0, s3;
	s0 =	sld [smem:$0x3F9A]  }
0x30: {  	s3 =	sld [smem:$0x3F9D]  }
0x31: {  	[smem:$0x3FA6] =	sst s10  }
0x32: {  	s10 =	sld [smem:$0x3FA4];
	_ =	sdelay $0x3  }
0x33: {  	p0 =	seq.s32 s10, $0x1;
	s10 =	sld [smem:$0x3FA6];
	_ =	sdelay $0x3  }
0x34: {  	[smem:$0x3FA6] =	sst s10  }
0x35: {  	s10 =	sld [smem:$0x3FA5];
	_ =	sdelay $0x3  }
0x36: {  	p1 =	seq.s32 s10, $0x1;
	s10 =	sld [smem:$0x3FA6];
	_ =	sdelay $0x3  }
0x37: {  	[smem:$0x3FA6] =	sst s10  }
0x38: {  	s10 =	sld [smem:$0x3FA7]  }
0x39: {  	_ = 	snop;
	(pc) =	sbr.ind lr, $3  }
0x3a: {  	_ = 	snop  }
0x3b: {  	_ = 	snop  }
0x3c: {  	p2 =	seq.s32 s10, $0x1;
	s10 =	sld [smem:$0x3FA6]  }
0x3d: {  	_ =	shalt  }
0x3e: {  	_ =	shalt  }
0x3f: {  	_ =	shalt  }
0x40: {  	_ =	shalt  }
0x41: {  	_ =	shalt  }
0x42: {  	_ =	shalt  }
0x43: {  	_ =	shalt  }
0x44: {  	_ =	shalt  }
0x45: {  	_ =	shalt  }
0x46: {  	_ =	shalt  }
0x47: {  	_ =	shalt  }
0x48: {  	_ =	shalt  }
0x49: {  	_ =	shalt  }
0x4a: {  	_ =	shalt  }
0x4b: {  	_ =	shalt  }
0x4c: {  	_ =	shalt  }
0x4d: {  	_ =	shalt  }
0x4e: {  	_ =	shalt  }
0x4f: {  	_ =	shalt  }
0x50: {  	_ =	shalt  }
0x51: {  	_ =	shalt  }
0x52: {  	_ =	shalt  }
0x53: {  	_ =	shalt  }
0x54: {  	_ =	shalt  }
0x55: {  	_ =	shalt  }
0x56: {  	_ =	shalt  }
0x57: {  	_ =	shalt  }
0x58: {  	_ =	shalt  }
0x59: {  	_ =	shalt  }
0x5a: {  	_ =	shalt  }
0x5b: {  	_ =	shalt  }
0x5c: {  	_ =	shalt  }
0x5d: {  	_ =	shalt  }
0x5e: {  	_ =	shalt  }
0x5f: {  	_ =	shalt  }
0x60: {  	_ =	shalt  }
0x61: {  	_ =	shalt  }
0x62: {  	_ =	shalt  }
0x63: {  	_ =	shalt  }
0x64: {  	_ =	shalt  }
0x65: {  	_ =	shalt  }
0x66: {  	_ =	shalt  }
0x67: {  	_ =	shalt  }
0x68: {  	_ =	shalt  }
0x69: {  	_ =	shalt  }
0x6a: {  	_ =	shalt  }
0x6b: {  	_ =	shalt  }
0x6c: {  	_ =	shalt  }
0x6d: {  	_ =	shalt  }
0x6e: {  	_ =	shalt  }
0x6f: {  	_ =	shalt  }
0x70: {  	_ =	shalt  }
0x71: {  	_ =	shalt  }
0x72: {  	_ =	shalt  }
0x73: {  	_ =	shalt  }
0x74: {  	_ =	shalt  }
0x75: {  	_ =	shalt  }
0x76: {  	_ =	shalt  }
0x77: {  	_ =	shalt  }
0x78: {  	_ =	shalt  }
0x79: {  	_ =	shalt  }
0x7a: {  	_ =	shalt  }
0x7b: {  	_ =	shalt  }
0x7c: {  	_ =	shalt  }
0x7d: {  	_ =	shalt  }
0x7e: {  	_ =	shalt  }
0x7f: {  	_ =	shalt  }
0x80: {  	_ =	shalt  }
0x81: {  	_ =	shalt  }
0x82: {  	_ =	shalt  }
0x83: {  	_ =	shalt  }
0x84: {  	_ =	shalt  }
0x85: {  	_ =	shalt  }
0x86: {  	_ =	shalt  }
0x87: {  	_ =	shalt  }
.Lfunc_end0:
.L_simem_size_0:
called_computation_lowered:
.L_overlay_start_0:
0x88: {  	s2 =	sld [smem:$0x3FD9]  }
0x89: {  	s3 =	sld [smem:$0x3FFE];
	_ =	sdelay $0x1  }
0x8a: {  	s1 =	srdreg.scid  }
0x8b: {  	s0 =	sand.u32 $0x1, s1  }
0x8c: {  	s17 =	sshll.u32 s0, $0xA;
	s2 =	sadd.s32 s3, s2  }
0x8d: {  	s2 =	sadd.s32 s2, s17  }
0x8e: {  	[smem:$0x3FB2] =	sst s2  }
0x8f: {  	_ = 	snop  }
0x90: {  	s2 =	sld [smem:$0x3FC9];
	(tm) =	ssettm $0x1  }
0x91: {  	s18 =	sld [smem:$0x3FFB];
	_ =	sdelay $0x3  }
0x92: {  	_ =	strace s18  }
0x93: {  	s3 =	sld [smem:$0x3FFC];
	_ =	sdelay $0x3  }
0x94: {  	_ =	strace s3  }
0x95: {  	s3 =	sld [smem:$0x3FFD];
	_ =	sdelay $0x3  }
0x96: {  	_ =	strace s3  }
0x97: {  	_ =	strace $0x8FFFFFFF  }
0x98: {  	s19 =	sld [smem:$0x3FDB];
	_ =	sdelay $0x1  }
0x99: {  	s4 =	simm.s32 $_scs_section_size  }
0x9a: {  	s5 =	simm.s32 $_size__tile_overlayer_lowered;
	s6 =	simm.s32 $_tile_overlayer_lowered  }
0x9b: {  	s22 =	simm.s32 $0x1BFF;
	s21 =	sshll.u32 s6, $0x1;
	s3 =	sadd.s32 s4, s19  }
0x9c: {  	s7 =	simm.s32 $0x0;
	s20 =	sshll.u32 s5, $0x1;
	s5 =	sadd.s32 s21, s3  }
0x9d: {  	[timem:s7], [sflag:s22] =	dma.local [hbm:s5], s20  }
0x9e: {  	_ =	swait.ge [sflag:s22], s20  }
0x9f: {  	s4 =	ssub.s32 $0x0, s20;
	[sflag:s22] =	ssyncset.done $0x0  }
0xa0: {  	[sflag:s22] =	ssyncadd.s32 s4;
	_ =	sdelay $0x1  }
0xa1: {  	s23 =	simm.s32 $0x1B8B  }
0xa2: {  	_ =	swait.ge [sflag:s23], $0x1  }
0xa3: {  	[sflag:s23] =	ssyncset.done $0x0  }
0xa4: {  	s25 =	simm.s32 $0x1B8E;
	s24 =	sld [smem:$0x3FFE];
	[sflag:s23] =	ssyncadd.s32 $0xFFFFFFFF  }
0xa5: {  	s26 =	simm.s32 $execute0_lowered;
	[smem:$0x3FD2] =	sst s25  }
0xa6: {  	s5 =	sshll.u32 s26, $0x1;
	_ =	strace $0x80000046;
	[dreg:$0x1] =	wrdreg $0xFFFFFFFF  }
0xa7: {  	s28 =	simm.s32 $_size_execute0_lowered;
	s3 =	sadd.s32 s3, s5;
	[dreg:$0x0] =	wrdreg $0x0  }
0xa8: {  	s5 =	sshll.u32 s28, $0x1;
	[dreg:$0x2] =	wrdreg s3  }
0xa9: {  	[dreg:$0x3] =	wrdreg s5  }
0xaa: {  	[dreg:$0x4] =	wrdreg $0xC0  }
0xab: {  	_ =	task [dreg:s7], $0x5FFFF  }
0xac: {  	[dreg:$0x1] =	wrdreg $0xFFFFFFFF  }
0xad: {  	[dreg:$0x0] =	wrdreg $0x60  }
0xae: {  	[dreg:$0x2] =	wrdreg s2  }
0xaf: {  	[dreg:$0x3] =	wrdreg s24  }
0xb0: {  	[dreg:$0x4] =	wrdreg $0xA8000  }
0xb1: {  	[dreg:$0x5] =	wrdreg $0x9  }
0xb2: {  	_ =	task.clear_ibuf [dreg:s7], $0x6FFFF;
	_ =	strace $0x90000046  }
0xb3: {  	s29 =	simm.s32 $0x9;
	_ =	strace $0x80000048  }
0xb4: {  	_ =	swait.ge [sflag:s29], $0x1  }
0xb5: {  	[sflag:s29] =	ssyncadd.s32 $0xFFFFFFFF  }
0xb6: {  	_ =	strace $0x90000048  }
0xb7: {  	_ =	sfence  }
0xb8: {  	s30 =	sld [smem:$0x0];
	_ =	sdelay $0x2  }
0xb9: {  	s31 =	sshll.u32 s1, $0xD;
	s1 =	sshrl.u32 s1, $0x2  }
0xba: {  	s3 =	sand.u32 $0x4000, s31;
	s1 =	sadd.s32 s1, s30  }
0xbb: {  	s0 =	sor.u32 s3, s0;
	s1 =	sshll.u32 s1, $0x11  }
0xbc: {  	s0 =	sor.u32 s1, s0  }
0xbd: {  	s0 =	sadd.s32 $0x8F2B, s0  }
0xbe: {  	[sflag:s0] =	ssyncadd.remote.s32 $0x1  }
0xbf: {  	_ =	sfence.sel $0xFFFF  }
0xc0: {  	[dreg:$0x0] =	wrdreg $0xFFFFFFFF;
	(pc) =	sbr.abs _section_cstart, $3  }
0xc1: {  	[dreg:$0x1] =	wrdreg $0xFFFFFFFF  }
0xc2: {  	_ =	task.clear_ibuf [dreg:s7], $0x2FFFF;
	_ =	strace $0x9FFFFFFF  }
0xc3: {  	(tm) =	ssettm $0x7FFFFFFF  }
tec
execute0_lowered:
.L_overlay_start_1:
0x0: {  	(tag) =	ssettag $0x1  }
0x1: {  	s1 =	rddreg [dreg:$0x0]  }
0x2: {  	s0 =	rddreg [dreg:$0x1]  }
0x3: {  	s2 =	rddreg [dreg:$0x2];
	s4 =	srdreg.scid;
	s3 =	simm.s32 $0x0  }
0x4: {  	s12 =	stileid.u32;
	s31 =	simm.s32 $0x180;
	s29 =	simm.s32 $0x200  }
0x5: {  	s30 =	simm.s32 $0x300;
	s28 =	simm.s32 $0x380;
	s6 =	sand.u32 $0x1, s4  }
0x6: {  	[smem:$0x7FF] =	sst s3;
	s13 =	sadd.s32 $0xEE00, s0;
	s14 =	sadd.s32 $0x5000, s0  }
0x7: {  	s5 =	sadd.s32 $0x18C00, s0;
	s15 =	sadd.s32 $0x3FE00, s0;
	s16 =	sadd.s32 $0x67000, s0  }
0x8: {  	s24 =	smul.u32 $0x2710, s12;
	p1 =	sne.s32 s12, $0x0;
	s4 =	sshll.u32 s6, $0x4  }
0x9: {  	p2 =	sne.s32 s12, $0xF;
	_ =	strace $0x80000047;
	s4 =	sor.u32 s12, s4  }
0xa: {  	[dreg:$0x13] =	wrdreg s5;
	s21 =	ssub.s32 $0x2, s6;
	s4 =	smul.u32 $0x2710, s4  }
0xb: {  	p3 =	seq.s32 s12, $0xF;
	[dreg:$0x12] =	wrdreg s14;
	s22 =	sshrl.u32 s21, $0x1  }
0xc: {  	[dreg:$0x14] =	wrdreg s15;
	s0 =	ssub.s32 s21, s22;
	s7 =	sadd.s32 $0x28, s4  }
0xd: {  	[dreg:$0x15] =	wrdreg s16;
	s0 =	smax.u32 s0, $0x1;
	s23 =	sshrl.u32 s7, $0x3  }
0xe: {  	s25 =	sadd.s32 $0x78, s4;
	[smem:$0x7FB] =	sst s0;
	s9 =	sadd.s32 s13, s23  }
0xf: {  	s26 =	sshrl.u32 s25, $0x3;
	s5 =	sadd.s32 s14, s23;
	[dreg:$0x16] =	wrdreg s9  }
0x10: {  	s7 =	sshrl.u32 s4, $0x3;
	s18 =	sadd.s32 s13, s26;
	[dreg:$0x17] =	wrdreg s5  }
0x11: {  	s10 =	sadd.s32 $0xA, s7;
	s20 =	sadd.s32 s14, s26;
	[dreg:$0x1a] =	wrdreg s18  }
0x12: {  	s8 =	smul.u32 $0x27100, s6;
	s11 =	sadd.s32 s13, s10;
	[dreg:$0x1b] =	wrdreg s20  }
0x13: {  	p0 =	seq.s32 s6, $0x1;
	s17 =	sadd.s32 s14, s10;
	[dreg:$0x18] =	wrdreg s11  }
0x14: {  	s5 =	sadd.s32 s24, s8;
	s9 =	sadd.s32 $0x14, s7;
	[dreg:$0x19] =	wrdreg s17  }
0x15: {  	s19 =	sadd.s32 $0x258, s5;
	s21 =	sadd.s32 s13, s9;
	s23 =	sadd.s32 $0x230, s5  }
0x16: {  	s9 =	sadd.s32 s14, s9;
	s8 =	sshrl.u32 s19, $0x3;
	[dreg:$0x1c] =	wrdreg s21  }
0x17: {  	s26 =	sadd.s32 $0x208, s5;
	[dreg:$0x1d] =	wrdreg s9;
	s22 =	sadd.s32 s8, s14  }
0x18: {  	s24 =	sshrl.u32 s23, $0x3;
	s8 =	sadd.s32 s8, s13;
	[dreg:$0x4] =	wrdreg s22  }
0x19: {  	s18 =	sadd.s32 $0x1E0, s5;
	s25 =	sadd.s32 s24, s14;
	[dreg:$0x5] =	wrdreg s8  }
0x1a: {  	s11 =	sshrl.u32 s26, $0x3;
	s10 =	sadd.s32 s24, s13;
	[dreg:$0x6] =	wrdreg s25  }
0x1b: {  	s20 =	sshrl.u32 s18, $0x3;
	s17 =	sadd.s32 s11, s14;
	[dreg:$0x7] =	wrdreg s10  }
0x1c: {  	s26 =	sadd.s32 $0x190, s5;
	s19 =	sadd.s32 s11, s13;
	[dreg:$0x8] =	wrdreg s17  }
0x1d: {  	s21 =	sadd.s32 s20, s14;
	s23 =	sadd.s32 s20, s13;
	[dreg:$0x9] =	wrdreg s19  }
0x1e: {  	s20 =	sadd.s32 $0x168, s5;
	s11 =	sadd.s32 s13, s7;
	[dreg:$0xa] =	wrdreg s21  }
0x1f: {  	s22 =	sadd.s32 $0x1B8, s5;
	[dreg:$0xb] =	wrdreg s23;
	s17 =	sshrl.u32 s26, $0x3  }
0x20: {  	s19 =	sadd.s32 $0xC8, s4;
	s8 =	sshrl.u32 s20, $0x3;
	[smem:$0x7F2] =	sst s11  }
0x21: {  	s20 =	smul.u32 $0x2700, s12;
	s24 =	sshrl.u32 s22, $0x3;
	s18 =	sadd.s32 s17, s14  }
0x22: {  	s9 =	sshrl.u32 s19, $0x3;
	s21 =	sadd.s32 s8, s14;
	s23 =	sadd.s32 s8, s13  }
0x23: {  	s19 =	smul.u32 $0x4E000, s12;
	s12 =	smov.u32 s13;
	[dreg:$0xe] =	wrdreg s18  }
0x24: {  	s25 =	sadd.s32 s24, s14;
	s10 =	sadd.s32 s24, s13;
	[dreg:$0x10] =	wrdreg s21  }
0x25: {  	s22 =	sadd.s32 s13, s9;
	s24 =	sadd.s32 $0x1E, s7;
	[dreg:$0x11] =	wrdreg s23  }
0x26: {  	s9 =	sadd.s32 s14, s9;
	s18 =	sadd.s32 $0x4D8, s7;
	[dreg:$0xc] =	wrdreg s25  }
0x27: {  	s23 =	sadd.s32 s15, s20;
	s15 =	simm.s32 $0x80;
	[dreg:$0xd] =	wrdreg s10  }
0x28: {  	s10 =	sadd.s32 s17, s13;
	[dreg:$0x1e] =	wrdreg s22;
	s25 =	sadd.s32 $0x118, s4  }
0x29: {  	[dreg:$0x1f] =	wrdreg s9;
	s26 =	sadd.s32 s13, s24;
	s8 =	sadd.s32 s14, s24  }
0x2a: {  	s17 =	sadd.s32 s14, s7;
	s4 =	sadd.s32 $0x26E8, s4;
	[smem:$0x7F9] =	sst s23  }
0x2b: {  	s7 =	sadd.s32 s13, s18;
	s22 =	sshrl.u32 s19, $0x2;
	[dreg:$0xf] =	wrdreg s10  }
0x2c: {  	s24 =	sadd.s32 s16, s20;
	s16 =	simm.s32 $0x480;
	[smem:$0x7EE] =	sst s26  }
0x2d: {  	s20 =	simm.s32 $0x100;
	s19 =	simm.s32 $0x700;
	[smem:$0x7EF] =	sst s8  }
0x2e: {  	s23 =	simm.s32 $0x28;
	s9 =	simm.s32 $0x7;
	[smem:$0x7F3] =	sst s17  }
0x2f: {  	s6 =	sshrl.u32 s25, $0x3;
	[smem:$0x7F4] =	sst s7;
	s4 =	sshrl.u32 s4, $0x3  }
0x30: {  	[smem:$0x7FA] =	sst s24;
	s25 =	sadd.s32 $0x140, s5;
	s26 =	sadd.s32 $0x138000, s2  }
0x31: {  	s17 =	simm.s32 $0x600;
	s24 =	simm.s32 $0x2;
	s5 =	simm.s32 $0x5  }
0x32: {  	s8 =	simm.s32 $0x6;
	s7 =	simm.s32 $0x8;
	s10 =	sadd.s32 s13, s6  }
0x33: {  	s6 =	sadd.s32 s14, s6;
	s21 =	sadd.s32 s13, s4;
	[smem:$0x7FC] =	sst s25  }
0x34: {  	s4 =	sadd.s32 s14, s4;
	s0 =	sshrl.u32 s26, $0x3;
	[smem:$0x7F0] =	sst s10  }
0x35: {  	s13 =	simm.s32 $0x400;
	s25 =	simm.s32 $0x3;
	[smem:$0x7F1] =	sst s6  }
.Ltmp0:
0x36: {  	s26 =	simm.s32 $0x4;
	[smem:$0x7F6] =	sst s21;
	(pc) =	sbr.rel .LBB2_1-.Ltmp0, $4  }
0x37: {  	s6 =	sadd.s32 s14, s18;
	[smem:$0x7F7] =	sst s4;
	s4 =	sadd.s32 s22, s2  }
0x38: {  	[smem:$0x7FD] =	sst s0;
	s0 =	simm.s32 $0x500;
	s10 =	simm.s32 $0x580  }
0x39: {  	s14 =	simm.s32 $0x280;
	s18 =	simm.s32 $0x680;
	[smem:$0x7F5] =	sst s6  }
0x3a: {  	s22 =	simm.s32 $0x1;
	s21 =	simm.s32 $0x0;
	[smem:$0x7F8] =	sst s4  }
.LBB2_6:
0x3b: {  	s11 =	sld [smem:$0x7FD];
	_ =	sdelay $0x1  }
0x3c: {  	s6 =	sadd.s32 $0x27000, s6;
	s20 =	simm.s32 $0x19  }
0x3d: {  	[hbm:s6], [sflag:s4] =	dma.local [spmem:s11], $0x100  }
0x3e: {  	_ =	swait.ge [sflag:s20], $0x100  }
0x3f: {  	[sflag:s20] =	ssyncset.done $0x0  }
0x40: {  	[sflag:s20] =	ssyncadd.s32 $0xFFFFFF00  }
.LBB2_7:
0x41: {  	s4 =	sld [smem:$0x7FB];
	_ =	sdelay $0x1  }
0x42: {  	s21 =	sadd.s32 $0x1, s21  }
0x43: {  	p4 =	sne.s32 s21, s4  }
.Ltmp1:
0x44: {  	_ = 	snop;
	(pc) =	sbr.rel @!p4 .LBB2_8-.Ltmp1, $2  }
0x45: {  	_ =	sdelay $0x2  }
0x46: {  	s13 =	simm.s32 $0x400;
	s20 =	simm.s32 $0x100  }
.LBB2_1:
0x47: {  	[smem:$0x7ED] =	sst s21  }
0x48: {  	s4 =	sshrl.u32 @!p1 s2, $0x3;
	s6 =	simm.s32 @!p1 $0x1C19;
	s11 =	rddreg [dreg:$0x13]  }
0x49: {  	[spmem:s4], [sflag:s6] =	dma.local @!p1 [hbm:s11], $0x27100  }
0x4a: {  	s4 =	simm.s32 @!p1 $0x19  }
0x4b: {  	_ =	swait.ge @!p1 [sflag:s4], $0x27100  }
0x4c: {  	[sflag:s4] =	ssyncset.done @!p1 $0x0  }
0x4d: {  	[sflag:s4] =	ssyncadd.s32 @!p1 $0xFFFD8F00  }
0x4e: {  	[bflag:$0x0] =	sbarrier.arrive $0xFFFF  }
0x4f: {  	s21 =	sld [smem:$0x7F2];
	_ =	sdelay $0x1  }
0x50: {  	s6 =	sld [smem:$0x7F3]  }
0x51: {  	[tilespmem:s3], [sflag:$0x1] =	stream.linear.gather [hbm4b:s21+s3], $0x28, $0x38;
	[tilespmem:$0x1E080] =	vst v63  }
0x52: {  	s11 =	rddreg [dreg:$0x16]  }
0x53: {  	[tilespmem:s13], [sflag:$0x1] =	stream.linear.gather [hbm4b:s6+s3], $0x28, $0x38;
	[tilespmem:$0x1E080] =	vst v63  }
0x54: {  	s21 =	rddreg [dreg:$0x17]  }
0x55: {  	[tilespmem:s15], [sflag:$0x2] =	stream.linear.gather [hbm4b:s11+s3], $0x28, $0x38;
	[tilespmem:$0x1E080] =	vst v63  }
0x56: {  	s6 =	rddreg [dreg:$0x18]  }
0x57: {  	[tilespmem:s16], [sflag:$0x2] =	stream.linear.gather [hbm4b:s21+s3], $0x28, $0x38;
	[tilespmem:$0x1E080] =	vst v63  }
0x58: {  	s11 =	rddreg [dreg:$0x19]  }
0x59: {  	[tilespmem:s20], [sflag:$0x3] =	stream.linear.gather [hbm4b:s6+s3], $0x28, $0x38;
	[tilespmem:$0x1E080] =	vst v63  }
0x5a: {  	s21 =	rddreg [dreg:$0x1a]  }
0x5b: {  	[tilespmem:s0], [sflag:$0x3] =	stream.linear.gather [hbm4b:s11+s3], $0x28, $0x38;
	[tilespmem:$0x1E080] =	vst v63  }
0x5c: {  	s6 =	rddreg [dreg:$0x1b]  }
0x5d: {  	[tilespmem:s31], [sflag:$0x4] =	stream.linear.gather [hbm4b:s21+s3], $0x28, $0x38;
	[tilespmem:$0x1E080] =	vst v63  }
0x5e: {  	s11 =	rddreg [dreg:$0x1c]  }
0x5f: {  	[tilespmem:s10], [sflag:$0x4] =	stream.linear.gather [hbm4b:s6+s3], $0x28, $0x38;
	[tilespmem:$0x1E080] =	vst v63  }
0x60: {  	s21 =	rddreg [dreg:$0x1d]  }
0x61: {  	[tilespmem:s29], [sflag:$0x5] =	stream.linear.gather [hbm4b:s11+s3], $0x28, $0x38;
	[tilespmem:$0x1E080] =	vst v63  }
0x62: {  	s6 =	rddreg [dreg:$0x1e]  }
0x63: {  	[tilespmem:s17], [sflag:$0x5] =	stream.linear.gather [hbm4b:s21+s3], $0x28, $0x38;
	[tilespmem:$0x1E080] =	vst v63  }
0x64: {  	s11 =	rddreg [dreg:$0x1f]  }
0x65: {  	[tilespmem:s14], [sflag:$0x6] =	stream.linear.gather [hbm4b:s6+s3], $0x28, $0x38;
	[tilespmem:$0x1E080] =	vst v63  }
0x66: {  	s17 =	sld [smem:$0x7EE]  }
0x67: {  	[tilespmem:s18], [sflag:$0x6] =	stream.linear.gather [hbm4b:s11+s3], $0x28, $0x38;
	[tilespmem:$0x1E080] =	vst v63  }
0x68: {  	s18 =	sld [smem:$0x7EF]  }
0x69: {  	[tilespmem:s30], [sflag:$0x7] =	stream.linear.gather [hbm4b:s17+s3], $0x28, $0x38;
	[tilespmem:$0x1E080] =	vst v63  }
0x6a: {  	s21 =	sld [smem:$0x7F0]  }
0x6b: {  	[tilespmem:s19], [sflag:$0x7] =	stream.linear.gather [hbm4b:s18+s3], $0x28, $0x38;
	[tilespmem:$0x1E080] =	vst v63  }
0x6c: {  	s6 =	sld [smem:$0x7F1]  }
0x6d: {  	[tilespmem:s28], [sflag:$0x8] =	stream.linear.gather [hbm4b:s21+s3], $0x28, $0x38;
	[tilespmem:$0x1E080] =	vst v63  }
0x6e: {  	s11 =	simm.s32 $0x780  }
0x6f: {  	[tilespmem:s11], [sflag:$0x8] =	stream.linear.gather [hbm4b:s6+s3], $0x28, $0x38;
	[tilespmem:$0x1E080] =	vst v63  }
0x70: {  	_ =	swait.ge [sflag:s22], $0x28  }
0x71: {  	[sflag:s22] =	ssyncset.done $0x0  }
0x72: {  	[sflag:s22] =	ssyncadd.s32 $0xFFFFFFD8  }
0x73: {  	_ =	swait.ge [sflag:s22], $0x28  }
0x74: {  	[sflag:s22] =	ssyncset.done $0x0  }
0x75: {  	s17 =	simm.s32 $0x800;
	[sflag:s22] =	ssyncadd.s32 $0xFFFFFFD8  }
0x76: {  	[tilespmem:s17], [sflag:$0x9] =	stream.indirect.gather [hbm4b:s1+s23], $0x80, s3, s23, $0xb8;
	[tilespmem:$0x1E080] =	vst v63  }
0x77: {  	_ =	swait.ge [sflag:s24], $0x28  }
0x78: {  	[sflag:s24] =	ssyncset.done $0x0  }
0x79: {  	[sflag:s24] =	ssyncadd.s32 $0xFFFFFFD8  }
0x7a: {  	_ =	swait.ge [sflag:s24], $0x28  }
0x7b: {  	[sflag:s24] =	ssyncset.done $0x0  }
0x7c: {  	s18 =	simm.s32 $0x1C00;
	[sflag:s24] =	ssyncadd.s32 $0xFFFFFFD8  }
0x7d: {  	[tilespmem:s18], [sflag:$0xA] =	stream.indirect.gather [hbm4b:s1+s23], $0x80, s15, s23, $0xb8;
	[tilespmem:$0x1E080] =	vst v63  }
0x7e: {  	_ =	swait.ge [sflag:s25], $0x28  }
0x7f: {  	[sflag:s25] =	ssyncset.done $0x0  }
0x80: {  	[sflag:s25] =	ssyncadd.s32 $0xFFFFFFD8  }
0x81: {  	_ =	swait.ge [sflag:s25], $0x28  }
0x82: {  	[sflag:s25] =	ssyncset.done $0x0  }
0x83: {  	s21 =	simm.s32 $0x3000;
	[sflag:s25] =	ssyncadd.s32 $0xFFFFFFD8  }
0x84: {  	[tilespmem:s21], [sflag:$0xB] =	stream.indirect.gather [hbm4b:s1+s23], $0x80, s20, s23, $0xb8;
	[tilespmem:$0x1E080] =	vst v63  }
0x85: {  	_ =	swait.ge [sflag:s26], $0x28  }
0x86: {  	[sflag:s26] =	ssyncset.done $0x0  }
0x87: {  	[sflag:s26] =	ssyncadd.s32 $0xFFFFFFD8  }
0x88: {  	_ =	swait.ge [sflag:s26], $0x28  }
0x89: {  	[sflag:s26] =	ssyncset.done $0x0  }
0x8a: {  	s24 =	simm.s32 $0x4400;
	[sflag:s26] =	ssyncadd.s32 $0xFFFFFFD8  }
0x8b: {  	[tilespmem:s24], [sflag:$0xC] =	stream.indirect.gather [hbm4b:s1+s23], $0x80, s31, s23, $0xb8;
	[tilespmem:$0x1E080] =	vst v63  }
0x8c: {  	_ =	swait.ge [sflag:s5], $0x28  }
0x8d: {  	[sflag:s5] =	ssyncset.done $0x0  }
0x8e: {  	[sflag:s5] =	ssyncadd.s32 $0xFFFFFFD8  }
0x8f: {  	_ =	swait.ge [sflag:s5], $0x28  }
0x90: {  	[sflag:s5] =	ssyncset.done $0x0  }
0x91: {  	s26 =	simm.s32 $0x5800;
	[sflag:s5] =	ssyncadd.s32 $0xFFFFFFD8  }
0x92: {  	[tilespmem:s26], [sflag:$0xD] =	stream.indirect.gather [hbm4b:s1+s23], $0x80, s29, s23, $0xb8;
	[tilespmem:$0x1E080] =	vst v63  }
0x93: {  	_ =	swait.ge [sflag:s8], $0x28  }
0x94: {  	[sflag:s8] =	ssyncset.done $0x0  }
0x95: {  	[sflag:s8] =	ssyncadd.s32 $0xFFFFFFD8  }
0x96: {  	_ =	swait.ge [sflag:s8], $0x28  }
0x97: {  	[sflag:s8] =	ssyncset.done $0x0  }
0x98: {  	s31 =	simm.s32 $0x6C00;
	[sflag:s8] =	ssyncadd.s32 $0xFFFFFFD8  }
0x99: {  	[tilespmem:s31], [sflag:$0xE] =	stream.indirect.gather [hbm4b:s1+s23], $0x80, s14, s23, $0xb8;
	[tilespmem:$0x1E080] =	vst v63  }
0x9a: {  	_ =	swait.ge [sflag:s9], $0x28  }
0x9b: {  	[sflag:s9] =	ssyncset.done $0x0  }
0x9c: {  	[sflag:s9] =	ssyncadd.s32 $0xFFFFFFD8  }
0x9d: {  	_ =	swait.ge [sflag:s9], $0x28  }
0x9e: {  	[sflag:s9] =	ssyncset.done $0x0  }
0x9f: {  	s15 =	simm.s32 $0x8000;
	[sflag:s9] =	ssyncadd.s32 $0xFFFFFFD8  }
0xa0: {  	[tilespmem:s15], [sflag:$0xF] =	stream.indirect.gather [hbm4b:s1+s23], $0x80, s30, s23, $0xb8;
	[tilespmem:$0x1E080] =	vst v63  }
0xa1: {  	_ =	swait.ge [sflag:s7], $0x28  }
0xa2: {  	[sflag:s7] =	ssyncset.done $0x0  }
0xa3: {  	[sflag:s7] =	ssyncadd.s32 $0xFFFFFFD8  }
0xa4: {  	_ =	swait.ge [sflag:s7], $0x28  }
0xa5: {  	[sflag:s7] =	ssyncset.done $0x0  }
0xa6: {  	s4 =	simm.s32 $0x9400;
	s17 =	simm.s32 $0x9;
	[sflag:s7] =	ssyncadd.s32 $0xFFFFFFD8  }
0xa7: {  	[tilespmem:s4], [sflag:$0x10] =	stream.indirect.gather [hbm4b:s1+s23], $0x80, s28, s23, $0xb8;
	[tilespmem:$0x1E080] =	vst v63  }
0xa8: {  	_ =	swait.ge [sflag:s17], $0x1400  }
0xa9: {  	[sflag:s17] =	ssyncset.done $0x0  }
0xaa: {  	s6 =	simm.s32 $0x800;
	s21 =	simm.s32 $0xA;
	[sflag:s17] =	ssyncadd.s32 $0xFFFFEC00  }
0xab: {  	[spmem:s2] =	stream.indirect.scatter.add.f32 [tilespmem:s6], [sflag:$0x11], $0x80, s13, s23, $0xb8;
	[tilespmem:$0x1E080] =	vst v63  }
0xac: {  	_ =	swait.ge [sflag:s21], $0x1400  }
0xad: {  	[sflag:s21] =	ssyncset.done $0x0  }
0xae: {  	s11 =	simm.s32 $0x1C00;
	s30 =	simm.s32 $0xB;
	[sflag:s21] =	ssyncadd.s32 $0xFFFFEC00  }
0xaf: {  	[spmem:s2] =	stream.indirect.scatter.add.f32 [tilespmem:s11], [sflag:$0x12], $0x80, s16, s23, $0xb8;
	[tilespmem:$0x1E080] =	vst v63  }
0xb0: {  	_ =	swait.ge [sflag:s30], $0x1400  }
0xb1: {  	[sflag:s30] =	ssyncset.done $0x0  }
0xb2: {  	s18 =	simm.s32 $0x3000;
	s21 =	simm.s32 $0xC;
	[sflag:s30] =	ssyncadd.s32 $0xFFFFEC00  }
0xb3: {  	[spmem:s2] =	stream.indirect.scatter.add.f32 [tilespmem:s18], [sflag:$0x13], $0x80, s0, s23, $0xb8;
	[tilespmem:$0x1E080] =	vst v63  }
0xb4: {  	_ =	swait.ge [sflag:s21], $0x1400  }
0xb5: {  	[sflag:s21] =	ssyncset.done $0x0  }
0xb6: {  	s24 =	simm.s32 $0x4400;
	s18 =	simm.s32 $0xD;
	[sflag:s21] =	ssyncadd.s32 $0xFFFFEC00  }
0xb7: {  	[spmem:s2] =	stream.indirect.scatter.add.f32 [tilespmem:s24], [sflag:$0x14], $0x80, s10, s23, $0xb8;
	[tilespmem:$0x1E080] =	vst v63  }
0xb8: {  	_ =	swait.ge [sflag:s18], $0x1400  }
0xb9: {  	[sflag:s18] =	ssyncset.done $0x0  }
0xba: {  	s26 =	simm.s32 $0x5800;
	s31 =	simm.s32 $0x600;
	[sflag:s18] =	ssyncadd.s32 $0xFFFFEC00  }
0xbb: {  	[spmem:s2] =	stream.indirect.scatter.add.f32 [tilespmem:s26], [sflag:$0x15], $0x80, s31, s23, $0xb8;
	[tilespmem:$0x1E080] =	vst v63  }
0xbc: {  	s31 =	simm.s32 $0xE  }
0xbd: {  	_ =	swait.ge [sflag:s31], $0x1400  }
0xbe: {  	s14 =	simm.s32 $0x6C00;
	[sflag:s31] =	ssyncset.done $0x0  }
0xbf: {  	s28 =	simm.s32 $0x680;
	[sflag:s31] =	ssyncadd.s32 $0xFFFFEC00;
	s31 =	simm.s32 $0xF  }
0xc0: {  	[spmem:s2] =	stream.indirect.scatter.add.f32 [tilespmem:s14], [sflag:$0x16], $0x80, s28, s23, $0xb8;
	[tilespmem:$0x1E080] =	vst v63  }
0xc1: {  	_ =	swait.ge [sflag:s31], $0x1400  }
0xc2: {  	[sflag:s31] =	ssyncset.done $0x0  }
0xc3: {  	s29 =	simm.s32 $0x8000;
	s17 =	simm.s32 $0x10;
	[sflag:s31] =	ssyncadd.s32 $0xFFFFEC00  }
0xc4: {  	[spmem:s2] =	stream.indirect.scatter.add.f32 [tilespmem:s29], [sflag:$0x17], $0x80, s19, s23, $0xb8;
	[tilespmem:$0x1E080] =	vst v63  }
0xc5: {  	_ =	swait.ge [sflag:s17], $0x1400  }
0xc6: {  	[sflag:s17] =	ssyncset.done $0x0  }
0xc7: {  	s6 =	simm.s32 $0x11;
	s28 =	simm.s32 $0x780;
	[sflag:s17] =	ssyncadd.s32 $0xFFFFEC00  }
0xc8: {  	[spmem:s2] =	stream.indirect.scatter.add.f32 [tilespmem:s4], [sflag:$0x18], $0x80, s28, s23, $0xb8;
	[tilespmem:$0x1E080] =	vst v63  }
0xc9: {  	_ =	swait.ge [sflag:s6], $0x1400  }
0xca: {  	s28 =	sld [smem:$0x7FC];
	_ =	sdelay $0x2  }
0xcb: {  	[sflag:s6] =	ssyncset.done $0x0;
	s4 =	sshrl.u32 s28, $0x3  }
0xcc: {  	[sflag:s6] =	ssyncadd.s32 $0xFFFFEC00;
	s6 =	sadd.s32 s12, s4  }
0xcd: {  	[tilespmem:s3], [sflag:$0x1] =	stream.linear.gather [hbm4b:s6+s3], $0x28, $0x38;
	[tilespmem:$0x1E080] =	vst v63  }
0xce: {  	s6 =	rddreg [dreg:$0x12]  }
0xcf: {  	s24 =	simm.s32 $0x12;
	s4 =	sadd.s32 s6, s4  }
0xd0: {  	[tilespmem:s13], [sflag:$0x1] =	stream.linear.gather [hbm4b:s4+s3], $0x28, $0x38;
	[tilespmem:$0x1E080] =	vst v63  }
0xd1: {  	_ =	swait.ge [sflag:s24], $0x1400  }
0xd2: {  	s14 =	simm.s32 $0x80;
	s4 =	rddreg [dreg:$0x11];
	[sflag:s24] =	ssyncset.done $0x0  }
0xd3: {  	s6 =	rddreg [dreg:$0x10];
	[sflag:s24] =	ssyncadd.s32 $0xFFFFEC00;
	s4 =	sadd.s32 $0x0, s4  }
0xd4: {  	[tilespmem:s14], [sflag:$0x2] =	stream.linear.gather [hbm4b:s4+s3], $0x28, $0x38;
	[tilespmem:$0x1E080] =	vst v63  }
0xd5: {  	s11 =	simm.s32 $0x480;
	s0 =	simm.s32 $0x13;
	s6 =	sadd.s32 $0x0, s6  }
0xd6: {  	[tilespmem:s11], [sflag:$0x2] =	stream.linear.gather [hbm4b:s6+s3], $0x28, $0x38;
	[tilespmem:$0x1E080] =	vst v63  }
0xd7: {  	_ =	swait.ge [sflag:s0], $0x1400  }
0xd8: {  	s6 =	rddreg [dreg:$0xf];
	[sflag:s0] =	ssyncset.done $0x0  }
0xd9: {  	s11 =	rddreg [dreg:$0xe];
	[sflag:s0] =	ssyncadd.s32 $0xFFFFEC00;
	s4 =	sadd.s32 $0x0, s6  }
0xda: {  	[tilespmem:s20], [sflag:$0x3] =	stream.linear.gather [hbm4b:s4+s3], $0x28, $0x38;
	[tilespmem:$0x1E080] =	vst v63  }
0xdb: {  	s15 =	simm.s32 $0x500;
	s16 =	simm.s32 $0x14;
	s6 =	sadd.s32 $0x0, s11  }
0xdc: {  	[tilespmem:s15], [sflag:$0x3] =	stream.linear.gather [hbm4b:s6+s3], $0x28, $0x38;
	[tilespmem:$0x1E080] =	vst v63  }
0xdd: {  	_ =	swait.ge [sflag:s16], $0x1400  }
0xde: {  	s11 =	rddreg [dreg:$0xd]  }
0xdf: {  	[sflag:s16] =	ssyncset.done $0x0;
	s15 =	rddreg [dreg:$0xc]  }
0xe0: {  	[sflag:s16] =	ssyncadd.s32 $0xFFFFEC00;
	s4 =	sadd.s32 $0x0, s11;
	s16 =	simm.s32 $0x180  }
0xe1: {  	[tilespmem:s16], [sflag:$0x4] =	stream.linear.gather [hbm4b:s4+s3], $0x28, $0x38;
	[tilespmem:$0x1E080] =	vst v63  }
0xe2: {  	s19 =	simm.s32 $0x15;
	s6 =	sadd.s32 $0x0, s15;
	s11 =	simm.s32 $0x580  }
0xe3: {  	[tilespmem:s11], [sflag:$0x4] =	stream.linear.gather [hbm4b:s6+s3], $0x28, $0x38;
	[tilespmem:$0x1E080] =	vst v63  }
0xe4: {  	_ =	swait.ge [sflag:s19], $0x1400  }
0xe5: {  	s15 =	rddreg [dreg:$0xb]  }
0xe6: {  	[sflag:s19] =	ssyncset.done $0x0;
	s16 =	rddreg [dreg:$0xa]  }
0xe7: {  	[sflag:s19] =	ssyncadd.s32 $0xFFFFEC00;
	s4 =	sadd.s32 $0x0, s15;
	s19 =	simm.s32 $0x200  }
0xe8: {  	[tilespmem:s19], [sflag:$0x5] =	stream.linear.gather [hbm4b:s4+s3], $0x28, $0x38;
	[tilespmem:$0x1E080] =	vst v63  }
0xe9: {  	s10 =	simm.s32 $0x16;
	s11 =	sadd.s32 $0x0, s16;
	s15 =	simm.s32 $0x600  }
0xea: {  	[tilespmem:s15], [sflag:$0x5] =	stream.linear.gather [hbm4b:s11+s3], $0x28, $0x38;
	[tilespmem:$0x1E080] =	vst v63  }
0xeb: {  	_ =	swait.ge [sflag:s10], $0x1400  }
0xec: {  	s11 =	simm.s32 $0x280;
	s16 =	rddreg [dreg:$0x9];
	[sflag:s10] =	ssyncset.done $0x0  }
0xed: {  	s19 =	rddreg [dreg:$0x8];
	[sflag:s10] =	ssyncadd.s32 $0xFFFFEC00;
	s4 =	sadd.s32 $0x0, s16  }
0xee: {  	[tilespmem:s11], [sflag:$0x6] =	stream.linear.gather [hbm4b:s4+s3], $0x28, $0x38;
	[tilespmem:$0x1E080] =	vst v63  }
0xef: {  	s26 =	simm.s32 $0x17;
	s15 =	sadd.s32 $0x0, s19;
	s19 =	simm.s32 $0x680  }
0xf0: {  	[tilespmem:s19], [sflag:$0x6] =	stream.linear.gather [hbm4b:s15+s3], $0x28, $0x38;
	[tilespmem:$0x1E080] =	vst v63  }
0xf1: {  	_ =	swait.ge [sflag:s26], $0x1400  }
0xf2: {  	s10 =	simm.s32 $0x300;
	s16 =	rddreg [dreg:$0x7];
	[sflag:s26] =	ssyncset.done $0x0  }
0xf3: {  	s0 =	rddreg [dreg:$0x6];
	[sflag:s26] =	ssyncadd.s32 $0xFFFFEC00;
	s4 =	sadd.s32 $0x0, s16  }
0xf4: {  	[tilespmem:s10], [sflag:$0x7] =	stream.linear.gather [hbm4b:s4+s3], $0x28, $0x38;
	[tilespmem:$0x1E080] =	vst v63  }
0xf5: {  	s29 =	simm.s32 $0x18;
	s15 =	simm.s32 $0x700;
	s11 =	sadd.s32 $0x0, s0  }
0xf6: {  	[tilespmem:s15], [sflag:$0x7] =	stream.linear.gather [hbm4b:s11+s3], $0x28, $0x38;
	[tilespmem:$0x1E080] =	vst v63  }
0xf7: {  	_ =	swait.ge [sflag:s29], $0x1400  }
0xf8: {  	s11 =	simm.s32 $0x380;
	s16 =	rddreg [dreg:$0x5];
	[sflag:s29] =	ssyncset.done $0x0  }
0xf9: {  	s0 =	rddreg [dreg:$0x4];
	[sflag:s29] =	ssyncadd.s32 $0xFFFFEC00;
	s4 =	sadd.s32 $0x0, s16  }
0xfa: {  	[tilespmem:s11], [sflag:$0x8] =	stream.linear.gather [hbm4b:s4+s3], $0x28, $0x38;
	[tilespmem:$0x1E080] =	vst v63  }
0xfb: {  	s15 =	simm.s32 $0x780;
	s6 =	sadd.s32 $0x0, s0  }
0xfc: {  	[tilespmem:s15], [sflag:$0x8] =	stream.linear.gather [hbm4b:s6+s3], $0x28, $0x38;
	[tilespmem:$0x1E080] =	vst v63  }
0xfd: {  	_ =	swait.ge [sflag:s22], $0x28  }
0xfe: {  	[sflag:s22] =	ssyncset.done $0x0  }
0xff: {  	[sflag:s22] =	ssyncadd.s32 $0xFFFFFFD8  }
0x100: {  	_ =	swait.ge [sflag:s22], $0x28  }
0x101: {  	[sflag:s22] =	ssyncset.done $0x0  }
0x102: {  	s24 =	simm.s32 $0x2;
	s0 =	simm.s32 $0x800;
	[sflag:s22] =	ssyncadd.s32 $0xFFFFFFD8  }
0x103: {  	[tilespmem:s0], [sflag:$0x9] =	stream.indirect.gather [hbm4b:s1+s23], $0x80, s3, s23, $0xb8;
	[tilespmem:$0x1E080] =	vst v63  }
0x104: {  	_ =	swait.ge [sflag:s24], $0x28  }
0x105: {  	[sflag:s24] =	ssyncset.done $0x0  }
0x106: {  	[sflag:s24] =	ssyncadd.s32 $0xFFFFFFD8  }
0x107: {  	_ =	swait.ge [sflag:s24], $0x28  }
0x108: {  	[sflag:s24] =	ssyncset.done $0x0  }
0x109: {  	s14 =	simm.s32 $0x80;
	s16 =	simm.s32 $0x1C00;
	[sflag:s24] =	ssyncadd.s32 $0xFFFFFFD8  }
0x10a: {  	[tilespmem:s16], [sflag:$0xA] =	stream.indirect.gather [hbm4b:s1+s23], $0x80, s14, s23, $0xb8;
	[tilespmem:$0x1E080] =	vst v63  }
0x10b: {  	_ =	swait.ge [sflag:s25], $0x28  }
0x10c: {  	[sflag:s25] =	ssyncset.done $0x0  }
0x10d: {  	[sflag:s25] =	ssyncadd.s32 $0xFFFFFFD8  }
0x10e: {  	_ =	swait.ge [sflag:s25], $0x28  }
0x10f: {  	[sflag:s25] =	ssyncset.done $0x0  }
0x110: {  	s26 =	simm.s32 $0x4;
	s4 =	simm.s32 $0x3000;
	[sflag:s25] =	ssyncadd.s32 $0xFFFFFFD8  }
0x111: {  	[tilespmem:s4], [sflag:$0xB] =	stream.indirect.gather [hbm4b:s1+s23], $0x80, s20, s23, $0xb8;
	[tilespmem:$0x1E080] =	vst v63  }
0x112: {  	_ =	swait.ge [sflag:s26], $0x28  }
0x113: {  	[sflag:s26] =	ssyncset.done $0x0  }
0x114: {  	[sflag:s26] =	ssyncadd.s32 $0xFFFFFFD8  }
0x115: {  	_ =	swait.ge [sflag:s26], $0x28  }
0x116: {  	[sflag:s26] =	ssyncset.done $0x0  }
0x117: {  	s22 =	simm.s32 $0x180;
	s16 =	simm.s32 $0x4400;
	[sflag:s26] =	ssyncadd.s32 $0xFFFFFFD8  }
0x118: {  	[tilespmem:s16], [sflag:$0xC] =	stream.indirect.gather [hbm4b:s1+s23], $0x80, s22, s23, $0xb8;
	[tilespmem:$0x1E080] =	vst v63  }
0x119: {  	_ =	swait.ge [sflag:s5], $0x28  }
0x11a: {  	[sflag:s5] =	ssyncset.done $0x0  }
0x11b: {  	[sflag:s5] =	ssyncadd.s32 $0xFFFFFFD8  }
0x11c: {  	_ =	swait.ge [sflag:s5], $0x28  }
0x11d: {  	[sflag:s5] =	ssyncset.done $0x0  }
0x11e: {  	s6 =	simm.s32 $0x5800;
	s25 =	simm.s32 $0x200;
	[sflag:s5] =	ssyncadd.s32 $0xFFFFFFD8  }
0x11f: {  	[tilespmem:s6], [sflag:$0xD] =	stream.indirect.gather [hbm4b:s1+s23], $0x80, s25, s23, $0xb8;
	[tilespmem:$0x1E080] =	vst v63  }
0x120: {  	_ =	swait.ge [sflag:s8], $0x28  }
0x121: {  	[sflag:s8] =	ssyncset.done $0x0  }
0x122: {  	[sflag:s8] =	ssyncadd.s32 $0xFFFFFFD8  }
0x123: {  	_ =	swait.ge [sflag:s8], $0x28  }
0x124: {  	[sflag:s8] =	ssyncset.done $0x0  }
0x125: {  	s29 =	simm.s32 $0x280;
	[sflag:s8] =	ssyncadd.s32 $0xFFFFFFD8;
	s8 =	simm.s32 $0x6C00  }
0x126: {  	[tilespmem:s8], [sflag:$0xE] =	stream.indirect.gather [hbm4b:s1+s23], $0x80, s29, s23, $0xb8;
	[tilespmem:$0x1E080] =	vst v63  }
0x127: {  	_ =	swait.ge [sflag:s9], $0x28  }
0x128: {  	[sflag:s9] =	ssyncset.done $0x0  }
0x129: {  	[sflag:s9] =	ssyncadd.s32 $0xFFFFFFD8  }
0x12a: {  	_ =	swait.ge [sflag:s9], $0x28  }
0x12b: {  	[sflag:s9] =	ssyncset.done $0x0  }
0x12c: {  	[sflag:s9] =	ssyncadd.s32 $0xFFFFFFD8;
	s9 =	simm.s32 $0x8000  }
0x12d: {  	[tilespmem:s9], [sflag:$0xF] =	stream.indirect.gather [hbm4b:s1+s23], $0x80, s10, s23, $0xb8;
	[tilespmem:$0x1E080] =	vst v63  }
0x12e: {  	_ =	swait.ge [sflag:s7], $0x28  }
0x12f: {  	[sflag:s7] =	ssyncset.done $0x0  }
0x130: {  	[sflag:s7] =	ssyncadd.s32 $0xFFFFFFD8  }
0x131: {  	_ =	swait.ge [sflag:s7], $0x28  }
0x132: {  	[sflag:s7] =	ssyncset.done $0x0  }
0x133: {  	s15 =	simm.s32 $0x9400;
	s10 =	simm.s32 $0x9;
	[sflag:s7] =	ssyncadd.s32 $0xFFFFFFD8  }
0x134: {  	[tilespmem:s15], [sflag:$0x10] =	stream.indirect.gather [hbm4b:s1+s23], $0x80, s11, s23, $0xb8;
	[tilespmem:$0x1E080] =	vst v63  }
0x135: {  	_ =	swait.ge [sflag:s10], $0x1400  }
0x136: {  	[sflag:s10] =	ssyncset.done $0x0  }
0x137: {  	[sflag:s10] =	ssyncadd.s32 $0xFFFFEC00  }
0x138: {  	[spmem:s2] =	stream.indirect.scatter.add.f32 [tilespmem:s0], [sflag:$0x11], $0x80, s13, s23, $0xb8;
	[tilespmem:$0x1E080] =	vst v63  }
0x139: {  	s13 =	simm.s32 $0xA  }
0x13a: {  	_ =	swait.ge [sflag:s13], $0x1400  }
0x13b: {  	[sflag:s13] =	ssyncset.done $0x0  }
0x13c: {  	s14 =	simm.s32 $0x480;
	s11 =	simm.s32 $0x1C00;
	[sflag:s13] =	ssyncadd.s32 $0xFFFFEC00  }
0x13d: {  	[spmem:s2] =	stream.indirect.scatter.add.f32 [tilespmem:s11], [sflag:$0x12], $0x80, s14, s23, $0xb8;
	[tilespmem:$0x1E080] =	vst v63  }
0x13e: {  	_ =	swait.ge [sflag:s30], $0x1400  }
0x13f: {  	[sflag:s30] =	ssyncset.done $0x0  }
0x140: {  	s20 =	simm.s32 $0x500;
	[sflag:s30] =	ssyncadd.s32 $0xFFFFEC00  }
0x141: {  	[spmem:s2] =	stream.indirect.scatter.add.f32 [tilespmem:s4], [sflag:$0x13], $0x80, s20, s23, $0xb8;
	[tilespmem:$0x1E080] =	vst v63  }
0x142: {  	_ =	swait.ge [sflag:s21], $0x1400  }
0x143: {  	[sflag:s21] =	ssyncset.done $0x0  }
0x144: {  	s22 =	simm.s32 $0x580;
	[sflag:s21] =	ssyncadd.s32 $0xFFFFEC00  }
0x145: {  	[spmem:s2] =	stream.indirect.scatter.add.f32 [tilespmem:s16], [sflag:$0x14], $0x80, s22, s23, $0xb8;
	[tilespmem:$0x1E080] =	vst v63  }
0x146: {  	_ =	swait.ge [sflag:s18], $0x1400  }
0x147: {  	[sflag:s18] =	ssyncset.done $0x0  }
0x148: {  	s25 =	simm.s32 $0x600;
	s29 =	simm.s32 $0xE;
	[sflag:s18] =	ssyncadd.s32 $0xFFFFEC00  }
0x149: {  	[spmem:s2] =	stream.indirect.scatter.add.f32 [tilespmem:s6], [sflag:$0x15], $0x80, s25, s23, $0xb8;
	[tilespmem:$0x1E080] =	vst v63  }
0x14a: {  	_ =	swait.ge [sflag:s29], $0x1400  }
0x14b: {  	[sflag:s29] =	ssyncset.done $0x0  }
0x14c: {  	[sflag:s29] =	ssyncadd.s32 $0xFFFFEC00  }
0x14d: {  	[spmem:s2] =	stream.indirect.scatter.add.f32 [tilespmem:s8], [sflag:$0x16], $0x80, s19, s23, $0xb8;
	[tilespmem:$0x1E080] =	vst v63  }
0x14e: {  	_ =	swait.ge [sflag:s31], $0x1400  }
0x14f: {  	[sflag:s31] =	ssyncset.done $0x0  }
0x150: {  	s5 =	simm.s32 $0x5;
	[sflag:s31] =	ssyncadd.s32 $0xFFFFEC00;
	s31 =	simm.s32 $0x700  }
0x151: {  	[spmem:s2] =	stream.indirect.scatter.add.f32 [tilespmem:s9], [sflag:$0x17], $0x80, s31, s23, $0xb8;
	[tilespmem:$0x1E080] =	vst v63  }
0x152: {  	s10 =	simm.s32 $0x780;
	s30 =	simm.s32 $0x3;
	_ =	swait.ge [sflag:s17], $0x1400  }
0x153: {  	s4 =	sadd.s32 $0x140, s28;
	s6 =	simm.s32 $0x28;
	[sflag:s17] =	ssyncset.done $0x0  }
0x154: {  	s25 =	simm.s32 $0x1;
	s8 =	simm.s32 $0x6;
	[sflag:s17] =	ssyncadd.s32 $0xFFFFEC00  }
.LBB2_2:
0x155: {  	[spmem:s2] =	stream.indirect.scatter.add.f32 [tilespmem:s15], [sflag:$0x18], $0x80, s10, s23, $0xb8;
	[tilespmem:$0x1E080] =	vst v63  }
0x156: {  	s13 =	simm.s32 $0x11  }
0x157: {  	_ =	swait.ge [sflag:s13], $0x1400  }
0x158: {  	s11 =	sshrl.u32 s4, $0x3;
	[sflag:s13] =	ssyncset.done $0x0  }
0x159: {  	s19 =	sadd.s32 s12, s11;
	s0 =	rddreg [dreg:$0x12];
	[sflag:s13] =	ssyncadd.s32 $0xFFFFEC00  }
0x15a: {  	[tilespmem:s3], [sflag:$0x1] =	stream.linear.gather [hbm4b:s19+s3], $0x28, $0x38;
	[tilespmem:$0x1E080] =	vst v63  }
0x15b: {  	s20 =	simm.s32 $0x400;
	s16 =	simm.s32 $0x12;
	s11 =	sadd.s32 s0, s11  }
0x15c: {  	[tilespmem:s20], [sflag:$0x1] =	stream.linear.gather [hbm4b:s11+s3], $0x28, $0x38;
	[tilespmem:$0x1E080] =	vst v63  }
0x15d: {  	s10 =	smov.u32 s6;
	_ =	swait.ge [sflag:s16], $0x1400  }
0x15e: {  	s18 =	simm.s32 $0x80;
	s21 =	rddreg [dreg:$0x11];
	[sflag:s16] =	ssyncset.done $0x0  }
0x15f: {  	s22 =	rddreg [dreg:$0x10];
	[sflag:s16] =	ssyncadd.s32 $0xFFFFEC00;
	s11 =	sadd.s32 s10, s21  }
0x160: {  	[tilespmem:s18], [sflag:$0x2] =	stream.linear.gather [hbm4b:s11+s3], $0x28, $0x38;
	[tilespmem:$0x1E080] =	vst v63  }
0x161: {  	s31 =	simm.s32 $0x480;
	s29 =	simm.s32 $0x13;
	s28 =	sadd.s32 s10, s22  }
0x162: {  	[tilespmem:s31], [sflag:$0x2] =	stream.linear.gather [hbm4b:s28+s3], $0x28, $0x38;
	[tilespmem:$0x1E080] =	vst v63  }
0x163: {  	_ =	swait.ge [sflag:s29], $0x1400  }
0x164: {  	s0 =	rddreg [dreg:$0xf]  }
0x165: {  	s13 =	smov.u32 s12;
	[sflag:s29] =	ssyncset.done $0x0;
	s7 =	rddreg [dreg:$0xe]  }
0x166: {  	[sflag:s29] =	ssyncadd.s32 $0xFFFFEC00;
	s11 =	sadd.s32 s10, s0;
	s0 =	simm.s32 $0x100  }
0x167: {  	[tilespmem:s0], [sflag:$0x3] =	stream.linear.gather [hbm4b:s11+s3], $0x28, $0x38;
	[tilespmem:$0x1E080] =	vst v63  }
0x168: {  	s12 =	simm.s32 $0x14;
	s9 =	sadd.s32 s10, s7;
	s29 =	simm.s32 $0x500  }
0x169: {  	[tilespmem:s29], [sflag:$0x3] =	stream.linear.gather [hbm4b:s9+s3], $0x28, $0x38;
	[tilespmem:$0x1E080] =	vst v63  }
0x16a: {  	_ =	swait.ge [sflag:s12], $0x1400  }
0x16b: {  	s7 =	simm.s32 $0x180;
	s14 =	rddreg [dreg:$0xd];
	[sflag:s12] =	ssyncset.done $0x0  }
0x16c: {  	s17 =	rddreg [dreg:$0xc];
	[sflag:s12] =	ssyncadd.s32 $0xFFFFEC00;
	s11 =	sadd.s32 s10, s14  }
0x16d: {  	[tilespmem:s7], [sflag:$0x4] =	stream.linear.gather [hbm4b:s11+s3], $0x28, $0x38;
	[tilespmem:$0x1E080] =	vst v63  }
0x16e: {  	s20 =	simm.s32 $0x15;
	s21 =	simm.s32 $0x580;
	s19 =	sadd.s32 s10, s17  }
0x16f: {  	[tilespmem:s21], [sflag:$0x4] =	stream.linear.gather [hbm4b:s19+s3], $0x28, $0x38;
	[tilespmem:$0x1E080] =	vst v63  }
0x170: {  	_ =	swait.ge [sflag:s20], $0x1400  }
0x171: {  	s22 =	rddreg [dreg:$0xb]  }
0x172: {  	[sflag:s20] =	ssyncset.done $0x0;
	s28 =	rddreg [dreg:$0xa]  }
0x173: {  	[sflag:s20] =	ssyncadd.s32 $0xFFFFEC00;
	s11 =	sadd.s32 s10, s22;
	s20 =	simm.s32 $0x200  }
0x174: {  	[tilespmem:s20], [sflag:$0x5] =	stream.linear.gather [hbm4b:s11+s3], $0x28, $0x38;
	[tilespmem:$0x1E080] =	vst v63  }
0x175: {  	s17 =	simm.s32 $0x600;
	s9 =	sadd.s32 s10, s28;
	s11 =	simm.s32 $0x16  }
0x176: {  	[tilespmem:s17], [sflag:$0x5] =	stream.linear.gather [hbm4b:s9+s3], $0x28, $0x38;
	[tilespmem:$0x1E080] =	vst v63  }
0x177: {  	_ =	swait.ge [sflag:s11], $0x1400  }
0x178: {  	s9 =	simm.s32 $0x280;
	s12 =	rddreg [dreg:$0x9];
	[sflag:s11] =	ssyncset.done $0x0  }
0x179: {  	s14 =	rddreg [dreg:$0x8];
	[sflag:s11] =	ssyncadd.s32 $0xFFFFEC00;
	s11 =	sadd.s32 s10, s12  }
0x17a: {  	[tilespmem:s9], [sflag:$0x6] =	stream.linear.gather [hbm4b:s11+s3], $0x28, $0x38;
	[tilespmem:$0x1E080] =	vst v63  }
0x17b: {  	s19 =	simm.s32 $0x17;
	s16 =	sadd.s32 s10, s14;
	s14 =	simm.s32 $0x680  }
0x17c: {  	[tilespmem:s14], [sflag:$0x6] =	stream.linear.gather [hbm4b:s16+s3], $0x28, $0x38;
	[tilespmem:$0x1E080] =	vst v63  }
0x17d: {  	_ =	swait.ge [sflag:s19], $0x1400  }
0x17e: {  	s22 =	rddreg [dreg:$0x7]  }
0x17f: {  	[sflag:s19] =	ssyncset.done $0x0;
	s28 =	rddreg [dreg:$0x6]  }
0x180: {  	[sflag:s19] =	ssyncadd.s32 $0xFFFFEC00;
	s11 =	sadd.s32 s10, s22;
	s22 =	simm.s32 $0x300  }
0x181: {  	[tilespmem:s22], [sflag:$0x7] =	stream.linear.gather [hbm4b:s11+s3], $0x28, $0x38;
	[tilespmem:$0x1E080] =	vst v63  }
0x182: {  	s19 =	sadd.s32 s10, s28;
	s28 =	simm.s32 $0x700;
	s11 =	simm.s32 $0x18  }
0x183: {  	[tilespmem:s28], [sflag:$0x7] =	stream.linear.gather [hbm4b:s19+s3], $0x28, $0x38;
	[tilespmem:$0x1E080] =	vst v63  }
0x184: {  	_ =	swait.ge [sflag:s11], $0x1400  }
0x185: {  	s16 =	simm.s32 $0x380;
	s12 =	rddreg [dreg:$0x5];
	[sflag:s11] =	ssyncset.done $0x0  }
0x186: {  	s19 =	rddreg [dreg:$0x4];
	[sflag:s11] =	ssyncadd.s32 $0xFFFFEC00;
	s11 =	sadd.s32 s10, s12  }
0x187: {  	[tilespmem:s16], [sflag:$0x8] =	stream.linear.gather [hbm4b:s11+s3], $0x28, $0x38;
	[tilespmem:$0x1E080] =	vst v63  }
0x188: {  	s15 =	simm.s32 $0x780;
	s10 =	sadd.s32 s10, s19  }
0x189: {  	[tilespmem:s15], [sflag:$0x8] =	stream.linear.gather [hbm4b:s10+s3], $0x28, $0x38;
	[tilespmem:$0x1E080] =	vst v63  }
0x18a: {  	_ =	swait.ge [sflag:s25], $0x28  }
0x18b: {  	[sflag:s25] =	ssyncset.done $0x0  }
0x18c: {  	[sflag:s25] =	ssyncadd.s32 $0xFFFFFFD8  }
0x18d: {  	_ =	swait.ge [sflag:s25], $0x28  }
0x18e: {  	[sflag:s25] =	ssyncset.done $0x0  }
0x18f: {  	s11 =	simm.s32 $0x800;
	[sflag:s25] =	ssyncadd.s32 $0xFFFFFFD8  }
0x190: {  	[tilespmem:s11], [sflag:$0x9] =	stream.indirect.gather [hbm4b:s1+s23], $0x80, s3, s23, $0xb8;
	[tilespmem:$0x1E080] =	vst v63  }
0x191: {  	_ =	swait.ge [sflag:s24], $0x28  }
0x192: {  	[sflag:s24] =	ssyncset.done $0x0  }
0x193: {  	[sflag:s24] =	ssyncadd.s32 $0xFFFFFFD8  }
0x194: {  	_ =	swait.ge [sflag:s24], $0x28  }
0x195: {  	[sflag:s24] =	ssyncset.done $0x0  }
0x196: {  	s12 =	smov.u32 s13;
	s13 =	simm.s32 $0x1C00;
	[sflag:s24] =	ssyncadd.s32 $0xFFFFFFD8  }
0x197: {  	[tilespmem:s13], [sflag:$0xA] =	stream.indirect.gather [hbm4b:s1+s23], $0x80, s18, s23, $0xb8;
	[tilespmem:$0x1E080] =	vst v63  }
0x198: {  	_ =	swait.ge [sflag:s30], $0x28  }
0x199: {  	[sflag:s30] =	ssyncset.done $0x0  }
0x19a: {  	[sflag:s30] =	ssyncadd.s32 $0xFFFFFFD8  }
0x19b: {  	_ =	swait.ge [sflag:s30], $0x28  }
0x19c: {  	[sflag:s30] =	ssyncset.done $0x0  }
0x19d: {  	s19 =	simm.s32 $0x3000;
	[sflag:s30] =	ssyncadd.s32 $0xFFFFFFD8  }
0x19e: {  	[tilespmem:s19], [sflag:$0xB] =	stream.indirect.gather [hbm4b:s1+s23], $0x80, s0, s23, $0xb8;
	[tilespmem:$0x1E080] =	vst v63  }
0x19f: {  	_ =	swait.ge [sflag:s26], $0x28  }
0x1a0: {  	[sflag:s26] =	ssyncset.done $0x0  }
0x1a1: {  	[sflag:s26] =	ssyncadd.s32 $0xFFFFFFD8  }
0x1a2: {  	_ =	swait.ge [sflag:s26], $0x28  }
0x1a3: {  	[sflag:s26] =	ssyncset.done $0x0  }
0x1a4: {  	[sflag:s26] =	ssyncadd.s32 $0xFFFFFFD8;
	s26 =	simm.s32 $0x4400  }
0x1a5: {  	[tilespmem:s26], [sflag:$0xC] =	stream.indirect.gather [hbm4b:s1+s23], $0x80, s7, s23, $0xb8;
	[tilespmem:$0x1E080] =	vst v63  }
0x1a6: {  	_ =	swait.ge [sflag:s5], $0x28  }
0x1a7: {  	[sflag:s5] =	ssyncset.done $0x0  }
0x1a8: {  	[sflag:s5] =	ssyncadd.s32 $0xFFFFFFD8  }
0x1a9: {  	_ =	swait.ge [sflag:s5], $0x28  }
0x1aa: {  	[sflag:s5] =	ssyncset.done $0x0  }
0x1ab: {  	s18 =	simm.s32 $0x5800;
	[sflag:s5] =	ssyncadd.s32 $0xFFFFFFD8  }
0x1ac: {  	[tilespmem:s18], [sflag:$0xD] =	stream.indirect.gather [hbm4b:s1+s23], $0x80, s20, s23, $0xb8;
	[tilespmem:$0x1E080] =	vst v63  }
0x1ad: {  	_ =	swait.ge [sflag:s8], $0x28  }
0x1ae: {  	[sflag:s8] =	ssyncset.done $0x0  }
0x1af: {  	[sflag:s8] =	ssyncadd.s32 $0xFFFFFFD8  }
0x1b0: {  	_ =	swait.ge [sflag:s8], $0x28  }
0x1b1: {  	[sflag:s8] =	ssyncset.done $0x0  }
0x1b2: {  	s20 =	simm.s32 $0x6C00;
	[sflag:s8] =	ssyncadd.s32 $0xFFFFFFD8  }
0x1b3: {  	[tilespmem:s20], [sflag:$0xE] =	stream.indirect.gather [hbm4b:s1+s23], $0x80, s9, s23, $0xb8;
	[tilespmem:$0x1E080] =	vst v63  }
0x1b4: {  	s9 =	simm.s32 $0x7  }
0x1b5: {  	_ =	swait.ge [sflag:s9], $0x28  }
0x1b6: {  	[sflag:s9] =	ssyncset.done $0x0  }
0x1b7: {  	[sflag:s9] =	ssyncadd.s32 $0xFFFFFFD8  }
0x1b8: {  	_ =	swait.ge [sflag:s9], $0x28  }
0x1b9: {  	[sflag:s9] =	ssyncset.done $0x0  }
0x1ba: {  	s24 =	simm.s32 $0x8000;
	s7 =	simm.s32 $0x8;
	[sflag:s9] =	ssyncadd.s32 $0xFFFFFFD8  }
0x1bb: {  	[tilespmem:s24], [sflag:$0xF] =	stream.indirect.gather [hbm4b:s1+s23], $0x80, s22, s23, $0xb8;
	[tilespmem:$0x1E080] =	vst v63  }
0x1bc: {  	_ =	swait.ge [sflag:s7], $0x28  }
0x1bd: {  	[sflag:s7] =	ssyncset.done $0x0  }
0x1be: {  	[sflag:s7] =	ssyncadd.s32 $0xFFFFFFD8  }
0x1bf: {  	_ =	swait.ge [sflag:s7], $0x28  }
0x1c0: {  	[sflag:s7] =	ssyncset.done $0x0  }
0x1c1: {  	s15 =	simm.s32 $0x9400;
	s0 =	simm.s32 $0x9;
	[sflag:s7] =	ssyncadd.s32 $0xFFFFFFD8  }
0x1c2: {  	[tilespmem:s15], [sflag:$0x10] =	stream.indirect.gather [hbm4b:s1+s23], $0x80, s16, s23, $0xb8;
	[tilespmem:$0x1E080] =	vst v63  }
0x1c3: {  	_ =	swait.ge [sflag:s0], $0x1400  }
0x1c4: {  	[sflag:s0] =	ssyncset.done $0x0  }
0x1c5: {  	s22 =	simm.s32 $0xA;
	s16 =	simm.s32 $0x400;
	[sflag:s0] =	ssyncadd.s32 $0xFFFFEC00  }
0x1c6: {  	[spmem:s2] =	stream.indirect.scatter.add.f32 [tilespmem:s11], [sflag:$0x11], $0x80, s16, s23, $0xb8;
	[tilespmem:$0x1E080] =	vst v63  }
0x1c7: {  	_ =	swait.ge [sflag:s22], $0x1400  }
0x1c8: {  	[sflag:s22] =	ssyncset.done $0x0  }
0x1c9: {  	s0 =	simm.s32 $0xB;
	[sflag:s22] =	ssyncadd.s32 $0xFFFFEC00  }
0x1ca: {  	[spmem:s2] =	stream.indirect.scatter.add.f32 [tilespmem:s13], [sflag:$0x12], $0x80, s31, s23, $0xb8;
	[tilespmem:$0x1E080] =	vst v63  }
0x1cb: {  	_ =	swait.ge [sflag:s0], $0x1400  }
0x1cc: {  	[sflag:s0] =	ssyncset.done $0x0  }
0x1cd: {  	[sflag:s0] =	ssyncadd.s32 $0xFFFFEC00  }
0x1ce: {  	[spmem:s2] =	stream.indirect.scatter.add.f32 [tilespmem:s19], [sflag:$0x13], $0x80, s29, s23, $0xb8;
	[tilespmem:$0x1E080] =	vst v63  }
0x1cf: {  	s19 =	simm.s32 $0xC  }
0x1d0: {  	_ =	swait.ge [sflag:s19], $0x1400  }
0x1d1: {  	[sflag:s19] =	ssyncset.done $0x0  }
0x1d2: {  	[sflag:s19] =	ssyncadd.s32 $0xFFFFEC00  }
0x1d3: {  	[spmem:s2] =	stream.indirect.scatter.add.f32 [tilespmem:s26], [sflag:$0x14], $0x80, s21, s23, $0xb8;
	[tilespmem:$0x1E080] =	vst v63  }
0x1d4: {  	s21 =	simm.s32 $0xD  }
0x1d5: {  	_ =	swait.ge [sflag:s21], $0x1400  }
0x1d6: {  	[sflag:s21] =	ssyncset.done $0x0  }
0x1d7: {  	s22 =	simm.s32 $0xE;
	[sflag:s21] =	ssyncadd.s32 $0xFFFFEC00  }
0x1d8: {  	[spmem:s2] =	stream.indirect.scatter.add.f32 [tilespmem:s18], [sflag:$0x15], $0x80, s17, s23, $0xb8;
	[tilespmem:$0x1E080] =	vst v63  }
0x1d9: {  	_ =	swait.ge [sflag:s22], $0x1400  }
0x1da: {  	[sflag:s22] =	ssyncset.done $0x0  }
0x1db: {  	s29 =	simm.s32 $0xF;
	[sflag:s22] =	ssyncadd.s32 $0xFFFFEC00  }
0x1dc: {  	[spmem:s2] =	stream.indirect.scatter.add.f32 [tilespmem:s20], [sflag:$0x16], $0x80, s14, s23, $0xb8;
	[tilespmem:$0x1E080] =	vst v63  }
0x1dd: {  	_ =	swait.ge [sflag:s29], $0x1400  }
0x1de: {  	p4 =	sne.s32 s6, $0x488;
	[sflag:s29] =	ssyncset.done $0x0  }
.Ltmp2:
0x1df: {  	s31 =	simm.s32 $0x10;
	[sflag:s29] =	ssyncadd.s32 $0xFFFFEC00;
	(pc) =	sbr.rel @p4 .LBB2_2-.Ltmp2, $4  }
0x1e0: {  	[spmem:s2] =	stream.indirect.scatter.add.f32 [tilespmem:s24], [sflag:$0x17], $0x80, s28, s23, $0xb8;
	[tilespmem:$0x1E080] =	vst v63  }
0x1e1: {  	s6 =	sadd.s32 $0x28, s6;
	_ =	swait.ge [sflag:s31], $0x1400  }
0x1e2: {  	s4 =	sadd.s32 $0x140, s4;
	s10 =	simm.s32 $0x780;
	[sflag:s31] =	ssyncset.done $0x0  }
0x1e3: {  	s26 =	simm.s32 $0x4;
	s24 =	simm.s32 $0x2;
	[sflag:s31] =	ssyncadd.s32 $0xFFFFEC00  }
0x1e4: {  	[spmem:s2] =	stream.indirect.scatter.add.f32 [tilespmem:s15], [sflag:$0x18], $0x80, s10, s23, $0xb8;
	[tilespmem:$0x1E080] =	vst v63  }
0x1e5: {  	s5 =	simm.s32 $0x11  }
0x1e6: {  	_ =	swait.ge [sflag:s5], $0x1400  }
0x1e7: {  	s4 =	sld [smem:$0x7F4]  }
0x1e8: {  	[sflag:s5] =	ssyncset.done $0x0  }
0x1e9: {  	s8 =	sld [smem:$0x7F5];
	[sflag:s5] =	ssyncadd.s32 $0xFFFFEC00  }
0x1ea: {  	[tilespmem:s3], [sflag:$0x1] =	stream.linear.gather [hbm4b:s4+s3], $0x28, $0x38;
	[tilespmem:$0x1E080] =	vst v63  }
0x1eb: {  	s6 =	simm.s32 $0x400  }
0x1ec: {  	[tilespmem:s6], [sflag:$0x1] =	stream.linear.gather [hbm4b:s8+s3], $0x28, $0x38;
	[tilespmem:$0x1E080] =	vst v63  }
0x1ed: {  	_ =	swait.ge [sflag:s25], $0x28  }
0x1ee: {  	[sflag:s25] =	ssyncset.done $0x0  }
0x1ef: {  	[sflag:s25] =	ssyncadd.s32 $0xFFFFFFD8  }
0x1f0: {  	_ =	swait.ge [sflag:s25], $0x28  }
0x1f1: {  	[sflag:s25] =	ssyncset.done $0x0  }
0x1f2: {  	s0 =	simm.s32 $0x9;
	[sflag:s25] =	ssyncadd.s32 $0xFFFFFFD8  }
0x1f3: {  	[tilespmem:s11], [sflag:$0x9] =	stream.indirect.gather [hbm4b:s1+s23], $0x80, s3, s23, $0xb8;
	[tilespmem:$0x1E080] =	vst v63  }
0x1f4: {  	_ =	swait.ge [sflag:s0], $0x1400  }
0x1f5: {  	[sflag:s0] =	ssyncset.done $0x0  }
0x1f6: {  	s14 =	simm.s32 $0x12;
	[sflag:s0] =	ssyncadd.s32 $0xFFFFEC00  }
0x1f7: {  	[spmem:s2] =	stream.indirect.scatter.add.f32 [tilespmem:s11], [sflag:$0x11], $0x80, s6, s23, $0xb8;
	[tilespmem:$0x1E080] =	vst v63  }
0x1f8: {  	_ =	swait.ge [sflag:s14], $0x1400  }
0x1f9: {  	s15 =	sld [smem:$0x7F6]  }
0x1fa: {  	[sflag:s14] =	ssyncset.done $0x0  }
0x1fb: {  	s16 =	simm.s32 $0x80;
	s17 =	sld [smem:$0x7F7];
	[sflag:s14] =	ssyncadd.s32 $0xFFFFEC00  }
0x1fc: {  	[tilespmem:s16], [sflag:$0x2] =	stream.linear.gather [hbm4b:s15+s3], $0x28, $0x38;
	[tilespmem:$0x1E080] =	vst v63  }
0x1fd: {  	s18 =	simm.s32 $0x480  }
0x1fe: {  	[tilespmem:s18], [sflag:$0x2] =	stream.linear.gather [hbm4b:s17+s3], $0x28, $0x38;
	[tilespmem:$0x1E080] =	vst v63  }
0x1ff: {  	_ =	swait.ge [sflag:s24], $0x28  }
0x200: {  	[sflag:s24] =	ssyncset.done $0x0  }
0x201: {  	[sflag:s24] =	ssyncadd.s32 $0xFFFFFFD8  }
0x202: {  	_ =	swait.ge [sflag:s24], $0x28  }
0x203: {  	[sflag:s24] =	ssyncset.done $0x0  }
0x204: {  	s19 =	simm.s32 $0xA;
	[sflag:s24] =	ssyncadd.s32 $0xFFFFFFD8  }
0x205: {  	[tilespmem:s13], [sflag:$0xA] =	stream.indirect.gather [hbm4b:s1+s23], $0x80, s16, s23, $0xb8;
	[tilespmem:$0x1E080] =	vst v63  }
0x206: {  	_ =	swait.ge [sflag:s19], $0x1400  }
0x207: {  	[sflag:s19] =	ssyncset.done $0x0  }
0x208: {  	[sflag:s19] =	ssyncadd.s32 $0xFFFFEC00  }
0x209: {  	[spmem:s2] =	stream.indirect.scatter.add.f32 [tilespmem:s13], [sflag:$0x12], $0x80, s18, s23, $0xb8;
	[tilespmem:$0x1E080] =	vst v63  }
0x20a: {  	_ =	swait.ge [sflag:s5], $0x1400  }
0x20b: {  	[sflag:s5] =	ssyncset.done $0x0  }
0x20c: {  	[sflag:s5] =	ssyncadd.s32 $0xFFFFEC00  }
0x20d: {  	_ =	swait.ge [sflag:s14], $0x1400  }
0x20e: {  	[sflag:s14] =	ssyncset.done $0x0  }
0x20f: {  	s20 =	simm.s32 $0x13;
	[sflag:s14] =	ssyncadd.s32 $0xFFFFEC00  }
0x210: {  	_ =	swait.ge [sflag:s20], $0x1400  }
0x211: {  	[sflag:s20] =	ssyncset.done $0x0  }
0x212: {  	s21 =	simm.s32 $0x14;
	[sflag:s20] =	ssyncadd.s32 $0xFFFFEC00  }
0x213: {  	_ =	swait.ge [sflag:s21], $0x1400  }
0x214: {  	[sflag:s21] =	ssyncset.done $0x0  }
0x215: {  	s22 =	simm.s32 $0x15;
	[sflag:s21] =	ssyncadd.s32 $0xFFFFEC00  }
0x216: {  	_ =	swait.ge [sflag:s22], $0x1400  }
0x217: {  	[sflag:s22] =	ssyncset.done $0x0  }
0x218: {  	s25 =	simm.s32 $0x16;
	[sflag:s22] =	ssyncadd.s32 $0xFFFFEC00  }
0x219: {  	_ =	swait.ge [sflag:s25], $0x1400  }
0x21a: {  	[sflag:s25] =	ssyncset.done $0x0  }
0x21b: {  	s28 =	simm.s32 $0x17;
	[sflag:s25] =	ssyncadd.s32 $0xFFFFEC00  }
0x21c: {  	_ =	swait.ge [sflag:s28], $0x1400  }
0x21d: {  	[sflag:s28] =	ssyncset.done $0x0  }
0x21e: {  	s29 =	simm.s32 $0x18;
	[sflag:s28] =	ssyncadd.s32 $0xFFFFEC00  }
0x21f: {  	_ =	swait.ge [sflag:s29], $0x1400  }
0x220: {  	[sflag:s29] =	ssyncset.done $0x0  }
0x221: {  	[sflag:s29] =	ssyncadd.s32 $0xFFFFEC00  }
.Ltmp3:
0x222: {  	[bflag:$0x0] =	sbarrier.arrive $0xFFFF;
	(pc) =	sbr.rel @!p0 .LBB2_4-.Ltmp3, $4  }
0x223: {  	s30 =	stileid.u32;
	s31 =	sld [smem:$0x7F8]  }
0x224: {  	s10 =	sshll.u32 s30, $0x6  }
0x225: {  	s4 =	sor.u32 $0x1C19, s10;
	s15 =	simm.s32 $0x80  }
0x226: {  	s16 =	simm.s32 $0x480;
	s22 =	simm.s32 $0x1;
	s6 =	sshrl.u32 s31, $0x3  }
0x227: {  	s4 =	sor.u32 $0x1C19, s10;
	s25 =	sld [smem:$0x7FA]  }
0x228: {  	s0 =	simm.s32 $0x19;
	s31 =	simm.s32 $0x180;
	s10 =	simm.s32 $0x580  }
0x229: {  	s29 =	simm.s32 $0x200;
	s17 =	simm.s32 $0x600;
	s14 =	simm.s32 $0x280  }
0x22a: {  	[hbm:s25], [sflag:s4] =	dma.local [spmem:s6], $0x2700  }
.Ltmp4:
0x22b: {  	s18 =	simm.s32 $0x680;
	s30 =	simm.s32 $0x300;
	(pc) =	sbr.rel @p2 .LBB2_7-.Ltmp4, $4  }
.Ltmp5:
0x22c: {  	s19 =	simm.s32 $0x700;
	s28 =	simm.s32 $0x380;
	(pc) =	sbr.rel @!p2 .LBB2_6-.Ltmp5, $4  }
0x22d: {  	s5 =	simm.s32 $0x5;
	s8 =	simm.s32 $0x6;
	_ =	swait.ge [sflag:s0], $0x2700  }
0x22e: {  	s25 =	simm.s32 $0x3;
	[sflag:s0] =	ssyncset.done $0x0;
	s6 =	rddreg [dreg:$0x15]  }
0x22f: {  	s21 =	sld [smem:$0x7ED];
	[sflag:s0] =	ssyncadd.s32 $0xFFFFD900;
	s0 =	simm.s32 $0x500  }
0x230: {  	_ = 	snop  }
.LBB2_4:
0x231: {  	s10 =	sld [smem:$0x7F9]  }
0x232: {  	s0 =	simm.s32 $0x19;
	s31 =	simm.s32 $0x180;
	s29 =	simm.s32 $0x200  }
0x233: {  	s17 =	simm.s32 $0x600;
	s14 =	simm.s32 $0x280;
	s18 =	simm.s32 $0x680  }
0x234: {  	[hbm:s10], [sflag:s4] =	dma.local [spmem:s6], $0x2700  }
.Ltmp6:
0x235: {  	s30 =	simm.s32 $0x300;
	s19 =	simm.s32 $0x700;
	(pc) =	sbr.rel @p3 .LBB2_6-.Ltmp6, $4  }
.Ltmp7:
0x236: {  	s28 =	simm.s32 $0x380;
	s25 =	simm.s32 $0x3;
	(pc) =	sbr.rel @!p3 .LBB2_7-.Ltmp7, $4  }
0x237: {  	s5 =	simm.s32 $0x5;
	s8 =	simm.s32 $0x6;
	_ =	swait.ge [sflag:s0], $0x2700  }
0x238: {  	s10 =	simm.s32 $0x580;
	[sflag:s0] =	ssyncset.done $0x0;
	s6 =	rddreg [dreg:$0x14]  }
0x239: {  	s21 =	sld [smem:$0x7ED];
	[sflag:s0] =	ssyncadd.s32 $0xFFFFD900;
	s0 =	simm.s32 $0x500  }
0x23a: {  	_ = 	snop  }
.LBB2_8:
0x23b: {  	_ =	sfence.sel $0x180000  }
0x23c: {  	[bflag:$0x0] =	sbarrier.arrive $0xFFFF  }
0x23d: {  	_ =	strace $0x90000047  }
0x23e: {  	[bflag:$0x2] =	sbarrier.arrive $0xFFFF  }
0x23f: {  	s0 =	rddreg [dreg:$0x3]  }
0x240: {  	s0 =	sadd.s32 @!p1 $0x100000, s0  }
0x241: {  	[sflag:s0] =	ssyncadd.tile.s32 @!p1 $0x1;
	_ =	shalt  }
.Lfunc_end2:
_tile_overlayer_lowered:
.L_overlay_start_2:
0x242: {  	(tag) =	ssettag $0x2  }
0x243: {  	s0 =	rddreg [dreg:$0x0];
	s2 =	stileid.u32  }
0x244: {  	s1 =	rddreg [dreg:$0x1];
	p0 =	sne.s32 s2, $0x0  }
0x245: {  	s3 =	rddreg [dreg:$0x2];
	[bflag:$0x3] =	sbarrier.arrive $0xFFFF;
	s2 =	simm.s32 @!p0 $0x1C19  }
0x246: {  	[timem:s3], [sflag:s2] =	dma.local @!p0 [hbm:s0], s1  }
0x247: {  	s0 =	simm.s32 @!p0 $0x19  }
0x248: {  	_ =	swait.ge @!p0 [sflag:s0], s1  }
0x249: {  	s1 =	ssub.s32 @!p0 $0x0, s1;
	[sflag:s0] =	ssyncset.done @!p0 $0x0  }
0x24a: {  	[sflag:s0] =	ssyncadd.s32 @!p0 s1  }
0x24b: {  	[bflag:$0x3] =	sbarrier.arrive $0xFFFF  }
0x24c: {  	_ =	shalt  }

</sc_bundles>
